<compile_context>
chip_gen: v7x
topology: tpu7x:2x2x1
jax: 0.10.2.dev20260603
libtpu: 0.0.44.dev20260713+nightly
codegen_flags: <defaults>
</compile_context>

<pallas_src>
import functools

import jax
import jax.numpy as jnp
from jax import lax
from jax.experimental import pallas as pl
from jax.experimental.pallas import tpu as pltpu
from jax.experimental.pallas import tpu_sc as plsc

B = 128
N = 32768
K = 1024
L = 16
NBUCKET = 2048
CAP = 2048
M = CAP // L
NC = 2
NS = 16
NW = NC * NS
ROWS_PER = B // NW


def _body(x_hbm, sel_hbm, perm_hbm, row_v, hist_v, ckK_v, ckV_v, tkK_v,
          tkV_v, outp_v, dma_sem):
    wid = lax.axis_index("s") * NC + lax.axis_index("c")
    lane = lax.iota(jnp.int32, L)
    ones = jnp.ones((L,), jnp.int32)
    zeros16 = jnp.zeros((L,), jnp.int32)
    neginf = jnp.full((L,), -jnp.inf, jnp.float32)

    pltpu.async_copy(x_hbm.at[pl.ds(wid * ROWS_PER * N, N)], row_v, dma_sem)

    @plsc.parallel_loop(0, NBUCKET, unroll=8)
    def _zb(i):
        hist_v[pl.ds(i * L, L)] = zeros16

    def do_row(t, _row_carry):
        r = wid * ROWS_PER + t
        with jax.named_scope("p0_dma_wait"):
            pltpu.make_async_copy(x_hbm.at[pl.ds(r * N, N)], row_v,
                                  dma_sem).wait()


        with jax.named_scope("p2_hist"):
            @plsc.parallel_loop(0, N // L, unroll=8)
            def _hb(i):
                v = row_v[pl.ds(i * L, L)]
                b = lax.bitcast_convert_type(v, jnp.int32)
                m = jnp.where(b < 0, b ^ jnp.int32(0x7FFFFFFF), b)
                bk = (m >> 21) + 1024
                plsc.addupdate_scatter(hist_v, [bk * L + lane], ones)

        def blk_cond(c):
            _g, _cum, done = c
            return jnp.logical_not(done)

        def blk_body(c):
            g, cum, _done = c

            def acc(q, s):
                return s + hist_v[pl.ds(g * (16 * L) + q * L, L)]

            s = lax.fori_loop(0, 16, acc, zeros16, unroll=16)
            bc = jnp.sum(s)
            d = cum + bc >= K
            return (jnp.where(d, g, g - 1), jnp.where(d, cum, cum + bc), d)

        with jax.named_scope("p3_scan_a"):
            g, cum0, _ = lax.while_loop(
                blk_cond, blk_body,
                (jnp.int32(NBUCKET // 16 - 1), jnp.int32(0),
                 jnp.bool_(False)))

        def fb_cond(c):
            _b, _cum, done = c
            return jnp.logical_not(done)

        def fb_body(c):
            bkt, cum, _done = c
            cb = jnp.sum(hist_v[pl.ds(bkt * L, L)])
            d = cum + cb >= K
            return (jnp.where(d, bkt, bkt - 1), jnp.where(d, cum, cum + cb),
                    d)

        with jax.named_scope("p3_scan_b"):
            T, _A, _ = lax.while_loop(fb_cond, fb_body,
                                      (g * 16 + 15, cum0, jnp.bool_(False)))

        with jax.named_scope("p4_prefill"):
            @plsc.parallel_loop(0, M + 1, unroll=8)
            def _pf(i):
                ckK_v[pl.ds(i * L, L)] = neginf

        with jax.named_scope("p5_compact"):
            @plsc.parallel_loop(0, N // L, unroll=8, carry=jnp.int32(0))
            def _cb(i, off):
                v = row_v[pl.ds(i * L, L)]
                b = lax.bitcast_convert_type(v, jnp.int32)
                m = jnp.where(b < 0, b ^ jnp.int32(0x7FFFFFFF), b)
                bk = (m >> 21) + 1024
                mask = bk >= T
                cnt = plsc.all_reduce_population_count(mask)[0]
                soff = jnp.minimum(off, jnp.int32(CAP))
                plsc.store_compressed(ckK_v.at[pl.ds(soff, L)], v, mask=mask)
                plsc.store_compressed(ckV_v.at[pl.ds(soff, L)],
                                      i * L + lane, mask=mask)
                hist_v[pl.ds(i * L, L)] = zeros16
                return off + cnt

        @pl.when(t < ROWS_PER - 1)
        def _prefetch():
            pltpu.async_copy(x_hbm.at[pl.ds((r + 1) * N, N)], row_v, dma_sem)

        with jax.named_scope("p6_presort"):
            @plsc.parallel_loop(0, M, unroll=8)
            def _ps(i):
                k = ckK_v[pl.ds(i * L, L)]
                v = ckV_v[pl.ds(i * L, L)]
                k2, v2 = plsc.sort_key_val(k, v, descending=True)
                ckK_v[pl.ds(i * L, L)] = k2
                ckV_v[pl.ds(i * L, L)] = v2

        def merge_level(srcK, srcV, dstK, dstV, w):
            last = 2 * w == M

            def pair(p):
                s = p * (2 * w)
                e1 = s + w
                e2 = s + 2 * w

                def copy_run():
                    @plsc.parallel_loop(0, w, unroll=4)
                    def _cp(q):
                        dstK[pl.ds((s + q) * L, L)] = srcK[pl.ds((s + q) * L,
                                                                 L)]
                        dstV[pl.ds((s + q) * L, L)] = srcV[pl.ds((s + q) * L,
                                                                 L)]

                    if not last:
                        @plsc.parallel_loop(0, w, unroll=4)
                        def _cp2(q):
                            dstK[pl.ds((e1 + q) * L, L)] = neginf
                            dstV[pl.ds((e1 + q) * L, L)] = zeros16

                def merge_run():
                    aK0 = srcK[pl.ds(s * L, L)]
                    bK0 = srcK[pl.ds(e1 * L, L)]
                    tA0 = aK0[0] >= bK0[0]
                    vK0 = jnp.where(tA0, aK0, bK0)
                    aV0 = srcV[pl.ds(s * L, L)]
                    bV0 = srcV[pl.ds(e1 * L, L)]
                    vV0 = jnp.where(tA0, aV0, bV0)
                    i0 = jnp.where(tA0, s + 1, s)
                    j0 = jnp.where(tA0, e1, e1 + 1)
                    hA0 = srcK[pl.ds(i0 * L, L)][0]
                    hB0 = srcK[pl.ds(j0 * L, L)][0]

                    def step(o, carry):
                        i, j, hA, hB, vK, vV = carry
                        canA = i < e1
                        canB = j < e2
                        tA = canA & (jnp.logical_not(canB) | (hA >= hB))
                        tt = jnp.where(tA, i, j)
                        uK = srcK[pl.ds(tt * L, L)]
                        uV = srcV[pl.ds(tt * L, L)]
                        i2 = jnp.where(tA, i + 1, i)
                        j2 = jnp.where(tA, j, j + 1)
                        nxt = jnp.where(tA, i2, j2)
                        nh = srcK[pl.ds(nxt * L, L)][0]
                        hA2 = jnp.where(tA, nh, hA)
                        hB2 = jnp.where(tA, hB, nh)
                        ruK = lax.rev(uK, (0,))
                        ruV = lax.rev(uV, (0,))
                        m2 = vK >= ruK
                        hiK = jnp.where(m2, vK, ruK)
                        hiV = jnp.where(m2, vV, ruV)
                        loK = jnp.where(m2, ruK, vK)
                        loV = jnp.where(m2, ruV, vV)
                        loK, loV = plsc.sort_key_val(loK, loV,
                                                     descending=True)
                        hiK, hiV = plsc.sort_key_val(hiK, hiV,
                                                     descending=True)
                        dstK[pl.ds((s + o) * L, L)] = hiK
                        dstV[pl.ds((s + o) * L, L)] = hiV
                        return (i2, j2, hA2, hB2, loK, loV)

                    nsteps = (K // L) if last else (2 * w - 1)
                    out = plsc.parallel_loop(
                        0, nsteps, unroll=2,
                        carry=(i0, j0, hA0, hB0, vK0, vV0))(step)
                    if not last:
                        vK, vV = out[4], out[5]
                        dstK[pl.ds((e2 - 1) * L, L)] = vK
                        dstV[pl.ds((e2 - 1) * L, L)] = vV

                run2_all_pad = srcK[pl.ds(e1 * L, L)][0] == -jnp.inf
                lax.cond(run2_all_pad, copy_run, merge_run)

            plsc.parallel_loop(0, M // (2 * w))(pair)

        bufs = ((ckK_v, ckV_v), (tkK_v, tkV_v))
        src = 0
        w = 1
        while w < M:
            sK, sV = bufs[src]
            dK, dV = bufs[1 - src]
            with jax.named_scope("p7_merge_w%d" % w):
                merge_level(sK, sV, dK, dV, w)
            src = 1 - src
            w *= 2
        finK, finV = bufs[src]

        with jax.named_scope("p8_out"):
            @plsc.parallel_loop(0, K // L, unroll=8)
            def _ob(i):
                ivec = finV[pl.ds(i * L, L)]
                outp_v[pl.ds(i * L, L)] = ivec + r * N
            pltpu.sync_copy(finK.at[pl.ds(0, K)], sel_hbm.at[r])
            pltpu.sync_copy(outp_v, perm_hbm.at[pl.ds(r * K, K)])
        return _row_carry

    lax.fori_loop(0, ROWS_PER, do_row, 0)


@functools.partial(jax.jit, static_argnames=())
def _topk_sc(x):
    mesh = plsc.VectorSubcoreMesh(core_axis_name="c", subcore_axis_name="s")
    fn = pl.kernel(
        _body,
        mesh=mesh,
        compiler_params=pltpu.CompilerParams(needs_layout_passes=False),
        out_type=(
            jax.ShapeDtypeStruct((B, K), jnp.float32),
            jax.ShapeDtypeStruct((B * K,), jnp.int32),
        ),
        scratch_types=[
            pltpu.VMEM((N,), jnp.float32),
            pltpu.VMEM((NBUCKET * L,), jnp.int32),
            pltpu.VMEM((CAP + L,), jnp.float32),
            pltpu.VMEM((CAP + L,), jnp.int32),
            pltpu.VMEM((CAP + L,), jnp.float32),
            pltpu.VMEM((CAP + L,), jnp.int32),
            pltpu.VMEM((K,), jnp.int32),
            pltpu.SemaphoreType.DMA,
        ],
    )
    return fn(x)


def kernel(x, num_nodes):
    sel, perm = _topk_sc(x)
    ks = jnp.full((B,), K, dtype=num_nodes.dtype)
    return sel, perm, ks

# --- scband reference (transcript-rebuilt; emitter-appended) ---
"""Pipeline reference for scband-vps-31628139168340 (READ-ONLY COPY).

The authoritative reference and input builder live on the scoring server;
editing this copy changes nothing except your own understanding.
"""

import jax, jax.numpy as jnp
import numpy as np

B = 128
N = 32768
K = 1024


def setup_inputs(seed: int = 0) -> dict:
    key = jax.random.key(seed)
    x = jax.random.normal(key, (B * N,), dtype=jnp.float32)
    # per-graph node counts (all graphs padded/equal-sized at production scale)
    num_nodes = jnp.full((B,), N, dtype=jnp.int32)
    return {"x": x, "num_nodes": num_nodes}


def get_batch_id(num_nodes, total_repeat_length):
    # faithful translation of the torch helper: concat of full((n_i,), i)
    return jnp.repeat(
        jnp.arange(num_nodes.shape[0], dtype=jnp.int32),
        num_nodes,
        total_repeat_length=total_repeat_length,
    )


def reference(x, num_nodes):
    batch_id = get_batch_id(num_nodes, x.shape[0])
    batch_size = num_nodes.shape[0]
    max_num_nodes = x.shape[0] // num_nodes.shape[0]
    cum_num_nodes = jnp.concatenate(
        [jnp.zeros((1,), dtype=num_nodes.dtype), jnp.cumsum(num_nodes)[:-1].astype(num_nodes.dtype)], axis=0
    )
    index = jnp.arange(batch_id.shape[0], dtype=jnp.int32)
    index = index - cum_num_nodes[batch_id] + batch_id * max_num_nodes
    # scatter scores into dense padded layout (pad value = -inf surrogate)
    dense_x = jnp.full((batch_size * max_num_nodes,), jnp.finfo(x.dtype).min, dtype=x.dtype)
    dense_x = dense_x.at[index].set(x)
    dense_x = dense_x.reshape(batch_size, max_num_nodes)
    # descending sort -> permutation
    perm = jnp.argsort(-dense_x, axis=-1)
    perm = perm + cum_num_nodes[:, None]
    perm = perm.reshape(-1)
    # keep top-k per batch element
    mask = (jnp.arange(K, dtype=jnp.int32)[None, :] + jnp.arange(batch_size, dtype=jnp.int32)[:, None] * max_num_nodes).reshape(-1)
    perm = perm[mask]
    ks = jnp.full((batch_size,), K, dtype=num_nodes.dtype)
    # gather the selected scores (this is what downstream consumes: x[perm])
    selected = x[perm].reshape(batch_size, K)
    return selected, perm, ks

if __name__ == "__main__":
    import jax
    _d = setup_inputs()
    print(jax.jit(kernel)(*tuple(_d.values())))

</pallas_src>

<mosaic_0001>
#map = affine_map<(d0, d1) -> (0)>
#map1 = affine_map<(d0, d1) -> (0, 0)>
module attributes {stable_mosaic.version = 14 : i64} {
  func.func @_body(%arg0: i32, %arg1: i32, %arg2: memref<4194304xf32, #tpu.memory_space<hbm>>, %arg3: memref<128x1024xf32, #tpu.memory_space<hbm>>, %arg4: memref<131072xi32, #tpu.memory_space<hbm>>, %arg5: memref<32768xf32, #tpu.memory_space<vmem>>, %arg6: memref<32768xi32, #tpu.memory_space<vmem>>, %arg7: memref<2064xf32, #tpu.memory_space<vmem>>, %arg8: memref<2064xi32, #tpu.memory_space<vmem>>, %arg9: memref<2064xf32, #tpu.memory_space<vmem>>, %arg10: memref<2064xi32, #tpu.memory_space<vmem>>, %arg11: memref<1024xi32, #tpu.memory_space<vmem>>, %arg12: memref<!tpu.dma_semaphore, #tpu.memory_space<semaphore_mem>>) attributes {dimension_semantics = [#tpu.dimension_semantics<core_parallel>, #tpu.dimension_semantics<subcore_parallel>], iteration_bounds = array<i64: 2, 16>, scalar_prefetch = 0 : i64, scratch_operands = 8 : i64, tpu.core_type = #tpu.core_type<sc_vector_subcore>, window_params = [{transform_indices = #map}, {transform_indices = #map1}, {transform_indices = #map}]} {
    %mul3A = arith.constant 2 : i32
    %mul3A_0 = arith.muli %arg1, %mul3A : i32
    %add3A = arith.addi %mul3A_0, %arg0 : i32
    %iota3A = tpu.iota {dimensions = array<i32: 0>} : vector<16xi32>
    %broadcast_in_dim3A = arith.constant 1 : i32
    %broadcast_in_dim3A_1 = vector.broadcast %broadcast_in_dim3A : i32 to vector<16xi32>
    %broadcast_in_dim3A_2 = arith.constant 0 : i32
    %broadcast_in_dim3A_3 = vector.broadcast %broadcast_in_dim3A_2 : i32 to vector<16xi32>
    %broadcast_in_dim3A_4 = arith.constant 0xFF800000 : f32
    %broadcast_in_dim3A_5 = vector.broadcast %broadcast_in_dim3A_4 : f32 to vector<16xf32>
    %mul3A_6 = arith.constant 4 : i32
    %mul3A_7 = arith.muli %add3A, %mul3A_6 : i32
    %mul3A_8 = arith.constant 32768 : i32
    %mul3A_9 = arith.muli %mul3A_7, %mul3A_8 : i32
    %dma_start3A = tpu.memref_slice %arg2[%mul3A_9] : memref<4194304xf32, #tpu.memory_space<hbm>> -> memref<32768xf32, #tpu.memory_space<hbm>>
    %dma_start3A_10 = tpu.memref_slice %arg2[%mul3A_9] : memref<4194304xf32, #tpu.memory_space<hbm>> -> memref<32768xf32, #tpu.memory_space<hbm>>
    tpu.enqueue_dma source(%dma_start3A_10 : memref<32768xf32, #tpu.memory_space<hbm>>) target(%arg5 : memref<32768xf32, #tpu.memory_space<vmem>>) target_semaphore(%arg12 : memref<!tpu.dma_semaphore, #tpu.memory_space<semaphore_mem>>)
    %parallel_loop3A = arith.constant 0 : i32
    %parallel_loop3A_11 = arith.constant 2048 : i32
    %parallel_loop3A_12 = arith.constant 1 : i32
    scf.for %parallel_loop3A_18 = %parallel_loop3A to %parallel_loop3A_11 step %parallel_loop3A_12  : i32 {
      %parallel_loop3A_19 = arith.constant 16 : i32
      %parallel_loop3A_20 = arith.muli %parallel_loop3A_18, %parallel_loop3A_19 : i32
      %parallel_loop3A_21 = arith.index_cast %parallel_loop3A_20 : i32 to index
      %parallel_loop3A_22 = tpu.vector_load %arg6[%parallel_loop3A_21] {strides = array<i32>} : memref<32768xi32, #tpu.memory_space<vmem>>, vector<16xi32>,
      tpu.vector_store %arg6[%parallel_loop3A_21], %broadcast_in_dim3A_3 {strides = array<i32>} : memref<32768xi32, #tpu.memory_space<vmem>>, vector<16xi32>,
    } {sc.loop_unroll_factor = 8 : i64, sc.parallel_access}
    %scan3A = arith.constant 0 : i32
    %scan3A_13 = arith.constant 0 : i32
    %scan3A_14 = arith.constant 4 : i32
    %scan3A_15 = arith.addi %scan3A_13, %scan3A_14 : i32
    %scan3A_16 = arith.constant 1 : i32
    scf.for %scan3A_18 = %scan3A_13 to %scan3A_15 step %scan3A_16  : i32 {
      %mul3A_19 = arith.constant 4 : i32
      %mul3A_20 = arith.muli %add3A, %mul3A_19 : i32
      %add3A_21 = arith.addi %mul3A_20, %scan3A_18 : i32
      "tpu.trace_start"() <{level = 10 : i32, message = "p0_dma_wait"}> : () -> ()
      %mul3A_22 = arith.constant 32768 : i32
      %mul3A_23 = arith.muli %add3A_21, %mul3A_22 : i32
      %dma_wait3A = tpu.memref_slice %arg2[%mul3A_23] : memref<4194304xf32, #tpu.memory_space<hbm>> -> memref<32768xf32, #tpu.memory_space<hbm>>
      %dma_wait3A_24 = tpu.memref_slice %arg2[%mul3A_23] : memref<4194304xf32, #tpu.memory_space<hbm>> -> memref<32768xf32, #tpu.memory_space<hbm>>
      tpu.wait_dma2 semaphore(%arg12 : memref<!tpu.dma_semaphore, #tpu.memory_space<semaphore_mem>>) src(%dma_wait3A_24 : memref<32768xf32, #tpu.memory_space<hbm>>) dst(%arg5 : memref<32768xf32, #tpu.memory_space<vmem>>)
      %parallel_loop3A_25 = arith.constant 0 : i32
      %parallel_loop3A_26 = arith.constant 2048 : i32
      %parallel_loop3A_27 = arith.constant 1 : i32
      "tpu.trace_stop"() : () -> ()
      "tpu.trace_start"() <{level = 10 : i32, message = "p2_hist"}> : () -> ()
      scf.for %parallel_loop3A_76 = %parallel_loop3A_25 to %parallel_loop3A_26 step %parallel_loop3A_27  : i32 {
        %parallel_loop3A_77 = arith.constant 16 : i32
        %parallel_loop3A_78 = arith.muli %parallel_loop3A_76, %parallel_loop3A_77 : i32
        %parallel_loop3A_79 = arith.index_cast %parallel_loop3A_78 : i32 to index
        %parallel_loop3A_80 = tpu.vector_load %arg5[%parallel_loop3A_79] {strides = array<i32>} : memref<32768xf32, #tpu.memory_space<vmem>>, vector<16xf32>,
        %parallel_loop3A_81 = tpu.bitcast %parallel_loop3A_80 : vector<16xf32> -> vector<16xi32>
        %parallel_loop3A_82 = arith.constant 0 : i32
        %parallel_loop3A_83 = vector.broadcast %parallel_loop3A_82 : i32 to vector<16xi32>
        %parallel_loop3A_84 = arith.cmpi slt, %parallel_loop3A_81, %parallel_loop3A_83 : vector<16xi32>
        %parallel_loop3A_85 = arith.constant 2147483647 : i32
        %parallel_loop3A_86 = vector.broadcast %parallel_loop3A_85 : i32 to vector<16xi32>
        %parallel_loop3A_87 = arith.xori %parallel_loop3A_81, %parallel_loop3A_86 : vector<16xi32>
        %parallel_loop3A_88 = arith.select %parallel_loop3A_84, %parallel_loop3A_87, %parallel_loop3A_81 : vector<16xi1>, vector<16xi32>
        %parallel_loop3A_89 = arith.constant 21 : i32
        %parallel_loop3A_90 = vector.broadcast %parallel_loop3A_89 : i32 to vector<16xi32>
        %parallel_loop3A_91 = arith.shrsi %parallel_loop3A_88, %parallel_loop3A_90 : vector<16xi32>
        %parallel_loop3A_92 = arith.constant 1024 : i32
        %parallel_loop3A_93 = vector.broadcast %parallel_loop3A_92 : i32 to vector<16xi32>
        %parallel_loop3A_94 = arith.addi %parallel_loop3A_91, %parallel_loop3A_93 : vector<16xi32>
        %parallel_loop3A_95 = arith.constant 16 : i32
        %parallel_loop3A_96 = vector.broadcast %parallel_loop3A_95 : i32 to vector<16xi32>
        %parallel_loop3A_97 = arith.muli %parallel_loop3A_94, %parallel_loop3A_96 : vector<16xi32>
        %parallel_loop3A_98 = arith.addi %parallel_loop3A_97, %iota3A : vector<16xi32>
        tpu.vector_store_idx %arg6[%parallel_loop3A_98], %broadcast_in_dim3A_1 {add = true} : memref<32768xi32, #tpu.memory_space<vmem>>[vector<16xi32>], vector<16xi32>,
      } {sc.loop_unroll_factor = 8 : i64, sc.parallel_access}
      %while3A = arith.constant 127 : i32
      %while3A_28 = arith.constant 0 : i32
      %while3A_29 = arith.constant false
      "tpu.trace_stop"() : () -> ()
      "tpu.trace_start"() <{level = 10 : i32, message = "p3_scan_a"}> : () -> ()
      %while3A_30:3 = scf.while (%while3A_76 = %while3A, %while3A_77 = %while3A_28, %while3A_78 = %while3A_29) : (i32, i32, i1) -> (i32, i32, i1) {
        %not3A = arith.constant true
        %not3A_79 = arith.xori %while3A_78, %not3A : i1
        scf.condition(%not3A_79) %while3A_76, %while3A_77, %while3A_78 : i32, i32, i1
      } do {
      ^bb0(%while3A_76: i32, %while3A_77: i32, %while3A_78: i1):
        %scan3A_79 = arith.constant 0 : i32
        %mul3A_80 = arith.constant 256 : i32
        %mul3A_81 = arith.muli %while3A_76, %mul3A_80 : i32
        %mul3A_82 = arith.constant 16 : i32
        %mul3A_83 = arith.muli %scan3A_79, %mul3A_82 : i32
        %add3A_84 = arith.addi %mul3A_81, %mul3A_83 : i32
        %get3A = arith.index_cast %add3A_84 : i32 to index
        %get3A_85 = tpu.vector_load %arg6[%get3A] {strides = array<i32>} : memref<32768xi32, #tpu.memory_space<vmem>>, vector<16xi32>,
        %add3A_86 = arith.addi %broadcast_in_dim3A_3, %get3A_85 : vector<16xi32>
        %scan3A_87 = arith.constant 1 : i32
        %mul3A_88 = arith.constant 256 : i32
        %mul3A_89 = arith.muli %while3A_76, %mul3A_88 : i32
        %mul3A_90 = arith.constant 16 : i32
        %mul3A_91 = arith.muli %scan3A_87, %mul3A_90 : i32
        %add3A_92 = arith.addi %mul3A_89, %mul3A_91 : i32
        %get3A_93 = arith.index_cast %add3A_92 : i32 to index
        %get3A_94 = tpu.vector_load %arg6[%get3A_93] {strides = array<i32>} : memref<32768xi32, #tpu.memory_space<vmem>>, vector<16xi32>,
        %add3A_95 = arith.addi %add3A_86, %get3A_94 : vector<16xi32>
        %scan3A_96 = arith.constant 2 : i32
        %mul3A_97 = arith.constant 256 : i32
        %mul3A_98 = arith.muli %while3A_76, %mul3A_97 : i32
        %mul3A_99 = arith.constant 16 : i32
        %mul3A_100 = arith.muli %scan3A_96, %mul3A_99 : i32
        %add3A_101 = arith.addi %mul3A_98, %mul3A_100 : i32
        %get3A_102 = arith.index_cast %add3A_101 : i32 to index
        %get3A_103 = tpu.vector_load %arg6[%get3A_102] {strides = array<i32>} : memref<32768xi32, #tpu.memory_space<vmem>>, vector<16xi32>,
        %add3A_104 = arith.addi %add3A_95, %get3A_103 : vector<16xi32>
        %scan3A_105 = arith.constant 3 : i32
        %mul3A_106 = arith.constant 256 : i32
        %mul3A_107 = arith.muli %while3A_76, %mul3A_106 : i32
        %mul3A_108 = arith.constant 16 : i32
        %mul3A_109 = arith.muli %scan3A_105, %mul3A_108 : i32
        %add3A_110 = arith.addi %mul3A_107, %mul3A_109 : i32
        %get3A_111 = arith.index_cast %add3A_110 : i32 to index
        %get3A_112 = tpu.vector_load %arg6[%get3A_111] {strides = array<i32>} : memref<32768xi32, #tpu.memory_space<vmem>>, vector<16xi32>,
        %add3A_113 = arith.addi %add3A_104, %get3A_112 : vector<16xi32>
        %scan3A_114 = arith.constant 4 : i32
        %mul3A_115 = arith.constant 256 : i32
        %mul3A_116 = arith.muli %while3A_76, %mul3A_115 : i32
        %mul3A_117 = arith.constant 16 : i32
        %mul3A_118 = arith.muli %scan3A_114, %mul3A_117 : i32
        %add3A_119 = arith.addi %mul3A_116, %mul3A_118 : i32
        %get3A_120 = arith.index_cast %add3A_119 : i32 to index
        %get3A_121 = tpu.vector_load %arg6[%get3A_120] {strides = array<i32>} : memref<32768xi32, #tpu.memory_space<vmem>>, vector<16xi32>,
        %add3A_122 = arith.addi %add3A_113, %get3A_121 : vector<16xi32>
        %scan3A_123 = arith.constant 5 : i32
        %mul3A_124 = arith.constant 256 : i32
        %mul3A_125 = arith.muli %while3A_76, %mul3A_124 : i32
        %mul3A_126 = arith.constant 16 : i32
        %mul3A_127 = arith.muli %scan3A_123, %mul3A_126 : i32
        %add3A_128 = arith.addi %mul3A_125, %mul3A_127 : i32
        %get3A_129 = arith.index_cast %add3A_128 : i32 to index
        %get3A_130 = tpu.vector_load %arg6[%get3A_129] {strides = array<i32>} : memref<32768xi32, #tpu.memory_space<vmem>>, vector<16xi32>,
        %add3A_131 = arith.addi %add3A_122, %get3A_130 : vector<16xi32>
        %scan3A_132 = arith.constant 6 : i32
        %mul3A_133 = arith.constant 256 : i32
        %mul3A_134 = arith.muli %while3A_76, %mul3A_133 : i32
        %mul3A_135 = arith.constant 16 : i32
        %mul3A_136 = arith.muli %scan3A_132, %mul3A_135 : i32
        %add3A_137 = arith.addi %mul3A_134, %mul3A_136 : i32
        %get3A_138 = arith.index_cast %add3A_137 : i32 to index
        %get3A_139 = tpu.vector_load %arg6[%get3A_138] {strides = array<i32>} : memref<32768xi32, #tpu.memory_space<vmem>>, vector<16xi32>,
        %add3A_140 = arith.addi %add3A_131, %get3A_139 : vector<16xi32>
        %scan3A_141 = arith.constant 7 : i32
        %mul3A_142 = arith.constant 256 : i32
        %mul3A_143 = arith.muli %while3A_76, %mul3A_142 : i32
        %mul3A_144 = arith.constant 16 : i32
        %mul3A_145 = arith.muli %scan3A_141, %mul3A_144 : i32
        %add3A_146 = arith.addi %mul3A_143, %mul3A_145 : i32
        %get3A_147 = arith.index_cast %add3A_146 : i32 to index
        %get3A_148 = tpu.vector_load %arg6[%get3A_147] {strides = array<i32>} : memref<32768xi32, #tpu.memory_space<vmem>>, vector<16xi32>,
        %add3A_149 = arith.addi %add3A_140, %get3A_148 : vector<16xi32>
        %scan3A_150 = arith.constant 8 : i32
        %mul3A_151 = arith.constant 256 : i32
        %mul3A_152 = arith.muli %while3A_76, %mul3A_151 : i32
        %mul3A_153 = arith.constant 16 : i32
        %mul3A_154 = arith.muli %scan3A_150, %mul3A_153 : i32
        %add3A_155 = arith.addi %mul3A_152, %mul3A_154 : i32
        %get3A_156 = arith.index_cast %add3A_155 : i32 to index
        %get3A_157 = tpu.vector_load %arg6[%get3A_156] {strides = array<i32>} : memref<32768xi32, #tpu.memory_space<vmem>>, vector<16xi32>,
        %add3A_158 = arith.addi %add3A_149, %get3A_157 : vector<16xi32>
        %scan3A_159 = arith.constant 9 : i32
        %mul3A_160 = arith.constant 256 : i32
        %mul3A_161 = arith.muli %while3A_76, %mul3A_160 : i32
        %mul3A_162 = arith.constant 16 : i32
        %mul3A_163 = arith.muli %scan3A_159, %mul3A_162 : i32
        %add3A_164 = arith.addi %mul3A_161, %mul3A_163 : i32
        %get3A_165 = arith.index_cast %add3A_164 : i32 to index
        %get3A_166 = tpu.vector_load %arg6[%get3A_165] {strides = array<i32>} : memref<32768xi32, #tpu.memory_space<vmem>>, vector<16xi32>,
        %add3A_167 = arith.addi %add3A_158, %get3A_166 : vector<16xi32>
        %scan3A_168 = arith.constant 10 : i32
        %mul3A_169 = arith.constant 256 : i32
        %mul3A_170 = arith.muli %while3A_76, %mul3A_169 : i32
        %mul3A_171 = arith.constant 16 : i32
        %mul3A_172 = arith.muli %scan3A_168, %mul3A_171 : i32
        %add3A_173 = arith.addi %mul3A_170, %mul3A_172 : i32
        %get3A_174 = arith.index_cast %add3A_173 : i32 to index
        %get3A_175 = tpu.vector_load %arg6[%get3A_174] {strides = array<i32>} : memref<32768xi32, #tpu.memory_space<vmem>>, vector<16xi32>,
        %add3A_176 = arith.addi %add3A_167, %get3A_175 : vector<16xi32>
        %scan3A_177 = arith.constant 11 : i32
        %mul3A_178 = arith.constant 256 : i32
        %mul3A_179 = arith.muli %while3A_76, %mul3A_178 : i32
        %mul3A_180 = arith.constant 16 : i32
        %mul3A_181 = arith.muli %scan3A_177, %mul3A_180 : i32
        %add3A_182 = arith.addi %mul3A_179, %mul3A_181 : i32
        %get3A_183 = arith.index_cast %add3A_182 : i32 to index
        %get3A_184 = tpu.vector_load %arg6[%get3A_183] {strides = array<i32>} : memref<32768xi32, #tpu.memory_space<vmem>>, vector<16xi32>,
        %add3A_185 = arith.addi %add3A_176, %get3A_184 : vector<16xi32>
        %scan3A_186 = arith.constant 12 : i32
        %mul3A_187 = arith.constant 256 : i32
        %mul3A_188 = arith.muli %while3A_76, %mul3A_187 : i32
        %mul3A_189 = arith.constant 16 : i32
        %mul3A_190 = arith.muli %scan3A_186, %mul3A_189 : i32
        %add3A_191 = arith.addi %mul3A_188, %mul3A_190 : i32
        %get3A_192 = arith.index_cast %add3A_191 : i32 to index
        %get3A_193 = tpu.vector_load %arg6[%get3A_192] {strides = array<i32>} : memref<32768xi32, #tpu.memory_space<vmem>>, vector<16xi32>,
        %add3A_194 = arith.addi %add3A_185, %get3A_193 : vector<16xi32>
        %scan3A_195 = arith.constant 13 : i32
        %mul3A_196 = arith.constant 256 : i32
        %mul3A_197 = arith.muli %while3A_76, %mul3A_196 : i32
        %mul3A_198 = arith.constant 16 : i32
        %mul3A_199 = arith.muli %scan3A_195, %mul3A_198 : i32
        %add3A_200 = arith.addi %mul3A_197, %mul3A_199 : i32
        %get3A_201 = arith.index_cast %add3A_200 : i32 to index
        %get3A_202 = tpu.vector_load %arg6[%get3A_201] {strides = array<i32>} : memref<32768xi32, #tpu.memory_space<vmem>>, vector<16xi32>,
        %add3A_203 = arith.addi %add3A_194, %get3A_202 : vector<16xi32>
        %scan3A_204 = arith.constant 14 : i32
        %mul3A_205 = arith.constant 256 : i32
        %mul3A_206 = arith.muli %while3A_76, %mul3A_205 : i32
        %mul3A_207 = arith.constant 16 : i32
        %mul3A_208 = arith.muli %scan3A_204, %mul3A_207 : i32
        %add3A_209 = arith.addi %mul3A_206, %mul3A_208 : i32
        %get3A_210 = arith.index_cast %add3A_209 : i32 to index
        %get3A_211 = tpu.vector_load %arg6[%get3A_210] {strides = array<i32>} : memref<32768xi32, #tpu.memory_space<vmem>>, vector<16xi32>,
        %add3A_212 = arith.addi %add3A_203, %get3A_211 : vector<16xi32>
        %scan3A_213 = arith.constant 15 : i32
        %mul3A_214 = arith.constant 256 : i32
        %mul3A_215 = arith.muli %while3A_76, %mul3A_214 : i32
        %mul3A_216 = arith.constant 16 : i32
        %mul3A_217 = arith.muli %scan3A_213, %mul3A_216 : i32
        %add3A_218 = arith.addi %mul3A_215, %mul3A_217 : i32
        %get3A_219 = arith.index_cast %add3A_218 : i32 to index
        %get3A_220 = tpu.vector_load %arg6[%get3A_219] {strides = array<i32>} : memref<32768xi32, #tpu.memory_space<vmem>>, vector<16xi32>,
        %add3A_221 = arith.addi %add3A_212, %get3A_220 : vector<16xi32>
        %scan3A_222 = arith.constant 16 : i32
        %reduce_sum3A = arith.constant true
        %reduce_sum3A_223 = vector.broadcast %reduce_sum3A : i1 to vector<16xi1>
        %reduce_sum3A_224 = tpu.scan <sum>, %add3A_221 masked %reduce_sum3A_223 : vector<16xi32>, vector<16xi1> -> vector<16xi32>
        %reduce_sum3A_225 = vector.extract %reduce_sum3A_224[15] : i32 from vector<16xi32>
        %add3A_226 = arith.addi %while3A_77, %reduce_sum3A_225 : i32
        %ge3A = arith.constant 1024 : i32
        %ge3A_227 = arith.cmpi sge, %add3A_226, %ge3A : i32
        %sub3A = arith.constant 1 : i32
        %sub3A_228 = arith.subi %while3A_76, %sub3A : i32
        %select_n3A = arith.select %ge3A_227, %while3A_76, %sub3A_228 : i32
        %add3A_229 = arith.addi %while3A_77, %reduce_sum3A_225 : i32
        %select_n3A_230 = arith.select %ge3A_227, %while3A_77, %add3A_229 : i32
        scf.yield %select_n3A, %select_n3A_230, %ge3A_227 : i32, i32, i1
      }
      "tpu.trace_stop"() : () -> ()
      "tpu.trace_start"() <{level = 10 : i32, message = "p3_scan_b"}> : () -> ()
      %mul3A_31 = arith.constant 16 : i32
      %mul3A_32 = arith.muli %while3A_30#0, %mul3A_31 : i32
      %add3A_33 = arith.constant 15 : i32
      %add3A_34 = arith.addi %mul3A_32, %add3A_33 : i32
      %while3A_35 = arith.constant false
      %while3A_36:3 = scf.while (%while3A_76 = %add3A_34, %while3A_77 = %while3A_30#1, %while3A_78 = %while3A_35) : (i32, i32, i1) -> (i32, i32, i1) {
        %not3A = arith.constant true
        %not3A_79 = arith.xori %while3A_78, %not3A : i1
        scf.condition(%not3A_79) %while3A_76, %while3A_77, %while3A_78 : i32, i32, i1
      } do {
      ^bb0(%while3A_76: i32, %while3A_77: i32, %while3A_78: i1):
        %mul3A_79 = arith.constant 16 : i32
        %mul3A_80 = arith.muli %while3A_76, %mul3A_79 : i32
        %get3A = arith.index_cast %mul3A_80 : i32 to index
        %get3A_81 = tpu.vector_load %arg6[%get3A] {strides = array<i32>} : memref<32768xi32, #tpu.memory_space<vmem>>, vector<16xi32>,
        %reduce_sum3A = arith.constant true
        %reduce_sum3A_82 = vector.broadcast %reduce_sum3A : i1 to vector<16xi1>
        %reduce_sum3A_83 = tpu.scan <sum>, %get3A_81 masked %reduce_sum3A_82 : vector<16xi32>, vector<16xi1> -> vector<16xi32>
        %reduce_sum3A_84 = vector.extract %reduce_sum3A_83[15] : i32 from vector<16xi32>
        %add3A_85 = arith.addi %while3A_77, %reduce_sum3A_84 : i32
        %ge3A = arith.constant 1024 : i32
        %ge3A_86 = arith.cmpi sge, %add3A_85, %ge3A : i32
        %sub3A = arith.constant 1 : i32
        %sub3A_87 = arith.subi %while3A_76, %sub3A : i32
        %select_n3A = arith.select %ge3A_86, %while3A_76, %sub3A_87 : i32
        %add3A_88 = arith.addi %while3A_77, %reduce_sum3A_84 : i32
        %select_n3A_89 = arith.select %ge3A_86, %while3A_77, %add3A_88 : i32
        scf.yield %select_n3A, %select_n3A_89, %ge3A_86 : i32, i32, i1
      }
      %parallel_loop3A_37 = arith.constant 0 : i32
      %parallel_loop3A_38 = arith.constant 129 : i32
      %parallel_loop3A_39 = arith.constant 1 : i32
      "tpu.trace_stop"() : () -> ()
      "tpu.trace_start"() <{level = 10 : i32, message = "p4_prefill"}> : () -> ()
      scf.for %parallel_loop3A_76 = %parallel_loop3A_37 to %parallel_loop3A_38 step %parallel_loop3A_39  : i32 {
        %parallel_loop3A_77 = arith.constant 16 : i32
        %parallel_loop3A_78 = arith.muli %parallel_loop3A_76, %parallel_loop3A_77 : i32
        %parallel_loop3A_79 = arith.index_cast %parallel_loop3A_78 : i32 to index
        %parallel_loop3A_80 = tpu.vector_load %arg7[%parallel_loop3A_79] {strides = array<i32>} : memref<2064xf32, #tpu.memory_space<vmem>>, vector<16xf32>,
        tpu.vector_store %arg7[%parallel_loop3A_79], %broadcast_in_dim3A_5 {strides = array<i32>} : memref<2064xf32, #tpu.memory_space<vmem>>, vector<16xf32>,
      } {sc.loop_unroll_factor = 8 : i64, sc.parallel_access}
      %parallel_loop3A_40 = arith.constant 0 : i32
      %parallel_loop3A_41 = arith.constant 2048 : i32
      %parallel_loop3A_42 = arith.constant 1 : i32
      %parallel_loop3A_43 = arith.constant 0 : i32
      "tpu.trace_stop"() : () -> ()
      "tpu.trace_start"() <{level = 10 : i32, message = "p5_compact"}> : () -> ()
      %parallel_loop3A_44 = scf.for %parallel_loop3A_76 = %parallel_loop3A_40 to %parallel_loop3A_41 step %parallel_loop3A_42 iter_args(%parallel_loop3A_77 = %parallel_loop3A_43) -> (i32)  : i32 {
        %parallel_loop3A_78 = arith.constant 16 : i32
        %parallel_loop3A_79 = arith.muli %parallel_loop3A_76, %parallel_loop3A_78 : i32
        %parallel_loop3A_80 = arith.index_cast %parallel_loop3A_79 : i32 to index
        %parallel_loop3A_81 = tpu.vector_load %arg5[%parallel_loop3A_80] {strides = array<i32>} : memref<32768xf32, #tpu.memory_space<vmem>>, vector<16xf32>,
        %parallel_loop3A_82 = tpu.bitcast %parallel_loop3A_81 : vector<16xf32> -> vector<16xi32>
        %parallel_loop3A_83 = arith.constant 0 : i32
        %parallel_loop3A_84 = vector.broadcast %parallel_loop3A_83 : i32 to vector<16xi32>
        %parallel_loop3A_85 = arith.cmpi slt, %parallel_loop3A_82, %parallel_loop3A_84 : vector<16xi32>
        %parallel_loop3A_86 = arith.constant 2147483647 : i32
        %parallel_loop3A_87 = vector.broadcast %parallel_loop3A_86 : i32 to vector<16xi32>
        %parallel_loop3A_88 = arith.xori %parallel_loop3A_82, %parallel_loop3A_87 : vector<16xi32>
        %parallel_loop3A_89 = arith.select %parallel_loop3A_85, %parallel_loop3A_88, %parallel_loop3A_82 : vector<16xi1>, vector<16xi32>
        %parallel_loop3A_90 = arith.constant 21 : i32
        %parallel_loop3A_91 = vector.broadcast %parallel_loop3A_90 : i32 to vector<16xi32>
        %parallel_loop3A_92 = arith.shrsi %parallel_loop3A_89, %parallel_loop3A_91 : vector<16xi32>
        %parallel_loop3A_93 = arith.constant 1024 : i32
        %parallel_loop3A_94 = vector.broadcast %parallel_loop3A_93 : i32 to vector<16xi32>
        %parallel_loop3A_95 = arith.addi %parallel_loop3A_92, %parallel_loop3A_94 : vector<16xi32>
        %parallel_loop3A_96 = vector.broadcast %while3A_36#0 : i32 to vector<16xi32>
        %parallel_loop3A_97 = arith.cmpi sge, %parallel_loop3A_95, %parallel_loop3A_96 : vector<16xi32>
        %parallel_loop3A_98 = tpu.all_reduce %parallel_loop3A_97 {dim = 0 : i64, kind = #tpu.reduction_kind<sum>} : vector<16xi1> -> vector<16xi32>
        %parallel_loop3A_99 = vector.extract_strided_slice %parallel_loop3A_98 {offsets = [0], sizes = [1], strides = [1]} : vector<16xi32> to vector<1xi32>
        %parallel_loop3A_100 = vector.extract %parallel_loop3A_99[0] : i32 from vector<1xi32>
        %parallel_loop3A_101 = arith.constant 2048 : i32
        %parallel_loop3A_102 = arith.minsi %parallel_loop3A_77, %parallel_loop3A_101 : i32
        %parallel_loop3A_103 = arith.index_cast %parallel_loop3A_102 : i32 to index
        %parallel_loop3A_104 = tpu.vector_load %arg7[%parallel_loop3A_103] masked %parallel_loop3A_97 {strides = array<i32>} : memref<2064xf32, #tpu.memory_space<vmem>>, vector<16xf32>, vector<16xi1>
        tpu.vector_store %arg7[%parallel_loop3A_103], %parallel_loop3A_81 masked %parallel_loop3A_97 {strides = array<i32>} : memref<2064xf32, #tpu.memory_space<vmem>>, vector<16xf32>, vector<16xi1>
        %parallel_loop3A_105 = arith.constant 16 : i32
        %parallel_loop3A_106 = arith.muli %parallel_loop3A_76, %parallel_loop3A_105 : i32
        %parallel_loop3A_107 = vector.broadcast %parallel_loop3A_106 : i32 to vector<16xi32>
        %parallel_loop3A_108 = arith.addi %parallel_loop3A_107, %iota3A : vector<16xi32>
        %parallel_loop3A_109 = arith.index_cast %parallel_loop3A_102 : i32 to index
        %parallel_loop3A_110 = tpu.vector_load %arg8[%parallel_loop3A_109] masked %parallel_loop3A_97 {strides = array<i32>} : memref<2064xi32, #tpu.memory_space<vmem>>, vector<16xi32>, vector<16xi1>
        tpu.vector_store %arg8[%parallel_loop3A_109], %parallel_loop3A_108 masked %parallel_loop3A_97 {strides = array<i32>} : memref<2064xi32, #tpu.memory_space<vmem>>, vector<16xi32>, vector<16xi1>
        %parallel_loop3A_111 = arith.constant 16 : i32
        %parallel_loop3A_112 = arith.muli %parallel_loop3A_76, %parallel_loop3A_111 : i32
        %parallel_loop3A_113 = arith.index_cast %parallel_loop3A_112 : i32 to index
        %parallel_loop3A_114 = tpu.vector_load %arg6[%parallel_loop3A_113] {strides = array<i32>} : memref<32768xi32, #tpu.memory_space<vmem>>, vector<16xi32>,
        tpu.vector_store %arg6[%parallel_loop3A_113], %broadcast_in_dim3A_3 {strides = array<i32>} : memref<32768xi32, #tpu.memory_space<vmem>>, vector<16xi32>,
        %parallel_loop3A_115 = arith.addi %parallel_loop3A_77, %parallel_loop3A_100 : i32
        scf.yield %parallel_loop3A_115 : i32
      } {sc.loop_unroll_factor = 8 : i64, sc.parallel_access}
      %lt3A = arith.constant 3 : i32
      "tpu.trace_stop"() : () -> ()
      %lt3A_45 = arith.cmpi slt, %scan3A_18, %lt3A : i32
      %convert_element_type3A = arith.extui %lt3A_45 : i1 to i32
      %cond3A = arith.constant 0 : i32
      %cond3A_46 = arith.cmpi ne, %convert_element_type3A, %cond3A : i32
      scf.if %cond3A_46 {
        %add3A_76 = arith.constant 1 : i32
        %add3A_77 = arith.addi %add3A_21, %add3A_76 : i32
        %mul3A_78 = arith.constant 32768 : i32
        %mul3A_79 = arith.muli %add3A_77, %mul3A_78 : i32
        %dma_start3A_80 = tpu.memref_slice %arg2[%mul3A_79] : memref<4194304xf32, #tpu.memory_space<hbm>> -> memref<32768xf32, #tpu.memory_space<hbm>>
        %dma_start3A_81 = tpu.memref_slice %arg2[%mul3A_79] : memref<4194304xf32, #tpu.memory_space<hbm>> -> memref<32768xf32, #tpu.memory_space<hbm>>
        tpu.enqueue_dma source(%dma_start3A_81 : memref<32768xf32, #tpu.memory_space<hbm>>) target(%arg5 : memref<32768xf32, #tpu.memory_space<vmem>>) target_semaphore(%arg12 : memref<!tpu.dma_semaphore, #tpu.memory_space<semaphore_mem>>)
      } else {
      }
      %parallel_loop3A_47 = arith.constant 0 : i32
      %parallel_loop3A_48 = arith.constant 128 : i32
      %parallel_loop3A_49 = arith.constant 1 : i32
      "tpu.trace_start"() <{level = 10 : i32, message = "p6_presort"}> : () -> ()
      scf.for %parallel_loop3A_76 = %parallel_loop3A_47 to %parallel_loop3A_48 step %parallel_loop3A_49  : i32 {
        %parallel_loop3A_77 = arith.constant 16 : i32
        %parallel_loop3A_78 = arith.muli %parallel_loop3A_76, %parallel_loop3A_77 : i32
        %parallel_loop3A_79 = arith.index_cast %parallel_loop3A_78 : i32 to index
        %parallel_loop3A_80 = tpu.vector_load %arg7[%parallel_loop3A_79] {strides = array<i32>} : memref<2064xf32, #tpu.memory_space<vmem>>, vector<16xf32>,
        %parallel_loop3A_81 = arith.constant 16 : i32
        %parallel_loop3A_82 = arith.muli %parallel_loop3A_76, %parallel_loop3A_81 : i32
        %parallel_loop3A_83 = arith.index_cast %parallel_loop3A_82 : i32 to index
        %parallel_loop3A_84 = tpu.vector_load %arg8[%parallel_loop3A_83] {strides = array<i32>} : memref<2064xi32, #tpu.memory_space<vmem>>, vector<16xi32>,
        %parallel_loop3A_85 = arith.constant dense<true> : vector<16xi1>
        %parallel_loop3A_86, %parallel_loop3A_87, %parallel_loop3A_88 = tpu.sort %parallel_loop3A_80, %parallel_loop3A_84 masked %parallel_loop3A_85 {descending = true} : (vector<16xf32>, vector<16xi32>, vector<16xi1>) -> (vector<16xi1>, vector<16xf32>, vector<16xi32>)
        %parallel_loop3A_89 = arith.constant 16 : i32
        %parallel_loop3A_90 = arith.muli %parallel_loop3A_76, %parallel_loop3A_89 : i32
        %parallel_loop3A_91 = arith.index_cast %parallel_loop3A_90 : i32 to index
        %parallel_loop3A_92 = tpu.vector_load %arg7[%parallel_loop3A_91] {strides = array<i32>} : memref<2064xf32, #tpu.memory_space<vmem>>, vector<16xf32>,
        tpu.vector_store %arg7[%parallel_loop3A_91], %parallel_loop3A_87 {strides = array<i32>} : memref<2064xf32, #tpu.memory_space<vmem>>, vector<16xf32>,
        %parallel_loop3A_93 = arith.constant 16 : i32
        %parallel_loop3A_94 = arith.muli %parallel_loop3A_76, %parallel_loop3A_93 : i32
        %parallel_loop3A_95 = arith.index_cast %parallel_loop3A_94 : i32 to index
        %parallel_loop3A_96 = tpu.vector_load %arg8[%parallel_loop3A_95] {strides = array<i32>} : memref<2064xi32, #tpu.memory_space<vmem>>, vector<16xi32>,
        tpu.vector_store %arg8[%parallel_loop3A_95], %parallel_loop3A_88 {strides = array<i32>} : memref<2064xi32, #tpu.memory_space<vmem>>, vector<16xi32>,
      } {sc.loop_unroll_factor = 8 : i64, sc.parallel_access}
      %parallel_loop3A_50 = arith.constant 0 : i32
      %parallel_loop3A_51 = arith.constant 64 : i32
      %parallel_loop3A_52 = arith.constant 1 : i32
      "tpu.trace_stop"() : () -> ()
      "tpu.trace_start"() <{level = 10 : i32, message = "p7_merge_w1"}> : () -> ()
      scf.for %parallel_loop3A_76 = %parallel_loop3A_50 to %parallel_loop3A_51 step %parallel_loop3A_52  : i32 {
        %parallel_loop3A_77 = arith.constant 2 : i32
        %parallel_loop3A_78 = arith.muli %parallel_loop3A_76, %parallel_loop3A_77 : i32
        %parallel_loop3A_79 = arith.constant 1 : i32
        %parallel_loop3A_80 = arith.addi %parallel_loop3A_78, %parallel_loop3A_79 : i32
        %parallel_loop3A_81 = arith.constant 2 : i32
        %parallel_loop3A_82 = arith.addi %parallel_loop3A_78, %parallel_loop3A_81 : i32
        %parallel_loop3A_83 = arith.constant 16 : i32
        %parallel_loop3A_84 = arith.muli %parallel_loop3A_80, %parallel_loop3A_83 : i32
        %parallel_loop3A_85 = arith.index_cast %parallel_loop3A_84 : i32 to index
        %parallel_loop3A_86 = tpu.vector_load %arg7[%parallel_loop3A_85] {strides = array<i32>} : memref<2064xf32, #tpu.memory_space<vmem>>, vector<16xf32>,
        %parallel_loop3A_87 = vector.extract_strided_slice %parallel_loop3A_86 {offsets = [0], sizes = [1], strides = [1]} : vector<16xf32> to vector<1xf32>
        %parallel_loop3A_88 = vector.extract %parallel_loop3A_87[0] : f32 from vector<1xf32>
        %parallel_loop3A_89 = arith.constant 0xFF800000 : f32
        %parallel_loop3A_90 = arith.cmpf oeq, %parallel_loop3A_88, %parallel_loop3A_89 : f32
        %parallel_loop3A_91 = arith.extui %parallel_loop3A_90 : i1 to i32
        %parallel_loop3A_92 = arith.constant 0 : i32
        %parallel_loop3A_93 = arith.cmpi ne, %parallel_loop3A_91, %parallel_loop3A_92 : i32
        scf.if %parallel_loop3A_93 {
          %parallel_loop3A_94 = arith.constant 0 : i32
          %parallel_loop3A_95 = arith.constant 1 : i32
          %parallel_loop3A_96 = arith.constant 1 : i32
          scf.for %parallel_loop3A_100 = %parallel_loop3A_94 to %parallel_loop3A_95 step %parallel_loop3A_96  : i32 {
            %parallel_loop3A_101 = arith.addi %parallel_loop3A_78, %parallel_loop3A_100 : i32
            %parallel_loop3A_102 = arith.constant 16 : i32
            %parallel_loop3A_103 = arith.muli %parallel_loop3A_101, %parallel_loop3A_102 : i32
            %parallel_loop3A_104 = arith.index_cast %parallel_loop3A_103 : i32 to index
            %parallel_loop3A_105 = tpu.vector_load %arg7[%parallel_loop3A_104] {strides = array<i32>} : memref<2064xf32, #tpu.memory_space<vmem>>, vector<16xf32>,
            %parallel_loop3A_106 = arith.addi %parallel_loop3A_78, %parallel_loop3A_100 : i32
            %parallel_loop3A_107 = arith.constant 16 : i32
            %parallel_loop3A_108 = arith.muli %parallel_loop3A_106, %parallel_loop3A_107 : i32
            %parallel_loop3A_109 = arith.index_cast %parallel_loop3A_108 : i32 to index
            %parallel_loop3A_110 = tpu.vector_load %arg9[%parallel_loop3A_109] {strides = array<i32>} : memref<2064xf32, #tpu.memory_space<vmem>>, vector<16xf32>,
            tpu.vector_store %arg9[%parallel_loop3A_109], %parallel_loop3A_105 {strides = array<i32>} : memref<2064xf32, #tpu.memory_space<vmem>>, vector<16xf32>,
            %parallel_loop3A_111 = arith.addi %parallel_loop3A_78, %parallel_loop3A_100 : i32
            %parallel_loop3A_112 = arith.constant 16 : i32
            %parallel_loop3A_113 = arith.muli %parallel_loop3A_111, %parallel_loop3A_112 : i32
            %parallel_loop3A_114 = arith.index_cast %parallel_loop3A_113 : i32 to index
            %parallel_loop3A_115 = tpu.vector_load %arg8[%parallel_loop3A_114] {strides = array<i32>} : memref<2064xi32, #tpu.memory_space<vmem>>, vector<16xi32>,
            %parallel_loop3A_116 = arith.addi %parallel_loop3A_78, %parallel_loop3A_100 : i32
            %parallel_loop3A_117 = arith.constant 16 : i32
            %parallel_loop3A_118 = arith.muli %parallel_loop3A_116, %parallel_loop3A_117 : i32
            %parallel_loop3A_119 = arith.index_cast %parallel_loop3A_118 : i32 to index
            %parallel_loop3A_120 = tpu.vector_load %arg10[%parallel_loop3A_119] {strides = array<i32>} : memref<2064xi32, #tpu.memory_space<vmem>>, vector<16xi32>,
            tpu.vector_store %arg10[%parallel_loop3A_119], %parallel_loop3A_115 {strides = array<i32>} : memref<2064xi32, #tpu.memory_space<vmem>>, vector<16xi32>,
          } {sc.loop_unroll_factor = 4 : i64, sc.parallel_access}
          %parallel_loop3A_97 = arith.constant 0 : i32
          %parallel_loop3A_98 = arith.constant 1 : i32
          %parallel_loop3A_99 = arith.constant 1 : i32
          scf.for %parallel_loop3A_100 = %parallel_loop3A_97 to %parallel_loop3A_98 step %parallel_loop3A_99  : i32 {
            %parallel_loop3A_101 = arith.addi %parallel_loop3A_80, %parallel_loop3A_100 : i32
            %parallel_loop3A_102 = arith.constant 16 : i32
            %parallel_loop3A_103 = arith.muli %parallel_loop3A_101, %parallel_loop3A_102 : i32
            %parallel_loop3A_104 = arith.index_cast %parallel_loop3A_103 : i32 to index
            %parallel_loop3A_105 = tpu.vector_load %arg9[%parallel_loop3A_104] {strides = array<i32>} : memref<2064xf32, #tpu.memory_space<vmem>>, vector<16xf32>,
            tpu.vector_store %arg9[%parallel_loop3A_104], %broadcast_in_dim3A_5 {strides = array<i32>} : memref<2064xf32, #tpu.memory_space<vmem>>, vector<16xf32>,
            %parallel_loop3A_106 = arith.addi %parallel_loop3A_80, %parallel_loop3A_100 : i32
            %parallel_loop3A_107 = arith.constant 16 : i32
            %parallel_loop3A_108 = arith.muli %parallel_loop3A_106, %parallel_loop3A_107 : i32
            %parallel_loop3A_109 = arith.index_cast %parallel_loop3A_108 : i32 to index
            %parallel_loop3A_110 = tpu.vector_load %arg10[%parallel_loop3A_109] {strides = array<i32>} : memref<2064xi32, #tpu.memory_space<vmem>>, vector<16xi32>,
            tpu.vector_store %arg10[%parallel_loop3A_109], %broadcast_in_dim3A_3 {strides = array<i32>} : memref<2064xi32, #tpu.memory_space<vmem>>, vector<16xi32>,
          } {sc.loop_unroll_factor = 4 : i64, sc.parallel_access}
        } else {
          %parallel_loop3A_94 = arith.constant 16 : i32
          %parallel_loop3A_95 = arith.muli %parallel_loop3A_78, %parallel_loop3A_94 : i32
          %parallel_loop3A_96 = arith.index_cast %parallel_loop3A_95 : i32 to index
          %parallel_loop3A_97 = tpu.vector_load %arg7[%parallel_loop3A_96] {strides = array<i32>} : memref<2064xf32, #tpu.memory_space<vmem>>, vector<16xf32>,
          %parallel_loop3A_98 = arith.constant 16 : i32
          %parallel_loop3A_99 = arith.muli %parallel_loop3A_80, %parallel_loop3A_98 : i32
          %parallel_loop3A_100 = arith.index_cast %parallel_loop3A_99 : i32 to index
          %parallel_loop3A_101 = tpu.vector_load %arg7[%parallel_loop3A_100] {strides = array<i32>} : memref<2064xf32, #tpu.memory_space<vmem>>, vector<16xf32>,
          %parallel_loop3A_102 = vector.extract_strided_slice %parallel_loop3A_97 {offsets = [0], sizes = [1], strides = [1]} : vector<16xf32> to vector<1xf32>
          %parallel_loop3A_103 = vector.extract %parallel_loop3A_102[0] : f32 from vector<1xf32>
          %parallel_loop3A_104 = vector.extract_strided_slice %parallel_loop3A_101 {offsets = [0], sizes = [1], strides = [1]} : vector<16xf32> to vector<1xf32>
          %parallel_loop3A_105 = vector.extract %parallel_loop3A_104[0] : f32 from vector<1xf32>
          %parallel_loop3A_106 = arith.cmpf oge, %parallel_loop3A_103, %parallel_loop3A_105 : f32
          %parallel_loop3A_107 = arith.select %parallel_loop3A_106, %parallel_loop3A_97, %parallel_loop3A_101 : vector<16xf32>
          %parallel_loop3A_108 = arith.constant 16 : i32
          %parallel_loop3A_109 = arith.muli %parallel_loop3A_78, %parallel_loop3A_108 : i32
          %parallel_loop3A_110 = arith.index_cast %parallel_loop3A_109 : i32 to index
          %parallel_loop3A_111 = tpu.vector_load %arg8[%parallel_loop3A_110] {strides = array<i32>} : memref<2064xi32, #tpu.memory_space<vmem>>, vector<16xi32>,
          %parallel_loop3A_112 = arith.constant 16 : i32
          %parallel_loop3A_113 = arith.muli %parallel_loop3A_80, %parallel_loop3A_112 : i32
          %parallel_loop3A_114 = arith.index_cast %parallel_loop3A_113 : i32 to index
          %parallel_loop3A_115 = tpu.vector_load %arg8[%parallel_loop3A_114] {strides = array<i32>} : memref<2064xi32, #tpu.memory_space<vmem>>, vector<16xi32>,
          %parallel_loop3A_116 = arith.select %parallel_loop3A_106, %parallel_loop3A_111, %parallel_loop3A_115 : vector<16xi32>
          %parallel_loop3A_117 = arith.constant 1 : i32
          %parallel_loop3A_118 = arith.addi %parallel_loop3A_78, %parallel_loop3A_117 : i32
          %parallel_loop3A_119 = arith.select %parallel_loop3A_106, %parallel_loop3A_118, %parallel_loop3A_78 : i32
          %parallel_loop3A_120 = arith.constant 1 : i32
          %parallel_loop3A_121 = arith.addi %parallel_loop3A_80, %parallel_loop3A_120 : i32
          %parallel_loop3A_122 = arith.select %parallel_loop3A_106, %parallel_loop3A_80, %parallel_loop3A_121 : i32
          %parallel_loop3A_123 = arith.constant 16 : i32
          %parallel_loop3A_124 = arith.muli %parallel_loop3A_119, %parallel_loop3A_123 : i32
          %parallel_loop3A_125 = arith.index_cast %parallel_loop3A_124 : i32 to index
          %parallel_loop3A_126 = tpu.vector_load %arg7[%parallel_loop3A_125] {strides = array<i32>} : memref<2064xf32, #tpu.memory_space<vmem>>, vector<16xf32>,
          %parallel_loop3A_127 = vector.extract_strided_slice %parallel_loop3A_126 {offsets = [0], sizes = [1], strides = [1]} : vector<16xf32> to vector<1xf32>
          %parallel_loop3A_128 = vector.extract %parallel_loop3A_127[0] : f32 from vector<1xf32>
          %parallel_loop3A_129 = arith.constant 16 : i32
          %parallel_loop3A_130 = arith.muli %parallel_loop3A_122, %parallel_loop3A_129 : i32
          %parallel_loop3A_131 = arith.index_cast %parallel_loop3A_130 : i32 to index
          %parallel_loop3A_132 = tpu.vector_load %arg7[%parallel_loop3A_131] {strides = array<i32>} : memref<2064xf32, #tpu.memory_space<vmem>>, vector<16xf32>,
          %parallel_loop3A_133 = vector.extract_strided_slice %parallel_loop3A_132 {offsets = [0], sizes = [1], strides = [1]} : vector<16xf32> to vector<1xf32>
          %parallel_loop3A_134 = vector.extract %parallel_loop3A_133[0] : f32 from vector<1xf32>
          %parallel_loop3A_135 = arith.constant 0 : i32
          %parallel_loop3A_136 = arith.constant 1 : i32
          %parallel_loop3A_137 = arith.constant 1 : i32
          %parallel_loop3A_138:6 = scf.for %parallel_loop3A_151 = %parallel_loop3A_135 to %parallel_loop3A_136 step %parallel_loop3A_137 iter_args(%parallel_loop3A_152 = %parallel_loop3A_119, %parallel_loop3A_153 = %parallel_loop3A_122, %parallel_loop3A_154 = %parallel_loop3A_128, %parallel_loop3A_155 = %parallel_loop3A_134, %parallel_loop3A_156 = %parallel_loop3A_107, %parallel_loop3A_157 = %parallel_loop3A_116) -> (i32, i32, f32, f32, vector<16xf32>, vector<16xi32>)  : i32 {
            %parallel_loop3A_158 = arith.cmpi slt, %parallel_loop3A_152, %parallel_loop3A_80 : i32
            %parallel_loop3A_159 = arith.cmpi slt, %parallel_loop3A_153, %parallel_loop3A_82 : i32
            %parallel_loop3A_160 = arith.constant true
            %parallel_loop3A_161 = arith.xori %parallel_loop3A_159, %parallel_loop3A_160 : i1
            %parallel_loop3A_162 = arith.cmpf oge, %parallel_loop3A_154, %parallel_loop3A_155 : f32
            %parallel_loop3A_163 = arith.ori %parallel_loop3A_161, %parallel_loop3A_162 : i1
            %parallel_loop3A_164 = arith.andi %parallel_loop3A_158, %parallel_loop3A_163 : i1
            %parallel_loop3A_165 = arith.select %parallel_loop3A_164, %parallel_loop3A_152, %parallel_loop3A_153 : i32
            %parallel_loop3A_166 = arith.constant 16 : i32
            %parallel_loop3A_167 = arith.muli %parallel_loop3A_165, %parallel_loop3A_166 : i32
            %parallel_loop3A_168 = arith.index_cast %parallel_loop3A_167 : i32 to index
            %parallel_loop3A_169 = tpu.vector_load %arg7[%parallel_loop3A_168] {strides = array<i32>} : memref<2064xf32, #tpu.memory_space<vmem>>, vector<16xf32>,
            %parallel_loop3A_170 = arith.constant 16 : i32
            %parallel_loop3A_171 = arith.muli %parallel_loop3A_165, %parallel_loop3A_170 : i32
            %parallel_loop3A_172 = arith.index_cast %parallel_loop3A_171 : i32 to index
            %parallel_loop3A_173 = tpu.vector_load %arg8[%parallel_loop3A_172] {strides = array<i32>} : memref<2064xi32, #tpu.memory_space<vmem>>, vector<16xi32>,
            %parallel_loop3A_174 = arith.constant 1 : i32
            %parallel_loop3A_175 = arith.addi %parallel_loop3A_152, %parallel_loop3A_174 : i32
            %parallel_loop3A_176 = arith.select %parallel_loop3A_164, %parallel_loop3A_175, %parallel_loop3A_152 : i32
            %parallel_loop3A_177 = arith.constant 1 : i32
            %parallel_loop3A_178 = arith.addi %parallel_loop3A_153, %parallel_loop3A_177 : i32
            %parallel_loop3A_179 = arith.select %parallel_loop3A_164, %parallel_loop3A_153, %parallel_loop3A_178 : i32
            %parallel_loop3A_180 = arith.select %parallel_loop3A_164, %parallel_loop3A_176, %parallel_loop3A_179 : i32
            %parallel_loop3A_181 = arith.constant 16 : i32
            %parallel_loop3A_182 = arith.muli %parallel_loop3A_180, %parallel_loop3A_181 : i32
            %parallel_loop3A_183 = arith.index_cast %parallel_loop3A_182 : i32 to index
            %parallel_loop3A_184 = tpu.vector_load %arg7[%parallel_loop3A_183] {strides = array<i32>} : memref<2064xf32, #tpu.memory_space<vmem>>, vector<16xf32>,
            %parallel_loop3A_185 = vector.extract_strided_slice %parallel_loop3A_184 {offsets = [0], sizes = [1], strides = [1]} : vector<16xf32> to vector<1xf32>
            %parallel_loop3A_186 = vector.extract %parallel_loop3A_185[0] : f32 from vector<1xf32>
            %parallel_loop3A_187 = arith.select %parallel_loop3A_164, %parallel_loop3A_186, %parallel_loop3A_154 : f32
            %parallel_loop3A_188 = arith.select %parallel_loop3A_164, %parallel_loop3A_155, %parallel_loop3A_186 : f32
            %parallel_loop3A_189 = arith.constant 15 : i32
            %parallel_loop3A_190 = vector.broadcast %parallel_loop3A_189 : i32 to vector<16xi32>
            %parallel_loop3A_191 = tpu.iota {dimensions = array<i32: 0>} : vector<16xi32>
            %parallel_loop3A_192 = arith.subi %parallel_loop3A_190, %parallel_loop3A_191 : vector<16xi32>
            %parallel_loop3A_193 = tpu.dynamic_gather %parallel_loop3A_169[%parallel_loop3A_192] in [0] : vector<16xf32>, vector<16xi32> -> vector<16xf32>
            %parallel_loop3A_194 = arith.constant 15 : i32
            %parallel_loop3A_195 = vector.broadcast %parallel_loop3A_194 : i32 to vector<16xi32>
            %parallel_loop3A_196 = tpu.iota {dimensions = array<i32: 0>} : vector<16xi32>
            %parallel_loop3A_197 = arith.subi %parallel_loop3A_195, %parallel_loop3A_196 : vector<16xi32>
            %parallel_loop3A_198 = tpu.dynamic_gather %parallel_loop3A_173[%parallel_loop3A_197] in [0] : vector<16xi32>, vector<16xi32> -> vector<16xi32>
            %parallel_loop3A_199 = arith.cmpf oge, %parallel_loop3A_156, %parallel_loop3A_193 : vector<16xf32>
            %parallel_loop3A_200 = arith.select %parallel_loop3A_199, %parallel_loop3A_156, %parallel_loop3A_193 : vector<16xi1>, vector<16xf32>
            %parallel_loop3A_201 = arith.select %parallel_loop3A_199, %parallel_loop3A_157, %parallel_loop3A_198 : vector<16xi1>, vector<16xi32>
            %parallel_loop3A_202 = arith.select %parallel_loop3A_199, %parallel_loop3A_193, %parallel_loop3A_156 : vector<16xi1>, vector<16xf32>
            %parallel_loop3A_203 = arith.select %parallel_loop3A_199, %parallel_loop3A_198, %parallel_loop3A_157 : vector<16xi1>, vector<16xi32>
            %parallel_loop3A_204 = arith.constant dense<true> : vector<16xi1>
            %parallel_loop3A_205, %parallel_loop3A_206, %parallel_loop3A_207 = tpu.sort %parallel_loop3A_202, %parallel_loop3A_203 masked %parallel_loop3A_204 {descending = true} : (vector<16xf32>, vector<16xi32>, vector<16xi1>) -> (vector<16xi1>, vector<16xf32>, vector<16xi32>)
            %parallel_loop3A_208 = arith.constant dense<true> : vector<16xi1>
            %parallel_loop3A_209, %parallel_loop3A_210, %parallel_loop3A_211 = tpu.sort %parallel_loop3A_200, %parallel_loop3A_201 masked %parallel_loop3A_208 {descending = true} : (vector<16xf32>, vector<16xi32>, vector<16xi1>) -> (vector<16xi1>, vector<16xf32>, vector<16xi32>)
            %parallel_loop3A_212 = arith.addi %parallel_loop3A_78, %parallel_loop3A_151 : i32
            %parallel_loop3A_213 = arith.constant 16 : i32
            %parallel_loop3A_214 = arith.muli %parallel_loop3A_212, %parallel_loop3A_213 : i32
            %parallel_loop3A_215 = arith.index_cast %parallel_loop3A_214 : i32 to index
            %parallel_loop3A_216 = tpu.vector_load %arg9[%parallel_loop3A_215] {strides = array<i32>} : memref<2064xf32, #tpu.memory_space<vmem>>, vector<16xf32>,
            tpu.vector_store %arg9[%parallel_loop3A_215], %parallel_loop3A_210 {strides = array<i32>} : memref<2064xf32, #tpu.memory_space<vmem>>, vector<16xf32>,
            %parallel_loop3A_217 = arith.addi %parallel_loop3A_78, %parallel_loop3A_151 : i32
            %parallel_loop3A_218 = arith.constant 16 : i32
            %parallel_loop3A_219 = arith.muli %parallel_loop3A_217, %parallel_loop3A_218 : i32
            %parallel_loop3A_220 = arith.index_cast %parallel_loop3A_219 : i32 to index
            %parallel_loop3A_221 = tpu.vector_load %arg10[%parallel_loop3A_220] {strides = array<i32>} : memref<2064xi32, #tpu.memory_space<vmem>>, vector<16xi32>,
            tpu.vector_store %arg10[%parallel_loop3A_220], %parallel_loop3A_211 {strides = array<i32>} : memref<2064xi32, #tpu.memory_space<vmem>>, vector<16xi32>,
            scf.yield %parallel_loop3A_176, %parallel_loop3A_179, %parallel_loop3A_187, %parallel_loop3A_188, %parallel_loop3A_206, %parallel_loop3A_207 : i32, i32, f32, f32, vector<16xf32>, vector<16xi32>
          } {sc.loop_unroll_factor = 2 : i64, sc.parallel_access}
          %parallel_loop3A_139 = arith.constant 1 : i32
          %parallel_loop3A_140 = arith.subi %parallel_loop3A_82, %parallel_loop3A_139 : i32
          %parallel_loop3A_141 = arith.constant 16 : i32
          %parallel_loop3A_142 = arith.muli %parallel_loop3A_140, %parallel_loop3A_141 : i32
          %parallel_loop3A_143 = arith.index_cast %parallel_loop3A_142 : i32 to index
          %parallel_loop3A_144 = tpu.vector_load %arg9[%parallel_loop3A_143] {strides = array<i32>} : memref<2064xf32, #tpu.memory_space<vmem>>, vector<16xf32>,
          tpu.vector_store %arg9[%parallel_loop3A_143], %parallel_loop3A_138#4 {strides = array<i32>} : memref<2064xf32, #tpu.memory_space<vmem>>, vector<16xf32>,
          %parallel_loop3A_145 = arith.constant 1 : i32
          %parallel_loop3A_146 = arith.subi %parallel_loop3A_82, %parallel_loop3A_145 : i32
          %parallel_loop3A_147 = arith.constant 16 : i32
          %parallel_loop3A_148 = arith.muli %parallel_loop3A_146, %parallel_loop3A_147 : i32
          %parallel_loop3A_149 = arith.index_cast %parallel_loop3A_148 : i32 to index
          %parallel_loop3A_150 = tpu.vector_load %arg10[%parallel_loop3A_149] {strides = array<i32>} : memref<2064xi32, #tpu.memory_space<vmem>>, vector<16xi32>,
          tpu.vector_store %arg10[%parallel_loop3A_149], %parallel_loop3A_138#5 {strides = array<i32>} : memref<2064xi32, #tpu.memory_space<vmem>>, vector<16xi32>,
        }
      } {sc.loop_unroll_factor = 1 : i64, sc.parallel_access}
      %parallel_loop3A_53 = arith.constant 0 : i32
      %parallel_loop3A_54 = arith.constant 32 : i32
      %parallel_loop3A_55 = arith.constant 1 : i32
      "tpu.trace_stop"() : () -> ()
      "tpu.trace_start"() <{level = 10 : i32, message = "p7_merge_w2"}> : () -> ()
      scf.for %parallel_loop3A_76 = %parallel_loop3A_53 to %parallel_loop3A_54 step %parallel_loop3A_55  : i32 {
        %parallel_loop3A_77 = arith.constant 4 : i32
        %parallel_loop3A_78 = arith.muli %parallel_loop3A_76, %parallel_loop3A_77 : i32
        %parallel_loop3A_79 = arith.constant 2 : i32
        %parallel_loop3A_80 = arith.addi %parallel_loop3A_78, %parallel_loop3A_79 : i32
        %parallel_loop3A_81 = arith.constant 4 : i32
        %parallel_loop3A_82 = arith.addi %parallel_loop3A_78, %parallel_loop3A_81 : i32
        %parallel_loop3A_83 = arith.constant 16 : i32
        %parallel_loop3A_84 = arith.muli %parallel_loop3A_80, %parallel_loop3A_83 : i32
        %parallel_loop3A_85 = arith.index_cast %parallel_loop3A_84 : i32 to index
        %parallel_loop3A_86 = tpu.vector_load %arg9[%parallel_loop3A_85] {strides = array<i32>} : memref<2064xf32, #tpu.memory_space<vmem>>, vector<16xf32>,
        %parallel_loop3A_87 = vector.extract_strided_slice %parallel_loop3A_86 {offsets = [0], sizes = [1], strides = [1]} : vector<16xf32> to vector<1xf32>
        %parallel_loop3A_88 = vector.extract %parallel_loop3A_87[0] : f32 from vector<1xf32>
        %parallel_loop3A_89 = arith.constant 0xFF800000 : f32
        %parallel_loop3A_90 = arith.cmpf oeq, %parallel_loop3A_88, %parallel_loop3A_89 : f32
        %parallel_loop3A_91 = arith.extui %parallel_loop3A_90 : i1 to i32
        %parallel_loop3A_92 = arith.constant 0 : i32
        %parallel_loop3A_93 = arith.cmpi ne, %parallel_loop3A_91, %parallel_loop3A_92 : i32
        scf.if %parallel_loop3A_93 {
          %parallel_loop3A_94 = arith.constant 0 : i32
          %parallel_loop3A_95 = arith.constant 2 : i32
          %parallel_loop3A_96 = arith.constant 1 : i32
          scf.for %parallel_loop3A_100 = %parallel_loop3A_94 to %parallel_loop3A_95 step %parallel_loop3A_96  : i32 {
            %parallel_loop3A_101 = arith.addi %parallel_loop3A_78, %parallel_loop3A_100 : i32
            %parallel_loop3A_102 = arith.constant 16 : i32
            %parallel_loop3A_103 = arith.muli %parallel_loop3A_101, %parallel_loop3A_102 : i32
            %parallel_loop3A_104 = arith.index_cast %parallel_loop3A_103 : i32 to index
            %parallel_loop3A_105 = tpu.vector_load %arg9[%parallel_loop3A_104] {strides = array<i32>} : memref<2064xf32, #tpu.memory_space<vmem>>, vector<16xf32>,
            %parallel_loop3A_106 = arith.addi %parallel_loop3A_78, %parallel_loop3A_100 : i32
            %parallel_loop3A_107 = arith.constant 16 : i32
            %parallel_loop3A_108 = arith.muli %parallel_loop3A_106, %parallel_loop3A_107 : i32
            %parallel_loop3A_109 = arith.index_cast %parallel_loop3A_108 : i32 to index
            %parallel_loop3A_110 = tpu.vector_load %arg7[%parallel_loop3A_109] {strides = array<i32>} : memref<2064xf32, #tpu.memory_space<vmem>>, vector<16xf32>,
            tpu.vector_store %arg7[%parallel_loop3A_109], %parallel_loop3A_105 {strides = array<i32>} : memref<2064xf32, #tpu.memory_space<vmem>>, vector<16xf32>,
            %parallel_loop3A_111 = arith.addi %parallel_loop3A_78, %parallel_loop3A_100 : i32
            %parallel_loop3A_112 = arith.constant 16 : i32
            %parallel_loop3A_113 = arith.muli %parallel_loop3A_111, %parallel_loop3A_112 : i32
            %parallel_loop3A_114 = arith.index_cast %parallel_loop3A_113 : i32 to index
            %parallel_loop3A_115 = tpu.vector_load %arg10[%parallel_loop3A_114] {strides = array<i32>} : memref<2064xi32, #tpu.memory_space<vmem>>, vector<16xi32>,
            %parallel_loop3A_116 = arith.addi %parallel_loop3A_78, %parallel_loop3A_100 : i32
            %parallel_loop3A_117 = arith.constant 16 : i32
            %parallel_loop3A_118 = arith.muli %parallel_loop3A_116, %parallel_loop3A_117 : i32
            %parallel_loop3A_119 = arith.index_cast %parallel_loop3A_118 : i32 to index
            %parallel_loop3A_120 = tpu.vector_load %arg8[%parallel_loop3A_119] {strides = array<i32>} : memref<2064xi32, #tpu.memory_space<vmem>>, vector<16xi32>,
            tpu.vector_store %arg8[%parallel_loop3A_119], %parallel_loop3A_115 {strides = array<i32>} : memref<2064xi32, #tpu.memory_space<vmem>>, vector<16xi32>,
          } {sc.loop_unroll_factor = 4 : i64, sc.parallel_access}
          %parallel_loop3A_97 = arith.constant 0 : i32
          %parallel_loop3A_98 = arith.constant 2 : i32
          %parallel_loop3A_99 = arith.constant 1 : i32
          scf.for %parallel_loop3A_100 = %parallel_loop3A_97 to %parallel_loop3A_98 step %parallel_loop3A_99  : i32 {
            %parallel_loop3A_101 = arith.addi %parallel_loop3A_80, %parallel_loop3A_100 : i32
            %parallel_loop3A_102 = arith.constant 16 : i32
            %parallel_loop3A_103 = arith.muli %parallel_loop3A_101, %parallel_loop3A_102 : i32
            %parallel_loop3A_104 = arith.index_cast %parallel_loop3A_103 : i32 to index
            %parallel_loop3A_105 = tpu.vector_load %arg7[%parallel_loop3A_104] {strides = array<i32>} : memref<2064xf32, #tpu.memory_space<vmem>>, vector<16xf32>,
            tpu.vector_store %arg7[%parallel_loop3A_104], %broadcast_in_dim3A_5 {strides = array<i32>} : memref<2064xf32, #tpu.memory_space<vmem>>, vector<16xf32>,
            %parallel_loop3A_106 = arith.addi %parallel_loop3A_80, %parallel_loop3A_100 : i32
            %parallel_loop3A_107 = arith.constant 16 : i32
            %parallel_loop3A_108 = arith.muli %parallel_loop3A_106, %parallel_loop3A_107 : i32
            %parallel_loop3A_109 = arith.index_cast %parallel_loop3A_108 : i32 to index
            %parallel_loop3A_110 = tpu.vector_load %arg8[%parallel_loop3A_109] {strides = array<i32>} : memref<2064xi32, #tpu.memory_space<vmem>>, vector<16xi32>,
            tpu.vector_store %arg8[%parallel_loop3A_109], %broadcast_in_dim3A_3 {strides = array<i32>} : memref<2064xi32, #tpu.memory_space<vmem>>, vector<16xi32>,
          } {sc.loop_unroll_factor = 4 : i64, sc.parallel_access}
        } else {
          %parallel_loop3A_94 = arith.constant 16 : i32
          %parallel_loop3A_95 = arith.muli %parallel_loop3A_78, %parallel_loop3A_94 : i32
          %parallel_loop3A_96 = arith.index_cast %parallel_loop3A_95 : i32 to index
          %parallel_loop3A_97 = tpu.vector_load %arg9[%parallel_loop3A_96] {strides = array<i32>} : memref<2064xf32, #tpu.memory_space<vmem>>, vector<16xf32>,
          %parallel_loop3A_98 = arith.constant 16 : i32
          %parallel_loop3A_99 = arith.muli %parallel_loop3A_80, %parallel_loop3A_98 : i32
          %parallel_loop3A_100 = arith.index_cast %parallel_loop3A_99 : i32 to index
          %parallel_loop3A_101 = tpu.vector_load %arg9[%parallel_loop3A_100] {strides = array<i32>} : memref<2064xf32, #tpu.memory_space<vmem>>, vector<16xf32>,
          %parallel_loop3A_102 = vector.extract_strided_slice %parallel_loop3A_97 {offsets = [0], sizes = [1], strides = [1]} : vector<16xf32> to vector<1xf32>
          %parallel_loop3A_103 = vector.extract %parallel_loop3A_102[0] : f32 from vector<1xf32>
          %parallel_loop3A_104 = vector.extract_strided_slice %parallel_loop3A_101 {offsets = [0], sizes = [1], strides = [1]} : vector<16xf32> to vector<1xf32>
          %parallel_loop3A_105 = vector.extract %parallel_loop3A_104[0] : f32 from vector<1xf32>
          %parallel_loop3A_106 = arith.cmpf oge, %parallel_loop3A_103, %parallel_loop3A_105 : f32
          %parallel_loop3A_107 = arith.select %parallel_loop3A_106, %parallel_loop3A_97, %parallel_loop3A_101 : vector<16xf32>
          %parallel_loop3A_108 = arith.constant 16 : i32
          %parallel_loop3A_109 = arith.muli %parallel_loop3A_78, %parallel_loop3A_108 : i32
          %parallel_loop3A_110 = arith.index_cast %parallel_loop3A_109 : i32 to index
          %parallel_loop3A_111 = tpu.vector_load %arg10[%parallel_loop3A_110] {strides = array<i32>} : memref<2064xi32, #tpu.memory_space<vmem>>, vector<16xi32>,
          %parallel_loop3A_112 = arith.constant 16 : i32
          %parallel_loop3A_113 = arith.muli %parallel_loop3A_80, %parallel_loop3A_112 : i32
          %parallel_loop3A_114 = arith.index_cast %parallel_loop3A_113 : i32 to index
          %parallel_loop3A_115 = tpu.vector_load %arg10[%parallel_loop3A_114] {strides = array<i32>} : memref<2064xi32, #tpu.memory_space<vmem>>, vector<16xi32>,
          %parallel_loop3A_116 = arith.select %parallel_loop3A_106, %parallel_loop3A_111, %parallel_loop3A_115 : vector<16xi32>
          %parallel_loop3A_117 = arith.constant 1 : i32
          %parallel_loop3A_118 = arith.addi %parallel_loop3A_78, %parallel_loop3A_117 : i32
          %parallel_loop3A_119 = arith.select %parallel_loop3A_106, %parallel_loop3A_118, %parallel_loop3A_78 : i32
          %parallel_loop3A_120 = arith.constant 1 : i32
          %parallel_loop3A_121 = arith.addi %parallel_loop3A_80, %parallel_loop3A_120 : i32
          %parallel_loop3A_122 = arith.select %parallel_loop3A_106, %parallel_loop3A_80, %parallel_loop3A_121 : i32
          %parallel_loop3A_123 = arith.constant 16 : i32
          %parallel_loop3A_124 = arith.muli %parallel_loop3A_119, %parallel_loop3A_123 : i32
          %parallel_loop3A_125 = arith.index_cast %parallel_loop3A_124 : i32 to index
          %parallel_loop3A_126 = tpu.vector_load %arg9[%parallel_loop3A_125] {strides = array<i32>} : memref<2064xf32, #tpu.memory_space<vmem>>, vector<16xf32>,
          %parallel_loop3A_127 = vector.extract_strided_slice %parallel_loop3A_126 {offsets = [0], sizes = [1], strides = [1]} : vector<16xf32> to vector<1xf32>
          %parallel_loop3A_128 = vector.extract %parallel_loop3A_127[0] : f32 from vector<1xf32>
          %parallel_loop3A_129 = arith.constant 16 : i32
          %parallel_loop3A_130 = arith.muli %parallel_loop3A_122, %parallel_loop3A_129 : i32
          %parallel_loop3A_131 = arith.index_cast %parallel_loop3A_130 : i32 to index
          %parallel_loop3A_132 = tpu.vector_load %arg9[%parallel_loop3A_131] {strides = array<i32>} : memref<2064xf32, #tpu.memory_space<vmem>>, vector<16xf32>,
          %parallel_loop3A_133 = vector.extract_strided_slice %parallel_loop3A_132 {offsets = [0], sizes = [1], strides = [1]} : vector<16xf32> to vector<1xf32>
          %parallel_loop3A_134 = vector.extract %parallel_loop3A_133[0] : f32 from vector<1xf32>
          %parallel_loop3A_135 = arith.constant 0 : i32
          %parallel_loop3A_136 = arith.constant 3 : i32
          %parallel_loop3A_137 = arith.constant 1 : i32
          %parallel_loop3A_138:6 = scf.for %parallel_loop3A_151 = %parallel_loop3A_135 to %parallel_loop3A_136 step %parallel_loop3A_137 iter_args(%parallel_loop3A_152 = %parallel_loop3A_119, %parallel_loop3A_153 = %parallel_loop3A_122, %parallel_loop3A_154 = %parallel_loop3A_128, %parallel_loop3A_155 = %parallel_loop3A_134, %parallel_loop3A_156 = %parallel_loop3A_107, %parallel_loop3A_157 = %parallel_loop3A_116) -> (i32, i32, f32, f32, vector<16xf32>, vector<16xi32>)  : i32 {
            %parallel_loop3A_158 = arith.cmpi slt, %parallel_loop3A_152, %parallel_loop3A_80 : i32
            %parallel_loop3A_159 = arith.cmpi slt, %parallel_loop3A_153, %parallel_loop3A_82 : i32
            %parallel_loop3A_160 = arith.constant true
            %parallel_loop3A_161 = arith.xori %parallel_loop3A_159, %parallel_loop3A_160 : i1
            %parallel_loop3A_162 = arith.cmpf oge, %parallel_loop3A_154, %parallel_loop3A_155 : f32
            %parallel_loop3A_163 = arith.ori %parallel_loop3A_161, %parallel_loop3A_162 : i1
            %parallel_loop3A_164 = arith.andi %parallel_loop3A_158, %parallel_loop3A_163 : i1
            %parallel_loop3A_165 = arith.select %parallel_loop3A_164, %parallel_loop3A_152, %parallel_loop3A_153 : i32
            %parallel_loop3A_166 = arith.constant 16 : i32
            %parallel_loop3A_167 = arith.muli %parallel_loop3A_165, %parallel_loop3A_166 : i32
            %parallel_loop3A_168 = arith.index_cast %parallel_loop3A_167 : i32 to index
            %parallel_loop3A_169 = tpu.vector_load %arg9[%parallel_loop3A_168] {strides = array<i32>} : memref<2064xf32, #tpu.memory_space<vmem>>, vector<16xf32>,
            %parallel_loop3A_170 = arith.constant 16 : i32
            %parallel_loop3A_171 = arith.muli %parallel_loop3A_165, %parallel_loop3A_170 : i32
            %parallel_loop3A_172 = arith.index_cast %parallel_loop3A_171 : i32 to index
            %parallel_loop3A_173 = tpu.vector_load %arg10[%parallel_loop3A_172] {strides = array<i32>} : memref<2064xi32, #tpu.memory_space<vmem>>, vector<16xi32>,
            %parallel_loop3A_174 = arith.constant 1 : i32
            %parallel_loop3A_175 = arith.addi %parallel_loop3A_152, %parallel_loop3A_174 : i32
            %parallel_loop3A_176 = arith.select %parallel_loop3A_164, %parallel_loop3A_175, %parallel_loop3A_152 : i32
            %parallel_loop3A_177 = arith.constant 1 : i32
            %parallel_loop3A_178 = arith.addi %parallel_loop3A_153, %parallel_loop3A_177 : i32
            %parallel_loop3A_179 = arith.select %parallel_loop3A_164, %parallel_loop3A_153, %parallel_loop3A_178 : i32
            %parallel_loop3A_180 = arith.select %parallel_loop3A_164, %parallel_loop3A_176, %parallel_loop3A_179 : i32
            %parallel_loop3A_181 = arith.constant 16 : i32
            %parallel_loop3A_182 = arith.muli %parallel_loop3A_180, %parallel_loop3A_181 : i32
            %parallel_loop3A_183 = arith.index_cast %parallel_loop3A_182 : i32 to index
            %parallel_loop3A_184 = tpu.vector_load %arg9[%parallel_loop3A_183] {strides = array<i32>} : memref<2064xf32, #tpu.memory_space<vmem>>, vector<16xf32>,
            %parallel_loop3A_185 = vector.extract_strided_slice %parallel_loop3A_184 {offsets = [0], sizes = [1], strides = [1]} : vector<16xf32> to vector<1xf32>
            %parallel_loop3A_186 = vector.extract %parallel_loop3A_185[0] : f32 from vector<1xf32>
            %parallel_loop3A_187 = arith.select %parallel_loop3A_164, %parallel_loop3A_186, %parallel_loop3A_154 : f32
            %parallel_loop3A_188 = arith.select %parallel_loop3A_164, %parallel_loop3A_155, %parallel_loop3A_186 : f32
            %parallel_loop3A_189 = arith.constant 15 : i32
            %parallel_loop3A_190 = vector.broadcast %parallel_loop3A_189 : i32 to vector<16xi32>
            %parallel_loop3A_191 = tpu.iota {dimensions = array<i32: 0>} : vector<16xi32>
            %parallel_loop3A_192 = arith.subi %parallel_loop3A_190, %parallel_loop3A_191 : vector<16xi32>
            %parallel_loop3A_193 = tpu.dynamic_gather %parallel_loop3A_169[%parallel_loop3A_192] in [0] : vector<16xf32>, vector<16xi32> -> vector<16xf32>
            %parallel_loop3A_194 = arith.constant 15 : i32
            %parallel_loop3A_195 = vector.broadcast %parallel_loop3A_194 : i32 to vector<16xi32>
            %parallel_loop3A_196 = tpu.iota {dimensions = array<i32: 0>} : vector<16xi32>
            %parallel_loop3A_197 = arith.subi %parallel_loop3A_195, %parallel_loop3A_196 : vector<16xi32>
            %parallel_loop3A_198 = tpu.dynamic_gather %parallel_loop3A_173[%parallel_loop3A_197] in [0] : vector<16xi32>, vector<16xi32> -> vector<16xi32>
            %parallel_loop3A_199 = arith.cmpf oge, %parallel_loop3A_156, %parallel_loop3A_193 : vector<16xf32>
            %parallel_loop3A_200 = arith.select %parallel_loop3A_199, %parallel_loop3A_156, %parallel_loop3A_193 : vector<16xi1>, vector<16xf32>
            %parallel_loop3A_201 = arith.select %parallel_loop3A_199, %parallel_loop3A_157, %parallel_loop3A_198 : vector<16xi1>, vector<16xi32>
            %parallel_loop3A_202 = arith.select %parallel_loop3A_199, %parallel_loop3A_193, %parallel_loop3A_156 : vector<16xi1>, vector<16xf32>
            %parallel_loop3A_203 = arith.select %parallel_loop3A_199, %parallel_loop3A_198, %parallel_loop3A_157 : vector<16xi1>, vector<16xi32>
            %parallel_loop3A_204 = arith.constant dense<true> : vector<16xi1>
            %parallel_loop3A_205, %parallel_loop3A_206, %parallel_loop3A_207 = tpu.sort %parallel_loop3A_202, %parallel_loop3A_203 masked %parallel_loop3A_204 {descending = true} : (vector<16xf32>, vector<16xi32>, vector<16xi1>) -> (vector<16xi1>, vector<16xf32>, vector<16xi32>)
            %parallel_loop3A_208 = arith.constant dense<true> : vector<16xi1>
            %parallel_loop3A_209, %parallel_loop3A_210, %parallel_loop3A_211 = tpu.sort %parallel_loop3A_200, %parallel_loop3A_201 masked %parallel_loop3A_208 {descending = true} : (vector<16xf32>, vector<16xi32>, vector<16xi1>) -> (vector<16xi1>, vector<16xf32>, vector<16xi32>)
            %parallel_loop3A_212 = arith.addi %parallel_loop3A_78, %parallel_loop3A_151 : i32
            %parallel_loop3A_213 = arith.constant 16 : i32
            %parallel_loop3A_214 = arith.muli %parallel_loop3A_212, %parallel_loop3A_213 : i32
            %parallel_loop3A_215 = arith.index_cast %parallel_loop3A_214 : i32 to index
            %parallel_loop3A_216 = tpu.vector_load %arg7[%parallel_loop3A_215] {strides = array<i32>} : memref<2064xf32, #tpu.memory_space<vmem>>, vector<16xf32>,
            tpu.vector_store %arg7[%parallel_loop3A_215], %parallel_loop3A_210 {strides = array<i32>} : memref<2064xf32, #tpu.memory_space<vmem>>, vector<16xf32>,
            %parallel_loop3A_217 = arith.addi %parallel_loop3A_78, %parallel_loop3A_151 : i32
            %parallel_loop3A_218 = arith.constant 16 : i32
            %parallel_loop3A_219 = arith.muli %parallel_loop3A_217, %parallel_loop3A_218 : i32
            %parallel_loop3A_220 = arith.index_cast %parallel_loop3A_219 : i32 to index
            %parallel_loop3A_221 = tpu.vector_load %arg8[%parallel_loop3A_220] {strides = array<i32>} : memref<2064xi32, #tpu.memory_space<vmem>>, vector<16xi32>,
            tpu.vector_store %arg8[%parallel_loop3A_220], %parallel_loop3A_211 {strides = array<i32>} : memref<2064xi32, #tpu.memory_space<vmem>>, vector<16xi32>,
            scf.yield %parallel_loop3A_176, %parallel_loop3A_179, %parallel_loop3A_187, %parallel_loop3A_188, %parallel_loop3A_206, %parallel_loop3A_207 : i32, i32, f32, f32, vector<16xf32>, vector<16xi32>
          } {sc.loop_unroll_factor = 2 : i64, sc.parallel_access}
          %parallel_loop3A_139 = arith.constant 1 : i32
          %parallel_loop3A_140 = arith.subi %parallel_loop3A_82, %parallel_loop3A_139 : i32
          %parallel_loop3A_141 = arith.constant 16 : i32
          %parallel_loop3A_142 = arith.muli %parallel_loop3A_140, %parallel_loop3A_141 : i32
          %parallel_loop3A_143 = arith.index_cast %parallel_loop3A_142 : i32 to index
          %parallel_loop3A_144 = tpu.vector_load %arg7[%parallel_loop3A_143] {strides = array<i32>} : memref<2064xf32, #tpu.memory_space<vmem>>, vector<16xf32>,
          tpu.vector_store %arg7[%parallel_loop3A_143], %parallel_loop3A_138#4 {strides = array<i32>} : memref<2064xf32, #tpu.memory_space<vmem>>, vector<16xf32>,
          %parallel_loop3A_145 = arith.constant 1 : i32
          %parallel_loop3A_146 = arith.subi %parallel_loop3A_82, %parallel_loop3A_145 : i32
          %parallel_loop3A_147 = arith.constant 16 : i32
          %parallel_loop3A_148 = arith.muli %parallel_loop3A_146, %parallel_loop3A_147 : i32
          %parallel_loop3A_149 = arith.index_cast %parallel_loop3A_148 : i32 to index
          %parallel_loop3A_150 = tpu.vector_load %arg8[%parallel_loop3A_149] {strides = array<i32>} : memref<2064xi32, #tpu.memory_space<vmem>>, vector<16xi32>,
          tpu.vector_store %arg8[%parallel_loop3A_149], %parallel_loop3A_138#5 {strides = array<i32>} : memref<2064xi32, #tpu.memory_space<vmem>>, vector<16xi32>,
        }
      } {sc.loop_unroll_factor = 1 : i64, sc.parallel_access}
      %parallel_loop3A_56 = arith.constant 0 : i32
      %parallel_loop3A_57 = arith.constant 16 : i32
      %parallel_loop3A_58 = arith.constant 1 : i32
      "tpu.trace_stop"() : () -> ()
      "tpu.trace_start"() <{level = 10 : i32, message = "p7_merge_w4"}> : () -> ()
      scf.for %parallel_loop3A_76 = %parallel_loop3A_56 to %parallel_loop3A_57 step %parallel_loop3A_58  : i32 {
        %parallel_loop3A_77 = arith.constant 8 : i32
        %parallel_loop3A_78 = arith.muli %parallel_loop3A_76, %parallel_loop3A_77 : i32
        %parallel_loop3A_79 = arith.constant 4 : i32
        %parallel_loop3A_80 = arith.addi %parallel_loop3A_78, %parallel_loop3A_79 : i32
        %parallel_loop3A_81 = arith.constant 8 : i32
        %parallel_loop3A_82 = arith.addi %parallel_loop3A_78, %parallel_loop3A_81 : i32
        %parallel_loop3A_83 = arith.constant 16 : i32
        %parallel_loop3A_84 = arith.muli %parallel_loop3A_80, %parallel_loop3A_83 : i32
        %parallel_loop3A_85 = arith.index_cast %parallel_loop3A_84 : i32 to index
        %parallel_loop3A_86 = tpu.vector_load %arg7[%parallel_loop3A_85] {strides = array<i32>} : memref<2064xf32, #tpu.memory_space<vmem>>, vector<16xf32>,
        %parallel_loop3A_87 = vector.extract_strided_slice %parallel_loop3A_86 {offsets = [0], sizes = [1], strides = [1]} : vector<16xf32> to vector<1xf32>
        %parallel_loop3A_88 = vector.extract %parallel_loop3A_87[0] : f32 from vector<1xf32>
        %parallel_loop3A_89 = arith.constant 0xFF800000 : f32
        %parallel_loop3A_90 = arith.cmpf oeq, %parallel_loop3A_88, %parallel_loop3A_89 : f32
        %parallel_loop3A_91 = arith.extui %parallel_loop3A_90 : i1 to i32
        %parallel_loop3A_92 = arith.constant 0 : i32
        %parallel_loop3A_93 = arith.cmpi ne, %parallel_loop3A_91, %parallel_loop3A_92 : i32
        scf.if %parallel_loop3A_93 {
          %parallel_loop3A_94 = arith.constant 0 : i32
          %parallel_loop3A_95 = arith.constant 4 : i32
          %parallel_loop3A_96 = arith.constant 1 : i32
          scf.for %parallel_loop3A_100 = %parallel_loop3A_94 to %parallel_loop3A_95 step %parallel_loop3A_96  : i32 {
            %parallel_loop3A_101 = arith.addi %parallel_loop3A_78, %parallel_loop3A_100 : i32
            %parallel_loop3A_102 = arith.constant 16 : i32
            %parallel_loop3A_103 = arith.muli %parallel_loop3A_101, %parallel_loop3A_102 : i32
            %parallel_loop3A_104 = arith.index_cast %parallel_loop3A_103 : i32 to index
            %parallel_loop3A_105 = tpu.vector_load %arg7[%parallel_loop3A_104] {strides = array<i32>} : memref<2064xf32, #tpu.memory_space<vmem>>, vector<16xf32>,
            %parallel_loop3A_106 = arith.addi %parallel_loop3A_78, %parallel_loop3A_100 : i32
            %parallel_loop3A_107 = arith.constant 16 : i32
            %parallel_loop3A_108 = arith.muli %parallel_loop3A_106, %parallel_loop3A_107 : i32
            %parallel_loop3A_109 = arith.index_cast %parallel_loop3A_108 : i32 to index
            %parallel_loop3A_110 = tpu.vector_load %arg9[%parallel_loop3A_109] {strides = array<i32>} : memref<2064xf32, #tpu.memory_space<vmem>>, vector<16xf32>,
            tpu.vector_store %arg9[%parallel_loop3A_109], %parallel_loop3A_105 {strides = array<i32>} : memref<2064xf32, #tpu.memory_space<vmem>>, vector<16xf32>,
            %parallel_loop3A_111 = arith.addi %parallel_loop3A_78, %parallel_loop3A_100 : i32
            %parallel_loop3A_112 = arith.constant 16 : i32
            %parallel_loop3A_113 = arith.muli %parallel_loop3A_111, %parallel_loop3A_112 : i32
            %parallel_loop3A_114 = arith.index_cast %parallel_loop3A_113 : i32 to index
            %parallel_loop3A_115 = tpu.vector_load %arg8[%parallel_loop3A_114] {strides = array<i32>} : memref<2064xi32, #tpu.memory_space<vmem>>, vector<16xi32>,
            %parallel_loop3A_116 = arith.addi %parallel_loop3A_78, %parallel_loop3A_100 : i32
            %parallel_loop3A_117 = arith.constant 16 : i32
            %parallel_loop3A_118 = arith.muli %parallel_loop3A_116, %parallel_loop3A_117 : i32
            %parallel_loop3A_119 = arith.index_cast %parallel_loop3A_118 : i32 to index
            %parallel_loop3A_120 = tpu.vector_load %arg10[%parallel_loop3A_119] {strides = array<i32>} : memref<2064xi32, #tpu.memory_space<vmem>>, vector<16xi32>,
            tpu.vector_store %arg10[%parallel_loop3A_119], %parallel_loop3A_115 {strides = array<i32>} : memref<2064xi32, #tpu.memory_space<vmem>>, vector<16xi32>,
          } {sc.loop_unroll_factor = 4 : i64, sc.parallel_access}
          %parallel_loop3A_97 = arith.constant 0 : i32
          %parallel_loop3A_98 = arith.constant 4 : i32
          %parallel_loop3A_99 = arith.constant 1 : i32
          scf.for %parallel_loop3A_100 = %parallel_loop3A_97 to %parallel_loop3A_98 step %parallel_loop3A_99  : i32 {
            %parallel_loop3A_101 = arith.addi %parallel_loop3A_80, %parallel_loop3A_100 : i32
            %parallel_loop3A_102 = arith.constant 16 : i32
            %parallel_loop3A_103 = arith.muli %parallel_loop3A_101, %parallel_loop3A_102 : i32
            %parallel_loop3A_104 = arith.index_cast %parallel_loop3A_103 : i32 to index
            %parallel_loop3A_105 = tpu.vector_load %arg9[%parallel_loop3A_104] {strides = array<i32>} : memref<2064xf32, #tpu.memory_space<vmem>>, vector<16xf32>,
            tpu.vector_store %arg9[%parallel_loop3A_104], %broadcast_in_dim3A_5 {strides = array<i32>} : memref<2064xf32, #tpu.memory_space<vmem>>, vector<16xf32>,
            %parallel_loop3A_106 = arith.addi %parallel_loop3A_80, %parallel_loop3A_100 : i32
            %parallel_loop3A_107 = arith.constant 16 : i32
            %parallel_loop3A_108 = arith.muli %parallel_loop3A_106, %parallel_loop3A_107 : i32
            %parallel_loop3A_109 = arith.index_cast %parallel_loop3A_108 : i32 to index
            %parallel_loop3A_110 = tpu.vector_load %arg10[%parallel_loop3A_109] {strides = array<i32>} : memref<2064xi32, #tpu.memory_space<vmem>>, vector<16xi32>,
            tpu.vector_store %arg10[%parallel_loop3A_109], %broadcast_in_dim3A_3 {strides = array<i32>} : memref<2064xi32, #tpu.memory_space<vmem>>, vector<16xi32>,
          } {sc.loop_unroll_factor = 4 : i64, sc.parallel_access}
        } else {
          %parallel_loop3A_94 = arith.constant 16 : i32
          %parallel_loop3A_95 = arith.muli %parallel_loop3A_78, %parallel_loop3A_94 : i32
          %parallel_loop3A_96 = arith.index_cast %parallel_loop3A_95 : i32 to index
          %parallel_loop3A_97 = tpu.vector_load %arg7[%parallel_loop3A_96] {strides = array<i32>} : memref<2064xf32, #tpu.memory_space<vmem>>, vector<16xf32>,
          %parallel_loop3A_98 = arith.constant 16 : i32
          %parallel_loop3A_99 = arith.muli %parallel_loop3A_80, %parallel_loop3A_98 : i32
          %parallel_loop3A_100 = arith.index_cast %parallel_loop3A_99 : i32 to index
          %parallel_loop3A_101 = tpu.vector_load %arg7[%parallel_loop3A_100] {strides = array<i32>} : memref<2064xf32, #tpu.memory_space<vmem>>, vector<16xf32>,
          %parallel_loop3A_102 = vector.extract_strided_slice %parallel_loop3A_97 {offsets = [0], sizes = [1], strides = [1]} : vector<16xf32> to vector<1xf32>
          %parallel_loop3A_103 = vector.extract %parallel_loop3A_102[0] : f32 from vector<1xf32>
          %parallel_loop3A_104 = vector.extract_strided_slice %parallel_loop3A_101 {offsets = [0], sizes = [1], strides = [1]} : vector<16xf32> to vector<1xf32>
          %parallel_loop3A_105 = vector.extract %parallel_loop3A_104[0] : f32 from vector<1xf32>
          %parallel_loop3A_106 = arith.cmpf oge, %parallel_loop3A_103, %parallel_loop3A_105 : f32
          %parallel_loop3A_107 = arith.select %parallel_loop3A_106, %parallel_loop3A_97, %parallel_loop3A_101 : vector<16xf32>
          %parallel_loop3A_108 = arith.constant 16 : i32
          %parallel_loop3A_109 = arith.muli %parallel_loop3A_78, %parallel_loop3A_108 : i32
          %parallel_loop3A_110 = arith.index_cast %parallel_loop3A_109 : i32 to index
          %parallel_loop3A_111 = tpu.vector_load %arg8[%parallel_loop3A_110] {strides = array<i32>} : memref<2064xi32, #tpu.memory_space<vmem>>, vector<16xi32>,
          %parallel_loop3A_112 = arith.constant 16 : i32
          %parallel_loop3A_113 = arith.muli %parallel_loop3A_80, %parallel_loop3A_112 : i32
          %parallel_loop3A_114 = arith.index_cast %parallel_loop3A_113 : i32 to index
          %parallel_loop3A_115 = tpu.vector_load %arg8[%parallel_loop3A_114] {strides = array<i32>} : memref<2064xi32, #tpu.memory_space<vmem>>, vector<16xi32>,
          %parallel_loop3A_116 = arith.select %parallel_loop3A_106, %parallel_loop3A_111, %parallel_loop3A_115 : vector<16xi32>
          %parallel_loop3A_117 = arith.constant 1 : i32
          %parallel_loop3A_118 = arith.addi %parallel_loop3A_78, %parallel_loop3A_117 : i32
          %parallel_loop3A_119 = arith.select %parallel_loop3A_106, %parallel_loop3A_118, %parallel_loop3A_78 : i32
          %parallel_loop3A_120 = arith.constant 1 : i32
          %parallel_loop3A_121 = arith.addi %parallel_loop3A_80, %parallel_loop3A_120 : i32
          %parallel_loop3A_122 = arith.select %parallel_loop3A_106, %parallel_loop3A_80, %parallel_loop3A_121 : i32
          %parallel_loop3A_123 = arith.constant 16 : i32
          %parallel_loop3A_124 = arith.muli %parallel_loop3A_119, %parallel_loop3A_123 : i32
          %parallel_loop3A_125 = arith.index_cast %parallel_loop3A_124 : i32 to index
          %parallel_loop3A_126 = tpu.vector_load %arg7[%parallel_loop3A_125] {strides = array<i32>} : memref<2064xf32, #tpu.memory_space<vmem>>, vector<16xf32>,
          %parallel_loop3A_127 = vector.extract_strided_slice %parallel_loop3A_126 {offsets = [0], sizes = [1], strides = [1]} : vector<16xf32> to vector<1xf32>
          %parallel_loop3A_128 = vector.extract %parallel_loop3A_127[0] : f32 from vector<1xf32>
          %parallel_loop3A_129 = arith.constant 16 : i32
          %parallel_loop3A_130 = arith.muli %parallel_loop3A_122, %parallel_loop3A_129 : i32
          %parallel_loop3A_131 = arith.index_cast %parallel_loop3A_130 : i32 to index
          %parallel_loop3A_132 = tpu.vector_load %arg7[%parallel_loop3A_131] {strides = array<i32>} : memref<2064xf32, #tpu.memory_space<vmem>>, vector<16xf32>,
          %parallel_loop3A_133 = vector.extract_strided_slice %parallel_loop3A_132 {offsets = [0], sizes = [1], strides = [1]} : vector<16xf32> to vector<1xf32>
          %parallel_loop3A_134 = vector.extract %parallel_loop3A_133[0] : f32 from vector<1xf32>
          %parallel_loop3A_135 = arith.constant 0 : i32
          %parallel_loop3A_136 = arith.constant 7 : i32
          %parallel_loop3A_137 = arith.constant 1 : i32
          %parallel_loop3A_138:6 = scf.for %parallel_loop3A_151 = %parallel_loop3A_135 to %parallel_loop3A_136 step %parallel_loop3A_137 iter_args(%parallel_loop3A_152 = %parallel_loop3A_119, %parallel_loop3A_153 = %parallel_loop3A_122, %parallel_loop3A_154 = %parallel_loop3A_128, %parallel_loop3A_155 = %parallel_loop3A_134, %parallel_loop3A_156 = %parallel_loop3A_107, %parallel_loop3A_157 = %parallel_loop3A_116) -> (i32, i32, f32, f32, vector<16xf32>, vector<16xi32>)  : i32 {
            %parallel_loop3A_158 = arith.cmpi slt, %parallel_loop3A_152, %parallel_loop3A_80 : i32
            %parallel_loop3A_159 = arith.cmpi slt, %parallel_loop3A_153, %parallel_loop3A_82 : i32
            %parallel_loop3A_160 = arith.constant true
            %parallel_loop3A_161 = arith.xori %parallel_loop3A_159, %parallel_loop3A_160 : i1
            %parallel_loop3A_162 = arith.cmpf oge, %parallel_loop3A_154, %parallel_loop3A_155 : f32
            %parallel_loop3A_163 = arith.ori %parallel_loop3A_161, %parallel_loop3A_162 : i1
            %parallel_loop3A_164 = arith.andi %parallel_loop3A_158, %parallel_loop3A_163 : i1
            %parallel_loop3A_165 = arith.select %parallel_loop3A_164, %parallel_loop3A_152, %parallel_loop3A_153 : i32
            %parallel_loop3A_166 = arith.constant 16 : i32
            %parallel_loop3A_167 = arith.muli %parallel_loop3A_165, %parallel_loop3A_166 : i32
            %parallel_loop3A_168 = arith.index_cast %parallel_loop3A_167 : i32 to index
            %parallel_loop3A_169 = tpu.vector_load %arg7[%parallel_loop3A_168] {strides = array<i32>} : memref<2064xf32, #tpu.memory_space<vmem>>, vector<16xf32>,
            %parallel_loop3A_170 = arith.constant 16 : i32
            %parallel_loop3A_171 = arith.muli %parallel_loop3A_165, %parallel_loop3A_170 : i32
            %parallel_loop3A_172 = arith.index_cast %parallel_loop3A_171 : i32 to index
            %parallel_loop3A_173 = tpu.vector_load %arg8[%parallel_loop3A_172] {strides = array<i32>} : memref<2064xi32, #tpu.memory_space<vmem>>, vector<16xi32>,
            %parallel_loop3A_174 = arith.constant 1 : i32
            %parallel_loop3A_175 = arith.addi %parallel_loop3A_152, %parallel_loop3A_174 : i32
            %parallel_loop3A_176 = arith.select %parallel_loop3A_164, %parallel_loop3A_175, %parallel_loop3A_152 : i32
            %parallel_loop3A_177 = arith.constant 1 : i32
            %parallel_loop3A_178 = arith.addi %parallel_loop3A_153, %parallel_loop3A_177 : i32
            %parallel_loop3A_179 = arith.select %parallel_loop3A_164, %parallel_loop3A_153, %parallel_loop3A_178 : i32
            %parallel_loop3A_180 = arith.select %parallel_loop3A_164, %parallel_loop3A_176, %parallel_loop3A_179 : i32
            %parallel_loop3A_181 = arith.constant 16 : i32
            %parallel_loop3A_182 = arith.muli %parallel_loop3A_180, %parallel_loop3A_181 : i32
            %parallel_loop3A_183 = arith.index_cast %parallel_loop3A_182 : i32 to index
            %parallel_loop3A_184 = tpu.vector_load %arg7[%parallel_loop3A_183] {strides = array<i32>} : memref<2064xf32, #tpu.memory_space<vmem>>, vector<16xf32>,
            %parallel_loop3A_185 = vector.extract_strided_slice %parallel_loop3A_184 {offsets = [0], sizes = [1], strides = [1]} : vector<16xf32> to vector<1xf32>
            %parallel_loop3A_186 = vector.extract %parallel_loop3A_185[0] : f32 from vector<1xf32>
            %parallel_loop3A_187 = arith.select %parallel_loop3A_164, %parallel_loop3A_186, %parallel_loop3A_154 : f32
            %parallel_loop3A_188 = arith.select %parallel_loop3A_164, %parallel_loop3A_155, %parallel_loop3A_186 : f32
            %parallel_loop3A_189 = arith.constant 15 : i32
            %parallel_loop3A_190 = vector.broadcast %parallel_loop3A_189 : i32 to vector<16xi32>
            %parallel_loop3A_191 = tpu.iota {dimensions = array<i32: 0>} : vector<16xi32>
            %parallel_loop3A_192 = arith.subi %parallel_loop3A_190, %parallel_loop3A_191 : vector<16xi32>
            %parallel_loop3A_193 = tpu.dynamic_gather %parallel_loop3A_169[%parallel_loop3A_192] in [0] : vector<16xf32>, vector<16xi32> -> vector<16xf32>
            %parallel_loop3A_194 = arith.constant 15 : i32
            %parallel_loop3A_195 = vector.broadcast %parallel_loop3A_194 : i32 to vector<16xi32>
            %parallel_loop3A_196 = tpu.iota {dimensions = array<i32: 0>} : vector<16xi32>
            %parallel_loop3A_197 = arith.subi %parallel_loop3A_195, %parallel_loop3A_196 : vector<16xi32>
            %parallel_loop3A_198 = tpu.dynamic_gather %parallel_loop3A_173[%parallel_loop3A_197] in [0] : vector<16xi32>, vector<16xi32> -> vector<16xi32>
            %parallel_loop3A_199 = arith.cmpf oge, %parallel_loop3A_156, %parallel_loop3A_193 : vector<16xf32>
            %parallel_loop3A_200 = arith.select %parallel_loop3A_199, %parallel_loop3A_156, %parallel_loop3A_193 : vector<16xi1>, vector<16xf32>
            %parallel_loop3A_201 = arith.select %parallel_loop3A_199, %parallel_loop3A_157, %parallel_loop3A_198 : vector<16xi1>, vector<16xi32>
            %parallel_loop3A_202 = arith.select %parallel_loop3A_199, %parallel_loop3A_193, %parallel_loop3A_156 : vector<16xi1>, vector<16xf32>
            %parallel_loop3A_203 = arith.select %parallel_loop3A_199, %parallel_loop3A_198, %parallel_loop3A_157 : vector<16xi1>, vector<16xi32>
            %parallel_loop3A_204 = arith.constant dense<true> : vector<16xi1>
            %parallel_loop3A_205, %parallel_loop3A_206, %parallel_loop3A_207 = tpu.sort %parallel_loop3A_202, %parallel_loop3A_203 masked %parallel_loop3A_204 {descending = true} : (vector<16xf32>, vector<16xi32>, vector<16xi1>) -> (vector<16xi1>, vector<16xf32>, vector<16xi32>)
            %parallel_loop3A_208 = arith.constant dense<true> : vector<16xi1>
            %parallel_loop3A_209, %parallel_loop3A_210, %parallel_loop3A_211 = tpu.sort %parallel_loop3A_200, %parallel_loop3A_201 masked %parallel_loop3A_208 {descending = true} : (vector<16xf32>, vector<16xi32>, vector<16xi1>) -> (vector<16xi1>, vector<16xf32>, vector<16xi32>)
            %parallel_loop3A_212 = arith.addi %parallel_loop3A_78, %parallel_loop3A_151 : i32
            %parallel_loop3A_213 = arith.constant 16 : i32
            %parallel_loop3A_214 = arith.muli %parallel_loop3A_212, %parallel_loop3A_213 : i32
            %parallel_loop3A_215 = arith.index_cast %parallel_loop3A_214 : i32 to index
            %parallel_loop3A_216 = tpu.vector_load %arg9[%parallel_loop3A_215] {strides = array<i32>} : memref<2064xf32, #tpu.memory_space<vmem>>, vector<16xf32>,
            tpu.vector_store %arg9[%parallel_loop3A_215], %parallel_loop3A_210 {strides = array<i32>} : memref<2064xf32, #tpu.memory_space<vmem>>, vector<16xf32>,
            %parallel_loop3A_217 = arith.addi %parallel_loop3A_78, %parallel_loop3A_151 : i32
            %parallel_loop3A_218 = arith.constant 16 : i32
            %parallel_loop3A_219 = arith.muli %parallel_loop3A_217, %parallel_loop3A_218 : i32
            %parallel_loop3A_220 = arith.index_cast %parallel_loop3A_219 : i32 to index
            %parallel_loop3A_221 = tpu.vector_load %arg10[%parallel_loop3A_220] {strides = array<i32>} : memref<2064xi32, #tpu.memory_space<vmem>>, vector<16xi32>,
            tpu.vector_store %arg10[%parallel_loop3A_220], %parallel_loop3A_211 {strides = array<i32>} : memref<2064xi32, #tpu.memory_space<vmem>>, vector<16xi32>,
            scf.yield %parallel_loop3A_176, %parallel_loop3A_179, %parallel_loop3A_187, %parallel_loop3A_188, %parallel_loop3A_206, %parallel_loop3A_207 : i32, i32, f32, f32, vector<16xf32>, vector<16xi32>
          } {sc.loop_unroll_factor = 2 : i64, sc.parallel_access}
          %parallel_loop3A_139 = arith.constant 1 : i32
          %parallel_loop3A_140 = arith.subi %parallel_loop3A_82, %parallel_loop3A_139 : i32
          %parallel_loop3A_141 = arith.constant 16 : i32
          %parallel_loop3A_142 = arith.muli %parallel_loop3A_140, %parallel_loop3A_141 : i32
          %parallel_loop3A_143 = arith.index_cast %parallel_loop3A_142 : i32 to index
          %parallel_loop3A_144 = tpu.vector_load %arg9[%parallel_loop3A_143] {strides = array<i32>} : memref<2064xf32, #tpu.memory_space<vmem>>, vector<16xf32>,
          tpu.vector_store %arg9[%parallel_loop3A_143], %parallel_loop3A_138#4 {strides = array<i32>} : memref<2064xf32, #tpu.memory_space<vmem>>, vector<16xf32>,
          %parallel_loop3A_145 = arith.constant 1 : i32
          %parallel_loop3A_146 = arith.subi %parallel_loop3A_82, %parallel_loop3A_145 : i32
          %parallel_loop3A_147 = arith.constant 16 : i32
          %parallel_loop3A_148 = arith.muli %parallel_loop3A_146, %parallel_loop3A_147 : i32
          %parallel_loop3A_149 = arith.index_cast %parallel_loop3A_148 : i32 to index
          %parallel_loop3A_150 = tpu.vector_load %arg10[%parallel_loop3A_149] {strides = array<i32>} : memref<2064xi32, #tpu.memory_space<vmem>>, vector<16xi32>,
          tpu.vector_store %arg10[%parallel_loop3A_149], %parallel_loop3A_138#5 {strides = array<i32>} : memref<2064xi32, #tpu.memory_space<vmem>>, vector<16xi32>,
        }
      } {sc.loop_unroll_factor = 1 : i64, sc.parallel_access}
      %parallel_loop3A_59 = arith.constant 0 : i32
      %parallel_loop3A_60 = arith.constant 8 : i32
      %parallel_loop3A_61 = arith.constant 1 : i32
      "tpu.trace_stop"() : () -> ()
      "tpu.trace_start"() <{level = 10 : i32, message = "p7_merge_w8"}> : () -> ()
      scf.for %parallel_loop3A_76 = %parallel_loop3A_59 to %parallel_loop3A_60 step %parallel_loop3A_61  : i32 {
        %parallel_loop3A_77 = arith.constant 16 : i32
        %parallel_loop3A_78 = arith.muli %parallel_loop3A_76, %parallel_loop3A_77 : i32
        %parallel_loop3A_79 = arith.constant 8 : i32
        %parallel_loop3A_80 = arith.addi %parallel_loop3A_78, %parallel_loop3A_79 : i32
        %parallel_loop3A_81 = arith.constant 16 : i32
        %parallel_loop3A_82 = arith.addi %parallel_loop3A_78, %parallel_loop3A_81 : i32
        %parallel_loop3A_83 = arith.constant 16 : i32
        %parallel_loop3A_84 = arith.muli %parallel_loop3A_80, %parallel_loop3A_83 : i32
        %parallel_loop3A_85 = arith.index_cast %parallel_loop3A_84 : i32 to index
        %parallel_loop3A_86 = tpu.vector_load %arg9[%parallel_loop3A_85] {strides = array<i32>} : memref<2064xf32, #tpu.memory_space<vmem>>, vector<16xf32>,
        %parallel_loop3A_87 = vector.extract_strided_slice %parallel_loop3A_86 {offsets = [0], sizes = [1], strides = [1]} : vector<16xf32> to vector<1xf32>
        %parallel_loop3A_88 = vector.extract %parallel_loop3A_87[0] : f32 from vector<1xf32>
        %parallel_loop3A_89 = arith.constant 0xFF800000 : f32
        %parallel_loop3A_90 = arith.cmpf oeq, %parallel_loop3A_88, %parallel_loop3A_89 : f32
        %parallel_loop3A_91 = arith.extui %parallel_loop3A_90 : i1 to i32
        %parallel_loop3A_92 = arith.constant 0 : i32
        %parallel_loop3A_93 = arith.cmpi ne, %parallel_loop3A_91, %parallel_loop3A_92 : i32
        scf.if %parallel_loop3A_93 {
          %parallel_loop3A_94 = arith.constant 0 : i32
          %parallel_loop3A_95 = arith.constant 8 : i32
          %parallel_loop3A_96 = arith.constant 1 : i32
          scf.for %parallel_loop3A_100 = %parallel_loop3A_94 to %parallel_loop3A_95 step %parallel_loop3A_96  : i32 {
            %parallel_loop3A_101 = arith.addi %parallel_loop3A_78, %parallel_loop3A_100 : i32
            %parallel_loop3A_102 = arith.constant 16 : i32
            %parallel_loop3A_103 = arith.muli %parallel_loop3A_101, %parallel_loop3A_102 : i32
            %parallel_loop3A_104 = arith.index_cast %parallel_loop3A_103 : i32 to index
            %parallel_loop3A_105 = tpu.vector_load %arg9[%parallel_loop3A_104] {strides = array<i32>} : memref<2064xf32, #tpu.memory_space<vmem>>, vector<16xf32>,
            %parallel_loop3A_106 = arith.addi %parallel_loop3A_78, %parallel_loop3A_100 : i32
            %parallel_loop3A_107 = arith.constant 16 : i32
            %parallel_loop3A_108 = arith.muli %parallel_loop3A_106, %parallel_loop3A_107 : i32
            %parallel_loop3A_109 = arith.index_cast %parallel_loop3A_108 : i32 to index
            %parallel_loop3A_110 = tpu.vector_load %arg7[%parallel_loop3A_109] {strides = array<i32>} : memref<2064xf32, #tpu.memory_space<vmem>>, vector<16xf32>,
            tpu.vector_store %arg7[%parallel_loop3A_109], %parallel_loop3A_105 {strides = array<i32>} : memref<2064xf32, #tpu.memory_space<vmem>>, vector<16xf32>,
            %parallel_loop3A_111 = arith.addi %parallel_loop3A_78, %parallel_loop3A_100 : i32
            %parallel_loop3A_112 = arith.constant 16 : i32
            %parallel_loop3A_113 = arith.muli %parallel_loop3A_111, %parallel_loop3A_112 : i32
            %parallel_loop3A_114 = arith.index_cast %parallel_loop3A_113 : i32 to index
            %parallel_loop3A_115 = tpu.vector_load %arg10[%parallel_loop3A_114] {strides = array<i32>} : memref<2064xi32, #tpu.memory_space<vmem>>, vector<16xi32>,
            %parallel_loop3A_116 = arith.addi %parallel_loop3A_78, %parallel_loop3A_100 : i32
            %parallel_loop3A_117 = arith.constant 16 : i32
            %parallel_loop3A_118 = arith.muli %parallel_loop3A_116, %parallel_loop3A_117 : i32
            %parallel_loop3A_119 = arith.index_cast %parallel_loop3A_118 : i32 to index
            %parallel_loop3A_120 = tpu.vector_load %arg8[%parallel_loop3A_119] {strides = array<i32>} : memref<2064xi32, #tpu.memory_space<vmem>>, vector<16xi32>,
            tpu.vector_store %arg8[%parallel_loop3A_119], %parallel_loop3A_115 {strides = array<i32>} : memref<2064xi32, #tpu.memory_space<vmem>>, vector<16xi32>,
          } {sc.loop_unroll_factor = 4 : i64, sc.parallel_access}
          %parallel_loop3A_97 = arith.constant 0 : i32
          %parallel_loop3A_98 = arith.constant 8 : i32
          %parallel_loop3A_99 = arith.constant 1 : i32
          scf.for %parallel_loop3A_100 = %parallel_loop3A_97 to %parallel_loop3A_98 step %parallel_loop3A_99  : i32 {
            %parallel_loop3A_101 = arith.addi %parallel_loop3A_80, %parallel_loop3A_100 : i32
            %parallel_loop3A_102 = arith.constant 16 : i32
            %parallel_loop3A_103 = arith.muli %parallel_loop3A_101, %parallel_loop3A_102 : i32
            %parallel_loop3A_104 = arith.index_cast %parallel_loop3A_103 : i32 to index
            %parallel_loop3A_105 = tpu.vector_load %arg7[%parallel_loop3A_104] {strides = array<i32>} : memref<2064xf32, #tpu.memory_space<vmem>>, vector<16xf32>,
            tpu.vector_store %arg7[%parallel_loop3A_104], %broadcast_in_dim3A_5 {strides = array<i32>} : memref<2064xf32, #tpu.memory_space<vmem>>, vector<16xf32>,
            %parallel_loop3A_106 = arith.addi %parallel_loop3A_80, %parallel_loop3A_100 : i32
            %parallel_loop3A_107 = arith.constant 16 : i32
            %parallel_loop3A_108 = arith.muli %parallel_loop3A_106, %parallel_loop3A_107 : i32
            %parallel_loop3A_109 = arith.index_cast %parallel_loop3A_108 : i32 to index
            %parallel_loop3A_110 = tpu.vector_load %arg8[%parallel_loop3A_109] {strides = array<i32>} : memref<2064xi32, #tpu.memory_space<vmem>>, vector<16xi32>,
            tpu.vector_store %arg8[%parallel_loop3A_109], %broadcast_in_dim3A_3 {strides = array<i32>} : memref<2064xi32, #tpu.memory_space<vmem>>, vector<16xi32>,
          } {sc.loop_unroll_factor = 4 : i64, sc.parallel_access}
        } else {
          %parallel_loop3A_94 = arith.constant 16 : i32
          %parallel_loop3A_95 = arith.muli %parallel_loop3A_78, %parallel_loop3A_94 : i32
          %parallel_loop3A_96 = arith.index_cast %parallel_loop3A_95 : i32 to index
          %parallel_loop3A_97 = tpu.vector_load %arg9[%parallel_loop3A_96] {strides = array<i32>} : memref<2064xf32, #tpu.memory_space<vmem>>, vector<16xf32>,
          %parallel_loop3A_98 = arith.constant 16 : i32
          %parallel_loop3A_99 = arith.muli %parallel_loop3A_80, %parallel_loop3A_98 : i32
          %parallel_loop3A_100 = arith.index_cast %parallel_loop3A_99 : i32 to index
          %parallel_loop3A_101 = tpu.vector_load %arg9[%parallel_loop3A_100] {strides = array<i32>} : memref<2064xf32, #tpu.memory_space<vmem>>, vector<16xf32>,
          %parallel_loop3A_102 = vector.extract_strided_slice %parallel_loop3A_97 {offsets = [0], sizes = [1], strides = [1]} : vector<16xf32> to vector<1xf32>
          %parallel_loop3A_103 = vector.extract %parallel_loop3A_102[0] : f32 from vector<1xf32>
          %parallel_loop3A_104 = vector.extract_strided_slice %parallel_loop3A_101 {offsets = [0], sizes = [1], strides = [1]} : vector<16xf32> to vector<1xf32>
          %parallel_loop3A_105 = vector.extract %parallel_loop3A_104[0] : f32 from vector<1xf32>
          %parallel_loop3A_106 = arith.cmpf oge, %parallel_loop3A_103, %parallel_loop3A_105 : f32
          %parallel_loop3A_107 = arith.select %parallel_loop3A_106, %parallel_loop3A_97, %parallel_loop3A_101 : vector<16xf32>
          %parallel_loop3A_108 = arith.constant 16 : i32
          %parallel_loop3A_109 = arith.muli %parallel_loop3A_78, %parallel_loop3A_108 : i32
          %parallel_loop3A_110 = arith.index_cast %parallel_loop3A_109 : i32 to index
          %parallel_loop3A_111 = tpu.vector_load %arg10[%parallel_loop3A_110] {strides = array<i32>} : memref<2064xi32, #tpu.memory_space<vmem>>, vector<16xi32>,
          %parallel_loop3A_112 = arith.constant 16 : i32
          %parallel_loop3A_113 = arith.muli %parallel_loop3A_80, %parallel_loop3A_112 : i32
          %parallel_loop3A_114 = arith.index_cast %parallel_loop3A_113 : i32 to index
          %parallel_loop3A_115 = tpu.vector_load %arg10[%parallel_loop3A_114] {strides = array<i32>} : memref<2064xi32, #tpu.memory_space<vmem>>, vector<16xi32>,
          %parallel_loop3A_116 = arith.select %parallel_loop3A_106, %parallel_loop3A_111, %parallel_loop3A_115 : vector<16xi32>
          %parallel_loop3A_117 = arith.constant 1 : i32
          %parallel_loop3A_118 = arith.addi %parallel_loop3A_78, %parallel_loop3A_117 : i32
          %parallel_loop3A_119 = arith.select %parallel_loop3A_106, %parallel_loop3A_118, %parallel_loop3A_78 : i32
          %parallel_loop3A_120 = arith.constant 1 : i32
          %parallel_loop3A_121 = arith.addi %parallel_loop3A_80, %parallel_loop3A_120 : i32
          %parallel_loop3A_122 = arith.select %parallel_loop3A_106, %parallel_loop3A_80, %parallel_loop3A_121 : i32
          %parallel_loop3A_123 = arith.constant 16 : i32
          %parallel_loop3A_124 = arith.muli %parallel_loop3A_119, %parallel_loop3A_123 : i32
          %parallel_loop3A_125 = arith.index_cast %parallel_loop3A_124 : i32 to index
          %parallel_loop3A_126 = tpu.vector_load %arg9[%parallel_loop3A_125] {strides = array<i32>} : memref<2064xf32, #tpu.memory_space<vmem>>, vector<16xf32>,
          %parallel_loop3A_127 = vector.extract_strided_slice %parallel_loop3A_126 {offsets = [0], sizes = [1], strides = [1]} : vector<16xf32> to vector<1xf32>
          %parallel_loop3A_128 = vector.extract %parallel_loop3A_127[0] : f32 from vector<1xf32>
          %parallel_loop3A_129 = arith.constant 16 : i32
          %parallel_loop3A_130 = arith.muli %parallel_loop3A_122, %parallel_loop3A_129 : i32
          %parallel_loop3A_131 = arith.index_cast %parallel_loop3A_130 : i32 to index
          %parallel_loop3A_132 = tpu.vector_load %arg9[%parallel_loop3A_131] {strides = array<i32>} : memref<2064xf32, #tpu.memory_space<vmem>>, vector<16xf32>,
          %parallel_loop3A_133 = vector.extract_strided_slice %parallel_loop3A_132 {offsets = [0], sizes = [1], strides = [1]} : vector<16xf32> to vector<1xf32>
          %parallel_loop3A_134 = vector.extract %parallel_loop3A_133[0] : f32 from vector<1xf32>
          %parallel_loop3A_135 = arith.constant 0 : i32
          %parallel_loop3A_136 = arith.constant 15 : i32
          %parallel_loop3A_137 = arith.constant 1 : i32
          %parallel_loop3A_138:6 = scf.for %parallel_loop3A_151 = %parallel_loop3A_135 to %parallel_loop3A_136 step %parallel_loop3A_137 iter_args(%parallel_loop3A_152 = %parallel_loop3A_119, %parallel_loop3A_153 = %parallel_loop3A_122, %parallel_loop3A_154 = %parallel_loop3A_128, %parallel_loop3A_155 = %parallel_loop3A_134, %parallel_loop3A_156 = %parallel_loop3A_107, %parallel_loop3A_157 = %parallel_loop3A_116) -> (i32, i32, f32, f32, vector<16xf32>, vector<16xi32>)  : i32 {
            %parallel_loop3A_158 = arith.cmpi slt, %parallel_loop3A_152, %parallel_loop3A_80 : i32
            %parallel_loop3A_159 = arith.cmpi slt, %parallel_loop3A_153, %parallel_loop3A_82 : i32
            %parallel_loop3A_160 = arith.constant true
            %parallel_loop3A_161 = arith.xori %parallel_loop3A_159, %parallel_loop3A_160 : i1
            %parallel_loop3A_162 = arith.cmpf oge, %parallel_loop3A_154, %parallel_loop3A_155 : f32
            %parallel_loop3A_163 = arith.ori %parallel_loop3A_161, %parallel_loop3A_162 : i1
            %parallel_loop3A_164 = arith.andi %parallel_loop3A_158, %parallel_loop3A_163 : i1
            %parallel_loop3A_165 = arith.select %parallel_loop3A_164, %parallel_loop3A_152, %parallel_loop3A_153 : i32
            %parallel_loop3A_166 = arith.constant 16 : i32
            %parallel_loop3A_167 = arith.muli %parallel_loop3A_165, %parallel_loop3A_166 : i32
            %parallel_loop3A_168 = arith.index_cast %parallel_loop3A_167 : i32 to index
            %parallel_loop3A_169 = tpu.vector_load %arg9[%parallel_loop3A_168] {strides = array<i32>} : memref<2064xf32, #tpu.memory_space<vmem>>, vector<16xf32>,
            %parallel_loop3A_170 = arith.constant 16 : i32
            %parallel_loop3A_171 = arith.muli %parallel_loop3A_165, %parallel_loop3A_170 : i32
            %parallel_loop3A_172 = arith.index_cast %parallel_loop3A_171 : i32 to index
            %parallel_loop3A_173 = tpu.vector_load %arg10[%parallel_loop3A_172] {strides = array<i32>} : memref<2064xi32, #tpu.memory_space<vmem>>, vector<16xi32>,
            %parallel_loop3A_174 = arith.constant 1 : i32
            %parallel_loop3A_175 = arith.addi %parallel_loop3A_152, %parallel_loop3A_174 : i32
            %parallel_loop3A_176 = arith.select %parallel_loop3A_164, %parallel_loop3A_175, %parallel_loop3A_152 : i32
            %parallel_loop3A_177 = arith.constant 1 : i32
            %parallel_loop3A_178 = arith.addi %parallel_loop3A_153, %parallel_loop3A_177 : i32
            %parallel_loop3A_179 = arith.select %parallel_loop3A_164, %parallel_loop3A_153, %parallel_loop3A_178 : i32
            %parallel_loop3A_180 = arith.select %parallel_loop3A_164, %parallel_loop3A_176, %parallel_loop3A_179 : i32
            %parallel_loop3A_181 = arith.constant 16 : i32
            %parallel_loop3A_182 = arith.muli %parallel_loop3A_180, %parallel_loop3A_181 : i32
            %parallel_loop3A_183 = arith.index_cast %parallel_loop3A_182 : i32 to index
            %parallel_loop3A_184 = tpu.vector_load %arg9[%parallel_loop3A_183] {strides = array<i32>} : memref<2064xf32, #tpu.memory_space<vmem>>, vector<16xf32>,
            %parallel_loop3A_185 = vector.extract_strided_slice %parallel_loop3A_184 {offsets = [0], sizes = [1], strides = [1]} : vector<16xf32> to vector<1xf32>
            %parallel_loop3A_186 = vector.extract %parallel_loop3A_185[0] : f32 from vector<1xf32>
            %parallel_loop3A_187 = arith.select %parallel_loop3A_164, %parallel_loop3A_186, %parallel_loop3A_154 : f32
            %parallel_loop3A_188 = arith.select %parallel_loop3A_164, %parallel_loop3A_155, %parallel_loop3A_186 : f32
            %parallel_loop3A_189 = arith.constant 15 : i32
            %parallel_loop3A_190 = vector.broadcast %parallel_loop3A_189 : i32 to vector<16xi32>
            %parallel_loop3A_191 = tpu.iota {dimensions = array<i32: 0>} : vector<16xi32>
            %parallel_loop3A_192 = arith.subi %parallel_loop3A_190, %parallel_loop3A_191 : vector<16xi32>
            %parallel_loop3A_193 = tpu.dynamic_gather %parallel_loop3A_169[%parallel_loop3A_192] in [0] : vector<16xf32>, vector<16xi32> -> vector<16xf32>
            %parallel_loop3A_194 = arith.constant 15 : i32
            %parallel_loop3A_195 = vector.broadcast %parallel_loop3A_194 : i32 to vector<16xi32>
            %parallel_loop3A_196 = tpu.iota {dimensions = array<i32: 0>} : vector<16xi32>
            %parallel_loop3A_197 = arith.subi %parallel_loop3A_195, %parallel_loop3A_196 : vector<16xi32>
            %parallel_loop3A_198 = tpu.dynamic_gather %parallel_loop3A_173[%parallel_loop3A_197] in [0] : vector<16xi32>, vector<16xi32> -> vector<16xi32>
            %parallel_loop3A_199 = arith.cmpf oge, %parallel_loop3A_156, %parallel_loop3A_193 : vector<16xf32>
            %parallel_loop3A_200 = arith.select %parallel_loop3A_199, %parallel_loop3A_156, %parallel_loop3A_193 : vector<16xi1>, vector<16xf32>
            %parallel_loop3A_201 = arith.select %parallel_loop3A_199, %parallel_loop3A_157, %parallel_loop3A_198 : vector<16xi1>, vector<16xi32>
            %parallel_loop3A_202 = arith.select %parallel_loop3A_199, %parallel_loop3A_193, %parallel_loop3A_156 : vector<16xi1>, vector<16xf32>
            %parallel_loop3A_203 = arith.select %parallel_loop3A_199, %parallel_loop3A_198, %parallel_loop3A_157 : vector<16xi1>, vector<16xi32>
            %parallel_loop3A_204 = arith.constant dense<true> : vector<16xi1>
            %parallel_loop3A_205, %parallel_loop3A_206, %parallel_loop3A_207 = tpu.sort %parallel_loop3A_202, %parallel_loop3A_203 masked %parallel_loop3A_204 {descending = true} : (vector<16xf32>, vector<16xi32>, vector<16xi1>) -> (vector<16xi1>, vector<16xf32>, vector<16xi32>)
            %parallel_loop3A_208 = arith.constant dense<true> : vector<16xi1>
            %parallel_loop3A_209, %parallel_loop3A_210, %parallel_loop3A_211 = tpu.sort %parallel_loop3A_200, %parallel_loop3A_201 masked %parallel_loop3A_208 {descending = true} : (vector<16xf32>, vector<16xi32>, vector<16xi1>) -> (vector<16xi1>, vector<16xf32>, vector<16xi32>)
            %parallel_loop3A_212 = arith.addi %parallel_loop3A_78, %parallel_loop3A_151 : i32
            %parallel_loop3A_213 = arith.constant 16 : i32
            %parallel_loop3A_214 = arith.muli %parallel_loop3A_212, %parallel_loop3A_213 : i32
            %parallel_loop3A_215 = arith.index_cast %parallel_loop3A_214 : i32 to index
            %parallel_loop3A_216 = tpu.vector_load %arg7[%parallel_loop3A_215] {strides = array<i32>} : memref<2064xf32, #tpu.memory_space<vmem>>, vector<16xf32>,
            tpu.vector_store %arg7[%parallel_loop3A_215], %parallel_loop3A_210 {strides = array<i32>} : memref<2064xf32, #tpu.memory_space<vmem>>, vector<16xf32>,
            %parallel_loop3A_217 = arith.addi %parallel_loop3A_78, %parallel_loop3A_151 : i32
            %parallel_loop3A_218 = arith.constant 16 : i32
            %parallel_loop3A_219 = arith.muli %parallel_loop3A_217, %parallel_loop3A_218 : i32
            %parallel_loop3A_220 = arith.index_cast %parallel_loop3A_219 : i32 to index
            %parallel_loop3A_221 = tpu.vector_load %arg8[%parallel_loop3A_220] {strides = array<i32>} : memref<2064xi32, #tpu.memory_space<vmem>>, vector<16xi32>,
            tpu.vector_store %arg8[%parallel_loop3A_220], %parallel_loop3A_211 {strides = array<i32>} : memref<2064xi32, #tpu.memory_space<vmem>>, vector<16xi32>,
            scf.yield %parallel_loop3A_176, %parallel_loop3A_179, %parallel_loop3A_187, %parallel_loop3A_188, %parallel_loop3A_206, %parallel_loop3A_207 : i32, i32, f32, f32, vector<16xf32>, vector<16xi32>
          } {sc.loop_unroll_factor = 2 : i64, sc.parallel_access}
          %parallel_loop3A_139 = arith.constant 1 : i32
          %parallel_loop3A_140 = arith.subi %parallel_loop3A_82, %parallel_loop3A_139 : i32
          %parallel_loop3A_141 = arith.constant 16 : i32
          %parallel_loop3A_142 = arith.muli %parallel_loop3A_140, %parallel_loop3A_141 : i32
          %parallel_loop3A_143 = arith.index_cast %parallel_loop3A_142 : i32 to index
          %parallel_loop3A_144 = tpu.vector_load %arg7[%parallel_loop3A_143] {strides = array<i32>} : memref<2064xf32, #tpu.memory_space<vmem>>, vector<16xf32>,
          tpu.vector_store %arg7[%parallel_loop3A_143], %parallel_loop3A_138#4 {strides = array<i32>} : memref<2064xf32, #tpu.memory_space<vmem>>, vector<16xf32>,
          %parallel_loop3A_145 = arith.constant 1 : i32
          %parallel_loop3A_146 = arith.subi %parallel_loop3A_82, %parallel_loop3A_145 : i32
          %parallel_loop3A_147 = arith.constant 16 : i32
          %parallel_loop3A_148 = arith.muli %parallel_loop3A_146, %parallel_loop3A_147 : i32
          %parallel_loop3A_149 = arith.index_cast %parallel_loop3A_148 : i32 to index
          %parallel_loop3A_150 = tpu.vector_load %arg8[%parallel_loop3A_149] {strides = array<i32>} : memref<2064xi32, #tpu.memory_space<vmem>>, vector<16xi32>,
          tpu.vector_store %arg8[%parallel_loop3A_149], %parallel_loop3A_138#5 {strides = array<i32>} : memref<2064xi32, #tpu.memory_space<vmem>>, vector<16xi32>,
        }
      } {sc.loop_unroll_factor = 1 : i64, sc.parallel_access}
      %parallel_loop3A_62 = arith.constant 0 : i32
      %parallel_loop3A_63 = arith.constant 4 : i32
      %parallel_loop3A_64 = arith.constant 1 : i32
      "tpu.trace_stop"() : () -> ()
      "tpu.trace_start"() <{level = 10 : i32, message = "p7_merge_w16"}> : () -> ()
      scf.for %parallel_loop3A_76 = %parallel_loop3A_62 to %parallel_loop3A_63 step %parallel_loop3A_64  : i32 {
        %parallel_loop3A_77 = arith.constant 32 : i32
        %parallel_loop3A_78 = arith.muli %parallel_loop3A_76, %parallel_loop3A_77 : i32
        %parallel_loop3A_79 = arith.constant 16 : i32
        %parallel_loop3A_80 = arith.addi %parallel_loop3A_78, %parallel_loop3A_79 : i32
        %parallel_loop3A_81 = arith.constant 32 : i32
        %parallel_loop3A_82 = arith.addi %parallel_loop3A_78, %parallel_loop3A_81 : i32
        %parallel_loop3A_83 = arith.constant 16 : i32
        %parallel_loop3A_84 = arith.muli %parallel_loop3A_80, %parallel_loop3A_83 : i32
        %parallel_loop3A_85 = arith.index_cast %parallel_loop3A_84 : i32 to index
        %parallel_loop3A_86 = tpu.vector_load %arg7[%parallel_loop3A_85] {strides = array<i32>} : memref<2064xf32, #tpu.memory_space<vmem>>, vector<16xf32>,
        %parallel_loop3A_87 = vector.extract_strided_slice %parallel_loop3A_86 {offsets = [0], sizes = [1], strides = [1]} : vector<16xf32> to vector<1xf32>
        %parallel_loop3A_88 = vector.extract %parallel_loop3A_87[0] : f32 from vector<1xf32>
        %parallel_loop3A_89 = arith.constant 0xFF800000 : f32
        %parallel_loop3A_90 = arith.cmpf oeq, %parallel_loop3A_88, %parallel_loop3A_89 : f32
        %parallel_loop3A_91 = arith.extui %parallel_loop3A_90 : i1 to i32
        %parallel_loop3A_92 = arith.constant 0 : i32
        %parallel_loop3A_93 = arith.cmpi ne, %parallel_loop3A_91, %parallel_loop3A_92 : i32
        scf.if %parallel_loop3A_93 {
          %parallel_loop3A_94 = arith.constant 0 : i32
          %parallel_loop3A_95 = arith.constant 16 : i32
          %parallel_loop3A_96 = arith.constant 1 : i32
          scf.for %parallel_loop3A_100 = %parallel_loop3A_94 to %parallel_loop3A_95 step %parallel_loop3A_96  : i32 {
            %parallel_loop3A_101 = arith.addi %parallel_loop3A_78, %parallel_loop3A_100 : i32
            %parallel_loop3A_102 = arith.constant 16 : i32
            %parallel_loop3A_103 = arith.muli %parallel_loop3A_101, %parallel_loop3A_102 : i32
            %parallel_loop3A_104 = arith.index_cast %parallel_loop3A_103 : i32 to index
            %parallel_loop3A_105 = tpu.vector_load %arg7[%parallel_loop3A_104] {strides = array<i32>} : memref<2064xf32, #tpu.memory_space<vmem>>, vector<16xf32>,
            %parallel_loop3A_106 = arith.addi %parallel_loop3A_78, %parallel_loop3A_100 : i32
            %parallel_loop3A_107 = arith.constant 16 : i32
            %parallel_loop3A_108 = arith.muli %parallel_loop3A_106, %parallel_loop3A_107 : i32
            %parallel_loop3A_109 = arith.index_cast %parallel_loop3A_108 : i32 to index
            %parallel_loop3A_110 = tpu.vector_load %arg9[%parallel_loop3A_109] {strides = array<i32>} : memref<2064xf32, #tpu.memory_space<vmem>>, vector<16xf32>,
            tpu.vector_store %arg9[%parallel_loop3A_109], %parallel_loop3A_105 {strides = array<i32>} : memref<2064xf32, #tpu.memory_space<vmem>>, vector<16xf32>,
            %parallel_loop3A_111 = arith.addi %parallel_loop3A_78, %parallel_loop3A_100 : i32
            %parallel_loop3A_112 = arith.constant 16 : i32
            %parallel_loop3A_113 = arith.muli %parallel_loop3A_111, %parallel_loop3A_112 : i32
            %parallel_loop3A_114 = arith.index_cast %parallel_loop3A_113 : i32 to index
            %parallel_loop3A_115 = tpu.vector_load %arg8[%parallel_loop3A_114] {strides = array<i32>} : memref<2064xi32, #tpu.memory_space<vmem>>, vector<16xi32>,
            %parallel_loop3A_116 = arith.addi %parallel_loop3A_78, %parallel_loop3A_100 : i32
            %parallel_loop3A_117 = arith.constant 16 : i32
            %parallel_loop3A_118 = arith.muli %parallel_loop3A_116, %parallel_loop3A_117 : i32
            %parallel_loop3A_119 = arith.index_cast %parallel_loop3A_118 : i32 to index
            %parallel_loop3A_120 = tpu.vector_load %arg10[%parallel_loop3A_119] {strides = array<i32>} : memref<2064xi32, #tpu.memory_space<vmem>>, vector<16xi32>,
            tpu.vector_store %arg10[%parallel_loop3A_119], %parallel_loop3A_115 {strides = array<i32>} : memref<2064xi32, #tpu.memory_space<vmem>>, vector<16xi32>,
          } {sc.loop_unroll_factor = 4 : i64, sc.parallel_access}
          %parallel_loop3A_97 = arith.constant 0 : i32
          %parallel_loop3A_98 = arith.constant 16 : i32
          %parallel_loop3A_99 = arith.constant 1 : i32
          scf.for %parallel_loop3A_100 = %parallel_loop3A_97 to %parallel_loop3A_98 step %parallel_loop3A_99  : i32 {
            %parallel_loop3A_101 = arith.addi %parallel_loop3A_80, %parallel_loop3A_100 : i32
            %parallel_loop3A_102 = arith.constant 16 : i32
            %parallel_loop3A_103 = arith.muli %parallel_loop3A_101, %parallel_loop3A_102 : i32
            %parallel_loop3A_104 = arith.index_cast %parallel_loop3A_103 : i32 to index
            %parallel_loop3A_105 = tpu.vector_load %arg9[%parallel_loop3A_104] {strides = array<i32>} : memref<2064xf32, #tpu.memory_space<vmem>>, vector<16xf32>,
            tpu.vector_store %arg9[%parallel_loop3A_104], %broadcast_in_dim3A_5 {strides = array<i32>} : memref<2064xf32, #tpu.memory_space<vmem>>, vector<16xf32>,
            %parallel_loop3A_106 = arith.addi %parallel_loop3A_80, %parallel_loop3A_100 : i32
            %parallel_loop3A_107 = arith.constant 16 : i32
            %parallel_loop3A_108 = arith.muli %parallel_loop3A_106, %parallel_loop3A_107 : i32
            %parallel_loop3A_109 = arith.index_cast %parallel_loop3A_108 : i32 to index
            %parallel_loop3A_110 = tpu.vector_load %arg10[%parallel_loop3A_109] {strides = array<i32>} : memref<2064xi32, #tpu.memory_space<vmem>>, vector<16xi32>,
            tpu.vector_store %arg10[%parallel_loop3A_109], %broadcast_in_dim3A_3 {strides = array<i32>} : memref<2064xi32, #tpu.memory_space<vmem>>, vector<16xi32>,
          } {sc.loop_unroll_factor = 4 : i64, sc.parallel_access}
        } else {
          %parallel_loop3A_94 = arith.constant 16 : i32
          %parallel_loop3A_95 = arith.muli %parallel_loop3A_78, %parallel_loop3A_94 : i32
          %parallel_loop3A_96 = arith.index_cast %parallel_loop3A_95 : i32 to index
          %parallel_loop3A_97 = tpu.vector_load %arg7[%parallel_loop3A_96] {strides = array<i32>} : memref<2064xf32, #tpu.memory_space<vmem>>, vector<16xf32>,
          %parallel_loop3A_98 = arith.constant 16 : i32
          %parallel_loop3A_99 = arith.muli %parallel_loop3A_80, %parallel_loop3A_98 : i32
          %parallel_loop3A_100 = arith.index_cast %parallel_loop3A_99 : i32 to index
          %parallel_loop3A_101 = tpu.vector_load %arg7[%parallel_loop3A_100] {strides = array<i32>} : memref<2064xf32, #tpu.memory_space<vmem>>, vector<16xf32>,
          %parallel_loop3A_102 = vector.extract_strided_slice %parallel_loop3A_97 {offsets = [0], sizes = [1], strides = [1]} : vector<16xf32> to vector<1xf32>
          %parallel_loop3A_103 = vector.extract %parallel_loop3A_102[0] : f32 from vector<1xf32>
          %parallel_loop3A_104 = vector.extract_strided_slice %parallel_loop3A_101 {offsets = [0], sizes = [1], strides = [1]} : vector<16xf32> to vector<1xf32>
          %parallel_loop3A_105 = vector.extract %parallel_loop3A_104[0] : f32 from vector<1xf32>
          %parallel_loop3A_106 = arith.cmpf oge, %parallel_loop3A_103, %parallel_loop3A_105 : f32
          %parallel_loop3A_107 = arith.select %parallel_loop3A_106, %parallel_loop3A_97, %parallel_loop3A_101 : vector<16xf32>
          %parallel_loop3A_108 = arith.constant 16 : i32
          %parallel_loop3A_109 = arith.muli %parallel_loop3A_78, %parallel_loop3A_108 : i32
          %parallel_loop3A_110 = arith.index_cast %parallel_loop3A_109 : i32 to index
          %parallel_loop3A_111 = tpu.vector_load %arg8[%parallel_loop3A_110] {strides = array<i32>} : memref<2064xi32, #tpu.memory_space<vmem>>, vector<16xi32>,
          %parallel_loop3A_112 = arith.constant 16 : i32
          %parallel_loop3A_113 = arith.muli %parallel_loop3A_80, %parallel_loop3A_112 : i32
          %parallel_loop3A_114 = arith.index_cast %parallel_loop3A_113 : i32 to index
          %parallel_loop3A_115 = tpu.vector_load %arg8[%parallel_loop3A_114] {strides = array<i32>} : memref<2064xi32, #tpu.memory_space<vmem>>, vector<16xi32>,
          %parallel_loop3A_116 = arith.select %parallel_loop3A_106, %parallel_loop3A_111, %parallel_loop3A_115 : vector<16xi32>
          %parallel_loop3A_117 = arith.constant 1 : i32
          %parallel_loop3A_118 = arith.addi %parallel_loop3A_78, %parallel_loop3A_117 : i32
          %parallel_loop3A_119 = arith.select %parallel_loop3A_106, %parallel_loop3A_118, %parallel_loop3A_78 : i32
          %parallel_loop3A_120 = arith.constant 1 : i32
          %parallel_loop3A_121 = arith.addi %parallel_loop3A_80, %parallel_loop3A_120 : i32
          %parallel_loop3A_122 = arith.select %parallel_loop3A_106, %parallel_loop3A_80, %parallel_loop3A_121 : i32
          %parallel_loop3A_123 = arith.constant 16 : i32
          %parallel_loop3A_124 = arith.muli %parallel_loop3A_119, %parallel_loop3A_123 : i32
          %parallel_loop3A_125 = arith.index_cast %parallel_loop3A_124 : i32 to index
          %parallel_loop3A_126 = tpu.vector_load %arg7[%parallel_loop3A_125] {strides = array<i32>} : memref<2064xf32, #tpu.memory_space<vmem>>, vector<16xf32>,
          %parallel_loop3A_127 = vector.extract_strided_slice %parallel_loop3A_126 {offsets = [0], sizes = [1], strides = [1]} : vector<16xf32> to vector<1xf32>
          %parallel_loop3A_128 = vector.extract %parallel_loop3A_127[0] : f32 from vector<1xf32>
          %parallel_loop3A_129 = arith.constant 16 : i32
          %parallel_loop3A_130 = arith.muli %parallel_loop3A_122, %parallel_loop3A_129 : i32
          %parallel_loop3A_131 = arith.index_cast %parallel_loop3A_130 : i32 to index
          %parallel_loop3A_132 = tpu.vector_load %arg7[%parallel_loop3A_131] {strides = array<i32>} : memref<2064xf32, #tpu.memory_space<vmem>>, vector<16xf32>,
          %parallel_loop3A_133 = vector.extract_strided_slice %parallel_loop3A_132 {offsets = [0], sizes = [1], strides = [1]} : vector<16xf32> to vector<1xf32>
          %parallel_loop3A_134 = vector.extract %parallel_loop3A_133[0] : f32 from vector<1xf32>
          %parallel_loop3A_135 = arith.constant 0 : i32
          %parallel_loop3A_136 = arith.constant 31 : i32
          %parallel_loop3A_137 = arith.constant 1 : i32
          %parallel_loop3A_138:6 = scf.for %parallel_loop3A_151 = %parallel_loop3A_135 to %parallel_loop3A_136 step %parallel_loop3A_137 iter_args(%parallel_loop3A_152 = %parallel_loop3A_119, %parallel_loop3A_153 = %parallel_loop3A_122, %parallel_loop3A_154 = %parallel_loop3A_128, %parallel_loop3A_155 = %parallel_loop3A_134, %parallel_loop3A_156 = %parallel_loop3A_107, %parallel_loop3A_157 = %parallel_loop3A_116) -> (i32, i32, f32, f32, vector<16xf32>, vector<16xi32>)  : i32 {
            %parallel_loop3A_158 = arith.cmpi slt, %parallel_loop3A_152, %parallel_loop3A_80 : i32
            %parallel_loop3A_159 = arith.cmpi slt, %parallel_loop3A_153, %parallel_loop3A_82 : i32
            %parallel_loop3A_160 = arith.constant true
            %parallel_loop3A_161 = arith.xori %parallel_loop3A_159, %parallel_loop3A_160 : i1
            %parallel_loop3A_162 = arith.cmpf oge, %parallel_loop3A_154, %parallel_loop3A_155 : f32
            %parallel_loop3A_163 = arith.ori %parallel_loop3A_161, %parallel_loop3A_162 : i1
            %parallel_loop3A_164 = arith.andi %parallel_loop3A_158, %parallel_loop3A_163 : i1
            %parallel_loop3A_165 = arith.select %parallel_loop3A_164, %parallel_loop3A_152, %parallel_loop3A_153 : i32
            %parallel_loop3A_166 = arith.constant 16 : i32
            %parallel_loop3A_167 = arith.muli %parallel_loop3A_165, %parallel_loop3A_166 : i32
            %parallel_loop3A_168 = arith.index_cast %parallel_loop3A_167 : i32 to index
            %parallel_loop3A_169 = tpu.vector_load %arg7[%parallel_loop3A_168] {strides = array<i32>} : memref<2064xf32, #tpu.memory_space<vmem>>, vector<16xf32>,
            %parallel_loop3A_170 = arith.constant 16 : i32
            %parallel_loop3A_171 = arith.muli %parallel_loop3A_165, %parallel_loop3A_170 : i32
            %parallel_loop3A_172 = arith.index_cast %parallel_loop3A_171 : i32 to index
            %parallel_loop3A_173 = tpu.vector_load %arg8[%parallel_loop3A_172] {strides = array<i32>} : memref<2064xi32, #tpu.memory_space<vmem>>, vector<16xi32>,
            %parallel_loop3A_174 = arith.constant 1 : i32
            %parallel_loop3A_175 = arith.addi %parallel_loop3A_152, %parallel_loop3A_174 : i32
            %parallel_loop3A_176 = arith.select %parallel_loop3A_164, %parallel_loop3A_175, %parallel_loop3A_152 : i32
            %parallel_loop3A_177 = arith.constant 1 : i32
            %parallel_loop3A_178 = arith.addi %parallel_loop3A_153, %parallel_loop3A_177 : i32
            %parallel_loop3A_179 = arith.select %parallel_loop3A_164, %parallel_loop3A_153, %parallel_loop3A_178 : i32
            %parallel_loop3A_180 = arith.select %parallel_loop3A_164, %parallel_loop3A_176, %parallel_loop3A_179 : i32
            %parallel_loop3A_181 = arith.constant 16 : i32
            %parallel_loop3A_182 = arith.muli %parallel_loop3A_180, %parallel_loop3A_181 : i32
            %parallel_loop3A_183 = arith.index_cast %parallel_loop3A_182 : i32 to index
            %parallel_loop3A_184 = tpu.vector_load %arg7[%parallel_loop3A_183] {strides = array<i32>} : memref<2064xf32, #tpu.memory_space<vmem>>, vector<16xf32>,
            %parallel_loop3A_185 = vector.extract_strided_slice %parallel_loop3A_184 {offsets = [0], sizes = [1], strides = [1]} : vector<16xf32> to vector<1xf32>
            %parallel_loop3A_186 = vector.extract %parallel_loop3A_185[0] : f32 from vector<1xf32>
            %parallel_loop3A_187 = arith.select %parallel_loop3A_164, %parallel_loop3A_186, %parallel_loop3A_154 : f32
            %parallel_loop3A_188 = arith.select %parallel_loop3A_164, %parallel_loop3A_155, %parallel_loop3A_186 : f32
            %parallel_loop3A_189 = arith.constant 15 : i32
            %parallel_loop3A_190 = vector.broadcast %parallel_loop3A_189 : i32 to vector<16xi32>
            %parallel_loop3A_191 = tpu.iota {dimensions = array<i32: 0>} : vector<16xi32>
            %parallel_loop3A_192 = arith.subi %parallel_loop3A_190, %parallel_loop3A_191 : vector<16xi32>
            %parallel_loop3A_193 = tpu.dynamic_gather %parallel_loop3A_169[%parallel_loop3A_192] in [0] : vector<16xf32>, vector<16xi32> -> vector<16xf32>
            %parallel_loop3A_194 = arith.constant 15 : i32
            %parallel_loop3A_195 = vector.broadcast %parallel_loop3A_194 : i32 to vector<16xi32>
            %parallel_loop3A_196 = tpu.iota {dimensions = array<i32: 0>} : vector<16xi32>
            %parallel_loop3A_197 = arith.subi %parallel_loop3A_195, %parallel_loop3A_196 : vector<16xi32>
            %parallel_loop3A_198 = tpu.dynamic_gather %parallel_loop3A_173[%parallel_loop3A_197] in [0] : vector<16xi32>, vector<16xi32> -> vector<16xi32>
            %parallel_loop3A_199 = arith.cmpf oge, %parallel_loop3A_156, %parallel_loop3A_193 : vector<16xf32>
            %parallel_loop3A_200 = arith.select %parallel_loop3A_199, %parallel_loop3A_156, %parallel_loop3A_193 : vector<16xi1>, vector<16xf32>
            %parallel_loop3A_201 = arith.select %parallel_loop3A_199, %parallel_loop3A_157, %parallel_loop3A_198 : vector<16xi1>, vector<16xi32>
            %parallel_loop3A_202 = arith.select %parallel_loop3A_199, %parallel_loop3A_193, %parallel_loop3A_156 : vector<16xi1>, vector<16xf32>
            %parallel_loop3A_203 = arith.select %parallel_loop3A_199, %parallel_loop3A_198, %parallel_loop3A_157 : vector<16xi1>, vector<16xi32>
            %parallel_loop3A_204 = arith.constant dense<true> : vector<16xi1>
            %parallel_loop3A_205, %parallel_loop3A_206, %parallel_loop3A_207 = tpu.sort %parallel_loop3A_202, %parallel_loop3A_203 masked %parallel_loop3A_204 {descending = true} : (vector<16xf32>, vector<16xi32>, vector<16xi1>) -> (vector<16xi1>, vector<16xf32>, vector<16xi32>)
            %parallel_loop3A_208 = arith.constant dense<true> : vector<16xi1>
            %parallel_loop3A_209, %parallel_loop3A_210, %parallel_loop3A_211 = tpu.sort %parallel_loop3A_200, %parallel_loop3A_201 masked %parallel_loop3A_208 {descending = true} : (vector<16xf32>, vector<16xi32>, vector<16xi1>) -> (vector<16xi1>, vector<16xf32>, vector<16xi32>)
            %parallel_loop3A_212 = arith.addi %parallel_loop3A_78, %parallel_loop3A_151 : i32
            %parallel_loop3A_213 = arith.constant 16 : i32
            %parallel_loop3A_214 = arith.muli %parallel_loop3A_212, %parallel_loop3A_213 : i32
            %parallel_loop3A_215 = arith.index_cast %parallel_loop3A_214 : i32 to index
            %parallel_loop3A_216 = tpu.vector_load %arg9[%parallel_loop3A_215] {strides = array<i32>} : memref<2064xf32, #tpu.memory_space<vmem>>, vector<16xf32>,
            tpu.vector_store %arg9[%parallel_loop3A_215], %parallel_loop3A_210 {strides = array<i32>} : memref<2064xf32, #tpu.memory_space<vmem>>, vector<16xf32>,
            %parallel_loop3A_217 = arith.addi %parallel_loop3A_78, %parallel_loop3A_151 : i32
            %parallel_loop3A_218 = arith.constant 16 : i32
            %parallel_loop3A_219 = arith.muli %parallel_loop3A_217, %parallel_loop3A_218 : i32
            %parallel_loop3A_220 = arith.index_cast %parallel_loop3A_219 : i32 to index
            %parallel_loop3A_221 = tpu.vector_load %arg10[%parallel_loop3A_220] {strides = array<i32>} : memref<2064xi32, #tpu.memory_space<vmem>>, vector<16xi32>,
            tpu.vector_store %arg10[%parallel_loop3A_220], %parallel_loop3A_211 {strides = array<i32>} : memref<2064xi32, #tpu.memory_space<vmem>>, vector<16xi32>,
            scf.yield %parallel_loop3A_176, %parallel_loop3A_179, %parallel_loop3A_187, %parallel_loop3A_188, %parallel_loop3A_206, %parallel_loop3A_207 : i32, i32, f32, f32, vector<16xf32>, vector<16xi32>
          } {sc.loop_unroll_factor = 2 : i64, sc.parallel_access}
          %parallel_loop3A_139 = arith.constant 1 : i32
          %parallel_loop3A_140 = arith.subi %parallel_loop3A_82, %parallel_loop3A_139 : i32
          %parallel_loop3A_141 = arith.constant 16 : i32
          %parallel_loop3A_142 = arith.muli %parallel_loop3A_140, %parallel_loop3A_141 : i32
          %parallel_loop3A_143 = arith.index_cast %parallel_loop3A_142 : i32 to index
          %parallel_loop3A_144 = tpu.vector_load %arg9[%parallel_loop3A_143] {strides = array<i32>} : memref<2064xf32, #tpu.memory_space<vmem>>, vector<16xf32>,
          tpu.vector_store %arg9[%parallel_loop3A_143], %parallel_loop3A_138#4 {strides = array<i32>} : memref<2064xf32, #tpu.memory_space<vmem>>, vector<16xf32>,
          %parallel_loop3A_145 = arith.constant 1 : i32
          %parallel_loop3A_146 = arith.subi %parallel_loop3A_82, %parallel_loop3A_145 : i32
          %parallel_loop3A_147 = arith.constant 16 : i32
          %parallel_loop3A_148 = arith.muli %parallel_loop3A_146, %parallel_loop3A_147 : i32
          %parallel_loop3A_149 = arith.index_cast %parallel_loop3A_148 : i32 to index
          %parallel_loop3A_150 = tpu.vector_load %arg10[%parallel_loop3A_149] {strides = array<i32>} : memref<2064xi32, #tpu.memory_space<vmem>>, vector<16xi32>,
          tpu.vector_store %arg10[%parallel_loop3A_149], %parallel_loop3A_138#5 {strides = array<i32>} : memref<2064xi32, #tpu.memory_space<vmem>>, vector<16xi32>,
        }
      } {sc.loop_unroll_factor = 1 : i64, sc.parallel_access}
      %parallel_loop3A_65 = arith.constant 0 : i32
      %parallel_loop3A_66 = arith.constant 2 : i32
      %parallel_loop3A_67 = arith.constant 1 : i32
      "tpu.trace_stop"() : () -> ()
      "tpu.trace_start"() <{level = 10 : i32, message = "p7_merge_w32"}> : () -> ()
      scf.for %parallel_loop3A_76 = %parallel_loop3A_65 to %parallel_loop3A_66 step %parallel_loop3A_67  : i32 {
        %parallel_loop3A_77 = arith.constant 64 : i32
        %parallel_loop3A_78 = arith.muli %parallel_loop3A_76, %parallel_loop3A_77 : i32
        %parallel_loop3A_79 = arith.constant 32 : i32
        %parallel_loop3A_80 = arith.addi %parallel_loop3A_78, %parallel_loop3A_79 : i32
        %parallel_loop3A_81 = arith.constant 64 : i32
        %parallel_loop3A_82 = arith.addi %parallel_loop3A_78, %parallel_loop3A_81 : i32
        %parallel_loop3A_83 = arith.constant 16 : i32
        %parallel_loop3A_84 = arith.muli %parallel_loop3A_80, %parallel_loop3A_83 : i32
        %parallel_loop3A_85 = arith.index_cast %parallel_loop3A_84 : i32 to index
        %parallel_loop3A_86 = tpu.vector_load %arg9[%parallel_loop3A_85] {strides = array<i32>} : memref<2064xf32, #tpu.memory_space<vmem>>, vector<16xf32>,
        %parallel_loop3A_87 = vector.extract_strided_slice %parallel_loop3A_86 {offsets = [0], sizes = [1], strides = [1]} : vector<16xf32> to vector<1xf32>
        %parallel_loop3A_88 = vector.extract %parallel_loop3A_87[0] : f32 from vector<1xf32>
        %parallel_loop3A_89 = arith.constant 0xFF800000 : f32
        %parallel_loop3A_90 = arith.cmpf oeq, %parallel_loop3A_88, %parallel_loop3A_89 : f32
        %parallel_loop3A_91 = arith.extui %parallel_loop3A_90 : i1 to i32
        %parallel_loop3A_92 = arith.constant 0 : i32
        %parallel_loop3A_93 = arith.cmpi ne, %parallel_loop3A_91, %parallel_loop3A_92 : i32
        scf.if %parallel_loop3A_93 {
          %parallel_loop3A_94 = arith.constant 0 : i32
          %parallel_loop3A_95 = arith.constant 32 : i32
          %parallel_loop3A_96 = arith.constant 1 : i32
          scf.for %parallel_loop3A_100 = %parallel_loop3A_94 to %parallel_loop3A_95 step %parallel_loop3A_96  : i32 {
            %parallel_loop3A_101 = arith.addi %parallel_loop3A_78, %parallel_loop3A_100 : i32
            %parallel_loop3A_102 = arith.constant 16 : i32
            %parallel_loop3A_103 = arith.muli %parallel_loop3A_101, %parallel_loop3A_102 : i32
            %parallel_loop3A_104 = arith.index_cast %parallel_loop3A_103 : i32 to index
            %parallel_loop3A_105 = tpu.vector_load %arg9[%parallel_loop3A_104] {strides = array<i32>} : memref<2064xf32, #tpu.memory_space<vmem>>, vector<16xf32>,
            %parallel_loop3A_106 = arith.addi %parallel_loop3A_78, %parallel_loop3A_100 : i32
            %parallel_loop3A_107 = arith.constant 16 : i32
            %parallel_loop3A_108 = arith.muli %parallel_loop3A_106, %parallel_loop3A_107 : i32
            %parallel_loop3A_109 = arith.index_cast %parallel_loop3A_108 : i32 to index
            %parallel_loop3A_110 = tpu.vector_load %arg7[%parallel_loop3A_109] {strides = array<i32>} : memref<2064xf32, #tpu.memory_space<vmem>>, vector<16xf32>,
            tpu.vector_store %arg7[%parallel_loop3A_109], %parallel_loop3A_105 {strides = array<i32>} : memref<2064xf32, #tpu.memory_space<vmem>>, vector<16xf32>,
            %parallel_loop3A_111 = arith.addi %parallel_loop3A_78, %parallel_loop3A_100 : i32
            %parallel_loop3A_112 = arith.constant 16 : i32
            %parallel_loop3A_113 = arith.muli %parallel_loop3A_111, %parallel_loop3A_112 : i32
            %parallel_loop3A_114 = arith.index_cast %parallel_loop3A_113 : i32 to index
            %parallel_loop3A_115 = tpu.vector_load %arg10[%parallel_loop3A_114] {strides = array<i32>} : memref<2064xi32, #tpu.memory_space<vmem>>, vector<16xi32>,
            %parallel_loop3A_116 = arith.addi %parallel_loop3A_78, %parallel_loop3A_100 : i32
            %parallel_loop3A_117 = arith.constant 16 : i32
            %parallel_loop3A_118 = arith.muli %parallel_loop3A_116, %parallel_loop3A_117 : i32
            %parallel_loop3A_119 = arith.index_cast %parallel_loop3A_118 : i32 to index
            %parallel_loop3A_120 = tpu.vector_load %arg8[%parallel_loop3A_119] {strides = array<i32>} : memref<2064xi32, #tpu.memory_space<vmem>>, vector<16xi32>,
            tpu.vector_store %arg8[%parallel_loop3A_119], %parallel_loop3A_115 {strides = array<i32>} : memref<2064xi32, #tpu.memory_space<vmem>>, vector<16xi32>,
          } {sc.loop_unroll_factor = 4 : i64, sc.parallel_access}
          %parallel_loop3A_97 = arith.constant 0 : i32
          %parallel_loop3A_98 = arith.constant 32 : i32
          %parallel_loop3A_99 = arith.constant 1 : i32
          scf.for %parallel_loop3A_100 = %parallel_loop3A_97 to %parallel_loop3A_98 step %parallel_loop3A_99  : i32 {
            %parallel_loop3A_101 = arith.addi %parallel_loop3A_80, %parallel_loop3A_100 : i32
            %parallel_loop3A_102 = arith.constant 16 : i32
            %parallel_loop3A_103 = arith.muli %parallel_loop3A_101, %parallel_loop3A_102 : i32
            %parallel_loop3A_104 = arith.index_cast %parallel_loop3A_103 : i32 to index
            %parallel_loop3A_105 = tpu.vector_load %arg7[%parallel_loop3A_104] {strides = array<i32>} : memref<2064xf32, #tpu.memory_space<vmem>>, vector<16xf32>,
            tpu.vector_store %arg7[%parallel_loop3A_104], %broadcast_in_dim3A_5 {strides = array<i32>} : memref<2064xf32, #tpu.memory_space<vmem>>, vector<16xf32>,
            %parallel_loop3A_106 = arith.addi %parallel_loop3A_80, %parallel_loop3A_100 : i32
            %parallel_loop3A_107 = arith.constant 16 : i32
            %parallel_loop3A_108 = arith.muli %parallel_loop3A_106, %parallel_loop3A_107 : i32
            %parallel_loop3A_109 = arith.index_cast %parallel_loop3A_108 : i32 to index
            %parallel_loop3A_110 = tpu.vector_load %arg8[%parallel_loop3A_109] {strides = array<i32>} : memref<2064xi32, #tpu.memory_space<vmem>>, vector<16xi32>,
            tpu.vector_store %arg8[%parallel_loop3A_109], %broadcast_in_dim3A_3 {strides = array<i32>} : memref<2064xi32, #tpu.memory_space<vmem>>, vector<16xi32>,
          } {sc.loop_unroll_factor = 4 : i64, sc.parallel_access}
        } else {
          %parallel_loop3A_94 = arith.constant 16 : i32
          %parallel_loop3A_95 = arith.muli %parallel_loop3A_78, %parallel_loop3A_94 : i32
          %parallel_loop3A_96 = arith.index_cast %parallel_loop3A_95 : i32 to index
          %parallel_loop3A_97 = tpu.vector_load %arg9[%parallel_loop3A_96] {strides = array<i32>} : memref<2064xf32, #tpu.memory_space<vmem>>, vector<16xf32>,
          %parallel_loop3A_98 = arith.constant 16 : i32
          %parallel_loop3A_99 = arith.muli %parallel_loop3A_80, %parallel_loop3A_98 : i32
          %parallel_loop3A_100 = arith.index_cast %parallel_loop3A_99 : i32 to index
          %parallel_loop3A_101 = tpu.vector_load %arg9[%parallel_loop3A_100] {strides = array<i32>} : memref<2064xf32, #tpu.memory_space<vmem>>, vector<16xf32>,
          %parallel_loop3A_102 = vector.extract_strided_slice %parallel_loop3A_97 {offsets = [0], sizes = [1], strides = [1]} : vector<16xf32> to vector<1xf32>
          %parallel_loop3A_103 = vector.extract %parallel_loop3A_102[0] : f32 from vector<1xf32>
          %parallel_loop3A_104 = vector.extract_strided_slice %parallel_loop3A_101 {offsets = [0], sizes = [1], strides = [1]} : vector<16xf32> to vector<1xf32>
          %parallel_loop3A_105 = vector.extract %parallel_loop3A_104[0] : f32 from vector<1xf32>
          %parallel_loop3A_106 = arith.cmpf oge, %parallel_loop3A_103, %parallel_loop3A_105 : f32
          %parallel_loop3A_107 = arith.select %parallel_loop3A_106, %parallel_loop3A_97, %parallel_loop3A_101 : vector<16xf32>
          %parallel_loop3A_108 = arith.constant 16 : i32
          %parallel_loop3A_109 = arith.muli %parallel_loop3A_78, %parallel_loop3A_108 : i32
          %parallel_loop3A_110 = arith.index_cast %parallel_loop3A_109 : i32 to index
          %parallel_loop3A_111 = tpu.vector_load %arg10[%parallel_loop3A_110] {strides = array<i32>} : memref<2064xi32, #tpu.memory_space<vmem>>, vector<16xi32>,
          %parallel_loop3A_112 = arith.constant 16 : i32
          %parallel_loop3A_113 = arith.muli %parallel_loop3A_80, %parallel_loop3A_112 : i32
          %parallel_loop3A_114 = arith.index_cast %parallel_loop3A_113 : i32 to index
          %parallel_loop3A_115 = tpu.vector_load %arg10[%parallel_loop3A_114] {strides = array<i32>} : memref<2064xi32, #tpu.memory_space<vmem>>, vector<16xi32>,
          %parallel_loop3A_116 = arith.select %parallel_loop3A_106, %parallel_loop3A_111, %parallel_loop3A_115 : vector<16xi32>
          %parallel_loop3A_117 = arith.constant 1 : i32
          %parallel_loop3A_118 = arith.addi %parallel_loop3A_78, %parallel_loop3A_117 : i32
          %parallel_loop3A_119 = arith.select %parallel_loop3A_106, %parallel_loop3A_118, %parallel_loop3A_78 : i32
          %parallel_loop3A_120 = arith.constant 1 : i32
          %parallel_loop3A_121 = arith.addi %parallel_loop3A_80, %parallel_loop3A_120 : i32
          %parallel_loop3A_122 = arith.select %parallel_loop3A_106, %parallel_loop3A_80, %parallel_loop3A_121 : i32
          %parallel_loop3A_123 = arith.constant 16 : i32
          %parallel_loop3A_124 = arith.muli %parallel_loop3A_119, %parallel_loop3A_123 : i32
          %parallel_loop3A_125 = arith.index_cast %parallel_loop3A_124 : i32 to index
          %parallel_loop3A_126 = tpu.vector_load %arg9[%parallel_loop3A_125] {strides = array<i32>} : memref<2064xf32, #tpu.memory_space<vmem>>, vector<16xf32>,
          %parallel_loop3A_127 = vector.extract_strided_slice %parallel_loop3A_126 {offsets = [0], sizes = [1], strides = [1]} : vector<16xf32> to vector<1xf32>
          %parallel_loop3A_128 = vector.extract %parallel_loop3A_127[0] : f32 from vector<1xf32>
          %parallel_loop3A_129 = arith.constant 16 : i32
          %parallel_loop3A_130 = arith.muli %parallel_loop3A_122, %parallel_loop3A_129 : i32
          %parallel_loop3A_131 = arith.index_cast %parallel_loop3A_130 : i32 to index
          %parallel_loop3A_132 = tpu.vector_load %arg9[%parallel_loop3A_131] {strides = array<i32>} : memref<2064xf32, #tpu.memory_space<vmem>>, vector<16xf32>,
          %parallel_loop3A_133 = vector.extract_strided_slice %parallel_loop3A_132 {offsets = [0], sizes = [1], strides = [1]} : vector<16xf32> to vector<1xf32>
          %parallel_loop3A_134 = vector.extract %parallel_loop3A_133[0] : f32 from vector<1xf32>
          %parallel_loop3A_135 = arith.constant 0 : i32
          %parallel_loop3A_136 = arith.constant 63 : i32
          %parallel_loop3A_137 = arith.constant 1 : i32
          %parallel_loop3A_138:6 = scf.for %parallel_loop3A_151 = %parallel_loop3A_135 to %parallel_loop3A_136 step %parallel_loop3A_137 iter_args(%parallel_loop3A_152 = %parallel_loop3A_119, %parallel_loop3A_153 = %parallel_loop3A_122, %parallel_loop3A_154 = %parallel_loop3A_128, %parallel_loop3A_155 = %parallel_loop3A_134, %parallel_loop3A_156 = %parallel_loop3A_107, %parallel_loop3A_157 = %parallel_loop3A_116) -> (i32, i32, f32, f32, vector<16xf32>, vector<16xi32>)  : i32 {
            %parallel_loop3A_158 = arith.cmpi slt, %parallel_loop3A_152, %parallel_loop3A_80 : i32
            %parallel_loop3A_159 = arith.cmpi slt, %parallel_loop3A_153, %parallel_loop3A_82 : i32
            %parallel_loop3A_160 = arith.constant true
            %parallel_loop3A_161 = arith.xori %parallel_loop3A_159, %parallel_loop3A_160 : i1
            %parallel_loop3A_162 = arith.cmpf oge, %parallel_loop3A_154, %parallel_loop3A_155 : f32
            %parallel_loop3A_163 = arith.ori %parallel_loop3A_161, %parallel_loop3A_162 : i1
            %parallel_loop3A_164 = arith.andi %parallel_loop3A_158, %parallel_loop3A_163 : i1
            %parallel_loop3A_165 = arith.select %parallel_loop3A_164, %parallel_loop3A_152, %parallel_loop3A_153 : i32
            %parallel_loop3A_166 = arith.constant 16 : i32
            %parallel_loop3A_167 = arith.muli %parallel_loop3A_165, %parallel_loop3A_166 : i32
            %parallel_loop3A_168 = arith.index_cast %parallel_loop3A_167 : i32 to index
            %parallel_loop3A_169 = tpu.vector_load %arg9[%parallel_loop3A_168] {strides = array<i32>} : memref<2064xf32, #tpu.memory_space<vmem>>, vector<16xf32>,
            %parallel_loop3A_170 = arith.constant 16 : i32
            %parallel_loop3A_171 = arith.muli %parallel_loop3A_165, %parallel_loop3A_170 : i32
            %parallel_loop3A_172 = arith.index_cast %parallel_loop3A_171 : i32 to index
            %parallel_loop3A_173 = tpu.vector_load %arg10[%parallel_loop3A_172] {strides = array<i32>} : memref<2064xi32, #tpu.memory_space<vmem>>, vector<16xi32>,
            %parallel_loop3A_174 = arith.constant 1 : i32
            %parallel_loop3A_175 = arith.addi %parallel_loop3A_152, %parallel_loop3A_174 : i32
            %parallel_loop3A_176 = arith.select %parallel_loop3A_164, %parallel_loop3A_175, %parallel_loop3A_152 : i32
            %parallel_loop3A_177 = arith.constant 1 : i32
            %parallel_loop3A_178 = arith.addi %parallel_loop3A_153, %parallel_loop3A_177 : i32
            %parallel_loop3A_179 = arith.select %parallel_loop3A_164, %parallel_loop3A_153, %parallel_loop3A_178 : i32
            %parallel_loop3A_180 = arith.select %parallel_loop3A_164, %parallel_loop3A_176, %parallel_loop3A_179 : i32
            %parallel_loop3A_181 = arith.constant 16 : i32
            %parallel_loop3A_182 = arith.muli %parallel_loop3A_180, %parallel_loop3A_181 : i32
            %parallel_loop3A_183 = arith.index_cast %parallel_loop3A_182 : i32 to index
            %parallel_loop3A_184 = tpu.vector_load %arg9[%parallel_loop3A_183] {strides = array<i32>} : memref<2064xf32, #tpu.memory_space<vmem>>, vector<16xf32>,
            %parallel_loop3A_185 = vector.extract_strided_slice %parallel_loop3A_184 {offsets = [0], sizes = [1], strides = [1]} : vector<16xf32> to vector<1xf32>
            %parallel_loop3A_186 = vector.extract %parallel_loop3A_185[0] : f32 from vector<1xf32>
            %parallel_loop3A_187 = arith.select %parallel_loop3A_164, %parallel_loop3A_186, %parallel_loop3A_154 : f32
            %parallel_loop3A_188 = arith.select %parallel_loop3A_164, %parallel_loop3A_155, %parallel_loop3A_186 : f32
            %parallel_loop3A_189 = arith.constant 15 : i32
            %parallel_loop3A_190 = vector.broadcast %parallel_loop3A_189 : i32 to vector<16xi32>
            %parallel_loop3A_191 = tpu.iota {dimensions = array<i32: 0>} : vector<16xi32>
            %parallel_loop3A_192 = arith.subi %parallel_loop3A_190, %parallel_loop3A_191 : vector<16xi32>
            %parallel_loop3A_193 = tpu.dynamic_gather %parallel_loop3A_169[%parallel_loop3A_192] in [0] : vector<16xf32>, vector<16xi32> -> vector<16xf32>
            %parallel_loop3A_194 = arith.constant 15 : i32
            %parallel_loop3A_195 = vector.broadcast %parallel_loop3A_194 : i32 to vector<16xi32>
            %parallel_loop3A_196 = tpu.iota {dimensions = array<i32: 0>} : vector<16xi32>
            %parallel_loop3A_197 = arith.subi %parallel_loop3A_195, %parallel_loop3A_196 : vector<16xi32>
            %parallel_loop3A_198 = tpu.dynamic_gather %parallel_loop3A_173[%parallel_loop3A_197] in [0] : vector<16xi32>, vector<16xi32> -> vector<16xi32>
            %parallel_loop3A_199 = arith.cmpf oge, %parallel_loop3A_156, %parallel_loop3A_193 : vector<16xf32>
            %parallel_loop3A_200 = arith.select %parallel_loop3A_199, %parallel_loop3A_156, %parallel_loop3A_193 : vector<16xi1>, vector<16xf32>
            %parallel_loop3A_201 = arith.select %parallel_loop3A_199, %parallel_loop3A_157, %parallel_loop3A_198 : vector<16xi1>, vector<16xi32>
            %parallel_loop3A_202 = arith.select %parallel_loop3A_199, %parallel_loop3A_193, %parallel_loop3A_156 : vector<16xi1>, vector<16xf32>
            %parallel_loop3A_203 = arith.select %parallel_loop3A_199, %parallel_loop3A_198, %parallel_loop3A_157 : vector<16xi1>, vector<16xi32>
            %parallel_loop3A_204 = arith.constant dense<true> : vector<16xi1>
            %parallel_loop3A_205, %parallel_loop3A_206, %parallel_loop3A_207 = tpu.sort %parallel_loop3A_202, %parallel_loop3A_203 masked %parallel_loop3A_204 {descending = true} : (vector<16xf32>, vector<16xi32>, vector<16xi1>) -> (vector<16xi1>, vector<16xf32>, vector<16xi32>)
            %parallel_loop3A_208 = arith.constant dense<true> : vector<16xi1>
            %parallel_loop3A_209, %parallel_loop3A_210, %parallel_loop3A_211 = tpu.sort %parallel_loop3A_200, %parallel_loop3A_201 masked %parallel_loop3A_208 {descending = true} : (vector<16xf32>, vector<16xi32>, vector<16xi1>) -> (vector<16xi1>, vector<16xf32>, vector<16xi32>)
            %parallel_loop3A_212 = arith.addi %parallel_loop3A_78, %parallel_loop3A_151 : i32
            %parallel_loop3A_213 = arith.constant 16 : i32
            %parallel_loop3A_214 = arith.muli %parallel_loop3A_212, %parallel_loop3A_213 : i32
            %parallel_loop3A_215 = arith.index_cast %parallel_loop3A_214 : i32 to index
            %parallel_loop3A_216 = tpu.vector_load %arg7[%parallel_loop3A_215] {strides = array<i32>} : memref<2064xf32, #tpu.memory_space<vmem>>, vector<16xf32>,
            tpu.vector_store %arg7[%parallel_loop3A_215], %parallel_loop3A_210 {strides = array<i32>} : memref<2064xf32, #tpu.memory_space<vmem>>, vector<16xf32>,
            %parallel_loop3A_217 = arith.addi %parallel_loop3A_78, %parallel_loop3A_151 : i32
            %parallel_loop3A_218 = arith.constant 16 : i32
            %parallel_loop3A_219 = arith.muli %parallel_loop3A_217, %parallel_loop3A_218 : i32
            %parallel_loop3A_220 = arith.index_cast %parallel_loop3A_219 : i32 to index
            %parallel_loop3A_221 = tpu.vector_load %arg8[%parallel_loop3A_220] {strides = array<i32>} : memref<2064xi32, #tpu.memory_space<vmem>>, vector<16xi32>,
            tpu.vector_store %arg8[%parallel_loop3A_220], %parallel_loop3A_211 {strides = array<i32>} : memref<2064xi32, #tpu.memory_space<vmem>>, vector<16xi32>,
            scf.yield %parallel_loop3A_176, %parallel_loop3A_179, %parallel_loop3A_187, %parallel_loop3A_188, %parallel_loop3A_206, %parallel_loop3A_207 : i32, i32, f32, f32, vector<16xf32>, vector<16xi32>
          } {sc.loop_unroll_factor = 2 : i64, sc.parallel_access}
          %parallel_loop3A_139 = arith.constant 1 : i32
          %parallel_loop3A_140 = arith.subi %parallel_loop3A_82, %parallel_loop3A_139 : i32
          %parallel_loop3A_141 = arith.constant 16 : i32
          %parallel_loop3A_142 = arith.muli %parallel_loop3A_140, %parallel_loop3A_141 : i32
          %parallel_loop3A_143 = arith.index_cast %parallel_loop3A_142 : i32 to index
          %parallel_loop3A_144 = tpu.vector_load %arg7[%parallel_loop3A_143] {strides = array<i32>} : memref<2064xf32, #tpu.memory_space<vmem>>, vector<16xf32>,
          tpu.vector_store %arg7[%parallel_loop3A_143], %parallel_loop3A_138#4 {strides = array<i32>} : memref<2064xf32, #tpu.memory_space<vmem>>, vector<16xf32>,
          %parallel_loop3A_145 = arith.constant 1 : i32
          %parallel_loop3A_146 = arith.subi %parallel_loop3A_82, %parallel_loop3A_145 : i32
          %parallel_loop3A_147 = arith.constant 16 : i32
          %parallel_loop3A_148 = arith.muli %parallel_loop3A_146, %parallel_loop3A_147 : i32
          %parallel_loop3A_149 = arith.index_cast %parallel_loop3A_148 : i32 to index
          %parallel_loop3A_150 = tpu.vector_load %arg8[%parallel_loop3A_149] {strides = array<i32>} : memref<2064xi32, #tpu.memory_space<vmem>>, vector<16xi32>,
          tpu.vector_store %arg8[%parallel_loop3A_149], %parallel_loop3A_138#5 {strides = array<i32>} : memref<2064xi32, #tpu.memory_space<vmem>>, vector<16xi32>,
        }
      } {sc.loop_unroll_factor = 1 : i64, sc.parallel_access}
      %parallel_loop3A_68 = arith.constant 0 : i32
      %parallel_loop3A_69 = arith.constant 1 : i32
      %parallel_loop3A_70 = arith.constant 1 : i32
      "tpu.trace_stop"() : () -> ()
      "tpu.trace_start"() <{level = 10 : i32, message = "p7_merge_w64"}> : () -> ()
      scf.for %parallel_loop3A_76 = %parallel_loop3A_68 to %parallel_loop3A_69 step %parallel_loop3A_70  : i32 {
        %parallel_loop3A_77 = arith.constant 128 : i32
        %parallel_loop3A_78 = arith.muli %parallel_loop3A_76, %parallel_loop3A_77 : i32
        %parallel_loop3A_79 = arith.constant 64 : i32
        %parallel_loop3A_80 = arith.addi %parallel_loop3A_78, %parallel_loop3A_79 : i32
        %parallel_loop3A_81 = arith.constant 128 : i32
        %parallel_loop3A_82 = arith.addi %parallel_loop3A_78, %parallel_loop3A_81 : i32
        %parallel_loop3A_83 = arith.constant 16 : i32
        %parallel_loop3A_84 = arith.muli %parallel_loop3A_80, %parallel_loop3A_83 : i32
        %parallel_loop3A_85 = arith.index_cast %parallel_loop3A_84 : i32 to index
        %parallel_loop3A_86 = tpu.vector_load %arg7[%parallel_loop3A_85] {strides = array<i32>} : memref<2064xf32, #tpu.memory_space<vmem>>, vector<16xf32>,
        %parallel_loop3A_87 = vector.extract_strided_slice %parallel_loop3A_86 {offsets = [0], sizes = [1], strides = [1]} : vector<16xf32> to vector<1xf32>
        %parallel_loop3A_88 = vector.extract %parallel_loop3A_87[0] : f32 from vector<1xf32>
        %parallel_loop3A_89 = arith.constant 0xFF800000 : f32
        %parallel_loop3A_90 = arith.cmpf oeq, %parallel_loop3A_88, %parallel_loop3A_89 : f32
        %parallel_loop3A_91 = arith.extui %parallel_loop3A_90 : i1 to i32
        %parallel_loop3A_92 = arith.constant 0 : i32
        %parallel_loop3A_93 = arith.cmpi ne, %parallel_loop3A_91, %parallel_loop3A_92 : i32
        scf.if %parallel_loop3A_93 {
          %parallel_loop3A_94 = arith.constant 0 : i32
          %parallel_loop3A_95 = arith.constant 64 : i32
          %parallel_loop3A_96 = arith.constant 1 : i32
          scf.for %parallel_loop3A_97 = %parallel_loop3A_94 to %parallel_loop3A_95 step %parallel_loop3A_96  : i32 {
            %parallel_loop3A_98 = arith.addi %parallel_loop3A_78, %parallel_loop3A_97 : i32
            %parallel_loop3A_99 = arith.constant 16 : i32
            %parallel_loop3A_100 = arith.muli %parallel_loop3A_98, %parallel_loop3A_99 : i32
            %parallel_loop3A_101 = arith.index_cast %parallel_loop3A_100 : i32 to index
            %parallel_loop3A_102 = tpu.vector_load %arg7[%parallel_loop3A_101] {strides = array<i32>} : memref<2064xf32, #tpu.memory_space<vmem>>, vector<16xf32>,
            %parallel_loop3A_103 = arith.addi %parallel_loop3A_78, %parallel_loop3A_97 : i32
            %parallel_loop3A_104 = arith.constant 16 : i32
            %parallel_loop3A_105 = arith.muli %parallel_loop3A_103, %parallel_loop3A_104 : i32
            %parallel_loop3A_106 = arith.index_cast %parallel_loop3A_105 : i32 to index
            %parallel_loop3A_107 = tpu.vector_load %arg9[%parallel_loop3A_106] {strides = array<i32>} : memref<2064xf32, #tpu.memory_space<vmem>>, vector<16xf32>,
            tpu.vector_store %arg9[%parallel_loop3A_106], %parallel_loop3A_102 {strides = array<i32>} : memref<2064xf32, #tpu.memory_space<vmem>>, vector<16xf32>,
            %parallel_loop3A_108 = arith.addi %parallel_loop3A_78, %parallel_loop3A_97 : i32
            %parallel_loop3A_109 = arith.constant 16 : i32
            %parallel_loop3A_110 = arith.muli %parallel_loop3A_108, %parallel_loop3A_109 : i32
            %parallel_loop3A_111 = arith.index_cast %parallel_loop3A_110 : i32 to index
            %parallel_loop3A_112 = tpu.vector_load %arg8[%parallel_loop3A_111] {strides = array<i32>} : memref<2064xi32, #tpu.memory_space<vmem>>, vector<16xi32>,
            %parallel_loop3A_113 = arith.addi %parallel_loop3A_78, %parallel_loop3A_97 : i32
            %parallel_loop3A_114 = arith.constant 16 : i32
            %parallel_loop3A_115 = arith.muli %parallel_loop3A_113, %parallel_loop3A_114 : i32
            %parallel_loop3A_116 = arith.index_cast %parallel_loop3A_115 : i32 to index
            %parallel_loop3A_117 = tpu.vector_load %arg10[%parallel_loop3A_116] {strides = array<i32>} : memref<2064xi32, #tpu.memory_space<vmem>>, vector<16xi32>,
            tpu.vector_store %arg10[%parallel_loop3A_116], %parallel_loop3A_112 {strides = array<i32>} : memref<2064xi32, #tpu.memory_space<vmem>>, vector<16xi32>,
          } {sc.loop_unroll_factor = 4 : i64, sc.parallel_access}
        } else {
          %parallel_loop3A_94 = arith.constant 16 : i32
          %parallel_loop3A_95 = arith.muli %parallel_loop3A_78, %parallel_loop3A_94 : i32
          %parallel_loop3A_96 = arith.index_cast %parallel_loop3A_95 : i32 to index
          %parallel_loop3A_97 = tpu.vector_load %arg7[%parallel_loop3A_96] {strides = array<i32>} : memref<2064xf32, #tpu.memory_space<vmem>>, vector<16xf32>,
          %parallel_loop3A_98 = arith.constant 16 : i32
          %parallel_loop3A_99 = arith.muli %parallel_loop3A_80, %parallel_loop3A_98 : i32
          %parallel_loop3A_100 = arith.index_cast %parallel_loop3A_99 : i32 to index
          %parallel_loop3A_101 = tpu.vector_load %arg7[%parallel_loop3A_100] {strides = array<i32>} : memref<2064xf32, #tpu.memory_space<vmem>>, vector<16xf32>,
          %parallel_loop3A_102 = vector.extract_strided_slice %parallel_loop3A_97 {offsets = [0], sizes = [1], strides = [1]} : vector<16xf32> to vector<1xf32>
          %parallel_loop3A_103 = vector.extract %parallel_loop3A_102[0] : f32 from vector<1xf32>
          %parallel_loop3A_104 = vector.extract_strided_slice %parallel_loop3A_101 {offsets = [0], sizes = [1], strides = [1]} : vector<16xf32> to vector<1xf32>
          %parallel_loop3A_105 = vector.extract %parallel_loop3A_104[0] : f32 from vector<1xf32>
          %parallel_loop3A_106 = arith.cmpf oge, %parallel_loop3A_103, %parallel_loop3A_105 : f32
          %parallel_loop3A_107 = arith.select %parallel_loop3A_106, %parallel_loop3A_97, %parallel_loop3A_101 : vector<16xf32>
          %parallel_loop3A_108 = arith.constant 16 : i32
          %parallel_loop3A_109 = arith.muli %parallel_loop3A_78, %parallel_loop3A_108 : i32
          %parallel_loop3A_110 = arith.index_cast %parallel_loop3A_109 : i32 to index
          %parallel_loop3A_111 = tpu.vector_load %arg8[%parallel_loop3A_110] {strides = array<i32>} : memref<2064xi32, #tpu.memory_space<vmem>>, vector<16xi32>,
          %parallel_loop3A_112 = arith.constant 16 : i32
          %parallel_loop3A_113 = arith.muli %parallel_loop3A_80, %parallel_loop3A_112 : i32
          %parallel_loop3A_114 = arith.index_cast %parallel_loop3A_113 : i32 to index
          %parallel_loop3A_115 = tpu.vector_load %arg8[%parallel_loop3A_114] {strides = array<i32>} : memref<2064xi32, #tpu.memory_space<vmem>>, vector<16xi32>,
          %parallel_loop3A_116 = arith.select %parallel_loop3A_106, %parallel_loop3A_111, %parallel_loop3A_115 : vector<16xi32>
          %parallel_loop3A_117 = arith.constant 1 : i32
          %parallel_loop3A_118 = arith.addi %parallel_loop3A_78, %parallel_loop3A_117 : i32
          %parallel_loop3A_119 = arith.select %parallel_loop3A_106, %parallel_loop3A_118, %parallel_loop3A_78 : i32
          %parallel_loop3A_120 = arith.constant 1 : i32
          %parallel_loop3A_121 = arith.addi %parallel_loop3A_80, %parallel_loop3A_120 : i32
          %parallel_loop3A_122 = arith.select %parallel_loop3A_106, %parallel_loop3A_80, %parallel_loop3A_121 : i32
          %parallel_loop3A_123 = arith.constant 16 : i32
          %parallel_loop3A_124 = arith.muli %parallel_loop3A_119, %parallel_loop3A_123 : i32
          %parallel_loop3A_125 = arith.index_cast %parallel_loop3A_124 : i32 to index
          %parallel_loop3A_126 = tpu.vector_load %arg7[%parallel_loop3A_125] {strides = array<i32>} : memref<2064xf32, #tpu.memory_space<vmem>>, vector<16xf32>,
          %parallel_loop3A_127 = vector.extract_strided_slice %parallel_loop3A_126 {offsets = [0], sizes = [1], strides = [1]} : vector<16xf32> to vector<1xf32>
          %parallel_loop3A_128 = vector.extract %parallel_loop3A_127[0] : f32 from vector<1xf32>
          %parallel_loop3A_129 = arith.constant 16 : i32
          %parallel_loop3A_130 = arith.muli %parallel_loop3A_122, %parallel_loop3A_129 : i32
          %parallel_loop3A_131 = arith.index_cast %parallel_loop3A_130 : i32 to index
          %parallel_loop3A_132 = tpu.vector_load %arg7[%parallel_loop3A_131] {strides = array<i32>} : memref<2064xf32, #tpu.memory_space<vmem>>, vector<16xf32>,
          %parallel_loop3A_133 = vector.extract_strided_slice %parallel_loop3A_132 {offsets = [0], sizes = [1], strides = [1]} : vector<16xf32> to vector<1xf32>
          %parallel_loop3A_134 = vector.extract %parallel_loop3A_133[0] : f32 from vector<1xf32>
          %parallel_loop3A_135 = arith.constant 0 : i32
          %parallel_loop3A_136 = arith.constant 64 : i32
          %parallel_loop3A_137 = arith.constant 1 : i32
          %parallel_loop3A_138:6 = scf.for %parallel_loop3A_139 = %parallel_loop3A_135 to %parallel_loop3A_136 step %parallel_loop3A_137 iter_args(%parallel_loop3A_140 = %parallel_loop3A_119, %parallel_loop3A_141 = %parallel_loop3A_122, %parallel_loop3A_142 = %parallel_loop3A_128, %parallel_loop3A_143 = %parallel_loop3A_134, %parallel_loop3A_144 = %parallel_loop3A_107, %parallel_loop3A_145 = %parallel_loop3A_116) -> (i32, i32, f32, f32, vector<16xf32>, vector<16xi32>)  : i32 {
            %parallel_loop3A_146 = arith.cmpi slt, %parallel_loop3A_140, %parallel_loop3A_80 : i32
            %parallel_loop3A_147 = arith.cmpi slt, %parallel_loop3A_141, %parallel_loop3A_82 : i32
            %parallel_loop3A_148 = arith.constant true
            %parallel_loop3A_149 = arith.xori %parallel_loop3A_147, %parallel_loop3A_148 : i1
            %parallel_loop3A_150 = arith.cmpf oge, %parallel_loop3A_142, %parallel_loop3A_143 : f32
            %parallel_loop3A_151 = arith.ori %parallel_loop3A_149, %parallel_loop3A_150 : i1
            %parallel_loop3A_152 = arith.andi %parallel_loop3A_146, %parallel_loop3A_151 : i1
            %parallel_loop3A_153 = arith.select %parallel_loop3A_152, %parallel_loop3A_140, %parallel_loop3A_141 : i32
            %parallel_loop3A_154 = arith.constant 16 : i32
            %parallel_loop3A_155 = arith.muli %parallel_loop3A_153, %parallel_loop3A_154 : i32
            %parallel_loop3A_156 = arith.index_cast %parallel_loop3A_155 : i32 to index
            %parallel_loop3A_157 = tpu.vector_load %arg7[%parallel_loop3A_156] {strides = array<i32>} : memref<2064xf32, #tpu.memory_space<vmem>>, vector<16xf32>,
            %parallel_loop3A_158 = arith.constant 16 : i32
            %parallel_loop3A_159 = arith.muli %parallel_loop3A_153, %parallel_loop3A_158 : i32
            %parallel_loop3A_160 = arith.index_cast %parallel_loop3A_159 : i32 to index
            %parallel_loop3A_161 = tpu.vector_load %arg8[%parallel_loop3A_160] {strides = array<i32>} : memref<2064xi32, #tpu.memory_space<vmem>>, vector<16xi32>,
            %parallel_loop3A_162 = arith.constant 1 : i32
            %parallel_loop3A_163 = arith.addi %parallel_loop3A_140, %parallel_loop3A_162 : i32
            %parallel_loop3A_164 = arith.select %parallel_loop3A_152, %parallel_loop3A_163, %parallel_loop3A_140 : i32
            %parallel_loop3A_165 = arith.constant 1 : i32
            %parallel_loop3A_166 = arith.addi %parallel_loop3A_141, %parallel_loop3A_165 : i32
            %parallel_loop3A_167 = arith.select %parallel_loop3A_152, %parallel_loop3A_141, %parallel_loop3A_166 : i32
            %parallel_loop3A_168 = arith.select %parallel_loop3A_152, %parallel_loop3A_164, %parallel_loop3A_167 : i32
            %parallel_loop3A_169 = arith.constant 16 : i32
            %parallel_loop3A_170 = arith.muli %parallel_loop3A_168, %parallel_loop3A_169 : i32
            %parallel_loop3A_171 = arith.index_cast %parallel_loop3A_170 : i32 to index
            %parallel_loop3A_172 = tpu.vector_load %arg7[%parallel_loop3A_171] {strides = array<i32>} : memref<2064xf32, #tpu.memory_space<vmem>>, vector<16xf32>,
            %parallel_loop3A_173 = vector.extract_strided_slice %parallel_loop3A_172 {offsets = [0], sizes = [1], strides = [1]} : vector<16xf32> to vector<1xf32>
            %parallel_loop3A_174 = vector.extract %parallel_loop3A_173[0] : f32 from vector<1xf32>
            %parallel_loop3A_175 = arith.select %parallel_loop3A_152, %parallel_loop3A_174, %parallel_loop3A_142 : f32
            %parallel_loop3A_176 = arith.select %parallel_loop3A_152, %parallel_loop3A_143, %parallel_loop3A_174 : f32
            %parallel_loop3A_177 = arith.constant 15 : i32
            %parallel_loop3A_178 = vector.broadcast %parallel_loop3A_177 : i32 to vector<16xi32>
            %parallel_loop3A_179 = tpu.iota {dimensions = array<i32: 0>} : vector<16xi32>
            %parallel_loop3A_180 = arith.subi %parallel_loop3A_178, %parallel_loop3A_179 : vector<16xi32>
            %parallel_loop3A_181 = tpu.dynamic_gather %parallel_loop3A_157[%parallel_loop3A_180] in [0] : vector<16xf32>, vector<16xi32> -> vector<16xf32>
            %parallel_loop3A_182 = arith.constant 15 : i32
            %parallel_loop3A_183 = vector.broadcast %parallel_loop3A_182 : i32 to vector<16xi32>
            %parallel_loop3A_184 = tpu.iota {dimensions = array<i32: 0>} : vector<16xi32>
            %parallel_loop3A_185 = arith.subi %parallel_loop3A_183, %parallel_loop3A_184 : vector<16xi32>
            %parallel_loop3A_186 = tpu.dynamic_gather %parallel_loop3A_161[%parallel_loop3A_185] in [0] : vector<16xi32>, vector<16xi32> -> vector<16xi32>
            %parallel_loop3A_187 = arith.cmpf oge, %parallel_loop3A_144, %parallel_loop3A_181 : vector<16xf32>
            %parallel_loop3A_188 = arith.select %parallel_loop3A_187, %parallel_loop3A_144, %parallel_loop3A_181 : vector<16xi1>, vector<16xf32>
            %parallel_loop3A_189 = arith.select %parallel_loop3A_187, %parallel_loop3A_145, %parallel_loop3A_186 : vector<16xi1>, vector<16xi32>
            %parallel_loop3A_190 = arith.select %parallel_loop3A_187, %parallel_loop3A_181, %parallel_loop3A_144 : vector<16xi1>, vector<16xf32>
            %parallel_loop3A_191 = arith.select %parallel_loop3A_187, %parallel_loop3A_186, %parallel_loop3A_145 : vector<16xi1>, vector<16xi32>
            %parallel_loop3A_192 = arith.constant dense<true> : vector<16xi1>
            %parallel_loop3A_193, %parallel_loop3A_194, %parallel_loop3A_195 = tpu.sort %parallel_loop3A_190, %parallel_loop3A_191 masked %parallel_loop3A_192 {descending = true} : (vector<16xf32>, vector<16xi32>, vector<16xi1>) -> (vector<16xi1>, vector<16xf32>, vector<16xi32>)
            %parallel_loop3A_196 = arith.constant dense<true> : vector<16xi1>
            %parallel_loop3A_197, %parallel_loop3A_198, %parallel_loop3A_199 = tpu.sort %parallel_loop3A_188, %parallel_loop3A_189 masked %parallel_loop3A_196 {descending = true} : (vector<16xf32>, vector<16xi32>, vector<16xi1>) -> (vector<16xi1>, vector<16xf32>, vector<16xi32>)
            %parallel_loop3A_200 = arith.addi %parallel_loop3A_78, %parallel_loop3A_139 : i32
            %parallel_loop3A_201 = arith.constant 16 : i32
            %parallel_loop3A_202 = arith.muli %parallel_loop3A_200, %parallel_loop3A_201 : i32
            %parallel_loop3A_203 = arith.index_cast %parallel_loop3A_202 : i32 to index
            %parallel_loop3A_204 = tpu.vector_load %arg9[%parallel_loop3A_203] {strides = array<i32>} : memref<2064xf32, #tpu.memory_space<vmem>>, vector<16xf32>,
            tpu.vector_store %arg9[%parallel_loop3A_203], %parallel_loop3A_198 {strides = array<i32>} : memref<2064xf32, #tpu.memory_space<vmem>>, vector<16xf32>,
            %parallel_loop3A_205 = arith.addi %parallel_loop3A_78, %parallel_loop3A_139 : i32
            %parallel_loop3A_206 = arith.constant 16 : i32
            %parallel_loop3A_207 = arith.muli %parallel_loop3A_205, %parallel_loop3A_206 : i32
            %parallel_loop3A_208 = arith.index_cast %parallel_loop3A_207 : i32 to index
            %parallel_loop3A_209 = tpu.vector_load %arg10[%parallel_loop3A_208] {strides = array<i32>} : memref<2064xi32, #tpu.memory_space<vmem>>, vector<16xi32>,
            tpu.vector_store %arg10[%parallel_loop3A_208], %parallel_loop3A_199 {strides = array<i32>} : memref<2064xi32, #tpu.memory_space<vmem>>, vector<16xi32>,
            scf.yield %parallel_loop3A_164, %parallel_loop3A_167, %parallel_loop3A_175, %parallel_loop3A_176, %parallel_loop3A_194, %parallel_loop3A_195 : i32, i32, f32, f32, vector<16xf32>, vector<16xi32>
          } {sc.loop_unroll_factor = 2 : i64, sc.parallel_access}
        }
      } {sc.loop_unroll_factor = 1 : i64, sc.parallel_access}
      %parallel_loop3A_71 = arith.constant 0 : i32
      %parallel_loop3A_72 = arith.constant 64 : i32
      %parallel_loop3A_73 = arith.constant 1 : i32
      "tpu.trace_stop"() : () -> ()
      "tpu.trace_start"() <{level = 10 : i32, message = "p8_out"}> : () -> ()
      scf.for %parallel_loop3A_76 = %parallel_loop3A_71 to %parallel_loop3A_72 step %parallel_loop3A_73  : i32 {
        %parallel_loop3A_77 = arith.constant 16 : i32
        %parallel_loop3A_78 = arith.muli %parallel_loop3A_76, %parallel_loop3A_77 : i32
        %parallel_loop3A_79 = arith.index_cast %parallel_loop3A_78 : i32 to index
        %parallel_loop3A_80 = tpu.vector_load %arg10[%parallel_loop3A_79] {strides = array<i32>} : memref<2064xi32, #tpu.memory_space<vmem>>, vector<16xi32>,
        %parallel_loop3A_81 = arith.constant 32768 : i32
        %parallel_loop3A_82 = arith.muli %add3A_21, %parallel_loop3A_81 : i32
        %parallel_loop3A_83 = vector.broadcast %parallel_loop3A_82 : i32 to vector<16xi32>
        %parallel_loop3A_84 = arith.addi %parallel_loop3A_80, %parallel_loop3A_83 : vector<16xi32>
        %parallel_loop3A_85 = arith.constant 16 : i32
        %parallel_loop3A_86 = arith.muli %parallel_loop3A_76, %parallel_loop3A_85 : i32
        %parallel_loop3A_87 = arith.index_cast %parallel_loop3A_86 : i32 to index
        %parallel_loop3A_88 = tpu.vector_load %arg11[%parallel_loop3A_87] {strides = array<i32>} : memref<1024xi32, #tpu.memory_space<vmem>>, vector<16xi32>,
        tpu.vector_store %arg11[%parallel_loop3A_87], %parallel_loop3A_84 {strides = array<i32>} : memref<1024xi32, #tpu.memory_space<vmem>>, vector<16xi32>,
      } {sc.loop_unroll_factor = 8 : i64, sc.parallel_access}
      "tpu.region"() ({
        %run_scoped3A = tpu.sem_alloc : memref<!tpu.dma_semaphore, #tpu.memory_space<semaphore_mem>>
        %dma_start3A_76 = arith.constant 0 : i32
        %dma_start3A_77 = tpu.memref_slice %arg9[%dma_start3A_76] : memref<2064xf32, #tpu.memory_space<vmem>> -> memref<1024xf32, #tpu.memory_space<vmem>>
        %dma_start3A_78 = arith.constant 0 : i32
        %dma_start3A_79 = tpu.memref_slice %arg3[%add3A_21, %dma_start3A_78] : memref<128x1024xf32, #tpu.memory_space<hbm>> -> memref<1x1024xf32, #tpu.memory_space<hbm>>
        %dma_start3A_80 = tpu.memref_squeeze %dma_start3A_79 : memref<1x1024xf32, #tpu.memory_space<hbm>> -> memref<1024xf32, #tpu.memory_space<hbm>>
        %dma_start3A_81 = arith.constant 0 : i32
        %dma_start3A_82 = tpu.memref_slice %arg3[%add3A_21, %dma_start3A_81] : memref<128x1024xf32, #tpu.memory_space<hbm>> -> memref<1x1024xf32, #tpu.memory_space<hbm>>
        %dma_start3A_83 = tpu.memref_squeeze %dma_start3A_82 : memref<1x1024xf32, #tpu.memory_space<hbm>> -> memref<1024xf32, #tpu.memory_space<hbm>>
        %dma_start3A_84 = arith.constant 0 : i32
        %dma_start3A_85 = tpu.memref_slice %arg9[%dma_start3A_84] : memref<2064xf32, #tpu.memory_space<vmem>> -> memref<1024xf32, #tpu.memory_space<vmem>>
        tpu.enqueue_dma source(%dma_start3A_85 : memref<1024xf32, #tpu.memory_space<vmem>>) target(%dma_start3A_83 : memref<1024xf32, #tpu.memory_space<hbm>>) target_semaphore(%run_scoped3A : memref<!tpu.dma_semaphore, #tpu.memory_space<semaphore_mem>>)
        %dma_wait3A_86 = arith.constant 0 : i32
        %dma_wait3A_87 = tpu.memref_slice %arg9[%dma_wait3A_86] : memref<2064xf32, #tpu.memory_space<vmem>> -> memref<1024xf32, #tpu.memory_space<vmem>>
        %dma_wait3A_88 = arith.constant 0 : i32
        %dma_wait3A_89 = tpu.memref_slice %arg3[%add3A_21, %dma_wait3A_88] : memref<128x1024xf32, #tpu.memory_space<hbm>> -> memref<1x1024xf32, #tpu.memory_space<hbm>>
        %dma_wait3A_90 = tpu.memref_squeeze %dma_wait3A_89 : memref<1x1024xf32, #tpu.memory_space<hbm>> -> memref<1024xf32, #tpu.memory_space<hbm>>
        %dma_wait3A_91 = arith.constant 0 : i32
        %dma_wait3A_92 = tpu.memref_slice %arg3[%add3A_21, %dma_wait3A_91] : memref<128x1024xf32, #tpu.memory_space<hbm>> -> memref<1x1024xf32, #tpu.memory_space<hbm>>
        %dma_wait3A_93 = tpu.memref_squeeze %dma_wait3A_92 : memref<1x1024xf32, #tpu.memory_space<hbm>> -> memref<1024xf32, #tpu.memory_space<hbm>>
        %dma_wait3A_94 = arith.constant 0 : i32
        %dma_wait3A_95 = tpu.memref_slice %arg9[%dma_wait3A_94] : memref<2064xf32, #tpu.memory_space<vmem>> -> memref<1024xf32, #tpu.memory_space<vmem>>
        tpu.wait_dma2 semaphore(%run_scoped3A : memref<!tpu.dma_semaphore, #tpu.memory_space<semaphore_mem>>) src(%dma_wait3A_95 : memref<1024xf32, #tpu.memory_space<vmem>>) dst(%dma_wait3A_93 : memref<1024xf32, #tpu.memory_space<hbm>>)
        tpu.yield
      }) : () -> ()
      %mul3A_74 = arith.constant 1024 : i32
      %mul3A_75 = arith.muli %add3A_21, %mul3A_74 : i32
      "tpu.region"() ({
        %run_scoped3A = tpu.sem_alloc : memref<!tpu.dma_semaphore, #tpu.memory_space<semaphore_mem>>
        %dma_start3A_76 = tpu.memref_slice %arg4[%mul3A_75] : memref<131072xi32, #tpu.memory_space<hbm>> -> memref<1024xi32, #tpu.memory_space<hbm>>
        %dma_start3A_77 = tpu.memref_slice %arg4[%mul3A_75] : memref<131072xi32, #tpu.memory_space<hbm>> -> memref<1024xi32, #tpu.memory_space<hbm>>
        tpu.enqueue_dma source(%arg11 : memref<1024xi32, #tpu.memory_space<vmem>>) target(%dma_start3A_77 : memref<1024xi32, #tpu.memory_space<hbm>>) target_semaphore(%run_scoped3A : memref<!tpu.dma_semaphore, #tpu.memory_space<semaphore_mem>>)
        %dma_wait3A_78 = tpu.memref_slice %arg4[%mul3A_75] : memref<131072xi32, #tpu.memory_space<hbm>> -> memref<1024xi32, #tpu.memory_space<hbm>>
        %dma_wait3A_79 = tpu.memref_slice %arg4[%mul3A_75] : memref<131072xi32, #tpu.memory_space<hbm>> -> memref<1024xi32, #tpu.memory_space<hbm>>
        tpu.wait_dma2 semaphore(%run_scoped3A : memref<!tpu.dma_semaphore, #tpu.memory_space<semaphore_mem>>) src(%arg11 : memref<1024xi32, #tpu.memory_space<vmem>>) dst(%dma_wait3A_79 : memref<1024xi32, #tpu.memory_space<hbm>>)
        tpu.yield
      }) : () -> ()
      "tpu.trace_stop"() : () -> ()
    }
    %scan3A_17 = arith.constant 4 : i32
    return
  }
}

</mosaic_0001>

<sc_bundles>
// kernel: _topk_sc.3.cloned.1.call-start
scs
__scs_entry_jumppad:
0x0: {  	(pc) =	sbr.rel $0x88, $3  }
0x1: {  	(tag) =	ssettag $0x0;
	lr =	simm.s32 $0x1  }
0x2: {  	[smem:$0x3FA0] =	sst lr;
	_ =	strace $0xD0000000  }
0x3: {  	_ = 	snop  }
0x4: {  	_ = 	snop  }
0x5: {  	_ = 	snop  }
0x6: {  	_ = 	snop  }
0x7: {  	_ = 	snop  }
__scs_overlays_trampoline_lowered:
0x8: {  	[smem:$0x3FAF] =	sst s0  }
0x9: {  	[smem:$0x3FB0] =	sst s1  }
0xa: {  	[smem:$0x3FB1] =	sst s2  }
0xb: {  	[smem:$0x3FB2] =	sst s3  }
0xc: {  	[smem:$0x3FB3] =	sst s4  }
0xd: {  	[smem:$0x3FB4] =	sst s5  }
0xe: {  	[smem:$0x3FB5] =	sst s6  }
0xf: {  	[smem:$0x3FB6] =	sst s7  }
0x10: {  	[smem:$0x3FB7] =	sst s8  }
0x11: {  	[smem:$0x3FB8] =	sst s9;
	s0 =	simm.s32 @!p0 $0x0  }
0x12: {  	s1 =	sld [smem:$0x3F9E];
	s0 =	simm.s32 @p0 $0x1  }
0x13: {  	[smem:$0x3FB9] =	sst s0;
	s0 =	simm.s32 @!p1 $0x0  }
0x14: {  	s2 =	sld [smem:$0x3F9D];
	s0 =	simm.s32 @p1 $0x1  }
0x15: {  	[smem:$0x3FBA] =	sst s0;
	s0 =	simm.s32 @!p2 $0x0  }
0x16: {  	s3 =	sld [smem:$0x3FDB];
	s0 =	simm.s32 @p2 $0x1  }
0x17: {  	s4 =	simm.s32 $0x1BF5;
	[smem:$0x3FBC] =	sst s0  }
0x18: {  	s0 =	sld [smem:$0x3F9F];
	_ =	swait.ge [sflag:s4], $0x0  }
0x19: {  	s7 =	sld [smem:$0x3FA0]  }
0x1a: {  	s8 =	sadd.s32 $0xFFFFE003, lr  }
0x1b: {  	s9 =	sadd.s32 $0xFFFFFEF7, lr;
	s5 =	simm.s32 $0xFFFFFFFF;
	p2 =	slt.u32 s8, $0xFFFFF086  }
0x1c: {  	p1 =	slt.u32 s9, $0xF7A;
	s5 =	simm.s32 @!p2 $0x0  }
0x1d: {  	s5 =	simm.s32 @p1 $0x1;
	p0 =	seq.s32 s7, s2  }
0x1e: {  	s7 =	smul.u32 @!p0 $0xF7A, s2;
	p2 =	seq.s32 @!p0 s5, $0x0  }
0x1f: {  	s9 =	smul.u32 $0xF7A, s1;
	s8 =	simm.s32 @!p0 $0x1BF5;
	p2 =	por !p2, p0  }
0x20: {  	[sflag:s8] =	ssyncset.s32 @!p0 $0xFFFFF086;
	s6 =	sadd.s32 @!p0 s3, s7;
	s7 =	simm.s32 @!p0 $0x108  }
0x21: {  	s3 =	sadd.s32 s3, s9;
	s6 =	sadd.s32 @!p0 $0x88, s6;
	s7 =	simm.s32 @p2 $0x1082  }
0x22: {  	[simem:s7], [sflag:s8] =	dma.local @!p0 [hbm:s6], $0xF7A  }
0x23: {  	s9 =	sor.u32 $0xD0000000, s2;
	s6 =	simm.s32 $0x108;
	_ =	swait.ge @!p0 [sflag:s8], $0x0  }
0x24: {  	s3 =	sadd.s32 $0x88, s3;
	s6 =	simm.s32 @!p1 $0x1082;
	[sflag:s4] =	ssyncset.s32 $0xFFFFF086  }
0x25: {  	[simem:s6], [sflag:s4] =	dma.local [hbm:s3], $0xF7A  }
0x26: {  	[smem:$0x3FA0] =	sst s1;
	(tag) =	ssettag s2;
	_ =	strace s9  }
0x27: {  	s1 =	sld [smem:$0x3FB0]  }
0x28: {  	s2 =	sld [smem:$0x3FB1]  }
0x29: {  	s4 =	sld [smem:$0x3FB3]  }
0x2a: {  	p0 =	seq.s32 s5, $0x0;
	s5 =	sld [smem:$0x3FB4]  }
0x2b: {  	s6 =	sld [smem:$0x3FB5]  }
0x2c: {  	s7 =	sld [smem:$0x3FB6]  }
0x2d: {  	s3 =	simm.s32 $0x108;
	s8 =	sld [smem:$0x3FB7]  }
0x2e: {  	s3 =	simm.s32 @!p0 $0x1082;
	s9 =	sld [smem:$0x3FB8]  }
0x2f: {  	lr =	sadd.s32 s0, s3;
	s0 =	sld [smem:$0x3FAF]  }
0x30: {  	s3 =	sld [smem:$0x3FB2]  }
0x31: {  	[smem:$0x3FBB] =	sst s10  }
0x32: {  	s10 =	sld [smem:$0x3FB9];
	_ =	sdelay $0x3  }
0x33: {  	p0 =	seq.s32 s10, $0x1;
	s10 =	sld [smem:$0x3FBB];
	_ =	sdelay $0x3  }
0x34: {  	[smem:$0x3FBB] =	sst s10  }
0x35: {  	s10 =	sld [smem:$0x3FBA];
	_ =	sdelay $0x3  }
0x36: {  	p1 =	seq.s32 s10, $0x1;
	s10 =	sld [smem:$0x3FBB];
	_ =	sdelay $0x3  }
0x37: {  	[smem:$0x3FBB] =	sst s10  }
0x38: {  	s10 =	sld [smem:$0x3FBC]  }
0x39: {  	_ = 	snop;
	(pc) =	sbr.ind lr, $3  }
0x3a: {  	_ = 	snop  }
0x3b: {  	_ = 	snop  }
0x3c: {  	p2 =	seq.s32 s10, $0x1;
	s10 =	sld [smem:$0x3FBB]  }
0x3d: {  	_ =	shalt  }
0x3e: {  	_ =	shalt  }
0x3f: {  	_ =	shalt  }
0x40: {  	_ =	shalt  }
0x41: {  	_ =	shalt  }
0x42: {  	_ =	shalt  }
0x43: {  	_ =	shalt  }
0x44: {  	_ =	shalt  }
0x45: {  	_ =	shalt  }
0x46: {  	_ =	shalt  }
0x47: {  	_ =	shalt  }
0x48: {  	_ =	shalt  }
0x49: {  	_ =	shalt  }
0x4a: {  	_ =	shalt  }
0x4b: {  	_ =	shalt  }
0x4c: {  	_ =	shalt  }
0x4d: {  	_ =	shalt  }
0x4e: {  	_ =	shalt  }
0x4f: {  	_ =	shalt  }
0x50: {  	_ =	shalt  }
0x51: {  	_ =	shalt  }
0x52: {  	_ =	shalt  }
0x53: {  	_ =	shalt  }
0x54: {  	_ =	shalt  }
0x55: {  	_ =	shalt  }
0x56: {  	_ =	shalt  }
0x57: {  	_ =	shalt  }
0x58: {  	_ =	shalt  }
0x59: {  	_ =	shalt  }
0x5a: {  	_ =	shalt  }
0x5b: {  	_ =	shalt  }
0x5c: {  	_ =	shalt  }
0x5d: {  	_ =	shalt  }
0x5e: {  	_ =	shalt  }
0x5f: {  	_ =	shalt  }
0x60: {  	_ =	shalt  }
0x61: {  	_ =	shalt  }
0x62: {  	_ =	shalt  }
0x63: {  	_ =	shalt  }
0x64: {  	_ =	shalt  }
0x65: {  	_ =	shalt  }
0x66: {  	_ =	shalt  }
0x67: {  	_ =	shalt  }
0x68: {  	_ =	shalt  }
0x69: {  	_ =	shalt  }
0x6a: {  	_ =	shalt  }
0x6b: {  	_ =	shalt  }
0x6c: {  	_ =	shalt  }
0x6d: {  	_ =	shalt  }
0x6e: {  	_ =	shalt  }
0x6f: {  	_ =	shalt  }
0x70: {  	_ =	shalt  }
0x71: {  	_ =	shalt  }
0x72: {  	_ =	shalt  }
0x73: {  	_ =	shalt  }
0x74: {  	_ =	shalt  }
0x75: {  	_ =	shalt  }
0x76: {  	_ =	shalt  }
0x77: {  	_ =	shalt  }
0x78: {  	_ =	shalt  }
0x79: {  	_ =	shalt  }
0x7a: {  	_ =	shalt  }
0x7b: {  	_ =	shalt  }
0x7c: {  	_ =	shalt  }
0x7d: {  	_ =	shalt  }
0x7e: {  	_ =	shalt  }
0x7f: {  	_ =	shalt  }
0x80: {  	_ =	shalt  }
0x81: {  	_ =	shalt  }
0x82: {  	_ =	shalt  }
0x83: {  	_ =	shalt  }
0x84: {  	_ =	shalt  }
0x85: {  	_ =	shalt  }
0x86: {  	_ =	shalt  }
0x87: {  	_ =	shalt  }
.Lfunc_end0:
.L_simem_size_0:
called_computation_lowered:
.L_overlay_start_0:
0x88: {  	s2 =	sld [smem:$0x3FD9]  }
0x89: {  	s3 =	sld [smem:$0x3FFE];
	_ =	sdelay $0x1  }
0x8a: {  	s1 =	srdreg.scid  }
0x8b: {  	s0 =	sand.u32 $0x1, s1  }
0x8c: {  	s15 =	sshll.u32 s0, $0xA;
	s2 =	sadd.s32 s3, s2  }
0x8d: {  	s2 =	sadd.s32 s2, s15  }
0x8e: {  	[smem:$0x3FC7] =	sst s2  }
0x8f: {  	_ = 	snop  }
0x90: {  	s2 =	sld [smem:$0x3FD0];
	_ =	sdelay $0x2  }
0x91: {  	s4 =	simm.s32 $0xA;
	s5 =	simm.s32 $0x10;
	s16 =	sld [smem:$0x3FC9]  }
0x92: {  	[smem:s5], [sflag:s4] =	dma.local [hbm:s2], $0x1  }
0x93: {  	_ =	swait.eq [sflag:s4], $0x1  }
0x94: {  	[sflag:s4] =	ssyncset.done $0x0  }
0x95: {  	s17 =	sld [smem:$0x10];
	[sflag:s4] =	ssyncadd.s32 $0xFFFFFFFF  }
0x96: {  	s18 =	sld [smem:$0x11];
	(tm) =	ssettm $0x1  }
0x97: {  	s19 =	sld [smem:$0x3FFB];
	_ =	sdelay $0x3  }
0x98: {  	_ =	strace s19  }
0x99: {  	s5 =	sld [smem:$0x3FFC];
	_ =	sdelay $0x3  }
0x9a: {  	_ =	strace s5  }
0x9b: {  	s5 =	sld [smem:$0x3FFD];
	_ =	sdelay $0x3  }
0x9c: {  	_ =	strace s5  }
0x9d: {  	_ =	strace $0x8FFFFFFF  }
0x9e: {  	s20 =	sld [smem:$0x3FDB];
	_ =	sdelay $0x1  }
0x9f: {  	s6 =	simm.s32 $_scs_section_size  }
0xa0: {  	s7 =	simm.s32 $_size__tile_overlayer_lowered;
	s8 =	simm.s32 $_tile_overlayer_lowered  }
0xa1: {  	s23 =	simm.s32 $0x1BFF;
	s22 =	sshll.u32 s8, $0x1;
	s5 =	sadd.s32 s6, s20  }
0xa2: {  	s9 =	simm.s32 $0x0;
	s21 =	sshll.u32 s7, $0x1;
	s7 =	sadd.s32 s22, s5  }
0xa3: {  	[timem:s9], [sflag:s23] =	dma.local [hbm:s7], s21  }
0xa4: {  	_ =	swait.ge [sflag:s23], s21  }
0xa5: {  	s6 =	ssub.s32 $0x0, s21;
	[sflag:s23] =	ssyncset.done $0x0  }
0xa6: {  	[sflag:s23] =	ssyncadd.s32 s6;
	_ =	sdelay $0x1  }
0xa7: {  	s24 =	simm.s32 $0x1B8B  }
0xa8: {  	_ =	swait.ge [sflag:s24], $0x1  }
0xa9: {  	[sflag:s24] =	ssyncset.done $0x0  }
0xaa: {  	s25 =	simm.s32 $0x1B8E;
	[sflag:s24] =	ssyncadd.s32 $0xFFFFFFFF  }
0xab: {  	s26 =	simm.s32 $execute0_lowered;
	[smem:$0x3FD2] =	sst s25  }
0xac: {  	s6 =	sshll.u32 s26, $0x1;
	_ =	strace $0x80000046;
	[dreg:$0x1] =	wrdreg $0xFFFFFFFF  }
0xad: {  	s28 =	simm.s32 $_size_execute0_lowered;
	s5 =	sadd.s32 s5, s6;
	[dreg:$0x0] =	wrdreg $0x0  }
0xae: {  	s6 =	sshll.u32 s28, $0x1;
	[dreg:$0x2] =	wrdreg s5  }
0xaf: {  	[dreg:$0x3] =	wrdreg s6  }
0xb0: {  	[dreg:$0x4] =	wrdreg $0xC0  }
0xb1: {  	_ =	task [dreg:s9], $0x5FFFF  }
0xb2: {  	[dreg:$0x1] =	wrdreg $0xFFFFFFFF  }
0xb3: {  	[dreg:$0x0] =	wrdreg $0x60  }
0xb4: {  	[dreg:$0x2] =	wrdreg s16  }
0xb5: {  	[dreg:$0x3] =	wrdreg s17  }
0xb6: {  	[dreg:$0x4] =	wrdreg s18  }
0xb7: {  	[dreg:$0x5] =	wrdreg $0x9  }
0xb8: {  	_ =	task.clear_ibuf [dreg:s9], $0x6FFFF;
	_ =	strace $0x90000046  }
0xb9: {  	s29 =	simm.s32 $0x9;
	_ =	strace $0x80000057  }
0xba: {  	_ =	swait.ge [sflag:s29], $0x1  }
0xbb: {  	[sflag:s29] =	ssyncadd.s32 $0xFFFFFFFF  }
0xbc: {  	_ =	strace $0x90000057  }
0xbd: {  	_ =	sfence  }
0xbe: {  	s30 =	sld [smem:$0x0];
	_ =	sdelay $0x2  }
0xbf: {  	s31 =	sshll.u32 s1, $0xD;
	s1 =	sshrl.u32 s1, $0x2  }
0xc0: {  	s3 =	sand.u32 $0x4000, s31;
	s1 =	sadd.s32 s1, s30  }
0xc1: {  	s0 =	sor.u32 s3, s0;
	s1 =	sshll.u32 s1, $0x11  }
0xc2: {  	s0 =	sor.u32 s1, s0  }
0xc3: {  	s0 =	sadd.s32 $0x8F2B, s0  }
0xc4: {  	[sflag:s0] =	ssyncadd.remote.s32 $0x1  }
0xc5: {  	_ =	sfence.sel $0xFFFF  }
0xc6: {  	[dreg:$0x0] =	wrdreg $0xFFFFFFFF;
	(pc) =	sbr.abs _section_cstart, $3  }
0xc7: {  	[dreg:$0x1] =	wrdreg $0xFFFFFFFF  }
0xc8: {  	_ =	task.clear_ibuf [dreg:s9], $0x2FFFF;
	_ =	strace $0x9FFFFFFF  }
0xc9: {  	(tm) =	ssettm $0x7FFFFFFF  }
tec
execute0_lowered:
.L_overlay_start_1:
0x0: {  	(tag) =	ssettag $0x1  }
0x1: {  	s0 =	rddreg [dreg:$0x0]  }
0x2: {  	s1 =	rddreg [dreg:$0x1]  }
0x3: {  	s2 =	srdreg.scid;
	s6 =	stileid.u32  }
0x4: {  	s4 =	simm.s32 $0x0;
	s2 =	sand.u32 $0x1, s2;
	s3 =	sshll.u32 s6, $0x1  }
0x5: {  	[smem:$0x7FF] =	sst s4;
	s29 =	sshll.u32 s6, $0xA;
	s25 =	ssub.s32 $0x2, s2  }
0x6: {  	s2 =	sor.u32 s2, s3;
	_ =	strace $0x80000047;
	s30 =	sadd.s32 s1, s29  }
0x7: {  	s5 =	sshll.u32 s2, $0xE;
	s2 =	sshll.u32 s2, $0x2;
	[dreg:$0x7] =	wrdreg s30  }
0x8: {  	v0 =	vlaneseq.u32;
	s26 =	sshrl.u32 s25, $0x1;
	s28 =	sadd.s32 s0, s5;
	[dreg:$0x5] =	wrdreg s2  }
0x9: {  	v5 =	vmul.u32 $0xFFFFFFFF, v0;
	s3 =	ssub.s32 s25, s26;
	s0 =	sadd.s32 $0x1000, s0;
	[dreg:$0x4] =	wrdreg s28  }
0xa: {  	v1 =	vimm.s32 $0x0;
	v3 =	vimm.s32 $0x1;
	[dreg:$0x6] =	wrdreg s0;
	s31 =	smax.u32 s3, $0x1  }
0xb: {  	s10 =	simm.s32 $0x8000;
	v4 =	vimm.f32 $-Inf;
	v2 =	vor.u32 $0x4000, v0;
	s1 =	simm.s32 $0x0;
	v5 =	vadd.s32 $0xF, v5;
	[dreg:$0x8] =	wrdreg s31  }
.LBB2_1:
0xc: {  	s0 =	simm.s32 $0x0;
	s31 =	rddreg [dreg:$0x4]  }
0xd: {  	[tilespmem:s0], [sflag:$0x1] =	stream.linear.gather [hbm4b:s31+s0], $0x8000, $0x38;
	[tilespmem:$0x12600] =	vst v63  }
0xe: {  	[dreg:$0x9] =	wrdreg s1;
	s0 =	simm.s32 $0x8040  }
0xf: {  	[tilespmem:s0+$0xFFFFFFC0] =	vst v1  }
0x10: {  	[tilespmem:s0+$0x30] =	vst v1  }
0x11: {  	[tilespmem:s0+$0x20] =	vst v1  }
0x12: {  	[tilespmem:s0+$0x10] =	vst v1  }
0x13: {  	[tilespmem:s0+$0x0] =	vst v1  }
0x14: {  	[tilespmem:s0+$0xFFFFFFF0] =	vst v1  }
0x15: {  	s1 =	simm.s32 $0x0;
	[tilespmem:s0+$0xFFFFFFE0] =	vst v1  }
.LBB2_2:
0x16: {  	s1 =	sadd.s32 $0x8, s1;
	[tilespmem:s0+$0xFFFFFFD0] =	vst v1;
	s0 =	sadd.s32 $0x80, s0  }
0x17: {  	[tilespmem:s0+$0xFFFFFFC0] =	vst v1;
	p0 =	slt.u32 s1, $0x7F8  }
0x18: {  	[tilespmem:s0+$0x30] =	vst v1  }
.Ltmp0:
0x19: {  	[tilespmem:s0+$0x20] =	vst v1;
	(pc) =	sbr.rel @p0 .LBB2_2-.Ltmp0, $4  }
0x1a: {  	[tilespmem:s0+$0x10] =	vst v1  }
0x1b: {  	[tilespmem:s0+$0x0] =	vst v1  }
0x1c: {  	[tilespmem:s0+$0xFFFFFFF0] =	vst v1  }
0x1d: {  	[tilespmem:s0+$0xFFFFFFE0] =	vst v1  }
0x1e: {  	[tilespmem:s0+$0xFFFFFFD0] =	vst v1;
	s17 =	simm.s32 $0x0  }
.LBB2_4:
0x1f: {  	_ =	strace $0x80000048;
	s0 =	simm.s32 $0x1  }
0x20: {  	_ =	swait.ge [sflag:s0], $0x8000  }
0x21: {  	[sflag:s0] =	ssyncset.done $0x0  }
0x22: {  	[sflag:s0] =	ssyncadd.s32 $0xFFFF8000  }
0x23: {  	_ =	strace $0x90000048  }
0x24: {  	s31 =	simm.s32 $0x40;
	_ =	strace $0x80000049  }
0x25: {  	v9 =	vld [tilespmem:s31+$0x30]  }
0x26: {  	v8 =	vld [tilespmem:s31+$0xFFFFFFD0]  }
0x27: {  	v23 =	vld [tilespmem:s31+$0xFFFFFFE0]  }
0x28: {  	v6 =	vld [tilespmem:s31+$0x0]  }
0x29: {  	v25 =	vld [tilespmem:s31+$0xFFFFFFC0];
	_ =	sdelay $0x1  }
0x2a: {  	v24 =	vld [tilespmem:s31+$0xFFFFFFF0];
	v10 =	vshra.s32 v9, $0x11  }
0x2b: {  	vm0 =	vlt.s32 v8, $0x0;
	v11 =	vshra.s32 v8, $0x11;
	v12 =	vshra.s32 v23, $0x11  }
0x2c: {  	v7 =	vld [tilespmem:s31+$0x10];
	vm1 =	vlt.s32 v9, $0x0;
	v14 =	vshra.s32 v6, $0x11;
	v10 =	vand.u32 $0xFFFFFFF0, v10  }
0x2d: {  	v8 =	vld [tilespmem:s31+$0x20];
	v16 =	vshra.s32 v25, $0x11;
	vm3 =	vlt.s32 v25, $0x0;
	v13 =	vxor.u32 $0x3FF0, v10  }
0x2e: {  	vm2 =	vlt.s32 v23, $0x0;
	v9 =	vand.u32 $0xFFFFFFF0, v11;
	v13 =	vsel vm1, v13, v10  }
0x2f: {  	v11 =	vshra.s32 v24, $0x11;
	v21 =	vand.u32 $0xFFFFFFF0, v16;
	v26 =	vadd.s32 v2, v13  }
0x30: {  	v15 =	vxor.u32 $0x3FF0, v9;
	v22 =	vxor.u32 $0x3FF0, v21;
	v10 =	vand.u32 $0xFFFFFFF0, v12  }
0x31: {  	v12 =	vand.u32 $0xFFFFFFF0, v11;
	v11 =	vand.u32 $0xFFFFFFF0, v14;
	vm1 =	vlt.s32 v24, $0x0  }
0x32: {  	v13 =	vshra.s32 v7, $0x11;
	v17 =	vxor.u32 $0x3FF0, v10;
	v14 =	vshra.s32 v8, $0x11  }
0x33: {  	v19 =	vxor.u32 $0x3FF0, v12;
	v13 =	vand.u32 $0xFFFFFFF0, v13;
	v14 =	vand.u32 $0xFFFFFFF0, v14  }
0x34: {  	s1 =	simm.s32 $0xC0;
	s0 =	simm.s32 $0x0;
	v18 =	vxor.u32 $0x3FF0, v11;
	v20 =	vxor.u32 $0x3FF0, v13;
	v16 =	vxor.u32 $0x3FF0, v14;
	[tilespmem:v26+s10+$0x0] =	vst.idx.add.s32.msk $0xffff, v3  }
.LBB2_5:
0x35: {  	v23 =	vld [tilespmem:s1+$0x30];
	s0 =	sadd.s32 $0x8, s0;
	vm4 =	vlt.s32 v6, $0x0;
	vm5 =	vlt.s32 v7, $0x0;
	vm6 =	vlt.s32 v8, $0x0  }
0x36: {  	v6 =	vsel vm3, v22, v21;
	v7 =	vsel vm0, v15, v9;
	v9 =	vsel vm2, v17, v10;
	v8 =	vld [tilespmem:s1+$0xFFFFFFD0];
	p0 =	slt.u32 s0, $0x7F8  }
0x37: {  	v10 =	vsel vm1, v19, v12;
	v11 =	vsel vm4, v18, v11;
	v12 =	vsel vm5, v20, v13;
	v24 =	vld [tilespmem:s1+$0xFFFFFFE0]  }
0x38: {  	v13 =	vadd.s32 v2, v6;
	v15 =	vadd.s32 v2, v7;
	v14 =	vsel vm6, v16, v14;
	v25 =	vld [tilespmem:s1+$0xFFFFFFF0]  }
0x39: {  	v16 =	vadd.s32 v2, v9;
	v17 =	vadd.s32 v2, v10;
	v18 =	vadd.s32 v2, v11;
	v6 =	vld [tilespmem:s1+$0x0]  }
0x3a: {  	v20 =	vadd.s32 v2, v12;
	v26 =	vadd.s32 v2, v14;
	v7 =	vld [tilespmem:s1+$0x10];
	v9 =	vshra.s32 v23, $0x11  }
0x3b: {  	vm0 =	vlt.s32 v8, $0x0;
	v10 =	vshra.s32 v8, $0x11;
	v8 =	vld [tilespmem:s1+$0x20];
	v11 =	vand.u32 $0xFFFFFFF0, v9  }
0x3c: {  	vm1 =	vlt.s32 v23, $0x0;
	v27 =	vld [tilespmem:s1+$0xFFFFFFC0];
	v12 =	vshra.s32 v24, $0x11;
	v14 =	vxor.u32 $0x3FF0, v11  }
0x3d: {  	v9 =	vand.u32 $0xFFFFFFF0, v10;
	v19 =	vshra.s32 v25, $0x11;
	v11 =	vsel vm1, v14, v11;
	[tilespmem:v13+s10+$0x0] =	vst.idx.add.s32.msk $0xffff, v3  }
0x3e: {  	v10 =	vand.u32 $0xFFFFFFF0, v12;
	v13 =	vshra.s32 v6, $0x11;
	v23 =	vadd.s32 v2, v11;
	[tilespmem:v15+s10+$0x0] =	vst.idx.add.s32.msk $0xffff, v3  }
0x3f: {  	v12 =	vand.u32 $0xFFFFFFF0, v19;
	v11 =	vand.u32 $0xFFFFFFF0, v13;
	v13 =	vshra.s32 v7, $0x11;
	[tilespmem:v16+s10+$0x0] =	vst.idx.add.s32.msk $0xffff, v3  }
.Ltmp1:
0x40: {  	v15 =	vxor.u32 $0x3FF0, v9;
	v13 =	vand.u32 $0xFFFFFFF0, v13;
	v14 =	vshra.s32 v8, $0x11;
	[tilespmem:v17+s10+$0x0] =	vst.idx.add.s32.msk $0xffff, v3;
	(pc) =	sbr.rel @p0 .LBB2_5-.Ltmp1, $4  }
0x41: {  	v17 =	vxor.u32 $0x3FF0, v10;
	v16 =	vshra.s32 v27, $0x11;
	v14 =	vand.u32 $0xFFFFFFF0, v14;
	[tilespmem:v18+s10+$0x0] =	vst.idx.add.s32.msk $0xffff, v3  }
0x42: {  	v19 =	vxor.u32 $0x3FF0, v12;
	v18 =	vxor.u32 $0x3FF0, v11;
	v21 =	vand.u32 $0xFFFFFFF0, v16;
	[tilespmem:v20+s10+$0x0] =	vst.idx.add.s32.msk $0xffff, v3  }
0x43: {  	v20 =	vxor.u32 $0x3FF0, v13;
	v16 =	vxor.u32 $0x3FF0, v14;
	v22 =	vxor.u32 $0x3FF0, v21;
	[tilespmem:v23+s10+$0x0] =	vst.idx.add.s32.msk $0xffff, v3  }
0x44: {  	vm2 =	vlt.s32 v24, $0x0;
	s1 =	sadd.s32 $0x80, s1;
	vm1 =	vlt.s32 v25, $0x0;
	vm3 =	vlt.s32 v27, $0x0;
	[tilespmem:v26+s10+$0x0] =	vst.idx.add.s32.msk $0xffff, v3  }
0x45: {  	v21 =	vsel vm3, v22, v21  }
0x46: {  	v9 =	vsel vm0, v15, v9;
	v61 =	vadd.s32 v2, v21  }
0x47: {  	v10 =	vsel vm2, v17, v10;
	v9 =	vadd.s32 v2, v9  }
0x48: {  	vm13 =	vlt.s32 v6, $0x0;
	v6 =	vsel vm1, v19, v12;
	v10 =	vadd.s32 v2, v10  }
0x49: {  	vm14 =	vlt.s32 v7, $0x0;
	v7 =	vsel vm13, v18, v11;
	v6 =	vadd.s32 v2, v6  }
0x4a: {  	vm15 =	vlt.s32 v8, $0x0;
	v62 =	vsel vm14, v20, v13;
	v7 =	vadd.s32 v2, v7  }
0x4b: {  	v63 =	vsel vm15, v16, v14;
	v8 =	vadd.s32 v2, v62;
	[tilespmem:v61+s10+$0x0] =	vst.idx.add.s32.msk $0xffff, v3  }
0x4c: {  	v11 =	vadd.s32 v2, v63;
	[tilespmem:v9+s10+$0x0] =	vst.idx.add.s32.msk $0xffff, v3  }
0x4d: {  	[tilespmem:v10+s10+$0x0] =	vst.idx.add.s32.msk $0xffff, v3  }
0x4e: {  	[tilespmem:v6+s10+$0x0] =	vst.idx.add.s32.msk $0xffff, v3  }
0x4f: {  	[tilespmem:v7+s10+$0x0] =	vst.idx.add.s32.msk $0xffff, v3  }
0x50: {  	[tilespmem:v8+s10+$0x0] =	vst.idx.add.s32.msk $0xffff, v3  }
0x51: {  	[tilespmem:v11+s10+$0x0] =	vst.idx.add.s32.msk $0xffff, v3  }
0x52: {  	s1 =	simm.s32 $0x0;
	_ =	strace $0x90000049  }
0x53: {  	s0 =	simm.s32 $0xFF00;
	s2 =	simm.s32 $0x7F;
	_ =	strace $0x8000004A  }
.LBB2_7:
0x54: {  	v6 =	vld [tilespmem:s0+$0x0]  }
0x55: {  	v7 =	vld [tilespmem:s0+$0x10]  }
0x56: {  	v8 =	vld [tilespmem:s0+$0x20]  }
0x57: {  	v9 =	vld [tilespmem:s0+$0x30]  }
0x58: {  	v10 =	vld [tilespmem:s0+$0x40]  }
0x59: {  	v11 =	vld [tilespmem:s0+$0x50]  }
0x5a: {  	v6 =	vadd.s32 v6, v7;
	v7 =	vld [tilespmem:s0+$0x60]  }
0x5b: {  	v56 =	vld [tilespmem:s0+$0x70];
	v6 =	vadd.s32 v8, v6  }
0x5c: {  	v57 =	vld [tilespmem:s0+$0x80];
	v6 =	vadd.s32 v9, v6  }
0x5d: {  	v58 =	vld [tilespmem:s0+$0x90];
	v6 =	vadd.s32 v10, v6  }
0x5e: {  	v59 =	vld [tilespmem:s0+$0xA0];
	v6 =	vadd.s32 v11, v6  }
0x5f: {  	v6 =	vadd.s32 v7, v6;
	v7 =	vld [tilespmem:s0+$0xB0]  }
0x60: {  	v60 =	vld [tilespmem:s0+$0xC0];
	v6 =	vadd.s32 v56, v6  }
0x61: {  	v61 =	vld [tilespmem:s0+$0xD0];
	v6 =	vadd.s32 v57, v6  }
0x62: {  	v62 =	vld [tilespmem:s0+$0xE0];
	v6 =	vadd.s32 v58, v6  }
0x63: {  	v63 =	vld [tilespmem:s0+$0xF0];
	v6 =	vadd.s32 v59, v6  }
0x64: {  	v6 =	vadd.s32 v7, v6  }
0x65: {  	v6 =	vadd.s32 v60, v6  }
0x66: {  	v6 =	vadd.s32 v61, v6  }
0x67: {  	v6 =	vadd.s32 v62, v6  }
0x68: {  	v6 =	vadd.s32 v63, v6  }
0x69: {  	(xrf0) =	vadd.scan.msk.s32 $0xffff, v6;
	_ =	sdelay $0x5  }
0x6a: {  	v6, _, _ =	vpop (xrf0)  }
0x6b: {  	(v2sf) =	vpush v6, $0xF;
	_ =	sdelay $0xe  }
0x6c: {  	s3 =	smov.u32 s1;
	s31 =	spop (v2sf)  }
0x6d: {  	s1 =	sadd.s32 s3, s31  }
0x6e: {  	p0 =	slt.s32 s1, $0x400  }
.Ltmp2:
0x6f: {  	_ = 	snop;
	(pc) =	sbr.rel @p0 .LBB2_7-.Ltmp2, $2  }
0x70: {  	_ =	sdelay $0x2  }
0x71: {  	s4 =	smov.u32 s2;
	s2 =	sadd.s32 $0xFFFFFFFF, s2;
	s0 =	sadd.s32 $0xFFFFFF00, s0  }
0x72: {  	s0 =	sshll.u32 s4, $0xA  }
0x73: {  	_ =	strace $0x9000004A;
	s2 =	sshll.u32 s4, $0x4;
	s0 =	sshra.s32 s0, $0x2  }
0x74: {  	_ =	strace $0x8000004B;
	s1 =	sadd.s32 $0x80F0, s0;
	s0 =	sadd.s32 $0x10, s2  }
.LBB2_9:
0x75: {  	v6 =	vld [tilespmem:s1+$0x0];
	_ =	sdelay $0x4  }
0x76: {  	(xrf0) =	vadd.scan.msk.s32 $0xffff, v6;
	_ =	sdelay $0x5  }
0x77: {  	v6, _, _ =	vpop (xrf0)  }
0x78: {  	(v2sf) =	vpush v6, $0xF;
	_ =	sdelay $0xe  }
0x79: {  	s2 =	spop (v2sf)  }
0x7a: {  	s3 =	sadd.s32 s3, s2  }
0x7b: {  	p0 =	slt.s32 s3, $0x400  }
.Ltmp3:
0x7c: {  	_ = 	snop;
	(pc) =	sbr.rel @p0 .LBB2_9-.Ltmp3, $2  }
0x7d: {  	_ =	sdelay $0x2  }
0x7e: {  	s1 =	sadd.s32 $0xFFFFFFF0, s1;
	s0 =	sadd.s32 $0xFFFFFFFF, s0  }
0x7f: {  	_ =	strace $0x9000004B;
	s1 =	simm.s32 $0x10040  }
0x80: {  	_ =	strace $0x8000004C;
	[tilespmem:s1+$0xFFFFFFC0] =	vst v4  }
0x81: {  	[tilespmem:s1+$0x30] =	vst v4  }
0x82: {  	[tilespmem:s1+$0x20] =	vst v4  }
0x83: {  	[tilespmem:s1+$0x10] =	vst v4  }
0x84: {  	[tilespmem:s1+$0x0] =	vst v4  }
0x85: {  	[tilespmem:s1+$0xFFFFFFF0] =	vst v4  }
0x86: {  	s2 =	simm.s32 $0x0;
	[tilespmem:s1+$0xFFFFFFE0] =	vst v4  }
.LBB2_11:
0x87: {  	s2 =	sadd.s32 $0x8, s2;
	[tilespmem:s1+$0xFFFFFFD0] =	vst v4;
	s1 =	sadd.s32 $0x80, s1  }
0x88: {  	[tilespmem:s1+$0xFFFFFFC0] =	vst v4;
	p0 =	slt.u32 s2, $0x78  }
0x89: {  	[tilespmem:s1+$0x30] =	vst v4  }
.Ltmp4:
0x8a: {  	[tilespmem:s1+$0x20] =	vst v4;
	(pc) =	sbr.rel @p0 .LBB2_11-.Ltmp4, $4  }
0x8b: {  	[tilespmem:s1+$0x10] =	vst v4  }
0x8c: {  	[tilespmem:s1+$0x0] =	vst v4  }
0x8d: {  	[tilespmem:s1+$0xFFFFFFF0] =	vst v4  }
0x8e: {  	[tilespmem:s1+$0xFFFFFFE0] =	vst v4  }
0x8f: {  	[tilespmem:s1+$0xFFFFFFD0] =	vst v4  }
0x90: {  	[tilespmem:$0x10800] =	vst v4  }
0x91: {  	_ =	strace $0x9000004C  }
0x92: {  	s21 =	simm.s32 $0x40;
	_ =	strace $0x8000004D  }
0x93: {  	v22 =	vld [tilespmem:s21+$0x30]  }
0x94: {  	v23 =	vld [tilespmem:s21+$0x20]  }
0x95: {  	v13 =	vld [tilespmem:s21+$0x10]  }
0x96: {  	v12 =	vld [tilespmem:s21+$0x0]  }
0x97: {  	v11 =	vld [tilespmem:s21+$0xFFFFFFF0]  }
0x98: {  	v9 =	vld [tilespmem:s21+$0xFFFFFFE0]  }
0x99: {  	v7 =	vld [tilespmem:s21+$0xFFFFFFD0]  }
0x9a: {  	v21 =	vld [tilespmem:s21+$0xFFFFFFC0]  }
0x9b: {  	v6 =	vmov s0;
	vm0 =	vlt.s32 v23, $0x0;
	vm1 =	vlt.s32 v22, $0x0  }
0x9c: {  	v8 =	vshra.s32 v22, $0x15;
	vm2 =	vlt.s32 v12, $0x0;
	vm3 =	vlt.s32 v13, $0x0  }
0x9d: {  	v10 =	vshra.s32 v23, $0x15;
	vm4 =	vlt.s32 v11, $0x0;
	v14 =	vshra.s32 v12, $0x15  }
0x9e: {  	v15 =	vshra.s32 v13, $0x15;
	vm5 =	vlt.s32 v7, $0x0;
	vm6 =	vlt.s32 v9, $0x0  }
0x9f: {  	v16 =	vshra.s32 v11, $0x15;
	vm7 =	vlt.s32 v21, $0x0;
	v17 =	vshra.s32 v7, $0x15  }
0xa0: {  	v18 =	vshra.s32 v9, $0x15;
	v19 =	vshra.s32 v21, $0x15;
	v20 =	vxor.u32 $0x3FF, v10  }
0xa1: {  	v24 =	vxor.u32 $0x3FF, v8;
	v25 =	vxor.u32 $0x3FF, v16;
	v26 =	vxor.u32 $0x3FF, v14  }
0xa2: {  	v27 =	vxor.u32 $0x3FF, v15;
	v28 =	vxor.u32 $0x3FF, v19;
	v29 =	vxor.u32 $0x3FF, v17  }
0xa3: {  	v30 =	vxor.u32 $0x3FF, v18;
	v15 =	vsel vm3, v27, v15;
	v10 =	vsel vm0, v20, v10  }
0xa4: {  	v8 =	vsel vm1, v24, v8;
	v18 =	vsel vm6, v30, v18;
	v16 =	vsel vm4, v25, v16  }
0xa5: {  	v14 =	vsel vm2, v26, v14;
	v19 =	vsel vm7, v28, v19;
	v17 =	vsel vm5, v29, v17  }
0xa6: {  	v19 =	vadd.s32 $0x400, v19;
	v15 =	vadd.s32 $0x400, v15;
	v10 =	vadd.s32 $0x400, v10  }
0xa7: {  	v17 =	vadd.s32 $0x400, v17;
	v14 =	vadd.s32 $0x400, v14;
	vm5 =	vge.s32 v19, v6  }
0xa8: {  	vm0 =	vge.s32 v17, v6;
	v17 =	vadd.s32 $0x400, v18;
	v19 =	vmpcnt.ones.xlane vm5  }
0xa9: {  	v16 =	vadd.s32 $0x400, v16;
	v18 =	vmpcnt.ones.xlane vm0;
	vm1 =	vge.s32 v17, v6  }
0xaa: {  	vm2 =	vge.s32 v16, v6;
	v17 =	vmpcnt.ones.xlane vm1;
	(v2sf) =	vpush v19, $0x0  }
0xab: {  	vm4 =	vge.s32 v14, v6;
	v19 =	vmpcnt.ones.xlane vm2;
	(v2sf) =	vpush v18, $0x0  }
0xac: {  	vm7 =	vge.s32 v15, v6;
	v14 =	vmpcnt.ones.xlane vm4;
	(v2sf) =	vpush v17, $0x0  }
0xad: {  	vm6 =	vge.s32 v10, v6;
	v18 =	vmpcnt.ones.xlane vm7;
	(v2sf) =	vpush v19, $0x0  }
0xae: {  	s22 =	simm.s32 $0xC0;
	v8 =	vadd.s32 $0x400, v8;
	v10 =	vmpcnt.ones.xlane vm6;
	(v2sf) =	vpush v14, $0x0  }
0xaf: {  	v16 =	vld [tilespmem:s22+$0x30];
	vm9 =	vge.s32 v8, v6;
	(v2sf) =	vpush v18, $0x0  }
0xb0: {  	s18 =	simm.s32 $0x70;
	s23 =	simm.s32 $0x0;
	s24 =	simm.s32 $0x50;
	v15 =	vld [tilespmem:s22+$0x10];
	v8 =	vmpcnt.ones.xlane vm9;
	(v2sf) =	vpush v10, $0x0  }
0xb1: {  	s2 =	simm.s32 $0x60;
	v24 =	vor.u32 s18, v0;
	v25 =	vor.u32 s23, v0;
	v20 =	vor.u32 s24, v0  }
0xb2: {  	v27 =	vor.u32 s2, v0;
	vm15 =	vmmov vm0;
	v17 =	vld [tilespmem:s22+$0x20];
	(v2sf) =	vpush v8, $0x0  }
0xb3: {  	vm3 =	vmmov vm2;
	vm0 =	vmmov vm1;
	v14 =	vld [tilespmem:s22+$0xFFFFFFF0];
	v8 =	vimm.s32 $0x0  }
0xb4: {  	vm2 =	vmmov vm4;
	vm4 =	vmmov vm7;
	v18 =	vld [tilespmem:s22+$0x0];
	v8 =	vsel vm0, $0xFFFFFFFF, v8  }
0xb5: {  	vm10 =	vlt.s32 v16, $0x0;
	v26 =	vshra.s32 v16, $0x15;
	v60 =	vshra.s32 v15, $0x15;
	[tilespmem:$0x1FFF0] =	vst v8  }
0xb6: {  	vm13 =	vlt.s32 v15, $0x0;
	v36 =	vxor.u32 $0x3FF, v26;
	v39 =	vxor.u32 $0x3FF, v60;
	v10 =	vld [tilespmem:s22+$0xFFFFFFE0]  }
0xb7: {  	v30 =	vsel vm13, v39, v60;
	v26 =	vsel vm10, v36, v26;
	v58 =	vshra.s32 v17, $0x15;
	v8 =	vld [tilespmem:s22+$0xFFFFFFD0]  }
0xb8: {  	v30 =	vadd.s32 $0x400, v30;
	vm8 =	vlt.s32 v17, $0x0;
	v35 =	vxor.u32 $0x3FF, v58;
	v19 =	vld [tilespmem:s22+$0xFFFFFFC0]  }
0xb9: {  	p0 =	por $0x1, $0x1;
	s2 =	simm.s32 $0x0;
	vm11 =	vlt.s32 v14, $0x0;
	v31 =	vshra.s32 v14, $0x15;
	v59 =	vshra.s32 v18, $0x15;
	s25 =	spop (v2sf)  }
0xba: {  	s2 =	simm.s32 @!p0 $0x800;
	v28 =	vsel vm8, v35, v58;
	vm0 =	vlt.s32 v18, $0x0;
	v38 =	vxor.u32 $0x3FF, v59;
	s4 =	sadd.s32 $0x0, s25;
	s26 =	spop (v2sf)  }
0xbb: {  	v37 =	vxor.u32 $0x3FF, v31;
	[tilespmem:s2+$0x10000] =	vst.msk vm5, v21;
	v21 =	vadd.s32 $0x400, v26;
	v29 =	vsel vm0, v38, v59;
	s1 =	sadd.s32 s4, s26;
	s3 =	spop (v2sf)  }
0xbc: {  	s0 =	simm.s32 $0x8040;
	v26 =	vadd.s32 $0x400, v28;
	v31 =	vsel vm11, v37, v31;
	v61 =	vadd.s32 $0x400, v29;
	s8 =	sadd.s32 s1, s3;
	s28 =	spop (v2sf)  }
0xbd: {  	s11 =	simm.s32 $0x8;
	vm7 =	vlt.s32 v8, $0x0;
	vm14 =	vlt.s32 v10, $0x0;
	v34 =	vshra.s32 v19, $0x15;
	s12 =	sadd.s32 s8, s28;
	s29 =	spop (v2sf)  }
0xbe: {  	s20 =	simm.s32 $0x140;
	vm12 =	vlt.s32 v19, $0x0;
	v32 =	vshra.s32 v8, $0x15;
	v40 =	vxor.u32 $0x3FF, v34;
	s15 =	sadd.s32 s12, s29;
	s30 =	spop (v2sf)  }
0xbf: {  	s16 =	simm.s32 $0x70;
	v33 =	vshra.s32 v10, $0x15;
	v41 =	vxor.u32 $0x3FF, v32;
	v34 =	vsel vm12, v40, v34;
	s3 =	sadd.s32 s15, s30;
	s5 =	spop (v2sf)  }
0xc0: {  	s13 =	simm.s32 $0x8040;
	[tilespmem:s2+$0x10880] =	vst.msk vm5, v25;
	v42 =	vxor.u32 $0x3FF, v33;
	v32 =	vsel vm7, v41, v32;
	v25 =	vadd.s32 $0x400, v34;
	p2 =	slt.s32 s3, $0x800;
	s2 =	sadd.s32 s3, s5  }
0xc1: {  	[tilespmem:s0+$0xFFFFFFC0] =	vst v1;
	v33 =	vsel vm14, v42, v33;
	vm5 =	vge.s32 v25, v6;
	v25 =	vadd.s32 $0x400, v32;
	s31 =	spop (v2sf);
	s3 =	simm.s32 @!p2 $0x800;
	p2 =	slt.s32 s2, $0x800  }
0xc2: {  	p0 =	slt.s32 s4, $0x800;
	v62 =	vmpcnt.ones.xlane vm5;
	vm7 =	vge.s32 v25, v6;
	v25 =	vadd.s32 $0x400, v33;
	s19 =	sadd.s32 s2, s31;
	[tilespmem:s3+$0x10000] =	vst.msk vm6, v23;
	s2 =	simm.s32 @!p2 $0x800  }
0xc3: {  	vm11 =	vge.s32 v61, v6;
	p1 =	slt.s32 s1, $0x800;
	s4 =	simm.s32 @!p0 $0x800;
	p3 =	slt.s32 s8, $0x800;
	v63 =	vmpcnt.ones.xlane vm7;
	vm8 =	vge.s32 v25, v6;
	[tilespmem:s2+$0x10000] =	vst.msk vm9, v22  }
0xc4: {  	s1 =	simm.s32 @!p1 $0x800;
	s8 =	simm.s32 @!p3 $0x800;
	p4 =	slt.s32 s15, $0x800;
	(v2sf) =	vpush v62, $0x0;
	v23 =	vadd.s32 $0x400, v31;
	v22 =	vmpcnt.ones.xlane vm8;
	[tilespmem:s3+$0x10880] =	vst.msk vm6, v27  }
0xc5: {  	vm12 =	vge.s32 v30, v6;
	(v2sf) =	vpush v63, $0x0;
	p2 =	slt.s32 s12, $0x800;
	p3 =	slt.s32 s19, $0x800;
	vm10 =	vge.s32 v23, v6;
	[tilespmem:s2+$0x10880] =	vst.msk vm9, v24;
	s2 =	smov.u32 s19  }
0xc6: {  	s15 =	simm.s32 @!p4 $0x800;
	s12 =	simm.s32 @!p2 $0x800;
	v23 =	vmpcnt.ones.xlane vm10;
	v24 =	vmpcnt.ones.xlane vm11;
	s2 =	simm.s32 @!p3 $0x800;
	[tilespmem:s0+$0x30] =	vst v1;
	(v2sf) =	vpush v22, $0x0  }
.LBB2_13:
0xc7: {  	v22 =	vld [tilespmem:s20+$0x30]  }
0xc8: {  	v25 =	vmpcnt.ones.xlane vm12;
	vm6 =	vge.s32 v26, v6;
	vm13 =	vmmov vm15;
	v30 =	vld [tilespmem:s20+$0xFFFFFFD0]  }
0xc9: {  	vm1 =	vmmov vm7;
	vm9 =	vge.s32 v21, v6;
	v32 =	vld [tilespmem:s20+$0xFFFFFFC0];
	(v2sf) =	vpush v23, $0x0  }
0xca: {  	[tilespmem:s15+$0x10000] =	vst.msk vm4, v13;
	s6 =	sadd.s32 $0xFFFFFFA0, s16;
	v23 =	vld [tilespmem:$0x1FFF0];
	v26 =	vmpcnt.ones.xlane vm6;
	v21 =	vmpcnt.ones.xlane vm9;
	(v2sf) =	vpush v24, $0x0  }
0xcb: {  	v13 =	vmovc v15;
	s18 =	sadd.s32 $0x80, s18;
	s9 =	sadd.s32 $0xFFFFFFB0, s16;
	s14 =	sadd.s32 $0xFFFFFFC0, s16;
	v15 =	vld [tilespmem:s20+$0x10];
	[tilespmem:s15+$0x10880] =	vst.msk vm4, v20;
	v20 =	vimm.s32 $0x0;
	v29 =	vor.u32 s6, v0;
	(v2sf) =	vpush v25, $0x0  }
0xcc: {  	[tilespmem:s0+$0x20] =	vst v1;
	s5 =	sadd.s32 $0xFFFFFF90, s18;
	v31 =	vor.u32 s9, v0;
	v34 =	vor.u32 s14, v0;
	(v2sf) =	vpush v26, $0x0  }
0xcd: {  	v27 =	vld [tilespmem:s20+$0x0];
	[tilespmem:s12+$0x10000] =	vst.msk vm2, v12;
	s7 =	sadd.s32 $0xFFFFFFF0, s18;
	vm4 =	vmmov vm12;
	v24 =	vor.u32 s18, v0;
	v28 =	vor.u32 s5, v0  }
0xce: {  	[tilespmem:s2+$0x10000] =	vst.msk vm5, v19;
	v25 =	vor.u32 s7, v0;
	(v2sf) =	vpush v21, $0x0;
	v33 =	vshra.s32 v22, $0x15  }
0xcf: {  	[tilespmem:s4+$0x10000] =	vst.msk vm13, v7;
	vm12 =	vlt.s32 v30, $0x0;
	v56 =	vshra.s32 v30, $0x15;
	vm0 =	vnez.u8 v23  }
0xd0: {  	[tilespmem:s0+$0x10] =	vst v1;
	v26 =	vld [tilespmem:s20+$0xFFFFFFF0];
	v36 =	vshra.s32 v32, $0x15;
	vm7 =	vmmov vm0;
	vm0 =	vmmov vm8  }
0xd1: {  	v21 =	vld [tilespmem:s20+$0xFFFFFFE0];
	vm15 =	vlt.s32 v15, $0x0;
	v55 =	vshra.s32 v15, $0x15;
	v20 =	vsel vm0, $0xFFFFFFFF, v20;
	[tilespmem:s1+$0x10000] =	vst.msk vm7, v9  }
0xd2: {  	v12 =	vmovc v18;
	v18 =	vmovc v27;
	v38 =	vxor.u32 $0x3FF, v33;
	v58 =	vxor.u32 $0x3FF, v36;
	vm0 =	vmmov vm3;
	[tilespmem:$0x1FFF0] =	vst v20  }
0xd3: {  	s3 =	sadd.s32 $0xFFFFFFD0, s16;
	v23 =	vld [tilespmem:s20+$0x20];
	v41 =	vxor.u32 $0x3FF, v56;
	vm8 =	vlt.s32 v18, $0x0;
	v40 =	vxor.u32 $0x3FF, v55;
	[tilespmem:s8+$0x10000] =	vst.msk vm0, v11  }
0xd4: {  	s11 =	sadd.s32 $0x8, s11;
	s16 =	smov.u32 s18;
	v60 =	vsel vm12, v41, v56;
	vm3 =	vmmov vm10;
	v20 =	vor.u32 s3, v0;
	[tilespmem:s1+$0x10880] =	vst.msk vm7, v31  }
0xd5: {  	s15 =	sadd.s32 $0xFFFFFFE0, s18;
	p0 =	slt.u32 s11, $0x7F8;
	v11 =	vmovc v14;
	v14 =	vmovc v26;
	v26 =	vshra.s32 v18, $0x15;
	vm7 =	vlt.s32 v32, $0x0;
	[tilespmem:s12+$0x10880] =	vst.msk vm2, v20;
	vm2 =	vmmov vm11;
	s21 =	spop (v2sf)  }
0xd6: {  	[tilespmem:s4+$0x10880] =	vst.msk vm13, v29;
	s20 =	sadd.s32 $0x80, s20;
	v20 =	vor.u32 s15, v0;
	vm11 =	vlt.s32 v22, $0x0;
	vm14 =	vlt.s32 v14, $0x0;
	s22 =	sadd.s32 s19, s21;
	s23 =	spop (v2sf)  }
0xd7: {  	v9 =	vmovc v10;
	s3 =	simm.s32 @!p0 $0x0;
	[tilespmem:s8+$0x10880] =	vst.msk vm0, v34;
	v10 =	vmovc v21;
	v21 =	vshra.s32 v14, $0x15;
	v39 =	vxor.u32 $0x3FF, v26;
	v34 =	vsel vm15, v40, v55;
	s1 =	sadd.s32 s22, s23;
	s24 =	spop (v2sf)  }
0xd8: {  	s3 =	simm.s32 @p0 $0x1;
	[tilespmem:s0+$0xFFFFFFE0] =	vst v1;
	vm15 =	vmmov vm1;
	vm10 =	vlt.s32 v23, $0x0;
	v27 =	vshra.s32 v23, $0x15;
	s8 =	sadd.s32 s1, s24;
	s25 =	spop (v2sf)  }
0xd9: {  	[tilespmem:s0+$0x0] =	vst v1;
	[smem:$0x7FD] =	sst s3;
	vm0 =	vlt.s32 v10, $0x0;
	v35 =	vshra.s32 v10, $0x15;
	v57 =	vxor.u32 $0x3FF, v21;
	s12 =	sadd.s32 s8, s25;
	s26 =	spop (v2sf)  }
0xda: {  	[tilespmem:s0+$0xFFFFFFF0] =	vst v1;
	s0 =	sadd.s32 $0x80, s0;
	v33 =	vsel vm11, v38, v33;
	v59 =	vsel vm8, v39, v26;
	v26 =	vsel vm7, v58, v36;
	s15 =	sadd.s32 s12, s26;
	s28 =	spop (v2sf)  }
0xdb: {  	[tilespmem:s13+$0xFFFFFFD0] =	vst v1;
	v61 =	vadd.s32 $0x400, v34;
	v37 =	vxor.u32 $0x3FF, v27;
	v42 =	vxor.u32 $0x3FF, v35;
	s31 =	sld [smem:$0x7FD];
	s5 =	sadd.s32 s15, s28;
	s29 =	spop (v2sf)  }
0xdc: {  	v7 =	vmovc v8;
	[tilespmem:s2+$0x10880] =	vst.msk vm5, v28;
	v8 =	vmovc v30;
	v30 =	vsel vm14, v57, v21;
	v21 =	vadd.s32 $0x400, v33;
	v29 =	vadd.s32 $0x400, v26;
	s13 =	smov.u32 s0;
	p5 =	slt.s32 s5, $0x800;
	s2 =	sadd.s32 s5, s29  }
0xdd: {  	v62 =	vadd.s32 $0x400, v59;
	v27 =	vsel vm10, v37, v27;
	v35 =	vsel vm0, v42, v35;
	s30 =	spop (v2sf);
	s5 =	simm.s32 @!p5 $0x800;
	p0 =	slt.s32 s2, $0x800  }
0xde: {  	[tilespmem:s0+$0xFFFFFFC0] =	vst v1;
	vm5 =	vge.s32 v29, v6;
	v26 =	vadd.s32 $0x400, v27;
	v27 =	vadd.s32 $0x400, v60;
	s19 =	sadd.s32 s2, s30;
	s2 =	simm.s32 @!p0 $0x800;
	p0 =	seq.s32 s31, $0x1  }
.Ltmp5:
0xdf: {  	p1 =	slt.s32 s22, $0x800;
	v29 =	vmpcnt.ones.xlane vm5;
	s4 =	smov.u32 s22;
	vm7 =	vge.s32 v27, v6;
	v27 =	vadd.s32 $0x400, v35;
	[tilespmem:s5+$0x10000] =	vst.msk vm6, v17;
	(pc) =	sbr.rel @p0 .LBB2_13-.Ltmp5, $4  }
0xe0: {  	vm12 =	vge.s32 v61, v6;
	p2 =	slt.s32 s1, $0x800;
	s4 =	simm.s32 @!p1 $0x800;
	p3 =	slt.s32 s8, $0x800;
	v63 =	vmpcnt.ones.xlane vm7;
	vm8 =	vge.s32 v27, v6;
	[tilespmem:s2+$0x10000] =	vst.msk vm9, v16  }
0xe1: {  	v27 =	vadd.s32 $0x400, v30;
	s1 =	simm.s32 @!p2 $0x800;
	s8 =	simm.s32 @!p3 $0x800;
	p4 =	slt.s32 s12, $0x800;
	(v2sf) =	vpush v29, $0x0;
	v16 =	vmovc v22;
	v22 =	vmpcnt.ones.xlane vm8;
	[tilespmem:s5+$0x10880] =	vst.msk vm6, v25  }
0xe2: {  	vm11 =	vge.s32 v62, v6;
	vm10 =	vge.s32 v27, v6;
	p6 =	slt.s32 s15, $0x800;
	(v2sf) =	vpush v63, $0x0;
	p5 =	slt.s32 s19, $0x800;
	[tilespmem:s2+$0x10880] =	vst.msk vm9, v24;
	s2 =	smov.u32 s19  }
0xe3: {  	v19 =	vmovc v32;
	s12 =	simm.s32 @!p4 $0x800;
	s15 =	simm.s32 @!p6 $0x800;
	v17 =	vmovc v23;
	v23 =	vmpcnt.ones.xlane vm10;
	v24 =	vmpcnt.ones.xlane vm11;
	s2 =	simm.s32 @!p5 $0x800;
	[tilespmem:s0+$0x30] =	vst v1;
	(v2sf) =	vpush v22, $0x0  }
0xe4: {  	[tilespmem:s0+$0x20] =	vst v1  }
0xe5: {  	[tilespmem:s15+$0x10000] =	vst.msk vm4, v13  }
0xe6: {  	[tilespmem:s12+$0x10000] =	vst.msk vm2, v12  }
0xe7: {  	vm0 =	vmmov vm3;
	[tilespmem:s15+$0x10880] =	vst.msk vm4, v20  }
0xe8: {  	v22 =	vmpcnt.ones.xlane vm12;
	vm6 =	vge.s32 v26, v6;
	s3 =	sadd.s32 $0xFFFFFFD0, s16;
	(v2sf) =	vpush v23, $0x0;
	[tilespmem:s8+$0x10000] =	vst.msk vm0, v11  }
0xe9: {  	v56 =	vmpcnt.ones.xlane vm6;
	v12 =	vor.u32 s3, v0;
	(v2sf) =	vpush v24, $0x0;
	[tilespmem:s0+$0x10] =	vst v1  }
0xea: {  	s11 =	sadd.s32 $0xFFFFFFC0, s16;
	[tilespmem:s12+$0x10880] =	vst.msk vm2, v12;
	(v2sf) =	vpush v22, $0x0  }
0xeb: {  	v12 =	vor.u32 s11, v0;
	[tilespmem:s0+$0x0] =	vst v1;
	(v2sf) =	vpush v56, $0x0  }
0xec: {  	[tilespmem:s8+$0x10880] =	vst.msk vm0, v12  }
0xed: {  	v11 =	vld [tilespmem:$0x1FFF0];
	_ =	sdelay $0x4  }
0xee: {  	vm14 =	vnez.u8 v11  }
0xef: {  	s12 =	sadd.s32 $0xFFFFFFB0, s16;
	[tilespmem:s0+$0xFFFFFFF0] =	vst v1;
	vm0 =	vmmov vm14  }
0xf0: {  	v11 =	vor.u32 s12, v0;
	[tilespmem:s1+$0x10000] =	vst.msk vm0, v9;
	s14 =	spop (v2sf)  }
0xf1: {  	vm4 =	vmmov vm15;
	[tilespmem:s1+$0x10880] =	vst.msk vm0, v11;
	s1 =	sadd.s32 s19, s14;
	s15 =	spop (v2sf)  }
0xf2: {  	s5 =	sadd.s32 $0xFFFFFFA0, s16;
	[tilespmem:s4+$0x10000] =	vst.msk vm4, v7;
	s3 =	sadd.s32 s1, s15;
	s6 =	spop (v2sf)  }
0xf3: {  	[tilespmem:s2+$0x10000] =	vst.msk vm5, v19;
	v9 =	vor.u32 s5, v0;
	s6 =	sadd.s32 s3, s6;
	s7 =	spop (v2sf)  }
0xf4: {  	[tilespmem:s4+$0x10880] =	vst.msk vm4, v9;
	s19 =	sadd.s32 $0x80, s18;
	s4 =	sadd.s32 s6, s7;
	s20 =	spop (v2sf)  }
0xf5: {  	[tilespmem:s0+$0xFFFFFFE0] =	vst v1;
	s21 =	sadd.s32 $0xFFFFFF90, s19;
	s7 =	sadd.s32 s4, s20;
	s11 =	spop (v2sf)  }
0xf6: {  	[tilespmem:s13+$0xFFFFFFD0] =	vst v1;
	v7 =	vor.u32 s21, v0;
	s8 =	sadd.s32 s7, s11;
	s22 =	spop (v2sf)  }
0xf7: {  	s23 =	sadd.s32 $0x80, s0;
	[tilespmem:s2+$0x10880] =	vst.msk vm5, v7;
	p0 =	slt.s32 s8, $0x800;
	s2 =	sadd.s32 s8, s22  }
0xf8: {  	[tilespmem:s23+$0xFFFFFFC0] =	vst v1;
	s8 =	simm.s32 @!p0 $0x800;
	p0 =	slt.s32 s2, $0x800  }
0xf9: {  	s24 =	sadd.s32 $0xFFFFFFF0, s19;
	vm5 =	vge.s32 v21, v6;
	[tilespmem:s8+$0x10000] =	vst.msk vm6, v17;
	s2 =	simm.s32 @!p0 $0x800  }
0xfa: {  	v7 =	vor.u32 s24, v0;
	[tilespmem:s2+$0x10000] =	vst.msk vm5, v16  }
0xfb: {  	v6 =	vor.u32 s19, v0;
	[tilespmem:s8+$0x10880] =	vst.msk vm6, v7  }
0xfc: {  	p0 =	slt.s32 s7, $0x800;
	[tilespmem:s2+$0x10880] =	vst.msk vm5, v6;
	v6 =	vmpcnt.ones.xlane vm5  }
0xfd: {  	vm6 =	vmmov vm12;
	s7 =	simm.s32 @!p0 $0x800;
	[tilespmem:s23+$0x20] =	vst v1  }
0xfe: {  	p0 =	slt.s32 s4, $0x800;
	[tilespmem:s7+$0x10000] =	vst.msk vm6, v15;
	(v2sf) =	vpush v6, $0x0  }
0xff: {  	vm9 =	vmmov vm11;
	vm1 =	vmmov vm10;
	s4 =	simm.s32 @!p0 $0x800;
	p0 =	slt.s32 s6, $0x800;
	[tilespmem:s23+$0x30] =	vst v1  }
0x100: {  	vm11 =	vmmov vm1;
	s25 =	sadd.s32 $0xFFFFFFE0, s19;
	[tilespmem:s4+$0x10000] =	vst.msk vm9, v18;
	s6 =	simm.s32 @!p0 $0x800  }
0x101: {  	vm12 =	vmmov vm8;
	p0 =	slt.s32 s3, $0x800;
	v6 =	vor.u32 s25, v0;
	[tilespmem:s6+$0x10000] =	vst.msk vm11, v14  }
0x102: {  	vm13 =	vmmov vm12;
	s3 =	simm.s32 @!p0 $0x800;
	[tilespmem:s7+$0x10880] =	vst.msk vm6, v6  }
0x103: {  	s26 =	sadd.s32 $0xFFFFFFD0, s19;
	[tilespmem:s3+$0x10000] =	vst.msk vm13, v10  }
0x104: {  	vm14 =	vmmov vm7;
	p0 =	slt.s32 s1, $0x800;
	v6 =	vor.u32 s26, v0;
	[tilespmem:s23+$0x10] =	vst v1  }
0x105: {  	vm15 =	vmmov vm14;
	s1 =	simm.s32 @!p0 $0x800;
	[tilespmem:s4+$0x10880] =	vst.msk vm9, v6  }
0x106: {  	s28 =	sadd.s32 $0xFFFFFFC0, s19;
	[tilespmem:s1+$0x10000] =	vst.msk vm15, v8  }
0x107: {  	v6 =	vor.u32 s28, v0;
	[tilespmem:s23+$0x0] =	vst v1  }
0x108: {  	s29 =	sadd.s32 $0xFFFFFFB0, s19;
	[tilespmem:s6+$0x10880] =	vst.msk vm11, v6  }
0x109: {  	v6 =	vor.u32 s29, v0;
	[tilespmem:s23+$0xFFFFFFF0] =	vst v1  }
0x10a: {  	s30 =	sadd.s32 $0xFFFFFFA0, s19;
	[tilespmem:s3+$0x10880] =	vst.msk vm13, v6  }
0x10b: {  	v6 =	vor.u32 s30, v0;
	[tilespmem:s23+$0xFFFFFFE0] =	vst v1  }
0x10c: {  	[tilespmem:s1+$0x10880] =	vst.msk vm15, v6  }
0x10d: {  	s1 =	rddreg [dreg:$0x5];
	[tilespmem:s23+$0xFFFFFFD0] =	vst v1;
	s31 =	spop (v2sf)  }
0x10e: {  	p0 =	seq.s32 s17, $0x3;
	s4 =	sadd.s32 s1, s17;
	_ =	strace $0x9000004D  }
0x10f: {  	s0 =	sshll.u32 @!p0 s4, $0xC;
	s1 =	rddreg [dreg:$0x6]  }
0x110: {  	s0 =	sadd.s32 @!p0 s0, s1;
	s1 =	simm.s32 @!p0 $0x0  }
0x111: {  	[tilespmem:s1], [sflag:$0x1] =	stream.linear.gather @!p0 [hbm4b:s0+s1], $0x8000, $0x38;
	[tilespmem:$0x12600] =	vst v63  }
0x112: {  	s2 =	simm.s32 $0x10040;
	_ =	strace $0x8000004E  }
0x113: {  	s0 =	simm.s32 $0x108C0;
	v6 =	vld [tilespmem:s2+$0x30]  }
0x114: {  	v7 =	vld [tilespmem:s0+$0x30]  }
0x115: {  	v9 =	vld [tilespmem:s2+$0xFFFFFFD0]  }
0x116: {  	v10 =	vld [tilespmem:s0+$0xFFFFFFD0]  }
0x117: {  	v11 =	vld [tilespmem:s2+$0xFFFFFFE0]  }
0x118: {  	v12 =	vld [tilespmem:s0+$0xFFFFFFE0]  }
0x119: {  	(xrf1) =	vsort.dscd.msk.f32 $0xffff, v6, v7;
	v6 =	vld [tilespmem:s2+$0xFFFFFFF0]  }
0x11a: {  	v7 =	vld [tilespmem:s0+$0xFFFFFFF0]  }
0x11b: {  	v8 =	vld [tilespmem:s0+$0xFFFFFFC0];
	(xrf1) =	vsort.dscd.msk.f32 $0xffff, v9, v10  }
0x11c: {  	v13 =	vld [tilespmem:s2+$0x0]  }
0x11d: {  	v14 =	vld [tilespmem:s2+$0xFFFFFFC0];
	(xrf1) =	vsort.dscd.msk.f32 $0xffff, v11, v12  }
0x11e: {  	v9 =	vld [tilespmem:s0+$0x0]  }
0x11f: {  	v10 =	vld [tilespmem:s2+$0x10];
	(xrf1) =	vsort.dscd.msk.f32 $0xffff, v6, v7  }
0x120: {  	v11 =	vld [tilespmem:s0+$0x10]  }
0x121: {  	v12 =	vld [tilespmem:s2+$0x20]  }
0x122: {  	s1 =	simm.s32 $0x100C0;
	v7 =	vld [tilespmem:s0+$0x20]  }
0x123: {  	v58 =	vld [tilespmem:s1+$0xFFFFFFE0];
	(xrf1) =	vsort.dscd.msk.f32 $0xffff, v13, v9  }
0x124: {  	s3 =	simm.s32 $0x10940;
	v9 =	vld [tilespmem:s1+$0x30]  }
0x125: {  	v13 =	vld [tilespmem:s3+$0x30];
	(xrf1) =	vsort.dscd.msk.f32 $0xffff, v10, v11  }
0x126: {  	v59 =	vld [tilespmem:s1+$0xFFFFFFF0]  }
0x127: {  	v10 =	vld [tilespmem:s1+$0xFFFFFFD0];
	(xrf1) =	vsort.dscd.msk.f32 $0xffff, v12, v7;
	v15, v57, _ =	vpop (xrf1)  }
0x128: {  	v11 =	vld [tilespmem:s3+$0xFFFFFFD0];
	(xrf1) =	vsort.dscd.msk.f32 $0xffff, v14, v8;
	[tilespmem:s2+$0x30] =	vst v15  }
0x129: {  	v62 =	vld [tilespmem:s3+$0xFFFFFFF0];
	v61, v60, _ =	vpop (xrf1);
	[tilespmem:s0+$0x30] =	vst v57  }
0x12a: {  	v15 =	vld [tilespmem:s3+$0xFFFFFFE0];
	(xrf1) =	vsort.dscd.msk.f32 $0xffff, v9, v13;
	[tilespmem:s2+$0xFFFFFFD0] =	vst v61  }
0x12b: {  	v6 =	vld [tilespmem:s3+$0xFFFFFFC0];
	v7, v63, _ =	vpop (xrf1);
	[tilespmem:s0+$0xFFFFFFD0] =	vst v60  }
0x12c: {  	v12 =	vld [tilespmem:s1+$0x0];
	[tilespmem:s2+$0xFFFFFFE0] =	vst v7  }
0x12d: {  	v14 =	vld [tilespmem:s3+$0x0];
	[tilespmem:s0+$0xFFFFFFE0] =	vst v63;
	v7, v9, _ =	vpop (xrf1);
	(xrf1) =	vsort.dscd.msk.f32 $0xffff, v10, v11  }
0x12e: {  	v8 =	vld [tilespmem:s1+$0x10];
	[tilespmem:s2+$0xFFFFFFF0] =	vst v7  }
0x12f: {  	v10 =	vld [tilespmem:s3+$0x10];
	(xrf1) =	vsort.dscd.msk.f32 $0xffff, v58, v15;
	[tilespmem:s0+$0xFFFFFFF0] =	vst v9  }
0x130: {  	v7 =	vld [tilespmem:s1+$0x20];
	[dreg:$0xa] =	wrdreg s4;
	s4 =	sshll.u32 s4, $0xF  }
0x131: {  	v9, v13, _ =	vpop (xrf1);
	(xrf1) =	vsort.dscd.msk.f32 $0xffff, v59, v62;
	[dreg:$0xb] =	wrdreg s4  }
0x132: {  	v11 =	vld [tilespmem:s3+$0x20];
	[tilespmem:s2+$0x0] =	vst v9  }
0x133: {  	s5 =	simm.s32 $0x8;
	s8 =	simm.s32 $0x10140;
	(xrf1) =	vsort.dscd.msk.f32 $0xffff, v12, v14;
	s4 =	simm.s32 $0x10940;
	v9 =	vld [tilespmem:s1+$0xFFFFFFC0];
	[tilespmem:s0+$0x0] =	vst v13;
	v13, v12, _ =	vpop (xrf1)  }
.LBB2_15:
0x134: {  	v14 =	vld [tilespmem:s8+$0x30];
	s3 =	sadd.s32 $0x80, s3;
	[tilespmem:s2+$0x10] =	vst v13  }
0x135: {  	v13 =	vld [tilespmem:s3+$0x30];
	(xrf1) =	vsort.dscd.msk.f32 $0xffff, v8, v10;
	[tilespmem:s0+$0x10] =	vst v12;
	v8, v10, _ =	vpop (xrf1)  }
0x136: {  	s5 =	sadd.s32 $0x8, s5;
	v12 =	vld [tilespmem:s3+$0xFFFFFFC0];
	[tilespmem:s2+$0x20] =	vst v8;
	v8, v15, _ =	vpop (xrf1)  }
0x137: {  	p0 =	slt.u32 s5, $0x78;
	v16 =	vld [tilespmem:s8+$0xFFFFFFD0];
	(xrf1) =	vsort.dscd.msk.f32 $0xffff, v7, v11;
	[tilespmem:s2+$0xFFFFFFC0] =	vst v8;
	s2 =	smov.u32 s1;
	s1 =	smov.u32 s8  }
0x138: {  	v7 =	vld [tilespmem:s3+$0xFFFFFFD0];
	(xrf1) =	vsort.dscd.msk.f32 $0xffff, v9, v6;
	v6, v8, _ =	vpop (xrf1);
	[tilespmem:s0+$0xFFFFFFC0] =	vst v15  }
0x139: {  	v9 =	vld [tilespmem:s8+$0xFFFFFFE0];
	[tilespmem:s2+$0x30] =	vst v6  }
0x13a: {  	v11 =	vld [tilespmem:s3+$0xFFFFFFE0];
	(xrf1) =	vsort.dscd.msk.f32 $0xffff, v14, v13;
	[tilespmem:s4+$0x30] =	vst v8  }
0x13b: {  	v13 =	vld [tilespmem:s8+$0xFFFFFFF0];
	v8, v14, _ =	vpop (xrf1);
	[tilespmem:s0+$0x20] =	vst v10;
	v6 =	vmov v12;
	s0 =	smov.u32 s4;
	s4 =	smov.u32 s3  }
0x13c: {  	v12 =	vld [tilespmem:s3+$0xFFFFFFF0];
	[tilespmem:s2+$0xFFFFFFD0] =	vst v8  }
0x13d: {  	v15 =	vld [tilespmem:s8+$0x0];
	(xrf1) =	vsort.dscd.msk.f32 $0xffff, v16, v7;
	[tilespmem:s0+$0xFFFFFFD0] =	vst v14;
	v7, v10, _ =	vpop (xrf1)  }
0x13e: {  	v14 =	vld [tilespmem:s3+$0x0];
	[tilespmem:s2+$0xFFFFFFE0] =	vst v7  }
.Ltmp6:
0x13f: {  	v8 =	vld [tilespmem:s8+$0x10];
	(xrf1) =	vsort.dscd.msk.f32 $0xffff, v9, v11;
	[tilespmem:s0+$0xFFFFFFE0] =	vst v10;
	v7, v9, _ =	vpop (xrf1);
	(pc) =	sbr.rel @p0 .LBB2_15-.Ltmp6, $4  }
0x140: {  	v10 =	vld [tilespmem:s3+$0x10];
	[tilespmem:s2+$0xFFFFFFF0] =	vst v7  }
0x141: {  	v7 =	vld [tilespmem:s8+$0x20];
	(xrf1) =	vsort.dscd.msk.f32 $0xffff, v13, v12;
	[tilespmem:s0+$0xFFFFFFF0] =	vst v9;
	v9, v12, _ =	vpop (xrf1)  }
0x142: {  	v11 =	vld [tilespmem:s3+$0x20];
	[tilespmem:s2+$0x0] =	vst v9  }
0x143: {  	s8 =	sadd.s32 $0x80, s8;
	v9 =	vld [tilespmem:s1+$0xFFFFFFC0];
	(xrf1) =	vsort.dscd.msk.f32 $0xffff, v15, v14;
	[tilespmem:s0+$0x0] =	vst v12;
	v13, v12, _ =	vpop (xrf1)  }
0x144: {  	[tilespmem:s2+$0x10] =	vst v13  }
0x145: {  	(xrf1) =	vsort.dscd.msk.f32 $0xffff, v8, v10;
	[tilespmem:s0+$0x10] =	vst v12;
	v8, v10, _ =	vpop (xrf1)  }
0x146: {  	[tilespmem:s2+$0x20] =	vst v8;
	v8, v12, _ =	vpop (xrf1)  }
0x147: {  	(xrf1) =	vsort.dscd.msk.f32 $0xffff, v7, v11;
	[tilespmem:s2+$0xFFFFFFC0] =	vst v8  }
0x148: {  	[tilespmem:s0+$0x20] =	vst v10;
	(xrf1) =	vsort.dscd.msk.f32 $0xffff, v9, v6  }
0x149: {  	v6, v7, _ =	vpop (xrf1);
	[tilespmem:s0+$0xFFFFFFC0] =	vst v12  }
0x14a: {  	[tilespmem:s1+$0x30] =	vst v6  }
0x14b: {  	[tilespmem:s4+$0x30] =	vst v7;
	v6, v7, _ =	vpop (xrf1)  }
0x14c: {  	[tilespmem:s1+$0xFFFFFFD0] =	vst v6  }
0x14d: {  	[tilespmem:s4+$0xFFFFFFD0] =	vst v7;
	v6, v7, _ =	vpop (xrf1)  }
0x14e: {  	[tilespmem:s1+$0xFFFFFFE0] =	vst v6  }
0x14f: {  	[tilespmem:s4+$0xFFFFFFE0] =	vst v7;
	v6, v7, _ =	vpop (xrf1)  }
0x150: {  	[tilespmem:s1+$0xFFFFFFF0] =	vst v6  }
0x151: {  	[tilespmem:s4+$0xFFFFFFF0] =	vst v7;
	v6, v7, _ =	vpop (xrf1)  }
0x152: {  	[tilespmem:s1+$0x0] =	vst v6  }
0x153: {  	[tilespmem:s4+$0x0] =	vst v7;
	v6, v7, _ =	vpop (xrf1)  }
0x154: {  	[tilespmem:s1+$0x10] =	vst v6  }
0x155: {  	[tilespmem:s4+$0x10] =	vst v7;
	v6, v7, _ =	vpop (xrf1)  }
0x156: {  	[tilespmem:s1+$0x20] =	vst v6;
	v6, v8, _ =	vpop (xrf1)  }
0x157: {  	[tilespmem:s1+$0xFFFFFFC0] =	vst v6  }
0x158: {  	[tilespmem:s4+$0x20] =	vst v7  }
0x159: {  	[tilespmem:s4+$0xFFFFFFC0] =	vst v8  }
0x15a: {  	_ =	strace $0x9000004E  }
0x15b: {  	s1 =	simm.s32 $0x10000;
	_ =	strace $0x8000004F  }
0x15c: {  	v8 =	vld [tilespmem:s1+$0x10];
	_ =	sdelay $0x4  }
0x15d: {  	(v2sf) =	vpush v8, $0x0;
	_ =	sdelay $0x6  }
0x15e: {  	s0 =	simm.s32 $0x10020  }
0x15f: {  	v11 =	vld [tilespmem:s0+$0x10];
	_ =	sdelay $0x4  }
0x160: {  	(v2sf) =	vpush v11, $0x0;
	_ =	sdelay $0x1  }
0x161: {  	s2 =	spop (v2sf)  }
0x162: {  	p5 =	sne.f32 s2, $-Inf;
	_ =	sdelay $0x1  }
0x163: {  	v10 =	vld @p5 [tilespmem:s1+$0x0];
	_ =	sdelay $0x4  }
0x164: {  	(v2sf) =	vpush @p5 v10, $0x0;
	_ =	sdelay $0x1  }
0x165: {  	s20 =	simm.s32 $0x10040  }
0x166: {  	v13 =	vld [tilespmem:s20+$0x10];
	_ =	sdelay $0x1  }
0x167: {  	s3 =	spop (v2sf)  }
0x168: {  	p2 =	sne.f32 s3, $-Inf;
	_ =	sdelay $0x1  }
0x169: {  	v12 =	vld @p2 [tilespmem:s0+$0x0];
	(v2sf) =	vpush v13, $0x0;
	_ =	sdelay $0x4  }
0x16a: {  	s4 =	simm.s32 @!p2 $0x0;
	(v2sf) =	vpush @p2 v12, $0x0  }
0x16b: {  	s4 =	simm.s32 @p2 $0x1  }
0x16c: {  	p0 =	por p5, p5;
	[smem:$0x7F0] =	sst s4;
	s4 =	spop @p5 (v2sf)  }
0x16d: {  	p1 =	sge.f32 @p0 s4, s2;
	_ =	sdelay $0x1  }
0x16e: {  	s4 =	simm.s32 $0x0;
	s2 =	simm.s32 $0x1;
	p3 =	por !p1, !p0  }
0x16f: {  	s6 =	simm.s32 $0x1;
	s5 =	simm.s32 @p0 $0x2;
	s2 =	smov.u32 @p3 s4  }
0x170: {  	s6 =	smov.u32 @p3 s5;
	s4 =	sshll.u32 @p0 s2, $0x4  }
0x171: {  	s5 =	sshll.u32 @p0 s6, $0x4;
	s4 =	sand.u32 @p0 $0x3FFFFFF0, s4  }
0x172: {  	v7 =	vld @p0 [tilespmem:s4+$0x10000];
	s4 =	sand.u32 @p0 $0x3FFFFFF0, s5  }
0x173: {  	s7 =	spop (v2sf);
	v9 =	vld @p0 [tilespmem:s4+$0x10000]  }
0x174: {  	s21 =	simm.s32 $0x10060;
	p6 =	sne.f32 s7, $-Inf  }
0x175: {  	v6 =	vld [tilespmem:s21+$0x10]  }
0x176: {  	p1 =	por p0, p0;
	v15 =	vld @p6 [tilespmem:s20+$0x0]  }
0x177: {  	(v2sf) =	vpush @p1 v7, $0x0  }
0x178: {  	p0 =	por p2, p2;
	s4 =	spop @p2 (v2sf);
	(v2sf) =	vpush @p1 v9, $0x0  }
0x179: {  	p2 =	sge.f32 @p0 s4, s3  }
0x17a: {  	(v2sf) =	vpush v6, $0x0  }
0x17b: {  	p2 =	por !p2, !p0;
	(v2sf) =	vpush @p6 v15, $0x0  }
0x17c: {  	s4 =	simm.s32 @!p2 $0x0  }
0x17d: {  	s4 =	simm.s32 @p2 $0x1  }
0x17e: {  	s3 =	simm.s32 $0x2;
	[smem:$0x7EB] =	sst s4;
	s4 =	simm.s32 $0x3  }
0x17f: {  	s5 =	simm.s32 $0x3;
	s8 =	simm.s32 @p0 $0x4;
	s4 =	smov.u32 @p2 s3  }
0x180: {  	s5 =	smov.u32 @p2 s8;
	s3 =	sshll.u32 @p0 s4, $0x4  }
0x181: {  	s8 =	sshll.u32 @p0 s5, $0x4;
	s3 =	sand.u32 @p0 $0x3FFFFFF0, s3  }
0x182: {  	v7 =	vld @p0 [tilespmem:s3+$0x10000];
	s3 =	sand.u32 @p0 $0x3FFFFFF0, s8  }
0x183: {  	v9 =	vld @p0 [tilespmem:s3+$0x10000]  }
0x184: {  	s3 =	simm.s32 @!p5 $0x0  }
0x185: {  	s3 =	simm.s32 @p5 $0x1  }
0x186: {  	p4 =	por p0, p0;
	[smem:$0x7ED] =	sst s3;
	s3 =	spop @p5 (v2sf)  }
0x187: {  	s9 =	simm.s32 @!p6 $0x0;
	p1 =	por p1, p1;
	(v2sf) =	vpush @p4 v7, $0x0;
	s11 =	spop @p5 (v2sf)  }
0x188: {  	s22 =	simm.s32 $0x10080;
	s9 =	simm.s32 @p6 $0x1;
	(v2sf) =	vpush @p4 v9, $0x0;
	p0 =	sge.f32 @p1 s3, s11  }
0x189: {  	v7 =	vld [tilespmem:s22+$0x10];
	p5 =	sge.u32 @p1 s6, $0x2;
	s8 =	spop (v2sf);
	s3 =	smov.u32 s2  }
0x18a: {  	s11 =	spop @p6 (v2sf);
	p6 =	por p6, p6;
	p0 =	por !p0, !p1  }
0x18b: {  	s3 =	smov.u32 @p0 s6;
	p0 =	por !p5, !p1;
	p5 =	sle.u32 @p1 s2, $0x0  }
0x18c: {  	s2 =	smov.u32 @p0 s3;
	p0 =	por !p5, !p1;
	p5 =	sge.f32 @p6 s11, s7  }
0x18d: {  	p2 =	sne.f32 s8, $-Inf  }
0x18e: {  	(v2sf) =	vpush v7, $0x0;
	s2 =	smov.u32 @p0 s6;
	p5 =	por !p5, !p6  }
0x18f: {  	v9 =	vld @p2 [tilespmem:s21+$0x0];
	[smem:$0x7EC] =	sst s9;
	s7 =	sshll.u32 @p1 s2, $0x4;
	s2 =	simm.s32 @!p5 $0x0  }
0x190: {  	s9 =	sld [smem:$0x7F0];
	s2 =	simm.s32 @p5 $0x1  }
0x191: {  	s6 =	simm.s32 $0x4;
	[smem:$0x7EE] =	sst s2;
	s2 =	simm.s32 $0x5  }
0x192: {  	s3 =	simm.s32 $0x5;
	s11 =	simm.s32 @p6 $0x6;
	s2 =	smov.u32 @p5 s6  }
0x193: {  	s3 =	smov.u32 @p5 s11;
	v14 =	vld @p1 [tilespmem:s7+$0x10000];
	s6 =	sshll.u32 @p6 s2, $0x4  }
0x194: {  	p3 =	por p3, p3;
	v16 =	vld @p1 [tilespmem:s7+$0x10880];
	s7 =	sshll.u32 @p6 s3, $0x4;
	s6 =	sand.u32 @p6 $0x3FFFFFF0, s6  }
0x195: {  	v17 =	vlaneseq.u32 @p1;
	p0 =	por p3, p3;
	p3 =	seq.s32 s9, $0x1;
	(v2sf) =	vpush @p2 v9, $0x0;
	v18 =	vld @p6 [tilespmem:s6+$0x10000];
	s6 =	sand.u32 @p6 $0x3FFFFFF0, s7  }
0x196: {  	s12 =	simm.s32 $0x10880;
	v17 =	vmul.u32 @p1 $0xFFFFFFFF, v17;
	s11 =	simm.s32 @p1 $0x10890;
	v19 =	vld @p6 [tilespmem:s6+$0x10000];
	s6 =	spop @p3 (v2sf)  }
0x197: {  	p4 =	por p4, p4;
	s12 =	smov.u32 @p0 s11;
	s7 =	spop @p3 (v2sf)  }
0x198: {  	v17 =	vadd.s32 @p1 $0xF, v17;
	v20 =	vld @p1 [tilespmem:s12+$0x0];
	p3 =	por p1, p1;
	p1 =	sge.f32 @p4 s6, s7  }
0x199: {  	s11 =	sld [smem:$0x7EB]  }
0x19a: {  	v21 =	vpsel p0, v8, v10;
	s6 =	smov.u32 s4;
	p0 =	por !p1, !p4;
	p1 =	sge.u32 @p4 s5, $0x4  }
0x19b: {  	s6 =	smov.u32 @p0 s5;
	p0 =	por !p1, !p4;
	p1 =	sle.u32 @p4 s4, $0x2  }
0x19c: {  	s4 =	smov.u32 @p0 s6;
	p0 =	por !p1, !p4  }
0x19d: {  	v14 =	vperm.xlane @p3 v14, v17;
	p1 =	seq.s32 s11, $0x1;
	s4 =	smov.u32 @p0 s5;
	s5 =	spop (v2sf)  }
0x19e: {  	p5 =	por p6, p6;
	v16 =	vperm.xlane @p3 v16, v17;
	p0 =	por p1, p1;
	p1 =	sne.f32 s5, $-Inf  }
0x19f: {  	(v2sf) =	vpush @p5 v18, $0x0;
	vm0 =	vge.f32 @p3 v21, v14  }
0x1a0: {  	s23 =	simm.s32 $0x100A0;
	(v2sf) =	vpush @p5 v19, $0x0;
	v8 =	vsel @p3 vm0, v21, v14;
	v10 =	vsel @p3 vm0, v20, v16;
	s6 =	simm.s32 @!p1 $0x0  }
0x1a1: {  	(xrf1) =	vsort.dscd.msk.f32 @p3 $0xffff, v8, v10;
	v8 =	vld [tilespmem:s23+$0x10];
	s4 =	sshll.u32 @p4 s4, $0x4;
	s6 =	simm.s32 @p1 $0x1  }
0x1a2: {  	s7 =	simm.s32 @!p2 $0x0;
	v17 =	vld @p4 [tilespmem:s4+$0x10000];
	[smem:$0x7EF] =	sst s6  }
0x1a3: {  	s7 =	simm.s32 @p2 $0x1;
	p0 =	por p0, p0;
	v18 =	vld @p4 [tilespmem:s4+$0x10880]  }
0x1a4: {  	v19 =	vlaneseq.u32 @p4;
	v10 =	vld @p1 [tilespmem:s22+$0x0];
	[smem:$0x7F6] =	sst s7;
	s7 =	spop @p2 (v2sf);
	p1 =	por p2, p2  }
0x1a5: {  	v19 =	vmul.u32 @p4 $0xFFFFFFFF, v19;
	s6 =	simm.s32 @p4 $0x108B0;
	s4 =	simm.s32 $0x108A0;
	p6 =	sge.f32 @p1 s7, s8  }
0x1a6: {  	s4 =	smov.u32 @p0 s6  }
0x1a7: {  	s14 =	sld [smem:$0x7ED];
	v19 =	vadd.s32 @p4 $0xF, v19;
	p2 =	por p4, p4;
	v22 =	vld @p4 [tilespmem:s4+$0x0];
	p4 =	por !p6, !p1  }
0x1a8: {  	s12 =	sld [smem:$0x7EF];
	s4 =	simm.s32 @!p4 $0x0  }
0x1a9: {  	s30 =	simm.s32 $0x7;
	s13 =	sld [smem:$0x7EC];
	v17 =	vperm.xlane @p2 v17, v19;
	s4 =	simm.s32 @p4 $0x1  }
0x1aa: {  	v23 =	vpsel p0, v11, v12;
	s8 =	simm.s32 $0x6;
	v18 =	vperm.xlane @p2 v18, v19;
	[smem:$0x7F1] =	sst s4;
	s4 =	simm.s32 $0x7  }
0x1ab: {  	v11 =	vsel @p3 vm0, v14, v21;
	v12 =	vsel @p3 vm0, v16, v20;
	s31 =	simm.s32 @p1 $0x8;
	p0 =	seq.s32 s12, $0x1;
	vm0 =	vge.f32 @p2 v23, v17;
	s4 =	smov.u32 @p4 s8  }
0x1ac: {  	(xrf1) =	vsort.dscd.msk.f32 @p3 $0xffff, v11, v12;
	p6 =	seq.s32 s14, $0x1;
	s30 =	smov.u32 @p4 s31;
	v12 =	vsel @p2 vm0, v22, v18;
	s6 =	sshll.u32 @p1 s4, $0x4  }
0x1ad: {  	(v2sf) =	vpush v8, $0x0;
	s7 =	sshll.u32 @p1 s30, $0x4;
	p4 =	seq.s32 s13, $0x1;
	s6 =	sand.u32 @p1 $0x3FFFFFF0, s6  }
0x1ae: {  	v11 =	vsel @p2 vm0, v23, v17;
	(v2sf) =	vpush @p0 v10, $0x0;
	p0 =	por p5, p5;
	v14 =	vld @p1 [tilespmem:s6+$0x10000];
	s6 =	sand.u32 @p1 $0x3FFFFFF0, s7;
	s7 =	spop @p4 (v2sf)  }
0x1af: {  	p5 =	por p3, p3;
	(xrf1) =	vsort.dscd.msk.f32 @p2 $0xffff, v11, v12;
	v12, v19, _ =	vpop @p6 (xrf1);
	v11 =	vld @p1 [tilespmem:s6+$0x10000];
	s11 =	spop @p4 (v2sf);
	s6 =	simm.s32 $0x11100  }
0x1b0: {  	s9 =	simm.s32 @!p5 $0x0;
	p1 =	por p1, p1;
	p3 =	sge.f32 @p0 s7, s11;
	[tilespmem:s6+$0x0] =	vst @p5 v12  }
0x1b1: {  	s9 =	simm.s32 @p5 $0x1;
	v12 =	vld @!p5 [tilespmem:s1+$0x0];
	s1 =	simm.s32 @!p1 $0x0  }
0x1b2: {  	s15 =	sld [smem:$0x7EE];
	s1 =	simm.s32 @p1 $0x1;
	p4 =	por !p3, !p0  }
0x1b3: {  	p3 =	sge.u32 @p0 s3, $0x6;
	(v2sf) =	vpush @p1 v14, $0x0;
	[smem:$0x7F5] =	sst s1;
	s1 =	smov.u32 s2  }
0x1b4: {  	s1 =	smov.u32 @p4 s3;
	(v2sf) =	vpush @p1 v11, $0x0;
	p1 =	por !p3, !p0;
	p3 =	sle.u32 @p0 s2, $0x4  }
0x1b5: {  	p4 =	seq.s32 s15, $0x1;
	s2 =	smov.u32 @p1 s1;
	p1 =	por !p3, !p0  }
0x1b6: {  	[smem:$0x7F3] =	sst s9;
	s2 =	smov.u32 @p1 s3;
	p1 =	por p4, p4  }
0x1b7: {  	[tilespmem:s6+$0x0] =	vst @!p5 v12;
	p1 =	por p1, p1  }
0x1b8: {  	s16 =	sld [smem:$0x7EF];
	s9 =	simm.s32 @!p1 $0x0  }
0x1b9: {  	s19 =	sld [smem:$0x7F1];
	s9 =	simm.s32 @p1 $0x1  }
0x1ba: {  	s24 =	simm.s32 $0x100C0;
	s3 =	simm.s32 $0x10880;
	[smem:$0x7F2] =	sst s9  }
0x1bb: {  	s11 =	simm.s32 $0x108C0;
	s2 =	sshll.u32 @p0 s2, $0x4;
	v20 =	vld @!p5 [tilespmem:s3+$0x0];
	s3 =	simm.s32 @p0 $0x108D0  }
0x1bc: {  	s18 =	sld [smem:$0x7F0];
	s11 =	smov.u32 @p1 s3;
	p1 =	seq.s32 s19, $0x1  }
0x1bd: {  	v21, v24, _ =	vpop @p6 (xrf1);
	s12 =	spop (v2sf);
	p3 =	seq.s32 s16, $0x1;
	v25 =	vld @p0 [tilespmem:s2+$0x10000];
	p6 =	por p1, p1  }
0x1be: {  	s26 =	simm.s32 $0x11120;
	s13 =	spop @p3 (v2sf);
	v26 =	vld @p0 [tilespmem:s2+$0x10880];
	s2 =	simm.s32 @!p6 $0x0  }
0x1bf: {  	p4 =	por p3, p3;
	p3 =	seq.s32 s18, $0x1;
	s2 =	simm.s32 @p6 $0x1  }
0x1c0: {  	v11 =	vld [tilespmem:s24+$0x10];
	p5 =	por p2, p2;
	v16, v12, _ =	vpop @p3 (xrf1);
	p1 =	sne.f32 s12, $-Inf;
	[smem:$0x7F8] =	sst s2  }
0x1c1: {  	s25 =	simm.s32 $0x11990;
	s29 =	simm.s32 $0x8;
	s16 =	simm.s32 $0x9;
	[tilespmem:s26+$0x0] =	vst @p5 v16  }
0x1c2: {  	v14 =	vlaneseq.u32 @p0;
	p3 =	sge.f32 @p4 s13, s5;
	s2 =	simm.s32 @!p1 $0x0;
	s3 =	sld [smem:$0x7F2]  }
0x1c3: {  	v27 =	vmul.u32 @p0 $0xFFFFFFFF, v14;
	s13 =	simm.s32 @p4 $0xA;
	s2 =	simm.s32 @p1 $0x1;
	s5 =	sld [smem:$0x7F3]  }
0x1c4: {  	p3 =	por !p3, !p4;
	p6 =	por p0, p0;
	v14 =	vld @p0 [tilespmem:s11+$0x0];
	[smem:$0x7FA] =	sst s2  }
0x1c5: {  	v27 =	vadd.s32 @p0 $0xF, v27;
	s11 =	simm.s32 $0x9;
	v28 =	vld @!p5 [tilespmem:s0+$0x0];
	s0 =	simm.s32 @!p3 $0x0;
	p0 =	seq.s32 s3, $0x1  }
0x1c6: {  	s11 =	smov.u32 @p3 s29;
	s0 =	simm.s32 @p3 $0x1;
	v16 =	vpsel p0, v13, v15;
	v13 =	vld @p1 [tilespmem:s23+$0x0];
	p1 =	seq.s32 s5, $0x1  }
0x1c7: {  	v18 =	vsel @p2 vm0, v18, v22;
	s16 =	smov.u32 @p3 s13;
	[smem:$0x7F4] =	sst s0;
	s0 =	sshll.u32 @p4 s11, $0x4;
	v19 =	vpsel p1, v19, v20;
	v20 =	vsel @p2 vm0, v17, v23  }
0x1c8: {  	s3 =	sshll.u32 @p4 s16, $0x4;
	s0 =	sand.u32 @p4 $0x3FFFFFF0, s0;
	[tilespmem:s25+$0xFFFFFFF0] =	vst v19;
	(xrf1) =	vsort.dscd.msk.f32 @p2 $0xffff, v20, v18;
	p2 =	por p4, p4  }
0x1c9: {  	v19 =	vpsel !p1, $0xFF800000, v21;
	v20 =	vld @p4 [tilespmem:s0+$0x10000];
	s0 =	sand.u32 @p4 $0x3FFFFFF0, s3;
	s9 =	sld [smem:$0x7F5];
	s3 =	simm.s32 @!p2 $0x0  }
0x1ca: {  	s14 =	sld [smem:$0x7F6];
	[tilespmem:s6+$0x10] =	vst v19;
	s3 =	simm.s32 @p2 $0x1  }
0x1cb: {  	[smem:$0x7F7] =	sst s3  }
0x1cc: {  	[tilespmem:s26+$0x0] =	vst @!p5 v28  }
0x1cd: {  	s18 =	sld [smem:$0x7F8];
	_ =	sdelay $0x1  }
0x1ce: {  	p0 =	seq.s32 s14, $0x1  }
0x1cf: {  	v21 =	vld @p4 [tilespmem:s0+$0x10000];
	s5 =	spop @p0 (v2sf);
	p4 =	seq.s32 s18, $0x1  }
0x1d0: {  	p2 =	por p0, p0;
	s6 =	spop @p0 (v2sf);
	p0 =	por p4, p4  }
0x1d1: {  	s0 =	simm.s32 @!p0 $0x0  }
0x1d2: {  	p3 =	por p1, p1;
	s0 =	simm.s32 @p0 $0x1  }
0x1d3: {  	s28 =	simm.s32 $0xA;
	s7 =	simm.s32 $0x108A0;
	v22 =	vpsel !p3, $0x0, v24;
	[smem:$0x7F9] =	sst s0  }
0x1d4: {  	s15 =	simm.s32 $0xE;
	s1 =	simm.s32 $0xC;
	s0 =	simm.s32 @!p6 $0x0;
	[tilespmem:s25+$0x0] =	vst v22  }
0x1d5: {  	s2 =	simm.s32 $0x108C0;
	v15 =	vperm.xlane @p6 v25, v27;
	s0 =	simm.s32 @p6 $0x1;
	s19 =	sld [smem:$0x7FA]  }
0x1d6: {  	v17 =	vperm.xlane @p6 v26, v27;
	p1 =	seq.s32 s9, $0x1;
	[smem:$0x7FB] =	sst s0;
	s0 =	simm.s32 @!p5 $0x0  }
0x1d7: {  	vm0 =	vge.f32 @p6 v16, v15;
	s3 =	simm.s32 $0x100E0;
	p1 =	por p1, p1;
	s0 =	simm.s32 @p5 $0x1  }
0x1d8: {  	v18 =	vsel @p6 vm0, v16, v15;
	v19 =	vsel @p6 vm0, v14, v17;
	(v2sf) =	vpush v11, $0x0;
	[smem:$0x7FC] =	sst s0;
	s0 =	simm.s32 $0x108C0;
	p0 =	seq.s32 s19, $0x1  }
0x1d9: {  	(xrf1) =	vsort.dscd.msk.f32 @p6 $0xffff, v18, v19;
	v18 =	vld @!p5 [tilespmem:s7+$0x0];
	(v2sf) =	vpush @p0 v13, $0x0;
	p6 =	por p0, p0;
	p4 =	por p0, p0;
	p0 =	sge.f32 @p1 s5, s6  }
.LBB2_17:
0x1da: {  	s5 =	sld [smem:$0x7F0]  }
0x1db: {  	s6 =	sld [smem:$0x7F4]  }
0x1dc: {  	s18 =	sld [smem:$0x7EC]  }
0x1dd: {  	s19 =	sld [smem:$0x7EF];
	p3 =	seq.s32 s5, $0x1  }
0x1de: {  	p0 =	por !p0, !p1;
	p5 =	seq.s32 s6, $0x1;
	s5 =	simm.s32 @!p3 $0x0  }
0x1df: {  	s6 =	sld [smem:$0x7F7];
	s5 =	simm.s32 @p3 $0x1;
	p3 =	seq.s32 s18, $0x1  }
0x1e0: {  	s25 =	sadd.s32 $0x20, s25;
	[smem:$0x7E8] =	sst s5;
	s5 =	simm.s32 @!p3 $0x0  }
0x1e1: {  	s2 =	sadd.s32 $0x20, s2;
	s18 =	sld [smem:$0x7F9];
	s5 =	simm.s32 @p3 $0x1  }
0x1e2: {  	p3 =	sge.u32 @p1 s30, s31;
	[smem:$0x7F0] =	sst s5;
	s5 =	simm.s32 @!p2 $0x0  }
0x1e3: {  	s5 =	simm.s32 @p2 $0x1;
	p2 =	seq.s32 s19, $0x1;
	s9 =	sld [smem:$0x7F0]  }
0x1e4: {  	s31 =	smov.u32 s13;
	[smem:$0x7EC] =	sst s5;
	s5 =	simm.s32 @!p2 $0x0  }
0x1e5: {  	s13 =	smov.u32 s2;
	s19 =	sld [smem:$0x7FB];
	s5 =	simm.s32 @p2 $0x1  }
0x1e6: {  	p2 =	seq.s32 s6, $0x1;
	[smem:$0x7F6] =	sst s5;
	s5 =	simm.s32 @!p6 $0x0  }
0x1e7: {  	s6 =	simm.s32 @!p2 $0x0;
	s5 =	simm.s32 @p6 $0x1;
	p6 =	por p5, p5  }
0x1e8: {  	s6 =	simm.s32 @p2 $0x1;
	[smem:$0x7EF] =	sst s5;
	s5 =	simm.s32 @!p6 $0x0  }
0x1e9: {  	[smem:$0x7F7] =	sst s6;
	s6 =	smov.u32 s4;
	s5 =	simm.s32 @p6 $0x1  }
0x1ea: {  	s6 =	smov.u32 @p0 s30;
	[smem:$0x7E9] =	sst s5;
	s5 =	spop (v2sf);
	(v2sf) =	vpush @p2 v20, $0x0  }
0x1eb: {  	(v2sf) =	vpush @p2 v21, $0x0;
	p2 =	sle.u32 @p1 s4, s8;
	p5 =	sne.f32 s5, $-Inf;
	s8 =	sld [smem:$0x7E8]  }
0x1ec: {  	p0 =	por !p3, !p1;
	p3 =	seq.s32 s9, $0x1;
	s14 =	sld [smem:$0x7EF]  }
0x1ed: {  	s9 =	sld [smem:$0x7F6];
	s4 =	smov.u32 @p0 s6;
	s7 =	simm.s32 @!p5 $0x0  }
0x1ee: {  	p0 =	por !p2, !p1;
	s7 =	simm.s32 @p5 $0x1;
	p2 =	seq.s32 s8, $0x1  }
0x1ef: {  	s8 =	smov.u32 s29;
	s29 =	smov.u32 s28;
	s28 =	smov.u32 s1  }
0x1f0: {  	s1 =	smov.u32 s15;
	s15 =	sadd.s32 $0x2, s15;
	[smem:$0x7FA] =	sst s7  }
0x1f1: {  	s4 =	smov.u32 @p0 s30;
	s7 =	sld [smem:$0x7FC];
	p0 =	sne.s32 s15, $0x80  }
0x1f2: {  	s30 =	smov.u32 s16;
	s4 =	sshll.u32 @p1 s4, $0x4;
	s6 =	simm.s32 @!p0 $0x0  }
0x1f3: {  	s6 =	simm.s32 @p0 $0x1;
	p0 =	seq.s32 s14, $0x1;
	s14 =	sld [smem:$0x7FA]  }
0x1f4: {  	p6 =	seq.s32 s7, $0x1;
	[smem:$0x7EA] =	sst s6;
	s7 =	spop @p0 (v2sf)  }
0x1f5: {  	s16 =	sadd.s32 $0x1, s29;
	p0 =	sge.f32 @p4 s7, s12;
	s7 =	sld [smem:$0x7FA]  }
0x1f6: {  	v19 =	vld [tilespmem:s3+$0x10];
	s6 =	sadd.s32 @p1 $0x10, s2;
	v12 =	vpsel p6, v12, v18;
	v18, v20, _ =	vpop @p2 (xrf1);
	p2 =	seq.s32 s18, $0x1;
	s18 =	sld [smem:$0x7E9]  }
0x1f7: {  	v21 =	vld @p5 [tilespmem:s24+$0x0];
	s12 =	smov.u32 s5;
	v18 =	vpsel !p6, $0xFF800000, v18;
	[tilespmem:s25+$0xFFFFFFF0] =	vst v12;
	s13 =	smov.u32 @p2 s6;
	s6 =	sld [smem:$0x7F7]  }
0x1f8: {  	v12 =	vpsel !p6, $0x0, v20;
	v20 =	vlaneseq.u32 @p1;
	p6 =	seq.s32 s19, $0x1;
	s19 =	sld [smem:$0x7EA];
	v22 =	vld @p1 [tilespmem:s4+$0x10000];
	[tilespmem:s26+$0x10] =	vst v18;
	s26 =	sadd.s32 $0x20, s26  }
0x1f9: {  	v23 =	vmul.u32 @p1 $0xFFFFFFFF, v20;
	v15 =	vsel @p6 vm0, v15, v16;
	v20 =	vsel @p6 vm0, v17, v14;
	p5 =	por p6, p6;
	p0 =	por !p0, !p4;
	v18 =	vld @p1 [tilespmem:s4+$0x10880];
	s4 =	smov.u32 s11  }
0x1fa: {  	[tilespmem:s25+$0x0] =	vst v12;
	(xrf1) =	vsort.dscd.msk.f32 @p6 $0xffff, v15, v20;
	p6 =	por p1, p1;
	s11 =	smov.u32 s16;
	s5 =	simm.s32 @!p0 $0x0  }
0x1fb: {  	v14 =	vld @p1 [tilespmem:s13+$0x0];
	s13 =	sadd.s32 @p4 $0x2, s29;
	s11 =	smov.u32 @p0 s29;
	s5 =	simm.s32 @p0 $0x1  }
0x1fc: {  	v16, v12, _ =	vpop @p3 (xrf1);
	[smem:$0x7F4] =	sst s5;
	s16 =	smov.u32 @p0 s13;
	s5 =	sshll.u32 @p4 s11, $0x4  }
0x1fd: {  	p3 =	seq.s32 s6, $0x1;
	[tilespmem:s26+$0x0] =	vst @p5 v16;
	s5 =	sand.u32 @p4 $0x3FFFFFF0, s5;
	s6 =	sshll.u32 @p4 s16, $0x4  }
0x1fe: {  	v17 =	vadd.s32 @p1 $0xF, v23;
	p0 =	por p4, p4;
	v20 =	vld @p4 [tilespmem:s5+$0x10000];
	s5 =	sand.u32 @p4 $0x3FFFFFF0, s6;
	s6 =	simm.s32 @!p6 $0x0  }
0x1ff: {  	(v2sf) =	vpush v19, $0x0;
	p1 =	por p3, p3;
	p3 =	seq.s32 s7, $0x1;
	v15 =	vperm.xlane @p6 v22, v17;
	s6 =	simm.s32 @p6 $0x1  }
0x200: {  	v16 =	vpsel p2, v6, v9;
	(v2sf) =	vpush @p3 v21, $0x0;
	p3 =	seq.s32 s9, $0x1;
	v17 =	vperm.xlane @p6 v18, v17;
	[smem:$0x7FB] =	sst s6;
	s6 =	simm.s32 @!p0 $0x0  }
0x201: {  	v6 =	vmovc v7;
	v9 =	vmovc v10;
	v10 =	vmov v13;
	v13 =	vmov v21;
	v21 =	vld @p4 [tilespmem:s5+$0x10000];
	s5 =	spop @p3 (v2sf);
	p2 =	por p3, p3;
	vm0 =	vge.f32 @p6 v16, v15;
	s6 =	simm.s32 @p0 $0x1  }
0x202: {  	v7 =	vmovc v8;
	v8 =	vmovc v11;
	v11 =	vmov v19;
	v19 =	vsel @p6 vm0, v16, v15;
	v22 =	vsel @p6 vm0, v14, v17;
	[smem:$0x7F7] =	sst s6;
	s6 =	spop @p3 (v2sf);
	p3 =	seq.s32 s14, $0x1  }
0x203: {  	v18 =	vld @!p5 [tilespmem:s20+$0x0];
	(xrf1) =	vsort.dscd.msk.f32 @p6 $0xffff, v19, v22;
	p6 =	por p3, p3;
	p4 =	por p3, p3;
	p3 =	seq.s32 s18, $0x1  }
0x204: {  	p0 =	por p3, p3;
	p3 =	seq.s32 s19, $0x1  }
.Ltmp7:
0x205: {  	s20 =	smov.u32 s21;
	s21 =	smov.u32 s22;
	(pc) =	sbr.rel @p3 .LBB2_17-.Ltmp7, $4  }
0x206: {  	s22 =	smov.u32 s23;
	s23 =	smov.u32 s24;
	s7 =	simm.s32 @!p0 $0x0  }
0x207: {  	s7 =	simm.s32 @p0 $0x1;
	p0 =	sge.f32 @p1 s5, s6;
	s5 =	simm.s32 @!p5 $0x0  }
0x208: {  	s24 =	smov.u32 s3;
	[tilespmem:s26+$0x0] =	vst @!p5 v18;
	[smem:$0x7F9] =	sst s7;
	s5 =	simm.s32 @p5 $0x1  }
0x209: {  	s3 =	sadd.s32 $0x20, s3;
	v18 =	vld @!p5 [tilespmem:s0+$0x0];
	s0 =	smov.u32 s2;
	[smem:$0x7FC] =	sst s5  }
0x20a: {  	_ =	sdelay $0x3  }
0x20b: {  	s5 =	spop (v2sf)  }
0x20c: {  	p5 =	sne.f32 s5, $-Inf  }
0x20d: {  	s3 =	sld [smem:$0x7F7]  }
0x20e: {  	v19 =	vld @p5 [tilespmem:s24+$0x0];
	_ =	sdelay $0x1  }
0x20f: {  	p3 =	seq.s32 s3, $0x1  }
0x210: {  	(v2sf) =	vpush @p3 v20, $0x0  }
0x211: {  	(v2sf) =	vpush @p3 v21, $0x0  }
0x212: {  	(v2sf) =	vpush @p5 v19, $0x0;
	_ =	sdelay $0x8  }
0x213: {  	s9 =	sld [smem:$0x7EF];
	s3 =	spop @p6 (v2sf)  }
0x214: {  	p2 =	sge.f32 @p4 s3, s12;
	s3 =	sadd.s32 $0x1, s28  }
0x215: {  	s7 =	sadd.s32 @p4 $0x2, s28;
	s15 =	smov.u32 s3;
	s12 =	simm.s32 @!p5 $0x0  }
0x216: {  	p3 =	por !p2, !p4;
	p2 =	seq.s32 s9, $0x1;
	s12 =	simm.s32 @p5 $0x1  }
0x217: {  	s6 =	simm.s32 @!p3 $0x0;
	s15 =	smov.u32 @p3 s28;
	s9 =	spop @p2 (v2sf)  }
0x218: {  	s3 =	smov.u32 @p3 s7;
	s19 =	spop @p2 (v2sf);
	p2 =	por p5, p5  }
0x219: {  	s6 =	simm.s32 @p3 $0x1;
	p5 =	por p5, p5;
	s14 =	spop @p2 (v2sf)  }
0x21a: {  	[smem:$0x7E2] =	sst s6;
	s6 =	sshll.u32 @p4 s15, $0x4;
	p2 =	sge.f32 @p5 s14, s5  }
0x21b: {  	[smem:$0x7E7] =	sst s12;
	s12 =	sshll.u32 @p4 s3, $0x4;
	s6 =	sand.u32 @p4 $0x3FFFFFF0, s6  }
0x21c: {  	v20 =	vld @p4 [tilespmem:s6+$0x10000];
	s5 =	sand.u32 @p4 $0x3FFFFFF0, s12;
	p2 =	por !p2, !p5  }
0x21d: {  	v21 =	vld @p4 [tilespmem:s5+$0x10000];
	s5 =	sadd.s32 $0x1, s1;
	s6 =	simm.s32 @!p2 $0x0  }
0x21e: {  	s12 =	smov.u32 s5;
	s6 =	simm.s32 @p2 $0x1  }
0x21f: {  	s12 =	smov.u32 @p2 s1;
	[smem:$0x7E6] =	sst s6;
	s6 =	sadd.s32 @p5 $0x2, s1  }
0x220: {  	p4 =	por p4, p4;
	s14 =	sshll.u32 @p5 s12, $0x4;
	s5 =	smov.u32 @p2 s6  }
0x221: {  	(v2sf) =	vpush @p4 v20, $0x0;
	s14 =	sand.u32 @p5 $0x3FFFFFF0, s14;
	s18 =	sshll.u32 @p5 s5, $0x4  }
0x222: {  	v20 =	vld @p5 [tilespmem:s14+$0x10000];
	(v2sf) =	vpush @p4 v21, $0x0;
	s14 =	sand.u32 @p5 $0x3FFFFFF0, s18  }
0x223: {  	v21 =	vld @p5 [tilespmem:s14+$0x10000];
	_ =	sdelay $0x2  }
0x224: {  	p2 =	por p5, p5  }
0x225: {  	s14 =	simm.s32 @!p2 $0x0;
	(v2sf) =	vpush @p2 v20, $0x0  }
0x226: {  	p0 =	por !p0, !p1;
	s14 =	simm.s32 @p2 $0x1;
	(v2sf) =	vpush @p2 v21, $0x0  }
0x227: {  	[smem:$0x7E0] =	sst s14;
	s14 =	smov.u32 s4;
	p2 =	sge.u32 @p1 s30, s31  }
0x228: {  	s14 =	smov.u32 @p0 s30;
	p0 =	por !p2, !p1  }
0x229: {  	p3 =	sle.u32 @p1 s4, s8;
	s4 =	smov.u32 @p0 s14;
	s14 =	sld [smem:$0x7F7]  }
0x22a: {  	_ =	sdelay $0x1  }
0x22b: {  	p5 =	seq.s32 s14, $0x1  }
0x22c: {  	s18 =	sld [smem:$0x7E7];
	p0 =	por !p3, !p1;
	p2 =	por p5, p5  }
0x22d: {  	p3 =	por p4, p4;
	s8 =	spop @p6 (v2sf);
	p5 =	sge.f32 @p2 s9, s19  }
0x22e: {  	s4 =	smov.u32 @p0 s30;
	s14 =	smov.u32 s11;
	s9 =	spop @p6 (v2sf)  }
0x22f: {  	s19 =	sld [smem:$0x7E0];
	p0 =	por !p5, !p2;
	p5 =	sge.u32 @p2 s16, s13  }
0x230: {  	s14 =	smov.u32 @p0 s16;
	p0 =	por !p5, !p2;
	p5 =	sle.u32 @p2 s11, s29  }
0x231: {  	p4 =	sge.f32 @p3 s8, s9;
	s11 =	smov.u32 @p0 s14;
	p0 =	por !p5, !p2  }
0x232: {  	s8 =	smov.u32 s15;
	s11 =	smov.u32 @p0 s16;
	p0 =	seq.s32 s18, $0x1  }
0x233: {  	p4 =	por !p4, !p3;
	p6 =	seq.s32 s19, $0x1;
	s13 =	spop @p0 (v2sf)  }
0x234: {  	s8 =	smov.u32 @p4 s3;
	p4 =	por p6, p6;
	s14 =	spop @p0 (v2sf)  }
0x235: {  	s31 =	sld [smem:$0x7F4];
	p5 =	sge.f32 @p4 s13, s14  }
0x236: {  	s2 =	sadd.s32 $0x20, s2;
	s29 =	sld [smem:$0x7F9]  }
0x237: {  	s4 =	sshll.u32 @p1 s4, $0x4;
	s19 =	sld [smem:$0x7FB];
	s13 =	simm.s32 @!p5 $0x0  }
0x238: {  	s9 =	sadd.s32 @p1 $0x10, s2;
	s16 =	sld [smem:$0x7F0];
	s13 =	simm.s32 @p5 $0x1  }
0x239: {  	v20 =	vld @p1 [tilespmem:s4+$0x10000];
	p6 =	seq.s32 s29, $0x1;
	p0 =	sge.u32 @p3 s3, s7;
	[smem:$0x7E1] =	sst s13  }
0x23a: {  	s7 =	smov.u32 s2;
	p0 =	por !p0, !p3;
	s30 =	sld [smem:$0x7E1]  }
0x23b: {  	v6 =	vpsel p6, v6, v9;
	s7 =	smov.u32 @p6 s9;
	p6 =	sle.u32 @p4 s12, s1;
	p5 =	sle.u32 @p3 s15, s28  }
0x23c: {  	s9 =	sld [smem:$0x7E2];
	s15 =	smov.u32 @p0 s8;
	p0 =	por !p5, !p3  }
0x23d: {  	v22 =	vlaneseq.u32 @p1;
	s1 =	simm.s32 @!p6 $0x0;
	s15 =	smov.u32 @p0 s3;
	p5 =	seq.s32 s30, $0x1  }
0x23e: {  	v22 =	vmul.u32 @p1 $0xFFFFFFFF, v22;
	v23 =	vld @p1 [tilespmem:s7+$0x0];
	s7 =	smov.u32 s12;
	p0 =	por !p5, !p4;
	p5 =	seq.s32 s31, $0x1  }
0x23f: {  	s8 =	sld [smem:$0x7FB];
	s7 =	smov.u32 @p0 s5;
	p0 =	por p5, p5  }
0x240: {  	v22 =	vadd.s32 @p1 $0xF, v22;
	s1 =	simm.s32 @p6 $0x1;
	v21 =	vld @p1 [tilespmem:s4+$0x10880];
	p5 =	por p1, p1;
	p1 =	por p0, p0  }
0x241: {  	s4 =	sshll.u32 @p2 s11, $0x4;
	p0 =	sge.u32 @p4 s5, s6;
	s3 =	simm.s32 @!p1 $0x0  }
0x242: {  	p6 =	seq.s32 s8, $0x1;
	p0 =	por !p0, !p4;
	s3 =	simm.s32 @p1 $0x1  }
0x243: {  	v24 =	vld @p2 [tilespmem:s4+$0x10000];
	s12 =	smov.u32 @p0 s7;
	p0 =	seq.s32 s9, $0x1;
	[smem:$0x7E5] =	sst s3  }
0x244: {  	v9 =	vperm.xlane @p5 v20, v22;
	s3 =	sadd.s32 $0x20, s2;
	p0 =	por p0, p0;
	v20 =	vld @p2 [tilespmem:s4+$0x10880];
	[smem:$0x7E4] =	sst s1  }
0x245: {  	v25 =	vlaneseq.u32 @p2;
	s6 =	sadd.s32 @p2 $0x10, s3;
	s1 =	simm.s32 @!p0 $0x0;
	s13 =	sld [smem:$0x7E4]  }
0x246: {  	v25 =	vmul.u32 @p2 $0xFFFFFFFF, v25;
	s4 =	smov.u32 s3;
	s14 =	sld [smem:$0x7E5];
	s1 =	simm.s32 @p0 $0x1  }
0x247: {  	v15 =	vsel @p6 vm0, v15, v16;
	v14 =	vsel @p6 vm0, v17, v14;
	v16 =	vperm.xlane @p5 v21, v22;
	s4 =	smov.u32 @p1 s6;
	p0 =	por p2, p2;
	[smem:$0x7E3] =	sst s1  }
0x248: {  	(xrf1) =	vsort.dscd.msk.f32 @p6 $0xffff, v15, v14;
	vm0 =	vge.f32 @p5 v6, v9;
	s1 =	sadd.s32 $0x20, s3;
	s11 =	sld [smem:$0x7E3];
	p6 =	seq.s32 s13, $0x1  }
0x249: {  	v15 =	vadd.s32 @p2 $0xF, v25;
	v17 =	vsel @p5 vm0, v6, v9;
	v21 =	vsel @p5 vm0, v23, v16;
	v14 =	vld @p2 [tilespmem:s4+$0x0];
	s4 =	sshll.u32 @p3 s15, $0x4;
	s15 =	sld [smem:$0x7E6];
	p1 =	por !p6, !p4  }
0x24a: {  	(xrf1) =	vsort.dscd.msk.f32 @p5 $0xffff, v17, v21;
	v17 =	vlaneseq.u32 @p3;
	v22 =	vperm.xlane @p0 v24, v15;
	s6 =	sadd.s32 @p3 $0x10, s1;
	v24 =	vld @p3 [tilespmem:s4+$0x10000];
	p6 =	seq.s32 s14, $0x1;
	s12 =	smov.u32 @p1 s5  }
0x24b: {  	v6 =	vsel @p5 vm0, v9, v6;
	v17 =	vmul.u32 @p3 $0xFFFFFFFF, v17;
	s7 =	smov.u32 s1;
	p2 =	seq.s32 s11, $0x1;
	v7 =	vpsel p6, v7, v10;
	v10 =	vld @p3 [tilespmem:s4+$0x10880];
	s5 =	sshll.u32 @p4 s12, $0x4  }
0x24c: {  	v9 =	vsel @p5 vm0, v16, v23;
	v15 =	vperm.xlane @p0 v20, v15;
	p6 =	seq.s32 s15, $0x1;
	s4 =	sadd.s32 $0x20, s1;
	p2 =	por p2, p2;
	vm1 =	vge.f32 @p0 v7, v22;
	v21 =	vld @p4 [tilespmem:s5+$0x10000]  }
0x24d: {  	(xrf1) =	vsort.dscd.msk.f32 @p5 $0xffff, v6, v9;
	v9 =	vadd.s32 @p3 $0xF, v17;
	p1 =	por p3, p3;
	p6 =	por p6, p6;
	s7 =	smov.u32 @p2 s6;
	v16 =	vsel @p0 vm1, v7, v22;
	v17 =	vld @p4 [tilespmem:s5+$0x10880]  }
0x24e: {  	v23 =	vlaneseq.u32 @p4;
	v6 =	vsel @p0 vm1, v14, v15;
	s6 =	sadd.s32 @p4 $0x10, s4;
	s5 =	smov.u32 s4;
	v8 =	vpsel p2, v8, v13;
	v20 =	vld @p3 [tilespmem:s7+$0x0];
	p3 =	por p6, p6  }
0x24f: {  	s18 =	sld [smem:$0x7EC];
	v13 =	vmul.u32 @p4 $0xFFFFFFFF, v23;
	v14 =	vsel @p0 vm1, v15, v14;
	(xrf1) =	vsort.dscd.msk.f32 @p0 $0xffff, v16, v6;
	v6 =	vperm.xlane @p1 v24, v9;
	s5 =	smov.u32 @p3 s6  }
0x250: {  	v7 =	vsel @p0 vm1, v22, v7;
	p2 =	seq.s32 s16, $0x1;
	v9 =	vperm.xlane @p1 v10, v9;
	v10 =	vld @p4 [tilespmem:s5+$0x0]  }
0x251: {  	vm0 =	vge.f32 @p1 v8, v6;
	v15, v16, _ =	vpop @p2 (xrf1);
	(xrf1) =	vsort.dscd.msk.f32 @p0 $0xffff, v7, v14;
	v7 =	vadd.s32 @p4 $0xF, v13;
	p2 =	por p4, p4  }
0x252: {  	p6 =	seq.s32 s18, $0x1;
	v11 =	vpsel p3, v11, v19;
	p4 =	seq.s32 s19, $0x1;
	v22 =	vsel @p1 vm0, v8, v6;
	v21 =	vperm.xlane @p2 v21, v7  }
0x253: {  	s5 =	sadd.s32 $0x20, s26;
	v6 =	vsel @p1 vm0, v6, v8;
	v13, v14, _ =	vpop @p6 (xrf1);
	p4 =	por p4, p4;
	v7 =	vperm.xlane @p2 v17, v7;
	v23 =	vsel @p1 vm0, v20, v9  }
0x254: {  	[tilespmem:s5+$0x0] =	vst @p4 v13;
	v8 =	vsel @p1 vm0, v9, v20;
	(xrf1) =	vsort.dscd.msk.f32 @p1 $0xffff, v22, v23;
	vm0 =	vge.f32 @p2 v11, v21  }
0x255: {  	v13 =	vld @!p4 [tilespmem:s20+$0x0];
	(xrf1) =	vsort.dscd.msk.f32 @p1 $0xffff, v6, v8;
	v8 =	vsel @p2 vm0, v10, v7  }
0x256: {  	s20 =	sld [smem:$0x7F6];
	v6 =	vsel @p2 vm0, v11, v21;
	_ =	sdelay $0x2  }
0x257: {  	(xrf1) =	vsort.dscd.msk.f32 @p2 $0xffff, v6, v8;
	v6, v8, _ =	vpop @p6 (xrf1);
	p6 =	seq.s32 s20, $0x1  }
0x258: {  	p3 =	por p5, p5;
	s6 =	sadd.s32 $0x20, s5;
	[tilespmem:s5+$0x0] =	vst @!p4 v13;
	v9, v17, _ =	vpop @p6 (xrf1)  }
0x259: {  	[tilespmem:s6+$0x0] =	vst @p3 v9  }
0x25a: {  	s28 =	sld [smem:$0x7FC];
	_ =	sdelay $0x2  }
0x25b: {  	p5 =	seq.s32 s28, $0x1  }
0x25c: {  	s29 =	sadd.s32 $0x20, s25;
	v59 =	vpsel p5, v12, v18  }
0x25d: {  	v12 =	vld @!p3 [tilespmem:s21+$0x0];
	[tilespmem:s29+$0xFFFFFFF0] =	vst v59  }
0x25e: {  	s30 =	sld [smem:$0x7EF]  }
0x25f: {  	v15 =	vpsel !p5, $0xFF800000, v15  }
0x260: {  	v60 =	vpsel !p5, $0x0, v16;
	[tilespmem:s26+$0x10] =	vst v15  }
0x261: {  	v13 =	vld @!p4 [tilespmem:s0+$0x0];
	v18, v19, _ =	vpop @p6 (xrf1);
	[tilespmem:s29+$0x0] =	vst v60;
	p6 =	seq.s32 s30, $0x1  }
0x262: {  	p0 =	por p0, p0;
	s7 =	sadd.s32 $0x20, s6;
	[tilespmem:s6+$0x0] =	vst @!p3 v12;
	v9, v20, _ =	vpop @p6 (xrf1)  }
0x263: {  	[tilespmem:s7+$0x0] =	vst @p0 v9  }
0x264: {  	s31 =	sld [smem:$0x7FA]  }
0x265: {  	v9 =	vld @!p0 [tilespmem:s22+$0x0]  }
0x266: {  	s0 =	sadd.s32 $0x20, s29;
	v13 =	vpsel p4, v14, v13  }
0x267: {  	v6 =	vpsel !p4, $0xFF800000, v6;
	v15, v16, _ =	vpop @p6 (xrf1);
	[tilespmem:s0+$0xFFFFFFF0] =	vst v13;
	p5 =	seq.s32 s31, $0x1  }
0x268: {  	p1 =	por p1, p1;
	v13 =	vld @!p3 [tilespmem:s2+$0x0];
	s2 =	sadd.s32 $0x20, s7;
	[tilespmem:s5+$0x10] =	vst v6;
	v12, v14, _ =	vpop @p5 (xrf1)  }
0x269: {  	[tilespmem:s2+$0x0] =	vst @p1 v12  }
0x26a: {  	[tilespmem:s7+$0x0] =	vst @!p0 v9  }
0x26b: {  	s5 =	sld [smem:$0x7E7]  }
0x26c: {  	v7 =	vsel @p2 vm0, v7, v10  }
0x26d: {  	v11 =	vsel @p2 vm0, v21, v11;
	v6 =	vld @!p1 [tilespmem:s23+$0x0]  }
0x26e: {  	(xrf1) =	vsort.dscd.msk.f32 @p2 $0xffff, v11, v7;
	v10, v12, _ =	vpop @p5 (xrf1);
	p5 =	seq.s32 s5, $0x1  }
0x26f: {  	p2 =	por p2, p2;
	s5 =	sadd.s32 $0x20, s2;
	v7, v9, _ =	vpop @p5 (xrf1)  }
0x270: {  	v8 =	vpsel !p4, $0x0, v8;
	v11 =	vld @!p0 [tilespmem:s3+$0x0];
	[tilespmem:s5+$0x0] =	vst @p2 v7  }
0x271: {  	[tilespmem:s0+$0x0] =	vst v8;
	v8 =	vld @!p2 [tilespmem:s24+$0x0]  }
0x272: {  	s0 =	sadd.s32 $0x20, s0;
	v7 =	vpsel p3, v17, v13;
	[tilespmem:s2+$0x0] =	vst @!p1 v6  }
0x273: {  	[tilespmem:s0+$0xFFFFFFF0] =	vst v7;
	v7 =	vpsel !p3, $0xFF800000, v18  }
0x274: {  	v6 =	vpsel !p3, $0x0, v19;
	[tilespmem:s6+$0x10] =	vst v7;
	v7 =	vld @!p1 [tilespmem:s1+$0x0]  }
0x275: {  	[tilespmem:s0+$0x0] =	vst v6  }
0x276: {  	v6 =	vpsel p0, v20, v11;
	s0 =	sadd.s32 $0x20, s0;
	[tilespmem:s5+$0x0] =	vst @!p2 v8  }
0x277: {  	v61 =	vpsel !p0, $0xFF800000, v15;
	[tilespmem:s0+$0xFFFFFFF0] =	vst v6;
	v6 =	vld @!p2 [tilespmem:s4+$0x0]  }
0x278: {  	v62 =	vpsel !p0, $0x0, v16;
	[tilespmem:s7+$0x10] =	vst v61  }
0x279: {  	[tilespmem:s0+$0x0] =	vst v62;
	s0 =	sadd.s32 $0x20, s0;
	v7 =	vpsel p1, v14, v7  }
0x27a: {  	v63 =	vpsel !p1, $0xFF800000, v10;
	[tilespmem:s0+$0xFFFFFFF0] =	vst v7  }
0x27b: {  	v7 =	vpsel !p1, $0x0, v12;
	[tilespmem:s2+$0x10] =	vst v63  }
0x27c: {  	v8, v10, _ =	vpop @p5 (xrf1);
	[tilespmem:s0+$0x0] =	vst v7;
	s0 =	sadd.s32 $0x20, s0;
	v6 =	vpsel p2, v9, v6  }
.Ltmp8:
0x27d: {  	v7 =	vpsel !p2, $0xFF800000, v8;
	[tilespmem:s0+$0xFFFFFFF0] =	vst v6;
	(pc) =	sbr.rel .LBB2_19-.Ltmp8, $4  }
0x27e: {  	v6 =	vpsel !p2, $0x0, v10;
	[tilespmem:s5+$0x10] =	vst v7  }
0x27f: {  	s8 =	simm.s32 $0x11980;
	s11 =	simm.s32 $0x10010;
	s12 =	simm.s32 $0x11100;
	[tilespmem:s0+$0x0] =	vst v6  }
0x280: {  	s1 =	simm.s32 $0x4;
	s4 =	simm.s32 $0x10890;
	_ =	strace $0x9000004F  }
0x281: {  	s2 =	simm.s32 $0x30;
	s0 =	simm.s32 $0x0;
	_ =	strace $0x80000050  }
.LBB2_20:
0x282: {  	v6 =	vld [tilespmem:s12+$0x0]  }
0x283: {  	v7 =	vld [tilespmem:s12+$0x10];
	_ =	sdelay $0x3  }
0x284: {  	[tilespmem:s11+$0xFFFFFFF0] =	vst v6  }
0x285: {  	[tilespmem:s11+$0x0] =	vst v7;
	v6 =	vld [tilespmem:s8+$0x0]  }
0x286: {  	v7 =	vld [tilespmem:s8+$0x10];
	_ =	sdelay $0x3  }
0x287: {  	[tilespmem:s4+$0xFFFFFFF0] =	vst v6  }
0x288: {  	[tilespmem:s4+$0x0] =	vst v7;
	v7 =	vimm.f32 $-Inf  }
0x289: {  	v6 =	vimm.s32 $0x0;
	[tilespmem:s11+$0x10] =	vst v7  }
0x28a: {  	s3 =	smov.u32 s2;
	[tilespmem:s4+$0x10] =	vst v6  }
.LBB2_22:
0x28b: {  	s1 =	sadd.s32 $0x4, s1  }
0x28c: {  	p0 =	sne.s32 s1, $0x84  }
.Ltmp9:
0x28d: {  	_ = 	snop;
	(pc) =	sbr.rel @!p0 .LBB2_23-.Ltmp9, $3  }
0x28e: {  	_ =	sdelay $0x1  }
0x28f: {  	s0 =	sadd.s32 $0x1, s0;
	[tilespmem:s3+$0x10000] =	vst v7;
	s2 =	sadd.s32 $0x40, s2;
	s4 =	sadd.s32 $0x40, s4  }
0x290: {  	[tilespmem:s3+$0x10880] =	vst v6;
	s8 =	sadd.s32 $0x40, s8;
	s11 =	sadd.s32 $0x40, s11;
	s12 =	sadd.s32 $0x40, s12  }
.LBB2_19:
0x291: {  	v6 =	vld [tilespmem:s12+$0x20];
	_ =	sdelay $0x4  }
0x292: {  	(v2sf) =	vpush v6, $0x0;
	_ =	sdelay $0xe  }
0x293: {  	s3 =	spop (v2sf)  }
0x294: {  	p0 =	sne.f32 s3, $-Inf  }
.Ltmp10:
0x295: {  	_ = 	snop;
	(pc) =	sbr.rel @!p0 .LBB2_20-.Ltmp10, $1  }
0x296: {  	_ =	sdelay $0x3  }
0x297: {  	v7 =	vld [tilespmem:s12+$0x0];
	_ =	sdelay $0x4  }
0x298: {  	(v2sf) =	vpush v7, $0x0;
	_ =	sdelay $0xe  }
0x299: {  	s5 =	spop (v2sf)  }
0x29a: {  	p0 =	sge.f32 s5, s3  }
0x29b: {  	s6 =	sadd.s32 $0xFFFFFFFD, s1;
	s3 =	sadd.s32 $0xFFFFFFFC, s1  }
0x29c: {  	s7 =	sadd.s32 $0xFFFFFFFF, s1;
	s5 =	sadd.s32 $0xFFFFFFFE, s1;
	s3 =	smov.u32 @p0 s6  }
0x29d: {  	s7 =	smov.u32 @p0 s5;
	s6 =	sshll.u32 s3, $0x4  }
0x29e: {  	s9 =	sshll.u32 s7, $0x4;
	s6 =	sand.u32 $0x3FFFFFF0, s6  }
0x29f: {  	s28 =	sand.u32 $0x3FFFFFF0, s9;
	v8 =	vld [tilespmem:s6+$0x11100]  }
0x2a0: {  	v9 =	vld [tilespmem:s28+$0x11100];
	_ =	sdelay $0x3  }
0x2a1: {  	(v2sf) =	vpush v8, $0x0  }
0x2a2: {  	(v2sf) =	vpush v9, $0x0;
	_ =	sdelay $0xd  }
0x2a3: {  	s6 =	spop (v2sf)  }
0x2a4: {  	s9 =	spop (v2sf)  }
0x2a5: {  	p1 =	sge.f32 s6, s9  }
0x2a6: {  	p2 =	sge.u32 s7, s1  }
0x2a7: {  	p3 =	slt.u32 s3, s5;
	p1 =	por p2, p1  }
0x2a8: {  	p1 =	por !p3, !p1  }
0x2a9: {  	s13 =	sadd.s32 $0x1, s7;
	s14 =	sadd.s32 $0x1, s3;
	p1 =	por !p1, !p1  }
0x2aa: {  	s15 =	smov.u32 s13;
	s13 =	smov.u32 @p1 s14  }
0x2ab: {  	s13 =	sshll.u32 s13, $0x4  }
0x2ac: {  	s13 =	sand.u32 $0x3FFFFFF0, s13  }
0x2ad: {  	v8 =	vld [tilespmem:s13+$0x11100];
	_ =	sdelay $0x4  }
0x2ae: {  	(v2sf) =	vpush v8, $0x0;
	_ =	sdelay $0x5  }
0x2af: {  	s13 =	smov.u32 s7  }
0x2b0: {  	s13 =	smov.u32 @p1 s3  }
0x2b1: {  	s13 =	sshll.u32 s13, $0x4  }
0x2b2: {  	v8 =	vld [tilespmem:s13+$0x11100]  }
0x2b3: {  	s16 =	sadd.s32 $0x20, s8;
	v55 =	vld [tilespmem:s13+$0x11980]  }
0x2b4: {  	s16 =	smov.u32 @p0 s8  }
0x2b5: {  	v10 =	vld [tilespmem:s16+$0x0];
	_ =	sdelay $0x1  }
0x2b6: {  	v8 =	vperm.xlane v8, v5  }
0x2b7: {  	v6 =	vpsel p0, v7, v6;
	v7 =	vperm.xlane v55, v5;
	s13 =	spop (v2sf)  }
0x2b8: {  	vm0 =	vge.f32 v6, v8;
	s6 =	smov.u32 @p1 s13;
	s13 =	smov.u32 @p1 s9  }
0x2b9: {  	s15 =	smov.u32 @p1 s7;
	v56 =	vsel vm0, v8, v6;
	v11 =	vsel vm0, v7, v10;
	p4 =	sge.f32 s6, s13  }
0x2ba: {  	p5 =	sge.u32 s15, s1;
	s3 =	smov.u32 @p1 s14;
	(xrf1) =	vsort.dscd.msk.f32 $0xffff, v56, v11  }
0x2bb: {  	p6 =	slt.u32 s3, s5;
	p0 =	por p5, p4  }
0x2bc: {  	p0 =	por !p6, !p0  }
0x2bd: {  	s7 =	sadd.s32 $0x1, s15;
	s9 =	sadd.s32 $0x1, s3;
	p0 =	por !p0, !p0  }
0x2be: {  	s14 =	smov.u32 s7;
	s7 =	smov.u32 @p0 s9  }
0x2bf: {  	s16 =	smov.u32 s15;
	s7 =	sshll.u32 s7, $0x4  }
0x2c0: {  	s16 =	smov.u32 @p0 s3;
	s7 =	sand.u32 $0x3FFFFFF0, s7  }
0x2c1: {  	s29 =	sshll.u32 s16, $0x4;
	v57 =	vld [tilespmem:s7+$0x11100]  }
0x2c2: {  	v58 =	vld [tilespmem:s29+$0x11100]  }
0x2c3: {  	v12 =	vld [tilespmem:s29+$0x11980];
	_ =	sdelay $0x2  }
0x2c4: {  	(v2sf) =	vpush v57, $0x0  }
0x2c5: {  	v59 =	vperm.xlane v58, v5  }
0x2c6: {  	v60, v13, _ =	vpop (xrf1);
	v12 =	vperm.xlane v12, v5  }
0x2c7: {  	v6 =	vsel vm0, v6, v8;
	v7 =	vsel vm0, v10, v7;
	vm14 =	vge.f32 v60, v59  }
0x2c8: {  	(xrf1) =	vsort.dscd.msk.f32 $0xffff, v6, v7;
	v6 =	vsel vm14, v59, v60;
	v7 =	vsel vm14, v12, v13  }
0x2c9: {  	v8 =	vsel vm14, v60, v59;
	v61 =	vsel vm14, v13, v12;
	(xrf1) =	vsort.dscd.msk.f32 $0xffff, v6, v7  }
0x2ca: {  	(xrf1) =	vsort.dscd.msk.f32 $0xffff, v8, v61;
	_ =	sdelay $0x8  }
0x2cb: {  	s7 =	spop (v2sf)  }
0x2cc: {  	s6 =	smov.u32 @p0 s7;
	s7 =	smov.u32 @p0 s13  }
0x2cd: {  	s14 =	smov.u32 @p0 s15;
	p1 =	sge.f32 s6, s7  }
0x2ce: {  	s3 =	smov.u32 @p0 s9;
	v6, v7, _ =	vpop (xrf1);
	s6 =	smov.u32 s14  }
0x2cf: {  	[tilespmem:s11+$0xFFFFFFF0] =	vst v6;
	p0 =	sge.u32 s14, s1;
	v6, v8, _ =	vpop (xrf1);
	s6 =	smov.u32 @p1 s3  }
0x2d0: {  	[tilespmem:s4+$0xFFFFFFF0] =	vst v7;
	v7, v9, _ =	vpop (xrf1);
	p1 =	slt.u32 s3, s5;
	s6 =	smov.u32 @p0 s3  }
0x2d1: {  	[tilespmem:s11+$0x0] =	vst v7;
	s14 =	smov.u32 @p1 s6  }
0x2d2: {  	[tilespmem:s4+$0x0] =	vst v9;
	s30 =	sshll.u32 s14, $0x4  }
0x2d3: {  	v7 =	vld [tilespmem:s30+$0x11100]  }
0x2d4: {  	v9 =	vld [tilespmem:s30+$0x11980];
	_ =	sdelay $0x3  }
0x2d5: {  	v7 =	vperm.xlane v7, v5  }
0x2d6: {  	v9 =	vperm.xlane v9, v5  }
0x2d7: {  	vm15 =	vge.f32 v6, v7  }
0x2d8: {  	v62 =	vsel vm15, v7, v6;
	v63 =	vsel vm15, v9, v8  }
0x2d9: {  	v6 =	vsel vm15, v6, v7;
	v7 =	vsel vm15, v8, v9;
	(xrf1) =	vsort.dscd.msk.f32 $0xffff, v62, v63  }
0x2da: {  	(xrf1) =	vsort.dscd.msk.f32 $0xffff, v6, v7;
	_ =	sdelay $0xb  }
.Ltmp11:
0x2db: {  	_ = 	snop;
	(pc) =	sbr.rel .LBB2_22-.Ltmp11, $4  }
0x2dc: {  	v7, v6, _ =	vpop (xrf1)  }
0x2dd: {  	s31 =	sshll.u32 s0, $0x2;
	v8, v9, _ =	vpop (xrf1)  }
0x2de: {  	s3 =	sshll.u32 s31, $0x4;
	[tilespmem:s11+$0x10] =	vst v8  }
0x2df: {  	s3 =	sor.u32 $0x30, s3;
	[tilespmem:s4+$0x10] =	vst v9  }
.LBB2_23:
.Ltmp12:
0x2e0: {  	(pc) =	sbr.rel .LBB2_24-.Ltmp12, $3  }
0x2e1: {  	_ =	sdelay $0x1  }
0x2e2: {  	_ =	strace $0x90000050;
	s20 =	simm.s32 $0x0  }
0x2e3: {  	s21 =	simm.s32 $0x11990;
	s22 =	simm.s32 $0x11110;
	_ =	strace $0x80000051  }
.LBB2_25:
0x2e4: {  	v7 =	vld [tilespmem:s23+$0x10880]  }
0x2e5: {  	v8 =	vld [tilespmem:s23+$0x10010]  }
0x2e6: {  	v9 =	vld [tilespmem:s23+$0x10890]  }
0x2e7: {  	v10 =	vld [tilespmem:s23+$0x10020]  }
0x2e8: {  	[tilespmem:s23+$0x11100] =	vst v6;
	v6 =	vld [tilespmem:s23+$0x108A0]  }
0x2e9: {  	[tilespmem:s23+$0x11980] =	vst v7  }
0x2ea: {  	v7 =	vld [tilespmem:s23+$0x10030];
	[tilespmem:s23+$0x11110] =	vst v8  }
0x2eb: {  	v8 =	vld [tilespmem:s23+$0x108B0];
	[tilespmem:s23+$0x11990] =	vst v9  }
0x2ec: {  	[tilespmem:s23+$0x11120] =	vst v10  }
0x2ed: {  	[tilespmem:s23+$0x119A0] =	vst v6;
	v6 =	vimm.f32 $-Inf  }
0x2ee: {  	[tilespmem:s23+$0x11150] =	vst v6  }
0x2ef: {  	[tilespmem:s23+$0x11130] =	vst v7  }
0x2f0: {  	[tilespmem:s23+$0x119B0] =	vst v8  }
0x2f1: {  	v7 =	vimm.s32 $0x0;
	[tilespmem:s3+$0x11100] =	vst v6  }
0x2f2: {  	[tilespmem:s3+$0x11980] =	vst v7  }
0x2f3: {  	v9 =	vimm.f32 $-Inf;
	v8 =	vimm.s32 $0x0;
	[tilespmem:s23+$0x119D0] =	vst v7  }
.LBB2_29:
0x2f4: {  	s20 =	sadd.s32 $0x1, s20  }
0x2f5: {  	p0 =	sne.s32 s20, $0x10  }
.Ltmp13:
0x2f6: {  	_ = 	snop;
	(pc) =	sbr.rel @!p0 .LBB2_30-.Ltmp13, $4  }
0x2f7: {  	[tilespmem:s23+$0x11160] =	vst v6  }
0x2f8: {  	[tilespmem:s23+$0x119E0] =	vst v7  }
0x2f9: {  	[tilespmem:s23+$0x11170] =	vst v9  }
0x2fa: {  	[tilespmem:s23+$0x119F0] =	vst v8;
	s21 =	sadd.s32 $0x80, s21;
	s22 =	sadd.s32 $0x80, s22  }
.LBB2_24:
0x2fb: {  	s23 =	sshll.u32 s20, $0x7  }
0x2fc: {  	v7 =	vld [tilespmem:s23+$0x10040];
	_ =	sdelay $0x4  }
0x2fd: {  	(v2sf) =	vpush v7, $0x0;
	_ =	sdelay $0xe  }
0x2fe: {  	s0 =	spop (v2sf)  }
0x2ff: {  	p0 =	sne.f32 s0, $-Inf  }
.Ltmp14:
0x300: {  	_ = 	snop;
	(pc) =	sbr.rel @!p0 .LBB2_25-.Ltmp14, $2  }
0x301: {  	_ =	sdelay $0x2  }
0x302: {  	s3 =	sor.u32 $0x40, s23;
	v6 =	vld [tilespmem:s23+$0x10000]  }
0x303: {  	_ =	sdelay $0x3  }
0x304: {  	(v2sf) =	vpush v6, $0x0;
	_ =	sdelay $0xe  }
0x305: {  	s1 =	spop (v2sf)  }
0x306: {  	p0 =	sge.f32 s1, s0  }
0x307: {  	s1 =	simm.s32 $0x1  }
0x308: {  	s2 =	sshll.u32 s20, $0x3;
	s1 =	simm.s32 @!p0 $0x0  }
0x309: {  	s5 =	sor.u32 $0x5, s2;
	s0 =	sor.u32 $0x4, s2;
	s24 =	sor.u32 s1, s2  }
0x30a: {  	s5 =	smov.u32 @p0 s0;
	s1 =	sshll.u32 s24, $0x4  }
0x30b: {  	s4 =	sshll.u32 s5, $0x4;
	s1 =	sand.u32 $0x3FFFFFF0, s1  }
0x30c: {  	s31 =	sand.u32 $0x3FFFFFF0, s4;
	v8 =	vld [tilespmem:s1+$0x10000]  }
0x30d: {  	v9 =	vld [tilespmem:s31+$0x10000];
	_ =	sdelay $0x3  }
0x30e: {  	(v2sf) =	vpush v8, $0x0  }
0x30f: {  	(v2sf) =	vpush v9, $0x0;
	_ =	sdelay $0xd  }
0x310: {  	s4 =	spop (v2sf)  }
0x311: {  	s6 =	spop (v2sf)  }
0x312: {  	s1 =	sadd.s32 $0x8, s2;
	p1 =	sge.f32 s4, s6  }
0x313: {  	p2 =	sge.s32 s5, s1  }
0x314: {  	p3 =	slt.s32 s24, s0;
	p1 =	por p2, p1  }
0x315: {  	s2 =	sadd.s32 $0x1, s5;
	p1 =	por !p3, !p1  }
0x316: {  	s7 =	sadd.s32 $0x1, s24;
	s8 =	smov.u32 s2;
	p1 =	por !p1, !p1  }
0x317: {  	s8 =	smov.u32 @p1 s7  }
0x318: {  	s8 =	sshll.u32 s8, $0x6  }
0x319: {  	s8 =	sshra.s32 s8, $0x2  }
0x31a: {  	v8 =	vld [tilespmem:s8+$0x10000];
	_ =	sdelay $0x4  }
0x31b: {  	(v2sf) =	vpush v8, $0x0;
	_ =	sdelay $0x3  }
0x31c: {  	s8 =	smov.u32 s5  }
0x31d: {  	s8 =	smov.u32 @p1 s24  }
0x31e: {  	s8 =	sshll.u32 s8, $0x4  }
0x31f: {  	v8 =	vld [tilespmem:s8+$0x10000]  }
0x320: {  	s9 =	sadd.s32 $0x10880, s23;
	s3 =	sadd.s32 $0x10880, s3;
	v60 =	vld [tilespmem:s8+$0x10880]  }
0x321: {  	s3 =	smov.u32 @p0 s9  }
0x322: {  	v10 =	vld [tilespmem:s3+$0x0];
	_ =	sdelay $0x1  }
0x323: {  	v8 =	vperm.xlane v8, v5  }
0x324: {  	v6 =	vpsel p0, v6, v7;
	v7 =	vperm.xlane v60, v5  }
0x325: {  	vm0 =	vge.f32 v6, v8  }
0x326: {  	v61 =	vsel vm0, v6, v8;
	v11 =	vsel vm0, v10, v7;
	s8 =	spop (v2sf)  }
0x327: {  	v6 =	vsel vm0, v8, v6;
	v7 =	vsel vm0, v7, v10;
	(xrf1) =	vsort.dscd.msk.f32 $0xffff, v61, v11;
	s4 =	smov.u32 @p1 s8;
	s8 =	smov.u32 @p1 s6  }
0x328: {  	s2 =	smov.u32 @p1 s5;
	(xrf1) =	vsort.dscd.msk.f32 $0xffff, v6, v7;
	p4 =	sge.f32 s4, s8  }
0x329: {  	p5 =	sge.s32 s2, s1;
	s24 =	smov.u32 @p1 s7  }
0x32a: {  	p6 =	slt.s32 s24, s0;
	p0 =	por p5, p4  }
0x32b: {  	s13 =	sadd.s32 $0x1, s2;
	s3 =	smov.u32 s2;
	p0 =	por !p6, !p0  }
0x32c: {  	s5 =	sadd.s32 $0x1, s24;
	s6 =	smov.u32 s13;
	p0 =	por !p0, !p0  }
0x32d: {  	s3 =	smov.u32 @p0 s24;
	s6 =	smov.u32 @p0 s5  }
0x32e: {  	s3 =	sshll.u32 s3, $0x4;
	s6 =	sshll.u32 s6, $0x6  }
0x32f: {  	v6 =	vld [tilespmem:s3+$0x10000];
	s6 =	sshra.s32 s6, $0x2  }
0x330: {  	v7 =	vld [tilespmem:s6+$0x10000]  }
0x331: {  	v8 =	vld [tilespmem:s3+$0x10880];
	_ =	sdelay $0x3  }
0x332: {  	v9, v62, _ =	vpop (xrf1);
	v6 =	vperm.xlane v6, v5;
	(v2sf) =	vpush v7, $0x0  }
0x333: {  	v7 =	vperm.xlane v8, v5;
	v8, v63, _ =	vpop (xrf1)  }
0x334: {  	vm15 =	vge.f32 v8, v6  }
0x335: {  	v12 =	vsel vm15, v8, v6;
	v13 =	vsel vm15, v63, v7  }
0x336: {  	(xrf1) =	vsort.dscd.msk.f32 $0xffff, v12, v13  }
0x337: {  	v7 =	vsel vm15, v7, v63;
	v6 =	vsel vm15, v6, v8  }
0x338: {  	(xrf1) =	vsort.dscd.msk.f32 $0xffff, v6, v7;
	_ =	sdelay $0x7  }
0x339: {  	s15 =	simm.s32 $0x2  }
0x33a: {  	s12 =	smov.u32 s22;
	s11 =	smov.u32 s21;
	s3 =	spop (v2sf)  }
0x33b: {  	s24 =	smov.u32 @p0 s5;
	s4 =	smov.u32 @p0 s3;
	s3 =	smov.u32 @p0 s8  }
0x33c: {  	s13 =	smov.u32 @p0 s2;
	s2 =	sadd.s32 $0x20, s22;
	[tilespmem:s22+$0xFFFFFFF0] =	vst v9;
	p2 =	sge.f32 s4, s3  }
0x33d: {  	p1 =	slt.s32 s24, s0;
	p3 =	sge.s32 s13, s1;
	[tilespmem:s21+$0xFFFFFFF0] =	vst v62;
	s8 =	smov.u32 s21;
	v7, v6, _ =	vpop (xrf1)  }
.LBB2_27:
0x33e: {  	s15 =	sadd.s32 $0x2, s15;
	p2 =	por p3, p2  }
0x33f: {  	[tilespmem:s12+$0x0] =	vst v7;
	s8 =	sadd.s32 $0x20, s8;
	v7, v8, _ =	vpop (xrf1);
	s7 =	sadd.s32 $0x1, s24;
	s5 =	sadd.s32 $0x1, s13  }
0x340: {  	p0 =	slt.u32 s15, $0x4;
	p1 =	por !p1, !p2;
	[tilespmem:s11+$0x0] =	vst v6;
	s11 =	smov.u32 s8  }
0x341: {  	s6 =	smov.u32 s13;
	s9 =	smov.u32 s5;
	p1 =	por !p1, !p1  }
0x342: {  	s12 =	smov.u32 s2;
	s6 =	smov.u32 @p1 s24;
	s9 =	smov.u32 @p1 s7  }
0x343: {  	s6 =	sshll.u32 s6, $0x4;
	s9 =	sshll.u32 s9, $0x6  }
0x344: {  	v6 =	vld [tilespmem:s6+$0x10000];
	s9 =	sshra.s32 s9, $0x2  }
0x345: {  	v9 =	vld [tilespmem:s9+$0x10000]  }
0x346: {  	v10 =	vld [tilespmem:s6+$0x10880];
	_ =	sdelay $0x2  }
0x347: {  	v6 =	vperm.xlane v6, v5  }
0x348: {  	(v2sf) =	vpush v9, $0x0  }
0x349: {  	v9 =	vperm.xlane v10, v5;
	vm0 =	vge.f32 v7, v6  }
0x34a: {  	v10 =	vsel vm0, v7, v6;
	v6 =	vsel vm0, v6, v7  }
0x34b: {  	v7 =	vsel vm0, v8, v9;
	v8 =	vsel vm0, v9, v8  }
0x34c: {  	(xrf1) =	vsort.dscd.msk.f32 $0xffff, v10, v7;
	_ =	sdelay $0xa  }
0x34d: {  	s6 =	spop (v2sf)  }
0x34e: {  	s4 =	smov.u32 @p1 s6;
	s6 =	smov.u32 @p1 s3  }
0x34f: {  	s5 =	smov.u32 @p1 s13;
	p2 =	sge.f32 s4, s6;
	(xrf1) =	vsort.dscd.msk.f32 $0xffff, v6, v8  }
0x350: {  	s24 =	smov.u32 @p1 s7;
	p1 =	sge.s32 s5, s1;
	v6, v7, _ =	vpop (xrf1)  }
0x351: {  	p3 =	slt.s32 s24, s0;
	[tilespmem:s2+$0xFFFFFFF0] =	vst v6;
	p1 =	por p1, p2  }
0x352: {  	s13 =	sadd.s32 $0x1, s5;
	s7 =	smov.u32 s5;
	[tilespmem:s8+$0xFFFFFFF0] =	vst v7;
	p1 =	por !p3, !p1  }
0x353: {  	s9 =	smov.u32 s13;
	s3 =	sadd.s32 $0x1, s24;
	p2 =	por !p1, !p1  }
0x354: {  	s7 =	smov.u32 @p2 s24;
	s9 =	smov.u32 @p2 s3  }
0x355: {  	s24 =	smov.u32 @p2 s3;
	s7 =	sshll.u32 s7, $0x4;
	s3 =	sshll.u32 s9, $0x6  }
0x356: {  	s13 =	smov.u32 @p2 s5;
	p1 =	slt.s32 s24, s0;
	v6 =	vld [tilespmem:s7+$0x10000];
	s3 =	sshra.s32 s3, $0x2  }
0x357: {  	v7 =	vld [tilespmem:s3+$0x10000]  }
0x358: {  	v8 =	vld [tilespmem:s7+$0x10880];
	_ =	sdelay $0x2  }
0x359: {  	v6 =	vperm.xlane v6, v5  }
0x35a: {  	(v2sf) =	vpush v7, $0x0  }
0x35b: {  	v7 =	vperm.xlane v8, v5;
	v8, v9, _ =	vpop (xrf1)  }
0x35c: {  	vm0 =	vge.f32 v8, v6  }
0x35d: {  	v10 =	vsel vm0, v8, v6;
	v11 =	vsel vm0, v9, v7;
	v7 =	vsel vm0, v7, v9  }
0x35e: {  	v6 =	vsel vm0, v6, v8;
	(xrf1) =	vsort.dscd.msk.f32 $0xffff, v10, v11  }
0x35f: {  	(xrf1) =	vsort.dscd.msk.f32 $0xffff, v6, v7;
	_ =	sdelay $0x8  }
.Ltmp15:
0x360: {  	(pc) =	sbr.rel @p0 .LBB2_27-.Ltmp15, $4  }
0x361: {  	s3 =	spop (v2sf)  }
0x362: {  	s4 =	smov.u32 @p2 s3;
	s3 =	smov.u32 @p2 s6  }
0x363: {  	p2 =	sge.f32 s4, s3  }
0x364: {  	s2 =	sadd.s32 $0x20, s2;
	p3 =	sge.s32 s13, s1;
	v7, v6, _ =	vpop (xrf1)  }
0x365: {  	p0 =	por p3, p2  }
0x366: {  	s5 =	sadd.s32 $0x1, s13;
	p0 =	por !p1, !p0  }
0x367: {  	s6 =	sadd.s32 $0x1, s24;
	s7 =	smov.u32 s5;
	p0 =	por !p0, !p0  }
0x368: {  	s7 =	smov.u32 @p0 s6  }
0x369: {  	s7 =	sshll.u32 s7, $0x6  }
0x36a: {  	s7 =	sshra.s32 s7, $0x2  }
0x36b: {  	v8 =	vld [tilespmem:s7+$0x10000];
	_ =	sdelay $0x4  }
0x36c: {  	(v2sf) =	vpush v8, $0x0;
	_ =	sdelay $0x6  }
0x36d: {  	s7 =	smov.u32 s13  }
0x36e: {  	s7 =	smov.u32 @p0 s24  }
0x36f: {  	s7 =	sshll.u32 s7, $0x4  }
0x370: {  	v8 =	vld [tilespmem:s7+$0x10000]  }
0x371: {  	v9 =	vld [tilespmem:s7+$0x10880];
	_ =	sdelay $0x3  }
0x372: {  	v8 =	vperm.xlane v8, v5;
	s7 =	spop (v2sf)  }
0x373: {  	v10, v11, _ =	vpop (xrf1);
	v9 =	vperm.xlane v9, v5;
	s4 =	smov.u32 @p0 s7;
	s7 =	smov.u32 @p0 s3  }
0x374: {  	s5 =	smov.u32 @p0 s13;
	vm0 =	vge.f32 v10, v8;
	p4 =	sge.f32 s4, s7  }
0x375: {  	p5 =	sge.s32 s5, s1;
	s24 =	smov.u32 @p0 s6;
	v12 =	vsel vm0, v10, v8;
	v13 =	vsel vm0, v11, v9  }
0x376: {  	p6 =	slt.s32 s24, s0;
	v8 =	vsel vm0, v8, v10;
	v9 =	vsel vm0, v9, v11;
	(xrf1) =	vsort.dscd.msk.f32 $0xffff, v12, v13;
	p0 =	por p5, p4  }
0x377: {  	(xrf1) =	vsort.dscd.msk.f32 $0xffff, v8, v9;
	s3 =	sadd.s32 $0x1, s5;
	p0 =	por !p6, !p0  }
0x378: {  	s6 =	sadd.s32 $0x1, s24;
	s9 =	smov.u32 s3;
	p0 =	por !p0, !p0  }
0x379: {  	s9 =	smov.u32 @p0 s6  }
0x37a: {  	s9 =	sshll.u32 s9, $0x6  }
0x37b: {  	s9 =	sshra.s32 s9, $0x2  }
0x37c: {  	v8 =	vld [tilespmem:s9+$0x10000];
	s9 =	smov.u32 s5  }
0x37d: {  	s9 =	smov.u32 @p0 s24  }
0x37e: {  	s9 =	sshll.u32 s9, $0x4  }
0x37f: {  	v9 =	vld [tilespmem:s9+$0x10000]  }
0x380: {  	v10 =	vld [tilespmem:s9+$0x10880];
	_ =	sdelay $0x1  }
0x381: {  	(v2sf) =	vpush v8, $0x0;
	_ =	sdelay $0x1  }
0x382: {  	v8, v11, _ =	vpop (xrf1);
	v9 =	vperm.xlane v9, v5  }
0x383: {  	v12, v13, _ =	vpop (xrf1);
	v10 =	vperm.xlane v10, v5  }
0x384: {  	vm14 =	vge.f32 v12, v9  }
0x385: {  	v14 =	vsel vm14, v12, v9;
	v15 =	vsel vm14, v13, v10  }
0x386: {  	(xrf1) =	vsort.dscd.msk.f32 $0xffff, v14, v15;
	_ =	sdelay $0x7  }
0x387: {  	v10 =	vsel vm14, v10, v13;
	v9 =	vsel vm14, v9, v12  }
0x388: {  	(xrf1) =	vsort.dscd.msk.f32 $0xffff, v9, v10;
	s9 =	spop (v2sf)  }
0x389: {  	s4 =	smov.u32 @p0 s9;
	s9 =	smov.u32 @p0 s7  }
0x38a: {  	[tilespmem:s12+$0x0] =	vst v7;
	s3 =	smov.u32 @p0 s5;
	p1 =	sge.f32 s4, s9  }
0x38b: {  	[tilespmem:s11+$0x0] =	vst v6;
	s24 =	smov.u32 @p0 s6;
	s4 =	smov.u32 s3  }
0x38c: {  	s30 =	sadd.s32 $0x20, s8;
	[tilespmem:s2+$0xFFFFFFF0] =	vst v8;
	p0 =	sge.s32 s3, s1;
	s4 =	smov.u32 @p1 s24  }
0x38d: {  	[tilespmem:s30+$0xFFFFFFF0] =	vst v11;
	p1 =	slt.s32 s24, s0;
	s4 =	smov.u32 @p0 s24;
	v6, v7, _ =	vpop (xrf1)  }
0x38e: {  	s3 =	smov.u32 @p1 s4;
	[tilespmem:s2+$0x0] =	vst v6  }
0x38f: {  	s31 =	sshll.u32 s3, $0x4;
	[tilespmem:s30+$0x0] =	vst v7  }
0x390: {  	v6 =	vld [tilespmem:s31+$0x10000]  }
0x391: {  	v7 =	vld [tilespmem:s31+$0x10880];
	_ =	sdelay $0x3  }
0x392: {  	v6 =	vperm.xlane v6, v5  }
0x393: {  	v8, v9, _ =	vpop (xrf1);
	v7 =	vperm.xlane v7, v5  }
0x394: {  	vm15 =	vge.f32 v8, v6  }
0x395: {  	v10 =	vsel vm15, v6, v8;
	v11 =	vsel vm15, v7, v9  }
0x396: {  	v6 =	vsel vm15, v8, v6;
	v7 =	vsel vm15, v9, v7;
	(xrf1) =	vsort.dscd.msk.f32 $0xffff, v10, v11  }
0x397: {  	(xrf1) =	vsort.dscd.msk.f32 $0xffff, v6, v7;
	_ =	sdelay $0x9  }
.Ltmp16:
0x398: {  	_ = 	snop;
	(pc) =	sbr.rel .LBB2_29-.Ltmp16, $3  }
0x399: {  	_ =	sdelay $0x1  }
0x39a: {  	v9, v8, _ =	vpop (xrf1)  }
0x39b: {  	v6, v7, _ =	vpop (xrf1)  }
.LBB2_30:
.Ltmp17:
0x39c: {  	(pc) =	sbr.rel .LBB2_31-.Ltmp17, $3  }
0x39d: {  	_ =	sdelay $0x1  }
0x39e: {  	_ =	strace $0x90000051;
	s20 =	simm.s32 $0x0  }
0x39f: {  	s21 =	simm.s32 $0x10890;
	s22 =	simm.s32 $0x10010;
	_ =	strace $0x80000052  }
.LBB2_37:
0x3a0: {  	s20 =	sadd.s32 $0x1, s20  }
0x3a1: {  	p0 =	sne.s32 s20, $0x8  }
.Ltmp18:
0x3a2: {  	_ = 	snop;
	(pc) =	sbr.rel @!p0 .LBB2_38-.Ltmp18, $2  }
0x3a3: {  	_ =	sdelay $0x2  }
0x3a4: {  	s21 =	sadd.s32 $0x100, s21;
	s22 =	sadd.s32 $0x100, s22  }
.LBB2_31:
0x3a5: {  	s1 =	sshll.u32 s20, $0x4  }
0x3a6: {  	s23 =	sor.u32 $0x8, s1  }
0x3a7: {  	s3 =	sshll.u32 s23, $0x4  }
0x3a8: {  	v6 =	vld [tilespmem:s3+$0x11100];
	_ =	sdelay $0x4  }
0x3a9: {  	(v2sf) =	vpush v6, $0x0;
	_ =	sdelay $0xe  }
0x3aa: {  	s0 =	spop (v2sf)  }
0x3ab: {  	p2 =	sne.f32 s0, $-Inf  }
.Ltmp19:
0x3ac: {  	_ = 	snop;
	(pc) =	sbr.rel @p2 .LBB2_34-.Ltmp19, $2  }
0x3ad: {  	_ =	sdelay $0x2  }
0x3ae: {  	p0 =	por $0x1, $0x1;
	p1 =	por $0x1, $0x1;
	s2 =	simm.s32 $0x0  }
.LBB2_32:
0x3af: {  	s0 =	sor.u32 s1, s2  }
0x3b0: {  	s0 =	sshll.u32 s0, $0x4  }
0x3b1: {  	v6 =	vld [tilespmem:s0+$0x11100]  }
0x3b2: {  	v7 =	vld [tilespmem:s0+$0x11980]  }
0x3b3: {  	v8 =	vld [tilespmem:s0+$0x11110]  }
0x3b4: {  	v9 =	vld [tilespmem:s0+$0x11990]  }
0x3b5: {  	v10 =	vld [tilespmem:s0+$0x11120]  }
0x3b6: {  	v63 =	vld [tilespmem:s0+$0x119B0];
	[tilespmem:s0+$0x10000] =	vst v6  }
0x3b7: {  	v6 =	vld [tilespmem:s0+$0x119A0];
	[tilespmem:s0+$0x10880] =	vst v7  }
0x3b8: {  	p2 =	por p1, p1;
	v7 =	vld [tilespmem:s0+$0x11130];
	[tilespmem:s0+$0x10010] =	vst v8  }
.Ltmp20:
0x3b9: {  	[tilespmem:s0+$0x10890] =	vst v9;
	(pc) =	sbr.rel @p2 .LBB2_32-.Ltmp20, $4  }
0x3ba: {  	[tilespmem:s0+$0x10020] =	vst v10  }
0x3bb: {  	[tilespmem:s0+$0x108B0] =	vst v63  }
0x3bc: {  	[tilespmem:s0+$0x108A0] =	vst v6  }
0x3bd: {  	s2 =	simm.s32 $0x4;
	p1 =	por $0x0, $0x0;
	[tilespmem:s0+$0x10030] =	vst v7;
	s0 =	simm.s32 $0x0  }
.LBB2_33:
0x3be: {  	s2 =	sor.u32 s23, s0  }
0x3bf: {  	s2 =	sshll.u32 s2, $0x4  }
0x3c0: {  	s31 =	sor.u32 s0, s1;
	[tilespmem:s2+$0x10000] =	vst v4  }
0x3c1: {  	s0 =	sshll.u32 s31, $0x4;
	[tilespmem:s2+$0x10880] =	vst v1  }
0x3c2: {  	p1 =	por p0, p0;
	[tilespmem:s0+$0x10090] =	vst v4  }
.Ltmp21:
0x3c3: {  	[tilespmem:s0+$0x10910] =	vst v1;
	(pc) =	sbr.rel @p1 .LBB2_33-.Ltmp21, $4  }
0x3c4: {  	[tilespmem:s0+$0x100A0] =	vst v4  }
0x3c5: {  	[tilespmem:s0+$0x10920] =	vst v1  }
0x3c6: {  	[tilespmem:s0+$0x100B0] =	vst v4  }
0x3c7: {  	p0 =	por $0x0, $0x0;
	[tilespmem:s0+$0x10930] =	vst v1;
	s0 =	simm.s32 $0x4  }
.Ltmp22:
0x3c8: {  	_ = 	snop;
	(pc) =	sbr.rel .LBB2_37-.Ltmp22, $1  }
0x3c9: {  	_ =	sdelay $0x3  }
.LBB2_34:
0x3ca: {  	s24 =	sshll.u32 s20, $0x8  }
0x3cb: {  	v7 =	vld [tilespmem:s24+$0x11100];
	_ =	sdelay $0x4  }
0x3cc: {  	(v2sf) =	vpush v7, $0x0;
	_ =	sdelay $0xe  }
0x3cd: {  	s2 =	spop (v2sf)  }
0x3ce: {  	p0 =	sge.f32 s2, s0  }
0x3cf: {  	s0 =	simm.s32 $0x1  }
0x3d0: {  	s0 =	simm.s32 @!p0 $0x0  }
0x3d1: {  	s5 =	sor.u32 $0x9, s1;
	s0 =	sor.u32 s0, s1  }
0x3d2: {  	s5 =	smov.u32 @p0 s23;
	s30 =	sshll.u32 s0, $0x4  }
0x3d3: {  	s4 =	sshll.u32 s5, $0x4;
	s2 =	sand.u32 $0x3FFFFFF0, s30  }
0x3d4: {  	s31 =	sand.u32 $0x3FFFFFF0, s4;
	v8 =	vld [tilespmem:s2+$0x11100]  }
0x3d5: {  	v9 =	vld [tilespmem:s31+$0x11100];
	_ =	sdelay $0x3  }
0x3d6: {  	(v2sf) =	vpush v8, $0x0  }
0x3d7: {  	(v2sf) =	vpush v9, $0x0;
	_ =	sdelay $0xd  }
0x3d8: {  	s4 =	spop (v2sf)  }
0x3d9: {  	s6 =	spop (v2sf)  }
0x3da: {  	s1 =	sadd.s32 $0x10, s1;
	p1 =	sge.f32 s4, s6  }
0x3db: {  	p2 =	sge.s32 s5, s1  }
0x3dc: {  	p3 =	slt.s32 s0, s23;
	p1 =	por p2, p1  }
0x3dd: {  	s2 =	sadd.s32 $0x1, s5;
	p1 =	por !p3, !p1  }
0x3de: {  	s7 =	sadd.s32 $0x1, s0;
	s8 =	smov.u32 s2;
	p1 =	por !p1, !p1  }
0x3df: {  	s8 =	smov.u32 @p1 s7  }
0x3e0: {  	s8 =	sshll.u32 s8, $0x6  }
0x3e1: {  	s8 =	sshra.s32 s8, $0x2  }
0x3e2: {  	v8 =	vld [tilespmem:s8+$0x11100];
	_ =	sdelay $0x4  }
0x3e3: {  	(v2sf) =	vpush v8, $0x0;
	_ =	sdelay $0x3  }
0x3e4: {  	s8 =	smov.u32 s5  }
0x3e5: {  	s8 =	smov.u32 @p1 s0  }
0x3e6: {  	s8 =	sshll.u32 s8, $0x4  }
0x3e7: {  	v8 =	vld [tilespmem:s8+$0x11100]  }
0x3e8: {  	s3 =	sadd.s32 $0x11980, s3;
	s9 =	sadd.s32 $0x11980, s24;
	v60 =	vld [tilespmem:s8+$0x11980]  }
0x3e9: {  	s3 =	smov.u32 @p0 s9  }
0x3ea: {  	v10 =	vld [tilespmem:s3+$0x0];
	_ =	sdelay $0x1  }
0x3eb: {  	v8 =	vperm.xlane v8, v5  }
0x3ec: {  	v6 =	vpsel p0, v7, v6;
	v7 =	vperm.xlane v60, v5  }
0x3ed: {  	vm0 =	vge.f32 v6, v8  }
0x3ee: {  	v61 =	vsel vm0, v6, v8;
	v11 =	vsel vm0, v10, v7;
	s8 =	spop (v2sf)  }
0x3ef: {  	v6 =	vsel vm0, v8, v6;
	v7 =	vsel vm0, v7, v10;
	(xrf1) =	vsort.dscd.msk.f32 $0xffff, v61, v11;
	s4 =	smov.u32 @p1 s8;
	s8 =	smov.u32 @p1 s6  }
0x3f0: {  	s2 =	smov.u32 @p1 s5;
	(xrf1) =	vsort.dscd.msk.f32 $0xffff, v6, v7;
	p4 =	sge.f32 s4, s8  }
0x3f1: {  	p5 =	sge.s32 s2, s1;
	s0 =	smov.u32 @p1 s7  }
0x3f2: {  	p6 =	slt.s32 s0, s23;
	p0 =	por p5, p4  }
0x3f3: {  	s13 =	sadd.s32 $0x1, s2;
	s3 =	smov.u32 s2;
	p0 =	por !p6, !p0  }
0x3f4: {  	s5 =	sadd.s32 $0x1, s0;
	s6 =	smov.u32 s13;
	p0 =	por !p0, !p0  }
0x3f5: {  	s3 =	smov.u32 @p0 s0;
	s6 =	smov.u32 @p0 s5  }
0x3f6: {  	s3 =	sshll.u32 s3, $0x4;
	s6 =	sshll.u32 s6, $0x6  }
0x3f7: {  	v6 =	vld [tilespmem:s3+$0x11100];
	s6 =	sshra.s32 s6, $0x2  }
0x3f8: {  	v7 =	vld [tilespmem:s6+$0x11100]  }
0x3f9: {  	v8 =	vld [tilespmem:s3+$0x11980];
	_ =	sdelay $0x3  }
0x3fa: {  	v9, v62, _ =	vpop (xrf1);
	v6 =	vperm.xlane v6, v5;
	(v2sf) =	vpush v7, $0x0  }
0x3fb: {  	v7 =	vperm.xlane v8, v5;
	v8, v63, _ =	vpop (xrf1)  }
0x3fc: {  	vm15 =	vge.f32 v8, v6  }
0x3fd: {  	v12 =	vsel vm15, v8, v6;
	v13 =	vsel vm15, v63, v7  }
0x3fe: {  	(xrf1) =	vsort.dscd.msk.f32 $0xffff, v12, v13  }
0x3ff: {  	v7 =	vsel vm15, v7, v63;
	v6 =	vsel vm15, v6, v8  }
0x400: {  	(xrf1) =	vsort.dscd.msk.f32 $0xffff, v6, v7;
	_ =	sdelay $0x7  }
0x401: {  	s15 =	simm.s32 $0x2  }
0x402: {  	s12 =	smov.u32 s22;
	s11 =	smov.u32 s21;
	s3 =	spop (v2sf)  }
0x403: {  	s0 =	smov.u32 @p0 s5;
	s4 =	smov.u32 @p0 s3;
	s3 =	smov.u32 @p0 s8  }
0x404: {  	s13 =	smov.u32 @p0 s2;
	s2 =	sadd.s32 $0x20, s22;
	[tilespmem:s22+$0xFFFFFFF0] =	vst v9;
	p2 =	sge.f32 s4, s3  }
0x405: {  	p1 =	slt.s32 s0, s23;
	p3 =	sge.s32 s13, s1;
	[tilespmem:s21+$0xFFFFFFF0] =	vst v62;
	s8 =	smov.u32 s21;
	v7, v6, _ =	vpop (xrf1)  }
.LBB2_35:
0x406: {  	s15 =	sadd.s32 $0x2, s15;
	p2 =	por p3, p2  }
0x407: {  	[tilespmem:s12+$0x0] =	vst v7;
	s8 =	sadd.s32 $0x20, s8;
	v7, v8, _ =	vpop (xrf1);
	s7 =	sadd.s32 $0x1, s0;
	s5 =	sadd.s32 $0x1, s13  }
0x408: {  	p0 =	slt.u32 s15, $0xC;
	p1 =	por !p1, !p2;
	[tilespmem:s11+$0x0] =	vst v6;
	s11 =	smov.u32 s8  }
0x409: {  	s6 =	smov.u32 s13;
	s9 =	smov.u32 s5;
	p1 =	por !p1, !p1  }
0x40a: {  	s12 =	smov.u32 s2;
	s6 =	smov.u32 @p1 s0;
	s9 =	smov.u32 @p1 s7  }
0x40b: {  	s6 =	sshll.u32 s6, $0x4;
	s9 =	sshll.u32 s9, $0x6  }
0x40c: {  	v6 =	vld [tilespmem:s6+$0x11100];
	s9 =	sshra.s32 s9, $0x2  }
0x40d: {  	v9 =	vld [tilespmem:s9+$0x11100]  }
0x40e: {  	v10 =	vld [tilespmem:s6+$0x11980];
	_ =	sdelay $0x2  }
0x40f: {  	v6 =	vperm.xlane v6, v5  }
0x410: {  	(v2sf) =	vpush v9, $0x0  }
0x411: {  	v9 =	vperm.xlane v10, v5;
	vm0 =	vge.f32 v7, v6  }
0x412: {  	v10 =	vsel vm0, v7, v6;
	v6 =	vsel vm0, v6, v7  }
0x413: {  	v7 =	vsel vm0, v8, v9;
	v8 =	vsel vm0, v9, v8  }
0x414: {  	(xrf1) =	vsort.dscd.msk.f32 $0xffff, v10, v7;
	_ =	sdelay $0xa  }
0x415: {  	s6 =	spop (v2sf)  }
0x416: {  	s4 =	smov.u32 @p1 s6;
	s6 =	smov.u32 @p1 s3  }
0x417: {  	s5 =	smov.u32 @p1 s13;
	p2 =	sge.f32 s4, s6;
	(xrf1) =	vsort.dscd.msk.f32 $0xffff, v6, v8  }
0x418: {  	s0 =	smov.u32 @p1 s7;
	p1 =	sge.s32 s5, s1;
	v6, v7, _ =	vpop (xrf1)  }
0x419: {  	p3 =	slt.s32 s0, s23;
	[tilespmem:s2+$0xFFFFFFF0] =	vst v6;
	p1 =	por p1, p2  }
0x41a: {  	s13 =	sadd.s32 $0x1, s5;
	s7 =	smov.u32 s5;
	[tilespmem:s8+$0xFFFFFFF0] =	vst v7;
	p1 =	por !p3, !p1  }
0x41b: {  	s9 =	smov.u32 s13;
	s3 =	sadd.s32 $0x1, s0;
	p2 =	por !p1, !p1  }
0x41c: {  	s7 =	smov.u32 @p2 s0;
	s9 =	smov.u32 @p2 s3  }
0x41d: {  	s0 =	smov.u32 @p2 s3;
	s7 =	sshll.u32 s7, $0x4;
	s3 =	sshll.u32 s9, $0x6  }
0x41e: {  	s13 =	smov.u32 @p2 s5;
	p1 =	slt.s32 s0, s23;
	v6 =	vld [tilespmem:s7+$0x11100];
	s3 =	sshra.s32 s3, $0x2  }
0x41f: {  	v7 =	vld [tilespmem:s3+$0x11100]  }
0x420: {  	v8 =	vld [tilespmem:s7+$0x11980];
	_ =	sdelay $0x2  }
0x421: {  	v6 =	vperm.xlane v6, v5  }
0x422: {  	(v2sf) =	vpush v7, $0x0  }
0x423: {  	v7 =	vperm.xlane v8, v5;
	v8, v9, _ =	vpop (xrf1)  }
0x424: {  	vm0 =	vge.f32 v8, v6  }
0x425: {  	v10 =	vsel vm0, v8, v6;
	v11 =	vsel vm0, v9, v7;
	v7 =	vsel vm0, v7, v9  }
0x426: {  	v6 =	vsel vm0, v6, v8;
	(xrf1) =	vsort.dscd.msk.f32 $0xffff, v10, v11  }
0x427: {  	(xrf1) =	vsort.dscd.msk.f32 $0xffff, v6, v7;
	_ =	sdelay $0x8  }
.Ltmp23:
0x428: {  	(pc) =	sbr.rel @p0 .LBB2_35-.Ltmp23, $4  }
0x429: {  	s3 =	spop (v2sf)  }
0x42a: {  	s4 =	smov.u32 @p2 s3;
	s3 =	smov.u32 @p2 s6  }
0x42b: {  	p2 =	sge.f32 s4, s3  }
0x42c: {  	s2 =	sadd.s32 $0x20, s2;
	p3 =	sge.s32 s13, s1;
	v7, v6, _ =	vpop (xrf1)  }
0x42d: {  	p0 =	por p3, p2  }
0x42e: {  	s5 =	sadd.s32 $0x1, s13;
	p0 =	por !p1, !p0  }
0x42f: {  	s6 =	sadd.s32 $0x1, s0;
	s7 =	smov.u32 s5;
	p0 =	por !p0, !p0  }
0x430: {  	s7 =	smov.u32 @p0 s6  }
0x431: {  	s7 =	sshll.u32 s7, $0x6  }
0x432: {  	s7 =	sshra.s32 s7, $0x2  }
0x433: {  	v8 =	vld [tilespmem:s7+$0x11100];
	_ =	sdelay $0x4  }
0x434: {  	(v2sf) =	vpush v8, $0x0;
	_ =	sdelay $0x6  }
0x435: {  	s7 =	smov.u32 s13  }
0x436: {  	s7 =	smov.u32 @p0 s0  }
0x437: {  	s7 =	sshll.u32 s7, $0x4  }
0x438: {  	v53 =	vld [tilespmem:s7+$0x11100]  }
0x439: {  	v9 =	vld [tilespmem:s7+$0x11980];
	_ =	sdelay $0x3  }
0x43a: {  	v8 =	vperm.xlane v53, v5;
	s7 =	spop (v2sf)  }
0x43b: {  	v10, v11, _ =	vpop (xrf1);
	v9 =	vperm.xlane v9, v5;
	s4 =	smov.u32 @p0 s7;
	s7 =	smov.u32 @p0 s3  }
0x43c: {  	s5 =	smov.u32 @p0 s13;
	vm0 =	vge.f32 v10, v8;
	p4 =	sge.f32 s4, s7  }
0x43d: {  	p5 =	sge.s32 s5, s1;
	s0 =	smov.u32 @p0 s6;
	v12 =	vsel vm0, v10, v8;
	v13 =	vsel vm0, v11, v9  }
0x43e: {  	p6 =	slt.s32 s0, s23;
	v8 =	vsel vm0, v8, v10;
	v9 =	vsel vm0, v9, v11;
	(xrf1) =	vsort.dscd.msk.f32 $0xffff, v12, v13;
	p0 =	por p5, p4  }
0x43f: {  	(xrf1) =	vsort.dscd.msk.f32 $0xffff, v8, v9;
	s3 =	sadd.s32 $0x1, s5;
	p0 =	por !p6, !p0  }
0x440: {  	s6 =	sadd.s32 $0x1, s0;
	s9 =	smov.u32 s3;
	p0 =	por !p0, !p0  }
0x441: {  	s9 =	smov.u32 @p0 s6  }
0x442: {  	s9 =	sshll.u32 s9, $0x6  }
0x443: {  	s9 =	sshra.s32 s9, $0x2  }
0x444: {  	v54 =	vld [tilespmem:s9+$0x11100];
	s9 =	smov.u32 s5  }
0x445: {  	s9 =	smov.u32 @p0 s0  }
0x446: {  	s9 =	sshll.u32 s9, $0x4  }
0x447: {  	v55 =	vld [tilespmem:s9+$0x11100]  }
0x448: {  	v56 =	vld [tilespmem:s9+$0x11980];
	_ =	sdelay $0x1  }
0x449: {  	(v2sf) =	vpush v54, $0x0;
	_ =	sdelay $0x1  }
0x44a: {  	v58, v57, _ =	vpop (xrf1);
	v9 =	vperm.xlane v55, v5  }
0x44b: {  	v12, v13, _ =	vpop (xrf1);
	v10 =	vperm.xlane v56, v5  }
0x44c: {  	vm14 =	vge.f32 v12, v9  }
0x44d: {  	v14 =	vsel vm14, v12, v9;
	v15 =	vsel vm14, v13, v10  }
0x44e: {  	(xrf1) =	vsort.dscd.msk.f32 $0xffff, v14, v15;
	_ =	sdelay $0x7  }
0x44f: {  	v10 =	vsel vm14, v10, v13;
	v9 =	vsel vm14, v9, v12  }
0x450: {  	(xrf1) =	vsort.dscd.msk.f32 $0xffff, v9, v10;
	s9 =	spop (v2sf)  }
0x451: {  	s4 =	smov.u32 @p0 s9;
	s9 =	smov.u32 @p0 s7  }
0x452: {  	[tilespmem:s12+$0x0] =	vst v7;
	s3 =	smov.u32 @p0 s5;
	p1 =	sge.f32 s4, s9  }
0x453: {  	[tilespmem:s11+$0x0] =	vst v6;
	s0 =	smov.u32 @p0 s6;
	s4 =	smov.u32 s3  }
0x454: {  	s30 =	sadd.s32 $0x20, s8;
	[tilespmem:s2+$0xFFFFFFF0] =	vst v58;
	p0 =	sge.s32 s3, s1;
	s4 =	smov.u32 @p1 s0  }
0x455: {  	[tilespmem:s30+$0xFFFFFFF0] =	vst v57;
	p1 =	slt.s32 s0, s23;
	s4 =	smov.u32 @p0 s0;
	v6, v7, _ =	vpop (xrf1)  }
0x456: {  	s3 =	smov.u32 @p1 s4;
	[tilespmem:s2+$0x0] =	vst v6  }
0x457: {  	s31 =	sshll.u32 s3, $0x4;
	[tilespmem:s30+$0x0] =	vst v7  }
0x458: {  	v6 =	vld [tilespmem:s31+$0x11100]  }
0x459: {  	v7 =	vld [tilespmem:s31+$0x11980];
	_ =	sdelay $0x3  }
0x45a: {  	v6 =	vperm.xlane v6, v5  }
0x45b: {  	v59, v9, _ =	vpop (xrf1);
	v7 =	vperm.xlane v7, v5  }
0x45c: {  	vm15 =	vge.f32 v59, v6  }
0x45d: {  	v60 =	vsel vm15, v6, v59;
	v61 =	vsel vm15, v7, v9  }
0x45e: {  	(xrf1) =	vsort.dscd.msk.f32 $0xffff, v60, v61  }
0x45f: {  	v6 =	vsel vm15, v59, v6;
	v7 =	vsel vm15, v9, v7  }
0x460: {  	(xrf1) =	vsort.dscd.msk.f32 $0xffff, v6, v7;
	_ =	sdelay $0xb  }
.Ltmp24:
0x461: {  	v6, v7, _ =	vpop (xrf1);
	(pc) =	sbr.rel .LBB2_37-.Ltmp24, $4  }
0x462: {  	[tilespmem:s24+$0x100F0] =	vst v6  }
0x463: {  	v62, v63, _ =	vpop (xrf1);
	[tilespmem:s24+$0x10970] =	vst v7  }
0x464: {  	[tilespmem:s24+$0x100E0] =	vst v62  }
0x465: {  	[tilespmem:s24+$0x10960] =	vst v63  }
.LBB2_38:
.Ltmp25:
0x466: {  	(pc) =	sbr.rel .LBB2_39-.Ltmp25, $4  }
0x467: {  	_ =	strace $0x90000052;
	s20 =	simm.s32 $0x11990;
	s21 =	simm.s32 $0x11110  }
0x468: {  	s22 =	simm.s32 $0x119A0;
	s23 =	simm.s32 $0x108A0;
	s24 =	simm.s32 $0x11120  }
0x469: {  	s25 =	simm.s32 $0x10020;
	s26 =	simm.s32 $0x0;
	s28 =	simm.s32 $0x11200  }
0x46a: {  	s29 =	simm.s32 $0x11A80;
	s30 =	simm.s32 $0x0;
	_ =	strace $0x80000053  }
.LBB2_48:
0x46b: {  	s30 =	sadd.s32 $0x1, s30  }
0x46c: {  	p0 =	sne.s32 s30, $0x4  }
.Ltmp26:
0x46d: {  	_ = 	snop;
	(pc) =	sbr.rel @!p0 .LBB2_49-.Ltmp26, $4  }
0x46e: {  	_ = 	snop  }
0x46f: {  	s20 =	sadd.s32 $0x200, s20;
	s21 =	sadd.s32 $0x200, s21;
	s22 =	sadd.s32 $0x200, s22  }
0x470: {  	s23 =	sadd.s32 $0x200, s23;
	s24 =	sadd.s32 $0x200, s24;
	s25 =	sadd.s32 $0x200, s25  }
0x471: {  	s26 =	sadd.s32 $0x200, s26;
	s28 =	sadd.s32 $0x200, s28;
	s29 =	sadd.s32 $0x200, s29  }
.LBB2_39:
0x472: {  	s2 =	sshll.u32 s30, $0x5  }
0x473: {  	s0 =	sor.u32 $0x10, s2  }
0x474: {  	s3 =	sshll.u32 s0, $0x4  }
0x475: {  	v6 =	vld [tilespmem:s3+$0x10000];
	_ =	sdelay $0x4  }
0x476: {  	(v2sf) =	vpush v6, $0x0;
	_ =	sdelay $0xe  }
0x477: {  	s1 =	spop (v2sf)  }
0x478: {  	p0 =	sne.f32 s1, $-Inf  }
.Ltmp27:
0x479: {  	_ = 	snop;
	(pc) =	sbr.rel @p0 .LBB2_45-.Ltmp27, $2  }
0x47a: {  	_ =	sdelay $0x2  }
0x47b: {  	s4 =	simm.s32 $0xFFFFFFFC  }
0x47c: {  	v6 =	vld [tilespmem:s25+$0x10];
	_ =	sdelay $0x1  }
0x47d: {  	v7 =	vld [tilespmem:s25+$0xFFFFFFF0]  }
0x47e: {  	v8 =	vld [tilespmem:s25+$0x0]  }
0x47f: {  	v9 =	vld [tilespmem:s25+$0xFFFFFFE0];
	s2 =	sadd.s32 $0x40, s25  }
0x480: {  	v11 =	vld [tilespmem:s2+$0x10];
	[tilespmem:s24+$0x10] =	vst v6  }
0x481: {  	v6 =	vld [tilespmem:s23+$0x10]  }
0x482: {  	v12 =	vld [tilespmem:s2+$0xFFFFFFF0];
	[tilespmem:s24+$0xFFFFFFF0] =	vst v7  }
0x483: {  	v13 =	vld [tilespmem:s2+$0x0];
	[tilespmem:s24+$0x0] =	vst v8  }
0x484: {  	s0 =	sadd.s32 $0x40, s24;
	[tilespmem:s24+$0xFFFFFFE0] =	vst v9;
	v10 =	vld [tilespmem:s23+$0xFFFFFFF0]  }
0x485: {  	v7 =	vld [tilespmem:s2+$0xFFFFFFE0];
	[tilespmem:s0+$0x10] =	vst v11  }
0x486: {  	[tilespmem:s22+$0x10] =	vst v6;
	v6 =	vld [tilespmem:s23+$0xFFFFFFE0]  }
0x487: {  	s1 =	sadd.s32 $0x40, s23;
	v8 =	vld [tilespmem:s23+$0x0];
	[tilespmem:s0+$0xFFFFFFF0] =	vst v12  }
0x488: {  	s3 =	sadd.s32 $0x4, s4;
	[tilespmem:s0+$0x0] =	vst v13;
	v9 =	vld [tilespmem:s1+$0x10]  }
0x489: {  	s3 =	sadd.s32 $0x4, s3;
	s4 =	sadd.s32 $0x40, s2;
	s2 =	smov.u32 s22;
	[tilespmem:s22+$0xFFFFFFF0] =	vst v10;
	v10 =	vld [tilespmem:s1+$0xFFFFFFF0]  }
.LBB2_41:
0x48a: {  	v11 =	vld [tilespmem:s4+$0x10];
	s3 =	sadd.s32 $0x4, s3;
	[tilespmem:s0+$0xFFFFFFE0] =	vst v7  }
0x48b: {  	v12 =	vld [tilespmem:s4+$0xFFFFFFF0];
	p0 =	slt.u32 s3, $0xC;
	[tilespmem:s2+$0xFFFFFFE0] =	vst v6  }
0x48c: {  	v13 =	vld [tilespmem:s4+$0x0];
	[tilespmem:s2+$0x0] =	vst v8;
	s2 =	sadd.s32 $0x40, s2  }
.Ltmp28:
0x48d: {  	v7 =	vld [tilespmem:s4+$0xFFFFFFE0];
	[tilespmem:s2+$0x10] =	vst v9;
	(pc) =	sbr.rel @p0 .LBB2_41-.Ltmp28, $4  }
0x48e: {  	s0 =	sadd.s32 $0x40, s0;
	v6 =	vld [tilespmem:s1+$0xFFFFFFE0];
	[tilespmem:s2+$0xFFFFFFF0] =	vst v10  }
0x48f: {  	[tilespmem:s0+$0x10] =	vst v11;
	v8 =	vld [tilespmem:s1+$0x0];
	s1 =	sadd.s32 $0x40, s1  }
0x490: {  	[tilespmem:s0+$0xFFFFFFF0] =	vst v12;
	v9 =	vld [tilespmem:s1+$0x10]  }
0x491: {  	s4 =	sadd.s32 $0x40, s4;
	v10 =	vld [tilespmem:s1+$0xFFFFFFF0];
	[tilespmem:s0+$0x0] =	vst v13  }
0x492: {  	[tilespmem:s0+$0xFFFFFFE0] =	vst v7  }
0x493: {  	v7 =	vld [tilespmem:s1+$0xFFFFFFE0]  }
0x494: {  	[tilespmem:s2+$0xFFFFFFE0] =	vst v6;
	v6 =	vld [tilespmem:s1+$0x0]  }
0x495: {  	s16 =	sadd.s32 $0x40, s2;
	[tilespmem:s2+$0x0] =	vst v8  }
0x496: {  	[tilespmem:s16+$0x10] =	vst v9  }
0x497: {  	[tilespmem:s16+$0xFFFFFFF0] =	vst v10  }
0x498: {  	[tilespmem:s16+$0xFFFFFFE0] =	vst v7  }
0x499: {  	s18 =	sor.u32 $0x110, s26;
	[tilespmem:s16+$0x0] =	vst v6  }
0x49a: {  	[tilespmem:s18+$0x11100] =	vst v4  }
0x49b: {  	s19 =	sor.u32 $0x120, s26;
	[tilespmem:s18+$0x11980] =	vst v1  }
0x49c: {  	[tilespmem:s19+$0x11100] =	vst v4  }
0x49d: {  	s31 =	sor.u32 $0x130, s26;
	[tilespmem:s19+$0x11980] =	vst v1  }
0x49e: {  	[tilespmem:s31+$0x11100] =	vst v4  }
0x49f: {  	s0 =	simm.s32 $0x0;
	s4 =	smov.u32 s29;
	[tilespmem:s31+$0x11980] =	vst v1  }
0x4a0: {  	s3 =	smov.u32 s28;
	s1 =	sadd.s32 $0x40, s26;
	s2 =	sadd.s32 $0x40, s29;
	[tilespmem:s28+$0x0] =	vst v4  }
.LBB2_43:
0x4a1: {  	s5 =	sor.u32 $0x110, s1;
	s0 =	sadd.s32 $0x4, s0;
	[tilespmem:s4+$0x0] =	vst v1;
	s3 =	sadd.s32 $0x40, s3  }
0x4a2: {  	s4 =	smov.u32 s2;
	[tilespmem:s5+$0x11100] =	vst v4;
	p0 =	slt.u32 s0, $0xC  }
0x4a3: {  	[tilespmem:s5+$0x11980] =	vst v1;
	s5 =	sor.u32 $0x120, s1  }
.Ltmp29:
0x4a4: {  	[tilespmem:s5+$0x11100] =	vst v4;
	(pc) =	sbr.rel @p0 .LBB2_43-.Ltmp29, $4  }
0x4a5: {  	[tilespmem:s5+$0x11980] =	vst v1;
	s5 =	sor.u32 $0x130, s1  }
0x4a6: {  	[tilespmem:s5+$0x11100] =	vst v4  }
0x4a7: {  	[tilespmem:s5+$0x11980] =	vst v1  }
0x4a8: {  	s2 =	sadd.s32 $0x40, s2;
	s1 =	sadd.s32 $0x40, s1;
	[tilespmem:s3+$0x0] =	vst v4  }
.Ltmp30:
0x4a9: {  	(pc) =	sbr.rel .LBB2_48-.Ltmp30, $2  }
0x4aa: {  	_ =	sdelay $0x2  }
0x4ab: {  	[tilespmem:s4+$0x0] =	vst v1  }
.LBB2_45:
0x4ac: {  	s31 =	sshll.u32 s30, $0x9  }
0x4ad: {  	v7 =	vld [tilespmem:s31+$0x10000];
	_ =	sdelay $0x4  }
0x4ae: {  	(v2sf) =	vpush v7, $0x0;
	_ =	sdelay $0xe  }
0x4af: {  	s4 =	spop (v2sf)  }
0x4b0: {  	p0 =	sge.f32 s4, s1  }
0x4b1: {  	s1 =	simm.s32 $0x1  }
0x4b2: {  	s1 =	simm.s32 @!p0 $0x0  }
0x4b3: {  	s5 =	sor.u32 $0x11, s2;
	s1 =	sor.u32 s1, s2  }
0x4b4: {  	s5 =	smov.u32 @p0 s0;
	s18 =	sshll.u32 s1, $0x4  }
0x4b5: {  	s6 =	sshll.u32 s5, $0x4;
	s4 =	sand.u32 $0x3FFFFFF0, s18  }
0x4b6: {  	s19 =	sand.u32 $0x3FFFFFF0, s6;
	v8 =	vld [tilespmem:s4+$0x10000]  }
0x4b7: {  	v9 =	vld [tilespmem:s19+$0x10000];
	_ =	sdelay $0x3  }
0x4b8: {  	(v2sf) =	vpush v8, $0x0  }
0x4b9: {  	(v2sf) =	vpush v9, $0x0;
	_ =	sdelay $0xd  }
0x4ba: {  	s8 =	spop (v2sf)  }
0x4bb: {  	s6 =	spop (v2sf)  }
0x4bc: {  	s4 =	sadd.s32 $0x20, s2;
	p1 =	sge.f32 s8, s6  }
0x4bd: {  	p2 =	sge.s32 s5, s4  }
0x4be: {  	p3 =	slt.s32 s1, s0;
	p1 =	por p2, p1  }
0x4bf: {  	s2 =	sadd.s32 $0x1, s5;
	p1 =	por !p3, !p1  }
0x4c0: {  	s7 =	sadd.s32 $0x1, s1;
	s9 =	smov.u32 s2;
	p1 =	por !p1, !p1  }
0x4c1: {  	s9 =	smov.u32 @p1 s7  }
0x4c2: {  	s9 =	sshll.u32 s9, $0x6  }
0x4c3: {  	s9 =	sshra.s32 s9, $0x2  }
0x4c4: {  	v8 =	vld [tilespmem:s9+$0x10000];
	_ =	sdelay $0x4  }
0x4c5: {  	(v2sf) =	vpush v8, $0x0;
	_ =	sdelay $0x3  }
0x4c6: {  	s9 =	smov.u32 s5  }
0x4c7: {  	s9 =	smov.u32 @p1 s1  }
0x4c8: {  	s9 =	sshll.u32 s9, $0x4  }
0x4c9: {  	v8 =	vld [tilespmem:s9+$0x10000]  }
0x4ca: {  	s3 =	sadd.s32 $0x10880, s3;
	s11 =	sadd.s32 $0x10880, s31;
	v60 =	vld [tilespmem:s9+$0x10880]  }
0x4cb: {  	s3 =	smov.u32 @p0 s11  }
0x4cc: {  	v10 =	vld [tilespmem:s3+$0x0];
	_ =	sdelay $0x1  }
0x4cd: {  	v8 =	vperm.xlane v8, v5  }
0x4ce: {  	v6 =	vpsel p0, v7, v6;
	v7 =	vperm.xlane v60, v5  }
0x4cf: {  	vm0 =	vge.f32 v6, v8  }
0x4d0: {  	v61 =	vsel vm0, v6, v8;
	v11 =	vsel vm0, v10, v7;
	s9 =	spop (v2sf)  }
0x4d1: {  	v6 =	vsel vm0, v8, v6;
	v7 =	vsel vm0, v7, v10;
	(xrf1) =	vsort.dscd.msk.f32 $0xffff, v61, v11;
	s8 =	smov.u32 @p1 s9;
	s9 =	smov.u32 @p1 s6  }
0x4d2: {  	s2 =	smov.u32 @p1 s5;
	(xrf1) =	vsort.dscd.msk.f32 $0xffff, v6, v7;
	p4 =	sge.f32 s8, s9  }
0x4d3: {  	p5 =	sge.s32 s2, s4;
	s1 =	smov.u32 @p1 s7  }
0x4d4: {  	p6 =	slt.s32 s1, s0;
	p0 =	por p5, p4  }
0x4d5: {  	s13 =	sadd.s32 $0x1, s2;
	s3 =	smov.u32 s2;
	p0 =	por !p6, !p0  }
0x4d6: {  	s5 =	sadd.s32 $0x1, s1;
	s6 =	smov.u32 s13;
	p0 =	por !p0, !p0  }
0x4d7: {  	s3 =	smov.u32 @p0 s1;
	s6 =	smov.u32 @p0 s5  }
0x4d8: {  	s3 =	sshll.u32 s3, $0x4;
	s6 =	sshll.u32 s6, $0x6  }
0x4d9: {  	v6 =	vld [tilespmem:s3+$0x10000];
	s6 =	sshra.s32 s6, $0x2  }
0x4da: {  	v7 =	vld [tilespmem:s6+$0x10000]  }
0x4db: {  	v8 =	vld [tilespmem:s3+$0x10880];
	_ =	sdelay $0x3  }
0x4dc: {  	v9, v62, _ =	vpop (xrf1);
	v6 =	vperm.xlane v6, v5;
	(v2sf) =	vpush v7, $0x0  }
0x4dd: {  	v7 =	vperm.xlane v8, v5;
	v8, v63, _ =	vpop (xrf1)  }
0x4de: {  	vm15 =	vge.f32 v8, v6  }
0x4df: {  	v12 =	vsel vm15, v8, v6;
	v13 =	vsel vm15, v63, v7  }
0x4e0: {  	(xrf1) =	vsort.dscd.msk.f32 $0xffff, v12, v13  }
0x4e1: {  	v7 =	vsel vm15, v7, v63;
	v6 =	vsel vm15, v6, v8  }
0x4e2: {  	(xrf1) =	vsort.dscd.msk.f32 $0xffff, v6, v7;
	_ =	sdelay $0x7  }
0x4e3: {  	s15 =	simm.s32 $0x2  }
0x4e4: {  	s12 =	smov.u32 s21;
	s16 =	smov.u32 s20;
	s3 =	spop (v2sf)  }
0x4e5: {  	s11 =	smov.u32 s20;
	s8 =	smov.u32 @p0 s3;
	s3 =	smov.u32 @p0 s9  }
0x4e6: {  	s1 =	smov.u32 @p0 s5;
	s13 =	smov.u32 @p0 s2;
	[tilespmem:s21+$0xFFFFFFF0] =	vst v9;
	p2 =	sge.f32 s8, s3  }
0x4e7: {  	s2 =	sadd.s32 $0x20, s21;
	p1 =	slt.s32 s1, s0;
	p3 =	sge.s32 s13, s4;
	[tilespmem:s20+$0xFFFFFFF0] =	vst v62;
	v7, v6, _ =	vpop (xrf1)  }
.LBB2_46:
0x4e8: {  	s15 =	sadd.s32 $0x2, s15;
	p2 =	por p3, p2  }
0x4e9: {  	[tilespmem:s12+$0x0] =	vst v7;
	s11 =	sadd.s32 $0x20, s11;
	v7, v8, _ =	vpop (xrf1);
	s7 =	sadd.s32 $0x1, s1;
	s5 =	sadd.s32 $0x1, s13  }
0x4ea: {  	p0 =	slt.u32 s15, $0x1C;
	p1 =	por !p1, !p2;
	[tilespmem:s16+$0x0] =	vst v6;
	s16 =	smov.u32 s11  }
0x4eb: {  	s6 =	smov.u32 s13;
	s9 =	smov.u32 s5;
	p1 =	por !p1, !p1  }
0x4ec: {  	s12 =	smov.u32 s2;
	s6 =	smov.u32 @p1 s1;
	s9 =	smov.u32 @p1 s7  }
0x4ed: {  	s6 =	sshll.u32 s6, $0x4;
	s9 =	sshll.u32 s9, $0x6  }
0x4ee: {  	v6 =	vld [tilespmem:s6+$0x10000];
	s9 =	sshra.s32 s9, $0x2  }
0x4ef: {  	v9 =	vld [tilespmem:s9+$0x10000]  }
0x4f0: {  	v10 =	vld [tilespmem:s6+$0x10880];
	_ =	sdelay $0x2  }
0x4f1: {  	v6 =	vperm.xlane v6, v5  }
0x4f2: {  	(v2sf) =	vpush v9, $0x0  }
0x4f3: {  	v9 =	vperm.xlane v10, v5;
	vm0 =	vge.f32 v7, v6  }
0x4f4: {  	v10 =	vsel vm0, v7, v6;
	v6 =	vsel vm0, v6, v7  }
0x4f5: {  	v7 =	vsel vm0, v8, v9;
	v8 =	vsel vm0, v9, v8  }
0x4f6: {  	(xrf1) =	vsort.dscd.msk.f32 $0xffff, v10, v7;
	_ =	sdelay $0xa  }
0x4f7: {  	s6 =	spop (v2sf)  }
0x4f8: {  	s8 =	smov.u32 @p1 s6;
	s6 =	smov.u32 @p1 s3  }
0x4f9: {  	s5 =	smov.u32 @p1 s13;
	p2 =	sge.f32 s8, s6;
	(xrf1) =	vsort.dscd.msk.f32 $0xffff, v6, v8  }
0x4fa: {  	s1 =	smov.u32 @p1 s7;
	p1 =	sge.s32 s5, s4;
	v6, v7, _ =	vpop (xrf1)  }
0x4fb: {  	p3 =	slt.s32 s1, s0;
	[tilespmem:s2+$0xFFFFFFF0] =	vst v6;
	p1 =	por p1, p2  }
0x4fc: {  	s13 =	sadd.s32 $0x1, s5;
	s7 =	smov.u32 s5;
	[tilespmem:s11+$0xFFFFFFF0] =	vst v7;
	p1 =	por !p3, !p1  }
0x4fd: {  	s9 =	smov.u32 s13;
	s3 =	sadd.s32 $0x1, s1;
	p2 =	por !p1, !p1  }
0x4fe: {  	s7 =	smov.u32 @p2 s1;
	s9 =	smov.u32 @p2 s3  }
0x4ff: {  	s1 =	smov.u32 @p2 s3;
	s7 =	sshll.u32 s7, $0x4;
	s3 =	sshll.u32 s9, $0x6  }
0x500: {  	s13 =	smov.u32 @p2 s5;
	p1 =	slt.s32 s1, s0;
	v6 =	vld [tilespmem:s7+$0x10000];
	s3 =	sshra.s32 s3, $0x2  }
0x501: {  	v7 =	vld [tilespmem:s3+$0x10000]  }
0x502: {  	v8 =	vld [tilespmem:s7+$0x10880];
	_ =	sdelay $0x2  }
0x503: {  	v6 =	vperm.xlane v6, v5  }
0x504: {  	(v2sf) =	vpush v7, $0x0  }
0x505: {  	v7 =	vperm.xlane v8, v5;
	v8, v9, _ =	vpop (xrf1)  }
0x506: {  	vm0 =	vge.f32 v8, v6  }
0x507: {  	v10 =	vsel vm0, v8, v6;
	v11 =	vsel vm0, v9, v7;
	v7 =	vsel vm0, v7, v9  }
0x508: {  	v6 =	vsel vm0, v6, v8;
	(xrf1) =	vsort.dscd.msk.f32 $0xffff, v10, v11  }
0x509: {  	(xrf1) =	vsort.dscd.msk.f32 $0xffff, v6, v7;
	_ =	sdelay $0x8  }
.Ltmp31:
0x50a: {  	(pc) =	sbr.rel @p0 .LBB2_46-.Ltmp31, $4  }
0x50b: {  	s3 =	spop (v2sf)  }
0x50c: {  	s8 =	smov.u32 @p2 s3;
	s3 =	smov.u32 @p2 s6  }
0x50d: {  	p2 =	sge.f32 s8, s3  }
0x50e: {  	s2 =	sadd.s32 $0x20, s2;
	p3 =	sge.s32 s13, s4;
	v7, v6, _ =	vpop (xrf1)  }
0x50f: {  	p0 =	por p3, p2  }
0x510: {  	s5 =	sadd.s32 $0x1, s13;
	p0 =	por !p1, !p0  }
0x511: {  	s6 =	sadd.s32 $0x1, s1;
	s7 =	smov.u32 s5;
	p0 =	por !p0, !p0  }
0x512: {  	s7 =	smov.u32 @p0 s6  }
0x513: {  	s7 =	sshll.u32 s7, $0x6  }
0x514: {  	s7 =	sshra.s32 s7, $0x2  }
0x515: {  	v8 =	vld [tilespmem:s7+$0x10000];
	_ =	sdelay $0x4  }
0x516: {  	(v2sf) =	vpush v8, $0x0;
	_ =	sdelay $0x6  }
0x517: {  	s7 =	smov.u32 s13  }
0x518: {  	s7 =	smov.u32 @p0 s1  }
0x519: {  	s7 =	sshll.u32 s7, $0x4  }
0x51a: {  	v53 =	vld [tilespmem:s7+$0x10000]  }
0x51b: {  	v9 =	vld [tilespmem:s7+$0x10880];
	_ =	sdelay $0x3  }
0x51c: {  	v8 =	vperm.xlane v53, v5;
	s7 =	spop (v2sf)  }
0x51d: {  	v10, v11, _ =	vpop (xrf1);
	v9 =	vperm.xlane v9, v5;
	s8 =	smov.u32 @p0 s7;
	s7 =	smov.u32 @p0 s3  }
0x51e: {  	s5 =	smov.u32 @p0 s13;
	vm0 =	vge.f32 v10, v8;
	p4 =	sge.f32 s8, s7  }
0x51f: {  	p5 =	sge.s32 s5, s4;
	s1 =	smov.u32 @p0 s6;
	v12 =	vsel vm0, v10, v8;
	v13 =	vsel vm0, v11, v9  }
0x520: {  	p6 =	slt.s32 s1, s0;
	v8 =	vsel vm0, v8, v10;
	v9 =	vsel vm0, v9, v11;
	(xrf1) =	vsort.dscd.msk.f32 $0xffff, v12, v13;
	p0 =	por p5, p4  }
0x521: {  	(xrf1) =	vsort.dscd.msk.f32 $0xffff, v8, v9;
	s3 =	sadd.s32 $0x1, s5;
	p0 =	por !p6, !p0  }
0x522: {  	s6 =	sadd.s32 $0x1, s1;
	s9 =	smov.u32 s3;
	p0 =	por !p0, !p0  }
0x523: {  	s9 =	smov.u32 @p0 s6  }
0x524: {  	s9 =	sshll.u32 s9, $0x6  }
0x525: {  	s9 =	sshra.s32 s9, $0x2  }
0x526: {  	v54 =	vld [tilespmem:s9+$0x10000];
	s9 =	smov.u32 s5  }
0x527: {  	s9 =	smov.u32 @p0 s1  }
0x528: {  	s9 =	sshll.u32 s9, $0x4  }
0x529: {  	v55 =	vld [tilespmem:s9+$0x10000]  }
0x52a: {  	v56 =	vld [tilespmem:s9+$0x10880];
	_ =	sdelay $0x1  }
0x52b: {  	(v2sf) =	vpush v54, $0x0;
	_ =	sdelay $0x1  }
0x52c: {  	v58, v57, _ =	vpop (xrf1);
	v9 =	vperm.xlane v55, v5  }
0x52d: {  	v12, v13, _ =	vpop (xrf1);
	v10 =	vperm.xlane v56, v5  }
0x52e: {  	vm14 =	vge.f32 v12, v9  }
0x52f: {  	v14 =	vsel vm14, v12, v9;
	v15 =	vsel vm14, v13, v10  }
0x530: {  	(xrf1) =	vsort.dscd.msk.f32 $0xffff, v14, v15;
	_ =	sdelay $0x7  }
0x531: {  	v10 =	vsel vm14, v10, v13;
	v9 =	vsel vm14, v9, v12  }
0x532: {  	(xrf1) =	vsort.dscd.msk.f32 $0xffff, v9, v10;
	s9 =	spop (v2sf)  }
0x533: {  	s8 =	smov.u32 @p0 s9;
	s9 =	smov.u32 @p0 s7  }
0x534: {  	[tilespmem:s12+$0x0] =	vst v7;
	s3 =	smov.u32 @p0 s5;
	p1 =	sge.f32 s8, s9  }
0x535: {  	[tilespmem:s16+$0x0] =	vst v6;
	s5 =	smov.u32 s3;
	s1 =	smov.u32 @p0 s6  }
0x536: {  	s18 =	sadd.s32 $0x20, s11;
	[tilespmem:s2+$0xFFFFFFF0] =	vst v58;
	p0 =	sge.s32 s3, s4;
	s5 =	smov.u32 @p1 s1  }
0x537: {  	[tilespmem:s18+$0xFFFFFFF0] =	vst v57;
	p1 =	slt.s32 s1, s0;
	s5 =	smov.u32 @p0 s1;
	v6, v7, _ =	vpop (xrf1)  }
0x538: {  	s3 =	smov.u32 @p1 s5;
	[tilespmem:s2+$0x0] =	vst v6  }
0x539: {  	s19 =	sshll.u32 s3, $0x4;
	[tilespmem:s18+$0x0] =	vst v7  }
0x53a: {  	v6 =	vld [tilespmem:s19+$0x10000]  }
0x53b: {  	v7 =	vld [tilespmem:s19+$0x10880];
	_ =	sdelay $0x3  }
0x53c: {  	v6 =	vperm.xlane v6, v5  }
0x53d: {  	v59, v9, _ =	vpop (xrf1);
	v7 =	vperm.xlane v7, v5  }
0x53e: {  	vm15 =	vge.f32 v59, v6  }
0x53f: {  	v60 =	vsel vm15, v6, v59;
	v61 =	vsel vm15, v7, v9  }
0x540: {  	(xrf1) =	vsort.dscd.msk.f32 $0xffff, v60, v61  }
0x541: {  	v6 =	vsel vm15, v59, v6;
	v7 =	vsel vm15, v9, v7  }
0x542: {  	(xrf1) =	vsort.dscd.msk.f32 $0xffff, v6, v7;
	_ =	sdelay $0xb  }
.Ltmp32:
0x543: {  	v6, v7, _ =	vpop (xrf1);
	(pc) =	sbr.rel .LBB2_48-.Ltmp32, $4  }
0x544: {  	[tilespmem:s31+$0x112F0] =	vst v6  }
0x545: {  	v62, v63, _ =	vpop (xrf1);
	[tilespmem:s31+$0x11B70] =	vst v7  }
0x546: {  	[tilespmem:s31+$0x112E0] =	vst v62  }
0x547: {  	[tilespmem:s31+$0x11B60] =	vst v63  }
.LBB2_49:
.Ltmp33:
0x548: {  	(pc) =	sbr.rel .LBB2_50-.Ltmp33, $3  }
0x549: {  	_ =	sdelay $0x1  }
0x54a: {  	_ =	strace $0x90000053  }
0x54b: {  	s0 =	simm.s32 $0x0;
	p1 =	por $0x1, $0x1;
	_ =	strace $0x80000054  }
.LBB2_59:
.Ltmp34:
0x54c: {  	(pc) =	sbr.rel @!p0 .LBB2_60-.Ltmp34, $2  }
0x54d: {  	_ =	sdelay $0x2  }
0x54e: {  	s0 =	simm.s32 $0x1;
	p1 =	por $0x0, $0x0  }
.LBB2_50:
0x54f: {  	s1 =	sshll.u32 s0, $0x6  }
0x550: {  	s21 =	sor.u32 $0x20, s1  }
0x551: {  	s3 =	sshll.u32 s21, $0x4  }
0x552: {  	v6 =	vld [tilespmem:s3+$0x11100];
	_ =	sdelay $0x4  }
0x553: {  	(v2sf) =	vpush v6, $0x0;
	_ =	sdelay $0xe  }
0x554: {  	s2 =	spop (v2sf)  }
0x555: {  	p2 =	sne.f32 s2, $-Inf  }
.Ltmp35:
0x556: {  	_ = 	snop;
	(pc) =	sbr.rel @p2 .LBB2_56-.Ltmp35, $2  }
0x557: {  	_ =	sdelay $0x2  }
0x558: {  	p0 =	por p1, p1  }
0x559: {  	s1 =	sshll.u32 s0, $0xC  }
0x55a: {  	s1 =	sshra.s32 s1, $0x2  }
0x55b: {  	s2 =	sadd.s32 $0x11120, s1  }
0x55c: {  	v6 =	vld [tilespmem:s2+$0x10];
	_ =	sdelay $0x1  }
0x55d: {  	v7 =	vld [tilespmem:s2+$0xFFFFFFF0]  }
0x55e: {  	v8 =	vld [tilespmem:s2+$0x0]  }
0x55f: {  	s3 =	sadd.s32 $0x10020, s1;
	v9 =	vld [tilespmem:s2+$0xFFFFFFE0];
	s6 =	sadd.s32 $0x40, s2  }
0x560: {  	s4 =	sadd.s32 $0x119A0, s1;
	v11 =	vld [tilespmem:s6+$0x10];
	[tilespmem:s3+$0x10] =	vst v6  }
0x561: {  	v6 =	vld [tilespmem:s4+$0x10]  }
0x562: {  	v12 =	vld [tilespmem:s6+$0xFFFFFFF0];
	[tilespmem:s3+$0xFFFFFFF0] =	vst v7  }
0x563: {  	v13 =	vld [tilespmem:s6+$0x0];
	[tilespmem:s3+$0x0] =	vst v8  }
0x564: {  	[tilespmem:s3+$0xFFFFFFE0] =	vst v9;
	s3 =	sadd.s32 $0x40, s3;
	v10 =	vld [tilespmem:s4+$0xFFFFFFF0]  }
0x565: {  	s2 =	sadd.s32 $0x108A0, s1;
	v7 =	vld [tilespmem:s6+$0xFFFFFFE0];
	[tilespmem:s3+$0x10] =	vst v11  }
0x566: {  	[tilespmem:s2+$0x10] =	vst v6;
	v6 =	vld [tilespmem:s4+$0xFFFFFFE0]  }
0x567: {  	v8 =	vld [tilespmem:s4+$0x0];
	[tilespmem:s3+$0xFFFFFFF0] =	vst v12;
	s4 =	sadd.s32 $0x40, s4  }
0x568: {  	[tilespmem:s3+$0x0] =	vst v13;
	v9 =	vld [tilespmem:s4+$0x10]  }
0x569: {  	s5 =	simm.s32 $0x4;
	s6 =	sadd.s32 $0x40, s6;
	[tilespmem:s2+$0xFFFFFFF0] =	vst v10;
	v10 =	vld [tilespmem:s4+$0xFFFFFFF0]  }
.LBB2_52:
0x56a: {  	v11 =	vld [tilespmem:s6+$0x10];
	s5 =	sadd.s32 $0x4, s5;
	[tilespmem:s3+$0xFFFFFFE0] =	vst v7  }
0x56b: {  	v12 =	vld [tilespmem:s6+$0xFFFFFFF0];
	p1 =	slt.u32 s5, $0x1C;
	[tilespmem:s2+$0xFFFFFFE0] =	vst v6  }
0x56c: {  	v13 =	vld [tilespmem:s6+$0x0];
	[tilespmem:s2+$0x0] =	vst v8;
	s2 =	sadd.s32 $0x40, s2  }
.Ltmp36:
0x56d: {  	v7 =	vld [tilespmem:s6+$0xFFFFFFE0];
	[tilespmem:s2+$0x10] =	vst v9;
	(pc) =	sbr.rel @p1 .LBB2_52-.Ltmp36, $4  }
0x56e: {  	s3 =	sadd.s32 $0x40, s3;
	v6 =	vld [tilespmem:s4+$0xFFFFFFE0];
	[tilespmem:s2+$0xFFFFFFF0] =	vst v10  }
0x56f: {  	[tilespmem:s3+$0x10] =	vst v11;
	v8 =	vld [tilespmem:s4+$0x0];
	s4 =	sadd.s32 $0x40, s4  }
0x570: {  	[tilespmem:s3+$0xFFFFFFF0] =	vst v12;
	v9 =	vld [tilespmem:s4+$0x10]  }
0x571: {  	s6 =	sadd.s32 $0x40, s6;
	v10 =	vld [tilespmem:s4+$0xFFFFFFF0];
	[tilespmem:s3+$0x0] =	vst v13  }
0x572: {  	[tilespmem:s3+$0xFFFFFFE0] =	vst v7  }
0x573: {  	v7 =	vld [tilespmem:s4+$0xFFFFFFE0]  }
0x574: {  	[tilespmem:s2+$0xFFFFFFE0] =	vst v6;
	v6 =	vld [tilespmem:s4+$0x0]  }
0x575: {  	s28 =	sadd.s32 $0x40, s2;
	[tilespmem:s2+$0x0] =	vst v8  }
0x576: {  	[tilespmem:s28+$0x10] =	vst v9  }
0x577: {  	[tilespmem:s28+$0xFFFFFFF0] =	vst v10  }
0x578: {  	s29 =	sshll.u32 s0, $0xA;
	[tilespmem:s28+$0xFFFFFFE0] =	vst v7  }
0x579: {  	s0 =	sor.u32 $0x210, s29;
	[tilespmem:s28+$0x0] =	vst v6  }
0x57a: {  	[tilespmem:s0+$0x10000] =	vst v4  }
0x57b: {  	s30 =	sor.u32 $0x220, s29;
	[tilespmem:s0+$0x10880] =	vst v1  }
0x57c: {  	[tilespmem:s30+$0x10000] =	vst v4  }
0x57d: {  	s31 =	sor.u32 $0x230, s29;
	[tilespmem:s30+$0x10880] =	vst v1  }
0x57e: {  	[tilespmem:s31+$0x10000] =	vst v4  }
0x57f: {  	s2 =	sadd.s32 $0x10A80, s1;
	s0 =	sadd.s32 $0x10200, s1;
	[tilespmem:s31+$0x10880] =	vst v1  }
0x580: {  	s3 =	sadd.s32 $0x40, s29;
	s4 =	sadd.s32 $0x40, s2;
	s1 =	simm.s32 $0x0;
	[tilespmem:s0+$0x0] =	vst v4  }
.LBB2_54:
0x581: {  	s5 =	sor.u32 $0x210, s3;
	s1 =	sadd.s32 $0x4, s1;
	[tilespmem:s2+$0x0] =	vst v1;
	s0 =	sadd.s32 $0x40, s0  }
0x582: {  	s2 =	smov.u32 s4;
	[tilespmem:s5+$0x10000] =	vst v4;
	p1 =	slt.u32 s1, $0x1C  }
0x583: {  	[tilespmem:s5+$0x10880] =	vst v1;
	s5 =	sor.u32 $0x220, s3  }
.Ltmp37:
0x584: {  	[tilespmem:s5+$0x10000] =	vst v4;
	(pc) =	sbr.rel @p1 .LBB2_54-.Ltmp37, $4  }
0x585: {  	[tilespmem:s5+$0x10880] =	vst v1;
	s5 =	sor.u32 $0x230, s3  }
0x586: {  	[tilespmem:s5+$0x10000] =	vst v4  }
0x587: {  	[tilespmem:s5+$0x10880] =	vst v1  }
0x588: {  	s4 =	sadd.s32 $0x40, s4;
	s3 =	sadd.s32 $0x40, s3;
	[tilespmem:s0+$0x0] =	vst v4  }
.Ltmp38:
0x589: {  	(pc) =	sbr.rel .LBB2_59-.Ltmp38, $2  }
0x58a: {  	_ =	sdelay $0x2  }
0x58b: {  	[tilespmem:s2+$0x0] =	vst v1  }
.LBB2_56:
0x58c: {  	s20 =	sshll.u32 s0, $0xA  }
0x58d: {  	v7 =	vld [tilespmem:s20+$0x11100];
	_ =	sdelay $0x4  }
0x58e: {  	(v2sf) =	vpush v7, $0x0;
	_ =	sdelay $0xe  }
0x58f: {  	s28 =	spop (v2sf)  }
0x590: {  	p1 =	sge.f32 s28, s2  }
0x591: {  	s0 =	simm.s32 $0x1  }
0x592: {  	s0 =	simm.s32 @!p1 $0x0  }
0x593: {  	s5 =	sor.u32 $0x21, s1;
	s0 =	sor.u32 s0, s1  }
0x594: {  	s5 =	smov.u32 @p1 s21;
	s29 =	sshll.u32 s0, $0x4  }
0x595: {  	s4 =	sshll.u32 s5, $0x4;
	s2 =	sand.u32 $0x3FFFFFF0, s29  }
0x596: {  	s30 =	sand.u32 $0x3FFFFFF0, s4;
	v8 =	vld [tilespmem:s2+$0x11100]  }
0x597: {  	v9 =	vld [tilespmem:s30+$0x11100];
	_ =	sdelay $0x3  }
0x598: {  	(v2sf) =	vpush v8, $0x0  }
0x599: {  	(v2sf) =	vpush v9, $0x0;
	_ =	sdelay $0xd  }
0x59a: {  	s4 =	spop (v2sf)  }
0x59b: {  	s6 =	spop (v2sf)  }
0x59c: {  	s1 =	sadd.s32 $0x40, s1;
	p2 =	sge.f32 s4, s6  }
0x59d: {  	p3 =	sge.s32 s5, s1  }
0x59e: {  	p6 =	slt.s32 s0, s21;
	p2 =	por p3, p2  }
0x59f: {  	s2 =	sadd.s32 $0x1, s5;
	p2 =	por !p6, !p2  }
0x5a0: {  	s7 =	sadd.s32 $0x1, s0;
	s8 =	smov.u32 s2;
	p2 =	por !p2, !p2  }
0x5a1: {  	s8 =	smov.u32 @p2 s7  }
0x5a2: {  	s8 =	sshll.u32 s8, $0x6  }
0x5a3: {  	s8 =	sshra.s32 s8, $0x2  }
0x5a4: {  	v8 =	vld [tilespmem:s8+$0x11100];
	_ =	sdelay $0x4  }
0x5a5: {  	(v2sf) =	vpush v8, $0x0;
	_ =	sdelay $0x3  }
0x5a6: {  	s8 =	smov.u32 s5  }
0x5a7: {  	s8 =	smov.u32 @p2 s0  }
0x5a8: {  	s8 =	sshll.u32 s8, $0x4  }
0x5a9: {  	v8 =	vld [tilespmem:s8+$0x11100]  }
0x5aa: {  	s3 =	sadd.s32 $0x11980, s3;
	s9 =	sadd.s32 $0x11980, s20;
	v60 =	vld [tilespmem:s8+$0x11980]  }
0x5ab: {  	s3 =	smov.u32 @p1 s9  }
0x5ac: {  	v10 =	vld [tilespmem:s3+$0x0];
	_ =	sdelay $0x1  }
0x5ad: {  	v8 =	vperm.xlane v8, v5  }
0x5ae: {  	v6 =	vpsel p1, v7, v6;
	v7 =	vperm.xlane v60, v5  }
0x5af: {  	vm0 =	vge.f32 v6, v8  }
0x5b0: {  	v61 =	vsel vm0, v6, v8;
	v11 =	vsel vm0, v10, v7;
	s9 =	spop (v2sf)  }
0x5b1: {  	v6 =	vsel vm0, v8, v6;
	v7 =	vsel vm0, v7, v10;
	(xrf1) =	vsort.dscd.msk.f32 $0xffff, v61, v11;
	s4 =	smov.u32 @p2 s9;
	s9 =	smov.u32 @p2 s6  }
0x5b2: {  	s2 =	smov.u32 @p2 s5;
	(xrf1) =	vsort.dscd.msk.f32 $0xffff, v6, v7;
	p4 =	sge.f32 s4, s9  }
0x5b3: {  	p5 =	sge.s32 s2, s1;
	s0 =	smov.u32 @p2 s7  }
0x5b4: {  	p6 =	slt.s32 s0, s21;
	p1 =	por p5, p4  }
0x5b5: {  	s12 =	sadd.s32 $0x1, s2;
	s3 =	smov.u32 s2;
	p1 =	por !p6, !p1  }
0x5b6: {  	s5 =	sadd.s32 $0x1, s0;
	s6 =	smov.u32 s12;
	p1 =	por !p1, !p1  }
0x5b7: {  	s3 =	smov.u32 @p1 s0;
	s6 =	smov.u32 @p1 s5  }
0x5b8: {  	s3 =	sshll.u32 s3, $0x4;
	s6 =	sshll.u32 s6, $0x6  }
0x5b9: {  	v6 =	vld [tilespmem:s3+$0x11100];
	s6 =	sshra.s32 s6, $0x2  }
0x5ba: {  	v7 =	vld [tilespmem:s6+$0x11100]  }
0x5bb: {  	v8 =	vld [tilespmem:s3+$0x11980];
	_ =	sdelay $0x3  }
0x5bc: {  	v9, v62, _ =	vpop (xrf1);
	v6 =	vperm.xlane v6, v5;
	(v2sf) =	vpush v7, $0x0  }
0x5bd: {  	v7 =	vperm.xlane v8, v5;
	v8, v63, _ =	vpop (xrf1)  }
0x5be: {  	vm15 =	vge.f32 v8, v6  }
0x5bf: {  	v12 =	vsel vm15, v8, v6;
	v13 =	vsel vm15, v63, v7  }
0x5c0: {  	(xrf1) =	vsort.dscd.msk.f32 $0xffff, v12, v13  }
0x5c1: {  	v7 =	vsel vm15, v7, v63;
	v6 =	vsel vm15, v6, v8  }
0x5c2: {  	(xrf1) =	vsort.dscd.msk.f32 $0xffff, v6, v7;
	_ =	sdelay $0x7  }
0x5c3: {  	s13 =	simm.s32 $0x2;
	s31 =	sand.u32 $0x3FFFFC00, s20  }
0x5c4: {  	s16 =	sadd.s32 $0x10010, s31;
	s8 =	sadd.s32 $0x10890, s31;
	s3 =	spop (v2sf)  }
0x5c5: {  	s11 =	smov.u32 s8;
	s4 =	smov.u32 @p1 s3;
	s3 =	smov.u32 @p1 s9  }
0x5c6: {  	s0 =	smov.u32 @p1 s5;
	s12 =	smov.u32 @p1 s2;
	[tilespmem:s16+$0xFFFFFFF0] =	vst v9;
	p3 =	sge.f32 s4, s3  }
0x5c7: {  	s2 =	sadd.s32 $0x20, s16;
	p2 =	slt.s32 s0, s21;
	p4 =	sge.s32 s12, s1;
	[tilespmem:s8+$0xFFFFFFF0] =	vst v62;
	v7, v6, _ =	vpop (xrf1)  }
.LBB2_57:
0x5c8: {  	s13 =	sadd.s32 $0x2, s13;
	p3 =	por p4, p3  }
0x5c9: {  	[tilespmem:s16+$0x0] =	vst v7;
	s8 =	sadd.s32 $0x20, s8;
	v7, v8, _ =	vpop (xrf1);
	s7 =	sadd.s32 $0x1, s0;
	s5 =	sadd.s32 $0x1, s12  }
0x5ca: {  	p1 =	slt.u32 s13, $0x3C;
	p2 =	por !p2, !p3;
	[tilespmem:s11+$0x0] =	vst v6;
	s11 =	smov.u32 s8  }
0x5cb: {  	s6 =	smov.u32 s12;
	s9 =	smov.u32 s5;
	p2 =	por !p2, !p2  }
0x5cc: {  	s16 =	smov.u32 s2;
	s6 =	smov.u32 @p2 s0;
	s9 =	smov.u32 @p2 s7  }
0x5cd: {  	s6 =	sshll.u32 s6, $0x4;
	s9 =	sshll.u32 s9, $0x6  }
0x5ce: {  	v6 =	vld [tilespmem:s6+$0x11100];
	s9 =	sshra.s32 s9, $0x2  }
0x5cf: {  	v9 =	vld [tilespmem:s9+$0x11100]  }
0x5d0: {  	v10 =	vld [tilespmem:s6+$0x11980];
	_ =	sdelay $0x2  }
0x5d1: {  	v6 =	vperm.xlane v6, v5  }
0x5d2: {  	(v2sf) =	vpush v9, $0x0  }
0x5d3: {  	v9 =	vperm.xlane v10, v5;
	vm0 =	vge.f32 v7, v6  }
0x5d4: {  	v10 =	vsel vm0, v7, v6;
	v6 =	vsel vm0, v6, v7  }
0x5d5: {  	v7 =	vsel vm0, v8, v9;
	v8 =	vsel vm0, v9, v8  }
0x5d6: {  	(xrf1) =	vsort.dscd.msk.f32 $0xffff, v10, v7;
	_ =	sdelay $0xa  }
0x5d7: {  	s6 =	spop (v2sf)  }
0x5d8: {  	s4 =	smov.u32 @p2 s6;
	s6 =	smov.u32 @p2 s3  }
0x5d9: {  	s5 =	smov.u32 @p2 s12;
	p3 =	sge.f32 s4, s6;
	(xrf1) =	vsort.dscd.msk.f32 $0xffff, v6, v8  }
0x5da: {  	s0 =	smov.u32 @p2 s7;
	p2 =	sge.s32 s5, s1;
	v6, v7, _ =	vpop (xrf1)  }
0x5db: {  	p4 =	slt.s32 s0, s21;
	[tilespmem:s2+$0xFFFFFFF0] =	vst v6;
	p2 =	por p2, p3  }
0x5dc: {  	s12 =	sadd.s32 $0x1, s5;
	s7 =	smov.u32 s5;
	[tilespmem:s8+$0xFFFFFFF0] =	vst v7;
	p2 =	por !p4, !p2  }
0x5dd: {  	s9 =	smov.u32 s12;
	s3 =	sadd.s32 $0x1, s0;
	p3 =	por !p2, !p2  }
0x5de: {  	s7 =	smov.u32 @p3 s0;
	s9 =	smov.u32 @p3 s3  }
0x5df: {  	s0 =	smov.u32 @p3 s3;
	s7 =	sshll.u32 s7, $0x4;
	s3 =	sshll.u32 s9, $0x6  }
0x5e0: {  	s12 =	smov.u32 @p3 s5;
	p2 =	slt.s32 s0, s21;
	v6 =	vld [tilespmem:s7+$0x11100];
	s3 =	sshra.s32 s3, $0x2  }
0x5e1: {  	v7 =	vld [tilespmem:s3+$0x11100]  }
0x5e2: {  	v8 =	vld [tilespmem:s7+$0x11980];
	_ =	sdelay $0x2  }
0x5e3: {  	v6 =	vperm.xlane v6, v5  }
0x5e4: {  	(v2sf) =	vpush v7, $0x0  }
0x5e5: {  	v7 =	vperm.xlane v8, v5;
	v8, v9, _ =	vpop (xrf1)  }
0x5e6: {  	vm0 =	vge.f32 v8, v6  }
0x5e7: {  	v10 =	vsel vm0, v8, v6;
	v11 =	vsel vm0, v9, v7;
	v7 =	vsel vm0, v7, v9  }
0x5e8: {  	v6 =	vsel vm0, v6, v8;
	(xrf1) =	vsort.dscd.msk.f32 $0xffff, v10, v11  }
0x5e9: {  	(xrf1) =	vsort.dscd.msk.f32 $0xffff, v6, v7;
	_ =	sdelay $0x8  }
.Ltmp39:
0x5ea: {  	(pc) =	sbr.rel @p1 .LBB2_57-.Ltmp39, $4  }
0x5eb: {  	s3 =	spop (v2sf)  }
0x5ec: {  	s4 =	smov.u32 @p3 s3;
	s3 =	smov.u32 @p3 s6  }
0x5ed: {  	p3 =	sge.f32 s4, s3  }
0x5ee: {  	s2 =	sadd.s32 $0x20, s2;
	p4 =	sge.s32 s12, s1;
	v7, v6, _ =	vpop (xrf1)  }
0x5ef: {  	p1 =	por p4, p3  }
0x5f0: {  	s5 =	sadd.s32 $0x1, s12;
	p1 =	por !p2, !p1  }
0x5f1: {  	s6 =	sadd.s32 $0x1, s0;
	s7 =	smov.u32 s5;
	p1 =	por !p1, !p1  }
0x5f2: {  	s7 =	smov.u32 @p1 s6  }
0x5f3: {  	s7 =	sshll.u32 s7, $0x6  }
0x5f4: {  	s7 =	sshra.s32 s7, $0x2  }
0x5f5: {  	v8 =	vld [tilespmem:s7+$0x11100];
	_ =	sdelay $0x4  }
0x5f6: {  	(v2sf) =	vpush v8, $0x0;
	_ =	sdelay $0x6  }
0x5f7: {  	s7 =	smov.u32 s12  }
0x5f8: {  	s7 =	smov.u32 @p1 s0  }
0x5f9: {  	s7 =	sshll.u32 s7, $0x4  }
0x5fa: {  	v53 =	vld [tilespmem:s7+$0x11100]  }
0x5fb: {  	v9 =	vld [tilespmem:s7+$0x11980];
	_ =	sdelay $0x3  }
0x5fc: {  	v8 =	vperm.xlane v53, v5;
	s7 =	spop (v2sf)  }
0x5fd: {  	v10, v11, _ =	vpop (xrf1);
	v9 =	vperm.xlane v9, v5;
	s4 =	smov.u32 @p1 s7;
	s7 =	smov.u32 @p1 s3  }
0x5fe: {  	s5 =	smov.u32 @p1 s12;
	vm0 =	vge.f32 v10, v8;
	p4 =	sge.f32 s4, s7  }
0x5ff: {  	p5 =	sge.s32 s5, s1;
	s0 =	smov.u32 @p1 s6;
	v12 =	vsel vm0, v10, v8;
	v13 =	vsel vm0, v11, v9  }
0x600: {  	p6 =	slt.s32 s0, s21;
	v8 =	vsel vm0, v8, v10;
	v9 =	vsel vm0, v9, v11;
	(xrf1) =	vsort.dscd.msk.f32 $0xffff, v12, v13;
	p1 =	por p5, p4  }
0x601: {  	(xrf1) =	vsort.dscd.msk.f32 $0xffff, v8, v9;
	s3 =	sadd.s32 $0x1, s5;
	p1 =	por !p6, !p1  }
0x602: {  	s6 =	sadd.s32 $0x1, s0;
	s9 =	smov.u32 s3;
	p1 =	por !p1, !p1  }
0x603: {  	s9 =	smov.u32 @p1 s6  }
0x604: {  	s9 =	sshll.u32 s9, $0x6  }
0x605: {  	s9 =	sshra.s32 s9, $0x2  }
0x606: {  	v54 =	vld [tilespmem:s9+$0x11100];
	s9 =	smov.u32 s5  }
0x607: {  	s9 =	smov.u32 @p1 s0  }
0x608: {  	s9 =	sshll.u32 s9, $0x4  }
0x609: {  	v55 =	vld [tilespmem:s9+$0x11100]  }
0x60a: {  	v56 =	vld [tilespmem:s9+$0x11980];
	_ =	sdelay $0x1  }
0x60b: {  	(v2sf) =	vpush v54, $0x0;
	_ =	sdelay $0x1  }
0x60c: {  	v58, v57, _ =	vpop (xrf1);
	v9 =	vperm.xlane v55, v5  }
0x60d: {  	v12, v13, _ =	vpop (xrf1);
	v10 =	vperm.xlane v56, v5  }
0x60e: {  	vm14 =	vge.f32 v12, v9  }
0x60f: {  	v14 =	vsel vm14, v12, v9;
	v15 =	vsel vm14, v13, v10  }
0x610: {  	(xrf1) =	vsort.dscd.msk.f32 $0xffff, v14, v15;
	_ =	sdelay $0x7  }
0x611: {  	v10 =	vsel vm14, v10, v13;
	v9 =	vsel vm14, v9, v12  }
0x612: {  	(xrf1) =	vsort.dscd.msk.f32 $0xffff, v9, v10;
	s9 =	spop (v2sf)  }
0x613: {  	s4 =	smov.u32 @p1 s9;
	s9 =	smov.u32 @p1 s7  }
0x614: {  	[tilespmem:s16+$0x0] =	vst v7;
	s3 =	smov.u32 @p1 s5;
	p2 =	sge.f32 s4, s9  }
0x615: {  	[tilespmem:s11+$0x0] =	vst v6;
	s0 =	smov.u32 @p1 s6;
	s4 =	smov.u32 s3  }
0x616: {  	s30 =	sadd.s32 $0x20, s8;
	[tilespmem:s2+$0xFFFFFFF0] =	vst v58;
	p1 =	sge.s32 s3, s1;
	s4 =	smov.u32 @p2 s0  }
0x617: {  	[tilespmem:s30+$0xFFFFFFF0] =	vst v57;
	p2 =	slt.s32 s0, s21;
	s4 =	smov.u32 @p1 s0;
	v6, v7, _ =	vpop (xrf1)  }
0x618: {  	s3 =	smov.u32 @p2 s4;
	[tilespmem:s2+$0x0] =	vst v6  }
0x619: {  	s31 =	sshll.u32 s3, $0x4;
	[tilespmem:s30+$0x0] =	vst v7  }
0x61a: {  	v6 =	vld [tilespmem:s31+$0x11100]  }
0x61b: {  	v7 =	vld [tilespmem:s31+$0x11980];
	_ =	sdelay $0x3  }
0x61c: {  	v6 =	vperm.xlane v6, v5  }
0x61d: {  	v59, v9, _ =	vpop (xrf1);
	v7 =	vperm.xlane v7, v5  }
0x61e: {  	vm15 =	vge.f32 v59, v6  }
0x61f: {  	v60 =	vsel vm15, v6, v59;
	v61 =	vsel vm15, v7, v9  }
0x620: {  	(xrf1) =	vsort.dscd.msk.f32 $0xffff, v60, v61  }
0x621: {  	v6 =	vsel vm15, v59, v6;
	v7 =	vsel vm15, v9, v7  }
0x622: {  	(xrf1) =	vsort.dscd.msk.f32 $0xffff, v6, v7;
	_ =	sdelay $0xb  }
.Ltmp40:
0x623: {  	v6, v7, _ =	vpop (xrf1);
	(pc) =	sbr.rel .LBB2_59-.Ltmp40, $4  }
0x624: {  	[tilespmem:s20+$0x103F0] =	vst v6  }
0x625: {  	v62, v63, _ =	vpop (xrf1);
	[tilespmem:s20+$0x10C70] =	vst v7  }
0x626: {  	[tilespmem:s20+$0x103E0] =	vst v62  }
0x627: {  	[tilespmem:s20+$0x10C60] =	vst v63  }
.LBB2_60:
0x628: {  	_ =	strace $0x90000054  }
0x629: {  	_ =	strace $0x80000055  }
0x62a: {  	v6 =	vld [tilespmem:$0x10400];
	_ =	sdelay $0x4  }
0x62b: {  	(v2sf) =	vpush v6, $0x0;
	_ =	sdelay $0xe  }
0x62c: {  	s0 =	spop (v2sf)  }
0x62d: {  	p0 =	sne.f32 s0, $-Inf  }
.Ltmp41:
0x62e: {  	_ = 	snop;
	(pc) =	sbr.rel @p0 .LBB2_64-.Ltmp41, $1  }
0x62f: {  	_ =	sdelay $0x3  }
0x630: {  	s0 =	simm.s32 $0x10020  }
0x631: {  	v6 =	vld [tilespmem:s0+$0x10];
	_ =	sdelay $0x1  }
0x632: {  	v7 =	vld [tilespmem:s0+$0xFFFFFFF0]  }
0x633: {  	v8 =	vld [tilespmem:s0+$0x0]  }
0x634: {  	s1 =	simm.s32 $0x11120;
	s3 =	simm.s32 $0x10060;
	v9 =	vld [tilespmem:s0+$0xFFFFFFE0]  }
0x635: {  	s2 =	simm.s32 $0x108A0;
	v11 =	vld [tilespmem:s3+$0x10];
	[tilespmem:s1+$0x10] =	vst v6  }
0x636: {  	v6 =	vld [tilespmem:s2+$0x10]  }
0x637: {  	v12 =	vld [tilespmem:s3+$0xFFFFFFF0];
	[tilespmem:s1+$0xFFFFFFF0] =	vst v7  }
0x638: {  	v13 =	vld [tilespmem:s3+$0x0];
	[tilespmem:s1+$0x0] =	vst v8  }
0x639: {  	[tilespmem:s1+$0xFFFFFFE0] =	vst v9;
	s1 =	simm.s32 $0x11160;
	v10 =	vld [tilespmem:s2+$0xFFFFFFF0]  }
0x63a: {  	s0 =	simm.s32 $0x119A0;
	v7 =	vld [tilespmem:s3+$0xFFFFFFE0];
	[tilespmem:s1+$0x10] =	vst v11  }
0x63b: {  	[tilespmem:s0+$0x10] =	vst v6;
	v6 =	vld [tilespmem:s2+$0xFFFFFFE0]  }
0x63c: {  	v8 =	vld [tilespmem:s2+$0x0];
	[tilespmem:s1+$0xFFFFFFF0] =	vst v12;
	s2 =	simm.s32 $0x108E0  }
0x63d: {  	[tilespmem:s1+$0x0] =	vst v13;
	v9 =	vld [tilespmem:s2+$0x10]  }
0x63e: {  	s4 =	simm.s32 $0x100A0;
	s3 =	simm.s32 $0x4;
	[tilespmem:s0+$0xFFFFFFF0] =	vst v10;
	v10 =	vld [tilespmem:s2+$0xFFFFFFF0]  }
.LBB2_62:
0x63f: {  	v11 =	vld [tilespmem:s4+$0x10];
	s3 =	sadd.s32 $0x4, s3;
	[tilespmem:s1+$0xFFFFFFE0] =	vst v7  }
0x640: {  	v12 =	vld [tilespmem:s4+$0xFFFFFFF0];
	p0 =	slt.u32 s3, $0x3C;
	[tilespmem:s0+$0xFFFFFFE0] =	vst v6  }
0x641: {  	v13 =	vld [tilespmem:s4+$0x0];
	[tilespmem:s0+$0x0] =	vst v8;
	s0 =	sadd.s32 $0x40, s0  }
.Ltmp42:
0x642: {  	v7 =	vld [tilespmem:s4+$0xFFFFFFE0];
	[tilespmem:s0+$0x10] =	vst v9;
	(pc) =	sbr.rel @p0 .LBB2_62-.Ltmp42, $4  }
0x643: {  	s1 =	sadd.s32 $0x40, s1;
	v6 =	vld [tilespmem:s2+$0xFFFFFFE0];
	[tilespmem:s0+$0xFFFFFFF0] =	vst v10  }
0x644: {  	[tilespmem:s1+$0x10] =	vst v11;
	v8 =	vld [tilespmem:s2+$0x0];
	s2 =	sadd.s32 $0x40, s2  }
0x645: {  	[tilespmem:s1+$0xFFFFFFF0] =	vst v12;
	v9 =	vld [tilespmem:s2+$0x10]  }
0x646: {  	s4 =	sadd.s32 $0x40, s4;
	v10 =	vld [tilespmem:s2+$0xFFFFFFF0];
	[tilespmem:s1+$0x0] =	vst v13  }
0x647: {  	[tilespmem:s1+$0xFFFFFFE0] =	vst v7  }
0x648: {  	v7 =	vld [tilespmem:s2+$0xFFFFFFE0]  }
0x649: {  	[tilespmem:s0+$0xFFFFFFE0] =	vst v6;
	v6 =	vld [tilespmem:s2+$0x0]  }
.Ltmp43:
0x64a: {  	s31 =	sadd.s32 $0x40, s0;
	[tilespmem:s0+$0x0] =	vst v8;
	(pc) =	sbr.rel .LBB2_67-.Ltmp43, $4  }
0x64b: {  	[tilespmem:s31+$0x10] =	vst v9  }
0x64c: {  	[tilespmem:s31+$0xFFFFFFF0] =	vst v10  }
0x64d: {  	[tilespmem:s31+$0xFFFFFFE0] =	vst v7  }
0x64e: {  	[tilespmem:s31+$0x0] =	vst v6  }
.LBB2_64:
0x64f: {  	v7 =	vld [tilespmem:$0x10000];
	_ =	sdelay $0x4  }
0x650: {  	(v2sf) =	vpush v7, $0x0;
	_ =	sdelay $0xe  }
0x651: {  	s1 =	spop (v2sf)  }
0x652: {  	p0 =	sge.f32 s1, s0  }
0x653: {  	s2 =	simm.s32 $0x40;
	s0 =	simm.s32 $0x10010  }
0x654: {  	s2 =	simm.s32 @!p0 $0x41;
	s0 =	simm.s32 @!p0 $0x10000  }
0x655: {  	v8 =	vld [tilespmem:s0+$0x0];
	s31 =	sshll.u32 s2, $0x4  }
0x656: {  	v9 =	vld [tilespmem:s31+$0x10000];
	_ =	sdelay $0x3  }
0x657: {  	(v2sf) =	vpush v8, $0x0  }
0x658: {  	(v2sf) =	vpush v9, $0x0;
	_ =	sdelay $0xd  }
0x659: {  	s1 =	spop (v2sf)  }
0x65a: {  	s3 =	spop (v2sf)  }
0x65b: {  	s0 =	simm.s32 $0x1;
	p1 =	sge.f32 s1, s3  }
0x65c: {  	p2 =	sgt.s32 s2, $0x7F;
	s0 =	simm.s32 @!p0 $0x0  }
0x65d: {  	p3 =	slt.s32 s0, $0x40;
	p1 =	por p2, p1  }
0x65e: {  	s4 =	sadd.s32 $0x1, s2;
	p1 =	por !p3, !p1  }
0x65f: {  	s6 =	smov.u32 s4;
	s5 =	sadd.s32 $0x1, s0;
	p1 =	por !p1, !p1  }
0x660: {  	s6 =	smov.u32 @p1 s5  }
0x661: {  	s6 =	sshll.u32 s6, $0x6  }
0x662: {  	s6 =	sshra.s32 s6, $0x2  }
0x663: {  	v8 =	vld [tilespmem:s6+$0x10000];
	_ =	sdelay $0x4  }
0x664: {  	(v2sf) =	vpush v8, $0x0;
	_ =	sdelay $0x3  }
0x665: {  	s6 =	smov.u32 s2  }
0x666: {  	s6 =	smov.u32 @p1 s0  }
0x667: {  	s6 =	sshll.u32 s6, $0x4  }
0x668: {  	v8 =	vld [tilespmem:s6+$0x10000]  }
0x669: {  	s7 =	simm.s32 $0x10880;
	v60 =	vld [tilespmem:s6+$0x10880]  }
0x66a: {  	s7 =	simm.s32 @!p0 $0x10C80  }
0x66b: {  	v10 =	vld [tilespmem:s7+$0x0];
	_ =	sdelay $0x1  }
0x66c: {  	v8 =	vperm.xlane v8, v5  }
0x66d: {  	v6 =	vpsel p0, v7, v6;
	v7 =	vperm.xlane v60, v5  }
0x66e: {  	vm0 =	vge.f32 v6, v8  }
0x66f: {  	v61 =	vsel vm0, v6, v8;
	v11 =	vsel vm0, v10, v7;
	s6 =	spop (v2sf)  }
0x670: {  	v6 =	vsel vm0, v8, v6;
	v7 =	vsel vm0, v7, v10;
	(xrf1) =	vsort.dscd.msk.f32 $0xffff, v61, v11;
	s1 =	smov.u32 @p1 s6;
	s6 =	smov.u32 @p1 s3  }
0x671: {  	s4 =	smov.u32 @p1 s2;
	(xrf1) =	vsort.dscd.msk.f32 $0xffff, v6, v7;
	p4 =	sge.f32 s1, s6  }
0x672: {  	p5 =	sgt.s32 s4, $0x7F;
	s0 =	smov.u32 @p1 s5  }
0x673: {  	s12 =	sadd.s32 $0x1, s4;
	p6 =	slt.s32 s0, $0x40;
	p0 =	por p5, p4  }
0x674: {  	s2 =	smov.u32 s12;
	p0 =	por !p6, !p0  }
0x675: {  	s5 =	sadd.s32 $0x1, s0;
	s3 =	smov.u32 s4;
	p0 =	por !p0, !p0  }
0x676: {  	s2 =	smov.u32 @p0 s5;
	s3 =	smov.u32 @p0 s0  }
0x677: {  	s2 =	sshll.u32 s2, $0x6;
	s3 =	sshll.u32 s3, $0x4  }
0x678: {  	s2 =	sshra.s32 s2, $0x2;
	v7 =	vld [tilespmem:s3+$0x10000]  }
0x679: {  	v6 =	vld [tilespmem:s2+$0x10000]  }
0x67a: {  	v8 =	vld [tilespmem:s3+$0x10880];
	_ =	sdelay $0x3  }
0x67b: {  	v7 =	vperm.xlane v7, v5;
	(v2sf) =	vpush v6, $0x0;
	v6, v9, _ =	vpop (xrf1)  }
0x67c: {  	v8 =	vperm.xlane v8, v5;
	v62, v63, _ =	vpop (xrf1)  }
0x67d: {  	vm15 =	vge.f32 v62, v7  }
0x67e: {  	v12 =	vsel vm15, v62, v7;
	v13 =	vsel vm15, v63, v8  }
0x67f: {  	s11 =	simm.s32 $0x11110;
	(xrf1) =	vsort.dscd.msk.f32 $0xffff, v12, v13  }
0x680: {  	[tilespmem:s11+$0xFFFFFFF0] =	vst v6;
	v6 =	vsel vm15, v8, v63;
	v7 =	vsel vm15, v7, v62  }
0x681: {  	(xrf1) =	vsort.dscd.msk.f32 $0xffff, v7, v6;
	_ =	sdelay $0x8  }
0x682: {  	s13 =	simm.s32 $0x2;
	s8 =	simm.s32 $0x11990;
	s3 =	spop (v2sf)  }
0x683: {  	s0 =	smov.u32 @p0 s5;
	s1 =	smov.u32 @p0 s3;
	s3 =	smov.u32 @p0 s6  }
0x684: {  	s12 =	smov.u32 @p0 s4;
	s2 =	simm.s32 $0x11990;
	p2 =	sge.f32 s1, s3  }
0x685: {  	s4 =	simm.s32 $0x11130;
	p1 =	slt.s32 s0, $0x40;
	p3 =	sgt.s32 s12, $0x7F;
	[tilespmem:s2+$0xFFFFFFF0] =	vst v9;
	v7, v6, _ =	vpop (xrf1)  }
.LBB2_65:
0x686: {  	s13 =	sadd.s32 $0x2, s13;
	p2 =	por p3, p2  }
0x687: {  	[tilespmem:s11+$0x0] =	vst v7;
	s2 =	sadd.s32 $0x20, s2;
	v7, v8, _ =	vpop (xrf1);
	s7 =	sadd.s32 $0x1, s0;
	s5 =	sadd.s32 $0x1, s12  }
0x688: {  	p0 =	slt.u32 s13, $0x3E;
	p1 =	por !p1, !p2;
	[tilespmem:s8+$0x0] =	vst v6;
	s8 =	smov.u32 s2  }
0x689: {  	s6 =	smov.u32 s12;
	s9 =	smov.u32 s5;
	p1 =	por !p1, !p1  }
0x68a: {  	s11 =	smov.u32 s4;
	s6 =	smov.u32 @p1 s0;
	s9 =	smov.u32 @p1 s7  }
0x68b: {  	s6 =	sshll.u32 s6, $0x4;
	s9 =	sshll.u32 s9, $0x6  }
0x68c: {  	v6 =	vld [tilespmem:s6+$0x10000];
	s9 =	sshra.s32 s9, $0x2  }
0x68d: {  	v9 =	vld [tilespmem:s9+$0x10000]  }
0x68e: {  	v10 =	vld [tilespmem:s6+$0x10880];
	_ =	sdelay $0x2  }
0x68f: {  	v6 =	vperm.xlane v6, v5  }
0x690: {  	(v2sf) =	vpush v9, $0x0  }
0x691: {  	v9 =	vperm.xlane v10, v5;
	vm0 =	vge.f32 v7, v6  }
0x692: {  	v10 =	vsel vm0, v7, v6;
	v6 =	vsel vm0, v6, v7  }
0x693: {  	v7 =	vsel vm0, v8, v9;
	v8 =	vsel vm0, v9, v8  }
0x694: {  	(xrf1) =	vsort.dscd.msk.f32 $0xffff, v10, v7;
	_ =	sdelay $0xa  }
0x695: {  	s6 =	spop (v2sf)  }
0x696: {  	s1 =	smov.u32 @p1 s6;
	s6 =	smov.u32 @p1 s3  }
0x697: {  	s5 =	smov.u32 @p1 s12;
	p2 =	sge.f32 s1, s6;
	(xrf1) =	vsort.dscd.msk.f32 $0xffff, v6, v8  }
0x698: {  	s0 =	smov.u32 @p1 s7;
	p1 =	sgt.s32 s5, $0x7F;
	v6, v7, _ =	vpop (xrf1)  }
0x699: {  	p3 =	slt.s32 s0, $0x40;
	[tilespmem:s4+$0xFFFFFFF0] =	vst v6;
	p1 =	por p1, p2  }
0x69a: {  	s12 =	sadd.s32 $0x1, s5;
	s7 =	smov.u32 s5;
	[tilespmem:s2+$0xFFFFFFF0] =	vst v7;
	p1 =	por !p3, !p1  }
0x69b: {  	s9 =	smov.u32 s12;
	s3 =	sadd.s32 $0x1, s0;
	p2 =	por !p1, !p1  }
0x69c: {  	s7 =	smov.u32 @p2 s0;
	s9 =	smov.u32 @p2 s3  }
0x69d: {  	s0 =	smov.u32 @p2 s3;
	s7 =	sshll.u32 s7, $0x4;
	s3 =	sshll.u32 s9, $0x6  }
0x69e: {  	s12 =	smov.u32 @p2 s5;
	p1 =	slt.s32 s0, $0x40;
	v6 =	vld [tilespmem:s7+$0x10000];
	s3 =	sshra.s32 s3, $0x2  }
0x69f: {  	v7 =	vld [tilespmem:s3+$0x10000]  }
0x6a0: {  	v8 =	vld [tilespmem:s7+$0x10880];
	_ =	sdelay $0x2  }
0x6a1: {  	v6 =	vperm.xlane v6, v5  }
0x6a2: {  	(v2sf) =	vpush v7, $0x0  }
0x6a3: {  	v7 =	vperm.xlane v8, v5;
	v8, v9, _ =	vpop (xrf1)  }
0x6a4: {  	vm0 =	vge.f32 v8, v6  }
0x6a5: {  	v10 =	vsel vm0, v8, v6;
	v11 =	vsel vm0, v9, v7;
	v7 =	vsel vm0, v7, v9  }
0x6a6: {  	v6 =	vsel vm0, v6, v8;
	(xrf1) =	vsort.dscd.msk.f32 $0xffff, v10, v11  }
0x6a7: {  	(xrf1) =	vsort.dscd.msk.f32 $0xffff, v6, v7;
	_ =	sdelay $0x8  }
.Ltmp44:
0x6a8: {  	(pc) =	sbr.rel @p0 .LBB2_65-.Ltmp44, $4  }
0x6a9: {  	s3 =	spop (v2sf)  }
0x6aa: {  	s1 =	smov.u32 @p2 s3;
	s3 =	smov.u32 @p2 s6  }
0x6ab: {  	p2 =	sge.f32 s1, s3  }
0x6ac: {  	s4 =	sadd.s32 $0x20, s4;
	p3 =	sgt.s32 s12, $0x7F;
	v7, v6, _ =	vpop (xrf1)  }
0x6ad: {  	p0 =	por p3, p2  }
0x6ae: {  	s5 =	sadd.s32 $0x1, s12;
	p0 =	por !p1, !p0  }
0x6af: {  	s6 =	sadd.s32 $0x1, s0;
	s7 =	smov.u32 s5;
	p0 =	por !p0, !p0  }
0x6b0: {  	s7 =	smov.u32 @p0 s6  }
0x6b1: {  	s7 =	sshll.u32 s7, $0x6  }
0x6b2: {  	s7 =	sshra.s32 s7, $0x2  }
0x6b3: {  	v8 =	vld [tilespmem:s7+$0x10000];
	_ =	sdelay $0x4  }
0x6b4: {  	(v2sf) =	vpush v8, $0x0;
	_ =	sdelay $0x2  }
0x6b5: {  	s7 =	smov.u32 s12  }
0x6b6: {  	s7 =	smov.u32 @p0 s0  }
0x6b7: {  	s7 =	sshll.u32 s7, $0x4  }
0x6b8: {  	v57 =	vld [tilespmem:s7+$0x10000]  }
0x6b9: {  	v9 =	vld [tilespmem:s7+$0x10880];
	_ =	sdelay $0x3  }
0x6ba: {  	v8 =	vperm.xlane v57, v5  }
0x6bb: {  	v10, v11, _ =	vpop (xrf1);
	v9 =	vperm.xlane v9, v5  }
0x6bc: {  	vm0 =	vge.f32 v10, v8  }
0x6bd: {  	v12 =	vsel vm0, v10, v8;
	v13 =	vsel vm0, v11, v9  }
0x6be: {  	v8 =	vsel vm0, v8, v10;
	v9 =	vsel vm0, v9, v11;
	(xrf1) =	vsort.dscd.msk.f32 $0xffff, v12, v13;
	s7 =	spop (v2sf)  }
0x6bf: {  	(xrf1) =	vsort.dscd.msk.f32 $0xffff, v8, v9;
	s1 =	smov.u32 @p0 s7;
	s7 =	smov.u32 @p0 s3  }
0x6c0: {  	s5 =	smov.u32 @p0 s12;
	p4 =	sge.f32 s1, s7  }
0x6c1: {  	p5 =	sgt.s32 s5, $0x7F;
	s0 =	smov.u32 @p0 s6  }
0x6c2: {  	p6 =	slt.s32 s0, $0x40;
	p0 =	por p5, p4  }
0x6c3: {  	p0 =	por !p6, !p0  }
0x6c4: {  	p0 =	por !p0, !p0  }
0x6c5: {  	s1 =	sadd.s32 $0x1, s5;
	s5 =	smov.u32 @p0 s0  }
0x6c6: {  	s29 =	sshll.u32 s5, $0x4  }
0x6c7: {  	v58 =	vld [tilespmem:s29+$0x10000]  }
0x6c8: {  	s0 =	sadd.s32 $0x1, s0;
	v59 =	vld [tilespmem:s29+$0x10880]  }
0x6c9: {  	s1 =	smov.u32 @p0 s0  }
0x6ca: {  	s0 =	sshll.u32 s1, $0x6  }
0x6cb: {  	s0 =	sshra.s32 s0, $0x2  }
0x6cc: {  	v60, v61, _ =	vpop (xrf1);
	v62 =	vld [tilespmem:s0+$0x10000];
	v8 =	vperm.xlane v58, v5  }
0x6cd: {  	v63, v14, _ =	vpop (xrf1);
	v9 =	vperm.xlane v59, v5  }
0x6ce: {  	vm15 =	vge.f32 v63, v8  }
0x6cf: {  	v15 =	vsel vm15, v63, v8;
	v16 =	vsel vm15, v14, v9  }
0x6d0: {  	(xrf1) =	vsort.dscd.msk.f32 $0xffff, v15, v16  }
0x6d1: {  	(v2sf) =	vpush v62, $0x0;
	v9 =	vsel vm15, v9, v14;
	v8 =	vsel vm15, v8, v63  }
0x6d2: {  	(xrf1) =	vsort.dscd.msk.f32 $0xffff, v8, v9;
	_ =	sdelay $0x8  }
0x6d3: {  	[tilespmem:s11+$0x0] =	vst v7  }
0x6d4: {  	[tilespmem:s8+$0x0] =	vst v6  }
0x6d5: {  	s30 =	sadd.s32 $0x20, s2;
	[tilespmem:s4+$0xFFFFFFF0] =	vst v60  }
0x6d6: {  	[tilespmem:s30+$0xFFFFFFF0] =	vst v61;
	v6, v7, _ =	vpop (xrf1)  }
0x6d7: {  	[tilespmem:s4+$0x0] =	vst v6  }
0x6d8: {  	s31 =	spop (v2sf);
	v6, v8, _ =	vpop (xrf1);
	[tilespmem:s30+$0x0] =	vst v7  }
.LBB2_67:
0x6d9: {  	_ =	strace $0x90000055  }
0x6da: {  	s2 =	simm.s32 $0x119C0;
	_ =	strace $0x80000056  }
0x6db: {  	v10 =	vld [tilespmem:s2+$0x30]  }
0x6dc: {  	v11 =	vld [tilespmem:s2+$0xFFFFFFD0]  }
0x6dd: {  	v12 =	vld [tilespmem:s2+$0xFFFFFFE0]  }
0x6de: {  	v9 =	vld [tilespmem:s2+$0xFFFFFFF0];
	s0 =	rddreg [dreg:$0xb]  }
0x6df: {  	v7 =	vld [tilespmem:s2+$0x0];
	v6 =	vmov s0  }
0x6e0: {  	v8 =	vld [tilespmem:s2+$0x10];
	s0 =	simm.s32 $0x12240;
	v13 =	vadd.s32 v6, v10  }
0x6e1: {  	v14 =	vadd.s32 v6, v11;
	v10 =	vld [tilespmem:s2+$0x20];
	[tilespmem:s0+$0x30] =	vst v13  }
0x6e2: {  	s1 =	simm.s32 $0x0;
	v11 =	vld [tilespmem:s2+$0xFFFFFFC0];
	v12 =	vadd.s32 v6, v12;
	s2 =	simm.s32 $0x11A40;
	[tilespmem:s0+$0xFFFFFFD0] =	vst v14  }
.LBB2_68:
0x6e3: {  	v13 =	vld [tilespmem:s2+$0x30];
	s1 =	sadd.s32 $0x8, s1;
	[tilespmem:s0+$0xFFFFFFE0] =	vst v12;
	v9 =	vadd.s32 v6, v9  }
0x6e4: {  	v12 =	vld [tilespmem:s2+$0xFFFFFFD0];
	p0 =	slt.u32 s1, $0x38;
	[tilespmem:s0+$0xFFFFFFF0] =	vst v9;
	v7 =	vadd.s32 v6, v7  }
0x6e5: {  	v14 =	vld [tilespmem:s2+$0xFFFFFFE0];
	[tilespmem:s0+$0x0] =	vst v7;
	v7 =	vadd.s32 v6, v8  }
.Ltmp45:
0x6e6: {  	v9 =	vld [tilespmem:s2+$0xFFFFFFF0];
	[tilespmem:s0+$0x10] =	vst v7;
	v8 =	vadd.s32 v6, v10;
	(pc) =	sbr.rel @p0 .LBB2_68-.Ltmp45, $4  }
0x6e7: {  	v7 =	vld [tilespmem:s2+$0x0];
	v10 =	vadd.s32 v6, v11;
	[tilespmem:s0+$0x20] =	vst v8  }
0x6e8: {  	v8 =	vld [tilespmem:s2+$0x10];
	v11 =	vadd.s32 v6, v13;
	[tilespmem:s0+$0xFFFFFFC0] =	vst v10;
	s0 =	sadd.s32 $0x80, s0  }
0x6e9: {  	v12 =	vadd.s32 v6, v12;
	v10 =	vld [tilespmem:s2+$0x20];
	[tilespmem:s0+$0x30] =	vst v11  }
0x6ea: {  	v11 =	vld [tilespmem:s2+$0xFFFFFFC0];
	[tilespmem:s0+$0xFFFFFFD0] =	vst v12;
	v12 =	vadd.s32 v6, v14;
	s2 =	sadd.s32 $0x80, s2  }
0x6eb: {  	[tilespmem:s0+$0xFFFFFFE0] =	vst v12;
	v9 =	vadd.s32 v6, v9  }
0x6ec: {  	[tilespmem:s0+$0xFFFFFFF0] =	vst v9;
	v7 =	vadd.s32 v6, v7  }
0x6ed: {  	[tilespmem:s0+$0x0] =	vst v7;
	v7 =	vadd.s32 v6, v8  }
0x6ee: {  	[tilespmem:s0+$0x10] =	vst v7;
	v7 =	vadd.s32 v6, v10  }
0x6ef: {  	s4 =	rddreg [dreg:$0xa];
	v6 =	vadd.s32 v6, v11;
	[tilespmem:s0+$0x20] =	vst v7  }
0x6f0: {  	s25 =	simm.s32 $0x80;
	s1 =	sshll.u32 s4, $0x4;
	[tilespmem:s0+$0xFFFFFFC0] =	vst v6  }
0x6f1: {  	s2 =	simm.s32 $0x400;
	s1 =	sand.u32 $0x70, s1;
	s0 =	rddreg [dreg:$0x7]  }
0x6f2: {  	s3 =	simm.s32 $0x11100;
	s26 =	simm.s32 $0x2;
	s0 =	sadd.s32 s1, s0  }
0x6f3: {  	[hbm4b:s0+s25] =	stream.strided.scatter [tilespmem:s3], [sflag:$0x2], $0x400, s2, s25, $0x200038;
	[tilespmem:$0x12600] =	vst v63  }
0x6f4: {  	_ =	swait.ge [sflag:s26], $0x400  }
0x6f5: {  	[sflag:s26] =	ssyncset.done $0x0  }
0x6f6: {  	s30 =	simm.s32 $0x0;
	[sflag:s26] =	ssyncadd.s32 $0xFFFFFC00  }
0x6f7: {  	s17 =	sadd.s32 $0x1, s17;
	s28 =	sshll.u32 s4, $0x7;
	s29 =	rddreg [dreg:$0x2]  }
0x6f8: {  	s31 =	simm.s32 $0x12200;
	p0 =	sne.s32 s17, $0x4;
	s0 =	sadd.s32 s29, s28  }
0x6f9: {  	[hbm4b:s0+s30] =	stream.linear.scatter [tilespmem:s31], [sflag:$0x2], $0x400, $0x200038;
	[tilespmem:$0x12600] =	vst v63  }
.Ltmp46:
0x6fa: {  	_ = 	snop;
	(pc) =	sbr.rel @p0 .LBB2_4-.Ltmp46, $4  }
0x6fb: {  	_ =	swait.ge [sflag:s26], $0x400  }
0x6fc: {  	[sflag:s26] =	ssyncset.done $0x0  }
0x6fd: {  	[sflag:s26] =	ssyncadd.s32 $0xFFFFFC00  }
0x6fe: {  	_ =	strace $0x90000056  }
0x6ff: {  	s1 =	rddreg [dreg:$0x9]  }
0x700: {  	s0 =	rddreg [dreg:$0x8];
	s1 =	sadd.s32 $0x1, s1  }
0x701: {  	p0 =	sne.s32 s1, s0  }
.Ltmp47:
0x702: {  	_ = 	snop;
	(pc) =	sbr.rel @p0 .LBB2_1-.Ltmp47, $1  }
0x703: {  	_ =	sdelay $0x3  }
0x704: {  	_ =	sfence.sel $0x180000  }
0x705: {  	[bflag:$0x0] =	sbarrier.arrive $0xFFFF  }
0x706: {  	_ =	strace $0x90000047  }
0x707: {  	s0 =	stileid.u32;
	[bflag:$0x2] =	sbarrier.arrive $0xFFFF  }
0x708: {  	p0 =	sne.s32 s0, $0x0;
	s0 =	rddreg [dreg:$0x3]  }
0x709: {  	s0 =	sadd.s32 @!p0 $0x100000, s0  }
0x70a: {  	[sflag:s0] =	ssyncadd.tile.s32 @!p0 $0x1;
	_ =	shalt  }
.Lfunc_end2:
_tile_overlayer_lowered:
.L_overlay_start_2:
0x70b: {  	(tag) =	ssettag $0x2  }
0x70c: {  	s0 =	rddreg [dreg:$0x0];
	s2 =	stileid.u32  }
0x70d: {  	s1 =	rddreg [dreg:$0x1];
	p0 =	sne.s32 s2, $0x0  }
0x70e: {  	s3 =	rddreg [dreg:$0x2];
	[bflag:$0x3] =	sbarrier.arrive $0xFFFF;
	s2 =	simm.s32 @!p0 $0x1C02  }
0x70f: {  	[timem:s3], [sflag:s2] =	dma.local @!p0 [hbm:s0], s1  }
0x710: {  	s0 =	simm.s32 @!p0 $0x2  }
0x711: {  	_ =	swait.ge @!p0 [sflag:s0], s1  }
0x712: {  	s1 =	ssub.s32 @!p0 $0x0, s1;
	[sflag:s0] =	ssyncset.done @!p0 $0x0  }
0x713: {  	[sflag:s0] =	ssyncadd.s32 @!p0 s1  }
0x714: {  	[bflag:$0x3] =	sbarrier.arrive $0xFFFF  }
0x715: {  	_ =	shalt  }

</sc_bundles>
